<compile_context>
chip_gen: v7x
topology: tpu7x:2x2x1
jax: 0.10.2.dev20260603
libtpu: 0.0.44.dev20260713+nightly
codegen_flags: <defaults>
</compile_context>

<pallas_src>
import jax
import jax.numpy as jnp
from jax import lax
from jax.experimental import pallas as pl
from jax.experimental.pallas import tpu as pltpu
from jax.experimental.pallas import tpu_sc as plsc

B, N, K, H = 8, 64, 128, 768
V = 100000
L = K + 1
CLS_SEG = 1
EPS = 1e-12

NC, NS = 2, 16
NW = NC * NS
CL = 16
WPB = N // CL
NSL = H // 16
PCH = 16


def _rsqrt(x):
    xi = lax.bitcast_convert_type(x, jnp.int32)
    yi = jnp.full((16,), 0x5F3759DF, jnp.int32) - (xi >> 1)
    y = lax.bitcast_convert_type(yi, jnp.float32)
    for _ in range(3):
        y = y * (1.5 - 0.5 * x * y * y)
    return y


def _unit_norm(src, dst, seg_buf, pos_buf, pj, gam_buf, bet_buf, stats):
    lanes = lax.iota(jnp.int32, 16)

    def j_body(j, acc):
        sl = pl.ds(pl.multiple_of(j * 16, 16), 16)
        pos_j = pos_buf[pj, sl]
        out = []
        for i in range(16):
            x = src[i, sl] + seg_buf[i, sl] + pos_j
            dst[i, sl] = x
            out.append(acc[2 * i] + x)
            out.append(acc[2 * i + 1] + x * x)
        return tuple(out)

    acc0 = tuple(jnp.zeros((16,), jnp.float32) for _ in range(32))
    acc = lax.fori_loop(0, NSL, j_body, acc0)
    for i in range(16):
        plsc.store_scatter(stats, [lanes + 17 * i], acc[2 * i])
        plsc.store_scatter(stats, [lanes + (272 + 17 * i)], acc[2 * i + 1])
    tot_s = jnp.zeros((16,), jnp.float32)
    tot_q = jnp.zeros((16,), jnp.float32)
    for c in range(16):
        tot_s = tot_s + plsc.load_gather(stats, [lanes * 17 + c])
        tot_q = tot_q + plsc.load_gather(stats, [lanes * 17 + (272 + c)])
    mean = tot_s * (1.0 / H)
    msq = tot_q * (1.0 / H)
    rinv = _rsqrt(msq - mean * mean + EPS)
    shift = -mean * rinv

    for h in (0, 8):
        ri = [jnp.full((16,), rinv[i], jnp.float32) for i in range(h, h + 8)]
        sh = [jnp.full((16,), shift[i], jnp.float32) for i in range(h, h + 8)]

        def j2_body(j, carry, h=h, ri=ri, sh=sh):
            sl = pl.ds(pl.multiple_of(j * 16, 16), 16)
            g = gam_buf[sl]
            b = bet_buf[sl]
            for i in range(h, h + 8):
                dst[i, sl] = (dst[i, sl] * ri[i - h] + sh[i - h]) * g + b
            return carry

        lax.fori_loop(0, NSL, j2_body, 0)


def _body(ids_ref, word_ref, pos_ref, seg_ref, gamma_ref, beta_ref,
          out_ref,
          ids_buf, gbuf0, gbuf1, obuf0, obuf1,
          pos_buf, seg_buf, gam_buf, bet_buf, stats,
          gsem0, gsem1, ssem0, ssem1):
    w = lax.axis_index("s") * NC + lax.axis_index("c")
    bb = w // WPB
    n0 = (w % WPB) * CL
    gbuf = (gbuf0, gbuf1)
    obuf = (obuf0, obuf1)
    gsem = (gsem0, gsem1)
    ssem = (ssem0, ssem1)

    pltpu.sync_copy(gamma_ref, gam_buf)
    pltpu.sync_copy(beta_ref, bet_buf)
    pltpu.sync_copy(seg_ref.at[pl.ds(n0, CL)], seg_buf)
    pltpu.sync_copy(ids_ref.at[pl.ds(bb * (L * N), L * N)], ids_buf)

    def _idx(u):
        return ids_buf.at[pl.ds(pl.multiple_of(u * N + n0, 8), CL)]

    for s in range(2):
        pltpu.async_copy(word_ref.at[_idx(s)], gbuf[s], gsem[s])
        pltpu.async_copy(seg_buf, out_ref.at[bb, s, pl.ds(n0, CL)], ssem[s])

    def step(k, carry):
        for s in range(2):
            u = k * 2 + s
            pltpu.make_async_copy(
                pos_ref.at[pl.ds(0, CL)], obuf[s], ssem[s]).wait()
            pltpu.make_async_copy(
                word_ref.at[_idx(u)], gbuf[s], gsem[s]).wait()

            if s == 0:
                @pl.when(lax.rem(u, PCH) == 0)
                def _():
                    lo = pl.multiple_of(u, PCH)
                    pltpu.sync_copy(pos_ref.at[pl.ds(lo, PCH)], pos_buf)

            _unit_norm(gbuf[s], obuf[s], seg_buf, pos_buf, lax.rem(u, PCH),
                       gam_buf, bet_buf, stats)

            @pl.when(u + 2 < L)
            def _():
                pltpu.async_copy(word_ref.at[_idx(u + 2)], gbuf[s], gsem[s])

            pltpu.async_copy(obuf[s], out_ref.at[bb, u, pl.ds(n0, CL)],
                             ssem[s])
        return carry

    lax.fori_loop(0, K // 2, step, 0)

    pltpu.make_async_copy(pos_ref.at[pl.ds(0, CL)], obuf0, ssem0).wait()
    pltpu.make_async_copy(word_ref.at[_idx(K)], gbuf0, gsem0).wait()
    pltpu.sync_copy(pos_ref.at[pl.ds(K, 8)], pos_buf.at[pl.ds(0, 8)])
    _unit_norm(gbuf0, obuf0, seg_buf, pos_buf, 0, gam_buf, bet_buf, stats)
    pltpu.sync_copy(obuf0, out_ref.at[bb, K, pl.ds(n0, CL)])
    pltpu.make_async_copy(pos_ref.at[pl.ds(0, CL)], obuf1, ssem1).wait()


_sc_call = pl.kernel(
    _body,
    out_type=jax.ShapeDtypeStruct((B, L, N, H), jnp.float32),
    mesh=plsc.VectorSubcoreMesh(core_axis_name="c", subcore_axis_name="s"),
    compiler_params=pltpu.CompilerParams(needs_layout_passes=False),
    scratch_types=[
        pltpu.VMEM((L * N,), jnp.int32),
        pltpu.VMEM((CL, H), jnp.float32),
        pltpu.VMEM((CL, H), jnp.float32),
        pltpu.VMEM((CL, H), jnp.float32),
        pltpu.VMEM((CL, H), jnp.float32),
        pltpu.VMEM((PCH, H), jnp.float32),
        pltpu.VMEM((CL, H), jnp.float32),
        pltpu.VMEM((H,), jnp.float32),
        pltpu.VMEM((H,), jnp.float32),
        pltpu.VMEM((544,), jnp.float32),
        pltpu.SemaphoreType.DMA,
        pltpu.SemaphoreType.DMA,
        pltpu.SemaphoreType.DMA,
        pltpu.SemaphoreType.DMA,
    ],
)


@jax.jit
def kernel(input_ids, word_table, pos_table, seg_table, gamma, beta):
    ids = jnp.concatenate(
        [jnp.full((B, N, 1), CLS_SEG, dtype=input_ids.dtype), input_ids],
        axis=2)
    idsT = ids.astype(jnp.int32).transpose(0, 2, 1).reshape(-1)
    posp = jnp.pad(pos_table, ((0, 7), (0, 0)))
    out = _sc_call(idsT, word_table, posp, seg_table, gamma, beta)
    return out.transpose(0, 2, 1, 3)

# --- scband reference (transcript-rebuilt; emitter-appended) ---
"""Pipeline reference for scband-hatembeddings-15006615732430 (READ-ONLY COPY).

The authoritative reference and input builder live on the scoring server;
editing this copy changes nothing except your own understanding.
"""

import jax, jax.numpy as jnp
import numpy as np

B, N, K, H = 8, 64, 128, 768
V = 100000
MAXPOS = 129
MAXSEG = 64
CLS_SEG = 1
PAD = 0
EPS = 1e-12

def setup_inputs(seed: int = 0) -> dict:
    key = jax.random.key(seed)
    k1, k2, k3, k4 = jax.random.split(key, 4)
    input_ids = jax.random.randint(k1, (B, N, K), 0, V)
    word_table = (jax.random.normal(k2, (V, H), dtype=jnp.float32) * 0.02)
    word_table = word_table.at[PAD].set(0.0)  # padding_idx row zeroed like nn.Embedding
    pos_table = jax.random.normal(k3, (MAXPOS, H), dtype=jnp.float32) * 0.02
    seg_table = jax.random.normal(k4, (MAXSEG, H), dtype=jnp.float32) * 0.02
    gamma = jnp.ones((H,), dtype=jnp.float32)
    beta = jnp.zeros((H,), dtype=jnp.float32)
    return {"input_ids": input_ids, "word_table": word_table, "pos_table": pos_table,
            "seg_table": seg_table, "gamma": gamma, "beta": beta}

def reference(input_ids, word_table, pos_table, seg_table, gamma, beta):
    b, n, k = input_ids.shape
    cls_tok = jnp.full((b, n, 1), CLS_SEG, dtype=input_ids.dtype)
    ids = jnp.concatenate([cls_tok, input_ids], axis=2)  # [B, N, K+1]
    L = ids.shape[2]
    word_embeds = jnp.take(word_table, ids, axis=0)                     # [B,N,K+1,H]
    position_embeds = jnp.take(pos_table, jnp.arange(L), axis=0)        # [K+1,H]
    position_embeds = position_embeds[None, None, :, :]
    segment_embeds = jnp.take(seg_table, jnp.arange(n), axis=0)         # [N,H]
    segment_embeds = segment_embeds[None, :, None, :]
    emb = word_embeds + position_embeds + segment_embeds
    mean = jnp.mean(emb, axis=-1, keepdims=True)
    var = jnp.mean(jnp.square(emb - mean), axis=-1, keepdims=True)
    out = (emb - mean) / jnp.sqrt(var + EPS) * gamma + beta
    # dropout is identity in eval mode
    return out

if __name__ == "__main__":
    import jax
    _d = setup_inputs()
    print(jax.jit(kernel)(*tuple(_d.values())))

</pallas_src>

<mosaic_0001>
#map = affine_map<(d0, d1) -> (0)>
#map1 = affine_map<(d0, d1) -> (0, 0)>
#map2 = affine_map<(d0, d1) -> (0, 0, 0, 0)>
module attributes {stable_mosaic.version = 14 : i64} {
  func.func @_body(%arg0: i32, %arg1: i32, %arg2: memref<66048xi32, #tpu.memory_space<hbm>>, %arg3: memref<100000x768xf32, #tpu.memory_space<hbm>>, %arg4: memref<136x768xf32, #tpu.memory_space<hbm>>, %arg5: memref<64x768xf32, #tpu.memory_space<hbm>>, %arg6: memref<768xf32, #tpu.memory_space<hbm>>, %arg7: memref<768xf32, #tpu.memory_space<hbm>>, %arg8: memref<8x129x64x768xf32, #tpu.memory_space<hbm>>, %arg9: memref<8256xi32, #tpu.memory_space<vmem>>, %arg10: memref<16x768xf32, #tpu.memory_space<vmem>>, %arg11: memref<16x768xf32, #tpu.memory_space<vmem>>, %arg12: memref<16x768xf32, #tpu.memory_space<vmem>>, %arg13: memref<16x768xf32, #tpu.memory_space<vmem>>, %arg14: memref<16x768xf32, #tpu.memory_space<vmem>>, %arg15: memref<16x768xf32, #tpu.memory_space<vmem>>, %arg16: memref<768xf32, #tpu.memory_space<vmem>>, %arg17: memref<768xf32, #tpu.memory_space<vmem>>, %arg18: memref<544xf32, #tpu.memory_space<vmem>>, %arg19: memref<!tpu.dma_semaphore, #tpu.memory_space<semaphore_mem>>, %arg20: memref<!tpu.dma_semaphore, #tpu.memory_space<semaphore_mem>>, %arg21: memref<!tpu.dma_semaphore, #tpu.memory_space<semaphore_mem>>, %arg22: memref<!tpu.dma_semaphore, #tpu.memory_space<semaphore_mem>>) attributes {dimension_semantics = [#tpu.dimension_semantics<core_parallel>, #tpu.dimension_semantics<subcore_parallel>], iteration_bounds = array<i64: 2, 16>, scalar_prefetch = 0 : i64, scratch_operands = 14 : i64, tpu.core_type = #tpu.core_type<sc_vector_subcore>, window_params = [{transform_indices = #map}, {transform_indices = #map1}, {transform_indices = #map1}, {transform_indices = #map1}, {transform_indices = #map}, {transform_indices = #map}, {transform_indices = #map2}]} {
    %mul3A = arith.constant 2 : i32
    %mul3A_0 = arith.muli %arg1, %mul3A : i32
    %add3A = arith.addi %mul3A_0, %arg0 : i32
    %jit3A = arith.constant 4 : i32
    %div3A = arith.divsi %add3A, %jit3A : i32
    %sign3A = arith.constant 0 : i32
    %sign3A_1 = arith.cmpi sgt, %add3A, %sign3A : i32
    %sign3A_2 = arith.extui %sign3A_1 : i1 to i32
    %sign3A_3 = arith.constant 0 : i32
    %sign3A_4 = arith.cmpi slt, %add3A, %sign3A_3 : i32
    %sign3A_5 = arith.extui %sign3A_4 : i1 to i32
    %sign3A_6 = arith.subi %sign3A_2, %sign3A_5 : i32
    %sign3A_7 = arith.constant 0 : i32
    %sign3A_8 = arith.cmpi sgt, %jit3A, %sign3A_7 : i32
    %sign3A_9 = arith.extui %sign3A_8 : i1 to i32
    %sign3A_10 = arith.constant 0 : i32
    %sign3A_11 = arith.cmpi slt, %jit3A, %sign3A_10 : i32
    %sign3A_12 = arith.extui %sign3A_11 : i1 to i32
    %sign3A_13 = arith.subi %sign3A_9, %sign3A_12 : i32
    %ne3A = arith.cmpi ne, %sign3A_6, %sign3A_13 : i32
    %rem3A = arith.remsi %add3A, %jit3A : i32
    %ne3A_14 = arith.constant 0 : i32
    %ne3A_15 = arith.cmpi ne, %rem3A, %ne3A_14 : i32
    %and3A = arith.andi %ne3A, %ne3A_15 : i1
    %sub3A = arith.constant 1 : i32
    %sub3A_16 = arith.subi %div3A, %sub3A : i32
    %select_n3A = arith.select %and3A, %sub3A_16, %div3A : i32
    %jit3A_17 = arith.constant 4 : i32
    %eq3A = arith.constant 0 : i32
    %eq3A_18 = arith.cmpi eq, %jit3A_17, %eq3A : i32
    %jit3A_19 = arith.constant 1 : i32
    %select_n3A_20 = arith.select %eq3A_18, %jit3A_19, %jit3A_17 : i32
    %rem3A_21 = arith.remsi %add3A, %select_n3A_20 : i32
    %ne3A_22 = arith.constant 0 : i32
    %ne3A_23 = arith.cmpi ne, %rem3A_21, %ne3A_22 : i32
    %lt3A = arith.constant 0 : i32
    %lt3A_24 = arith.cmpi slt, %rem3A_21, %lt3A : i32
    %lt3A_25 = arith.constant 0 : i32
    %lt3A_26 = arith.cmpi slt, %select_n3A_20, %lt3A_25 : i32
    %ne3A_27 = arith.xori %lt3A_24, %lt3A_26 : i1
    %and3A_28 = arith.andi %ne3A_27, %ne3A_23 : i1
    %add3A_29 = arith.addi %rem3A_21, %select_n3A_20 : i32
    %select_n3A_30 = arith.select %and3A_28, %add3A_29, %rem3A_21 : i32
    %mul3A_31 = arith.constant 16 : i32
    %mul3A_32 = arith.muli %select_n3A_30, %mul3A_31 : i32
    "tpu.region"() ({
      %run_scoped3A_661 = tpu.sem_alloc : memref<!tpu.dma_semaphore, #tpu.memory_space<semaphore_mem>>
      tpu.enqueue_dma source(%arg6 : memref<768xf32, #tpu.memory_space<hbm>>) target(%arg16 : memref<768xf32, #tpu.memory_space<vmem>>) target_semaphore(%run_scoped3A_661 : memref<!tpu.dma_semaphore, #tpu.memory_space<semaphore_mem>>)
      tpu.wait_dma2 semaphore(%run_scoped3A_661 : memref<!tpu.dma_semaphore, #tpu.memory_space<semaphore_mem>>) src(%arg6 : memref<768xf32, #tpu.memory_space<hbm>>) dst(%arg16 : memref<768xf32, #tpu.memory_space<vmem>>)
      tpu.yield
    }) : () -> ()
    "tpu.region"() ({
      %run_scoped3A_661 = tpu.sem_alloc : memref<!tpu.dma_semaphore, #tpu.memory_space<semaphore_mem>>
      tpu.enqueue_dma source(%arg7 : memref<768xf32, #tpu.memory_space<hbm>>) target(%arg17 : memref<768xf32, #tpu.memory_space<vmem>>) target_semaphore(%run_scoped3A_661 : memref<!tpu.dma_semaphore, #tpu.memory_space<semaphore_mem>>)
      tpu.wait_dma2 semaphore(%run_scoped3A_661 : memref<!tpu.dma_semaphore, #tpu.memory_space<semaphore_mem>>) src(%arg7 : memref<768xf32, #tpu.memory_space<hbm>>) dst(%arg17 : memref<768xf32, #tpu.memory_space<vmem>>)
      tpu.yield
    }) : () -> ()
    "tpu.region"() ({
      %run_scoped3A_661 = tpu.sem_alloc : memref<!tpu.dma_semaphore, #tpu.memory_space<semaphore_mem>>
      %dma_start3A_662 = arith.constant 0 : i32
      %dma_start3A_663 = tpu.memref_slice %arg5[%mul3A_32, %dma_start3A_662] : memref<64x768xf32, #tpu.memory_space<hbm>> -> memref<16x768xf32, #tpu.memory_space<hbm>>
      %dma_start3A_664 = arith.constant 0 : i32
      %dma_start3A_665 = tpu.memref_slice %arg5[%mul3A_32, %dma_start3A_664] : memref<64x768xf32, #tpu.memory_space<hbm>> -> memref<16x768xf32, #tpu.memory_space<hbm>>
      tpu.enqueue_dma source(%dma_start3A_665 : memref<16x768xf32, #tpu.memory_space<hbm>>) target(%arg15 : memref<16x768xf32, #tpu.memory_space<vmem>>) target_semaphore(%run_scoped3A_661 : memref<!tpu.dma_semaphore, #tpu.memory_space<semaphore_mem>>)
      %dma_wait3A_666 = arith.constant 0 : i32
      %dma_wait3A_667 = tpu.memref_slice %arg5[%mul3A_32, %dma_wait3A_666] : memref<64x768xf32, #tpu.memory_space<hbm>> -> memref<16x768xf32, #tpu.memory_space<hbm>>
      %dma_wait3A_668 = arith.constant 0 : i32
      %dma_wait3A_669 = tpu.memref_slice %arg5[%mul3A_32, %dma_wait3A_668] : memref<64x768xf32, #tpu.memory_space<hbm>> -> memref<16x768xf32, #tpu.memory_space<hbm>>
      tpu.wait_dma2 semaphore(%run_scoped3A_661 : memref<!tpu.dma_semaphore, #tpu.memory_space<semaphore_mem>>) src(%dma_wait3A_669 : memref<16x768xf32, #tpu.memory_space<hbm>>) dst(%arg15 : memref<16x768xf32, #tpu.memory_space<vmem>>)
      tpu.yield
    }) : () -> ()
    %mul3A_33 = arith.constant 8256 : i32
    %mul3A_34 = arith.muli %select_n3A, %mul3A_33 : i32
    "tpu.region"() ({
      %run_scoped3A_661 = tpu.sem_alloc : memref<!tpu.dma_semaphore, #tpu.memory_space<semaphore_mem>>
      %dma_start3A_662 = tpu.memref_slice %arg2[%mul3A_34] : memref<66048xi32, #tpu.memory_space<hbm>> -> memref<8256xi32, #tpu.memory_space<hbm>>
      %dma_start3A_663 = tpu.memref_slice %arg2[%mul3A_34] : memref<66048xi32, #tpu.memory_space<hbm>> -> memref<8256xi32, #tpu.memory_space<hbm>>
      tpu.enqueue_dma source(%dma_start3A_663 : memref<8256xi32, #tpu.memory_space<hbm>>) target(%arg9 : memref<8256xi32, #tpu.memory_space<vmem>>) target_semaphore(%run_scoped3A_661 : memref<!tpu.dma_semaphore, #tpu.memory_space<semaphore_mem>>)
      %dma_wait3A_664 = tpu.memref_slice %arg2[%mul3A_34] : memref<66048xi32, #tpu.memory_space<hbm>> -> memref<8256xi32, #tpu.memory_space<hbm>>
      %dma_wait3A_665 = tpu.memref_slice %arg2[%mul3A_34] : memref<66048xi32, #tpu.memory_space<hbm>> -> memref<8256xi32, #tpu.memory_space<hbm>>
      tpu.wait_dma2 semaphore(%run_scoped3A_661 : memref<!tpu.dma_semaphore, #tpu.memory_space<semaphore_mem>>) src(%dma_wait3A_665 : memref<8256xi32, #tpu.memory_space<hbm>>) dst(%arg9 : memref<8256xi32, #tpu.memory_space<vmem>>)
      tpu.yield
    }) : () -> ()
    %add3A_35 = arith.constant 0 : i32
    %add3A_36 = arith.addi %add3A_35, %mul3A_32 : i32
    %multiple_of3A = tpu.assume_multiple %add3A_36, 8 : i32
    %dma_start3A = tpu.memref_slice %arg9[%multiple_of3A] : memref<8256xi32, #tpu.memory_space<vmem>> -> memref<16xi32, #tpu.memory_space<vmem>>
    %dma_start3A_37 = arith.constant 0 : i32
    %dma_start3A_38 = arith.constant 0 : i32
    %dma_start3A_39 = tpu.memref_slice %arg3[%dma_start3A_37, %dma_start3A_38] : memref<100000x768xf32, #tpu.memory_space<hbm>> -> memref<100000x768xf32, #tpu.memory_space<hbm>>
    tpu.enqueue_indirect_dma source(%dma_start3A_39 : memref<100000x768xf32, #tpu.memory_space<hbm>>) target(%arg10 : memref<16x768xf32, #tpu.memory_space<vmem>>) offsets(%dma_start3A : memref<16xi32, #tpu.memory_space<vmem>>) semaphore(%arg19 : memref<!tpu.dma_semaphore, #tpu.memory_space<semaphore_mem>>)
    %dma_start3A_40 = arith.constant 0 : i32
    %dma_start3A_41 = arith.constant 0 : i32
    %dma_start3A_42 = tpu.memref_slice %arg8[%select_n3A, %dma_start3A_40, %mul3A_32, %dma_start3A_41] : memref<8x129x64x768xf32, #tpu.memory_space<hbm>> -> memref<1x1x16x768xf32, #tpu.memory_space<hbm>>
    %dma_start3A_43 = tpu.memref_squeeze %dma_start3A_42 : memref<1x1x16x768xf32, #tpu.memory_space<hbm>> -> memref<16x768xf32, #tpu.memory_space<hbm>>
    %dma_start3A_44 = arith.constant 0 : i32
    %dma_start3A_45 = tpu.memref_slice %arg8[%select_n3A, %dma_start3A_40, %mul3A_32, %dma_start3A_44] : memref<8x129x64x768xf32, #tpu.memory_space<hbm>> -> memref<1x1x16x768xf32, #tpu.memory_space<hbm>>
    %dma_start3A_46 = tpu.memref_squeeze %dma_start3A_45 : memref<1x1x16x768xf32, #tpu.memory_space<hbm>> -> memref<16x768xf32, #tpu.memory_space<hbm>>
    tpu.enqueue_dma source(%arg15 : memref<16x768xf32, #tpu.memory_space<vmem>>) target(%dma_start3A_46 : memref<16x768xf32, #tpu.memory_space<hbm>>) target_semaphore(%arg21 : memref<!tpu.dma_semaphore, #tpu.memory_space<semaphore_mem>>)
    %add3A_47 = arith.constant 64 : i32
    %add3A_48 = arith.addi %add3A_47, %mul3A_32 : i32
    %multiple_of3A_49 = tpu.assume_multiple %add3A_48, 8 : i32
    %dma_start3A_50 = tpu.memref_slice %arg9[%multiple_of3A_49] : memref<8256xi32, #tpu.memory_space<vmem>> -> memref<16xi32, #tpu.memory_space<vmem>>
    %dma_start3A_51 = arith.constant 0 : i32
    %dma_start3A_52 = arith.constant 0 : i32
    %dma_start3A_53 = tpu.memref_slice %arg3[%dma_start3A_51, %dma_start3A_52] : memref<100000x768xf32, #tpu.memory_space<hbm>> -> memref<100000x768xf32, #tpu.memory_space<hbm>>
    tpu.enqueue_indirect_dma source(%dma_start3A_53 : memref<100000x768xf32, #tpu.memory_space<hbm>>) target(%arg11 : memref<16x768xf32, #tpu.memory_space<vmem>>) offsets(%dma_start3A_50 : memref<16xi32, #tpu.memory_space<vmem>>) semaphore(%arg20 : memref<!tpu.dma_semaphore, #tpu.memory_space<semaphore_mem>>)
    %dma_start3A_54 = arith.constant 1 : i32
    %dma_start3A_55 = arith.constant 0 : i32
    %dma_start3A_56 = tpu.memref_slice %arg8[%select_n3A, %dma_start3A_54, %mul3A_32, %dma_start3A_55] : memref<8x129x64x768xf32, #tpu.memory_space<hbm>> -> memref<1x1x16x768xf32, #tpu.memory_space<hbm>>
    %dma_start3A_57 = tpu.memref_squeeze %dma_start3A_56 : memref<1x1x16x768xf32, #tpu.memory_space<hbm>> -> memref<16x768xf32, #tpu.memory_space<hbm>>
    %dma_start3A_58 = arith.constant 0 : i32
    %dma_start3A_59 = tpu.memref_slice %arg8[%select_n3A, %dma_start3A_54, %mul3A_32, %dma_start3A_58] : memref<8x129x64x768xf32, #tpu.memory_space<hbm>> -> memref<1x1x16x768xf32, #tpu.memory_space<hbm>>
    %dma_start3A_60 = tpu.memref_squeeze %dma_start3A_59 : memref<1x1x16x768xf32, #tpu.memory_space<hbm>> -> memref<16x768xf32, #tpu.memory_space<hbm>>
    tpu.enqueue_dma source(%arg15 : memref<16x768xf32, #tpu.memory_space<vmem>>) target(%dma_start3A_60 : memref<16x768xf32, #tpu.memory_space<hbm>>) target_semaphore(%arg22 : memref<!tpu.dma_semaphore, #tpu.memory_space<semaphore_mem>>)
    %scan3A = arith.constant 0 : i32
    %scan3A_61 = arith.constant 0 : i32
    %scan3A_62 = arith.constant 64 : i32
    %scan3A_63 = arith.addi %scan3A_61, %scan3A_62 : i32
    %scan3A_64 = arith.constant 1 : i32
    scf.for %scan3A_661 = %scan3A_61 to %scan3A_63 step %scan3A_64  : i32 {
      %mul3A_662 = arith.constant 2 : i32
      %mul3A_663 = arith.muli %scan3A_661, %mul3A_662 : i32
      %add3A_664 = arith.constant 0 : i32
      %add3A_665 = arith.addi %mul3A_663, %add3A_664 : i32
      %dma_wait3A_666 = arith.constant 0 : i32
      %dma_wait3A_667 = arith.constant 0 : i32
      %dma_wait3A_668 = tpu.memref_slice %arg4[%dma_wait3A_666, %dma_wait3A_667] : memref<136x768xf32, #tpu.memory_space<hbm>> -> memref<16x768xf32, #tpu.memory_space<hbm>>
      %dma_wait3A_669 = arith.constant 0 : i32
      %dma_wait3A_670 = arith.constant 0 : i32
      %dma_wait3A_671 = tpu.memref_slice %arg4[%dma_wait3A_669, %dma_wait3A_670] : memref<136x768xf32, #tpu.memory_space<hbm>> -> memref<16x768xf32, #tpu.memory_space<hbm>>
      tpu.wait_dma2 semaphore(%arg21 : memref<!tpu.dma_semaphore, #tpu.memory_space<semaphore_mem>>) src(%dma_wait3A_671 : memref<16x768xf32, #tpu.memory_space<hbm>>) dst(%arg12 : memref<16x768xf32, #tpu.memory_space<vmem>>)
      %mul3A_672 = arith.constant 64 : i32
      %mul3A_673 = arith.muli %add3A_665, %mul3A_672 : i32
      %add3A_674 = arith.addi %mul3A_673, %mul3A_32 : i32
      %multiple_of3A_675 = tpu.assume_multiple %add3A_674, 8 : i32
      %dma_wait3A_676 = tpu.memref_slice %arg9[%multiple_of3A_675] : memref<8256xi32, #tpu.memory_space<vmem>> -> memref<16xi32, #tpu.memory_space<vmem>>
      %dma_wait3A_677 = arith.constant 0 : i32
      %dma_wait3A_678 = arith.constant 0 : i32
      %dma_wait3A_679 = tpu.memref_slice %arg3[%dma_wait3A_677, %dma_wait3A_678] : memref<100000x768xf32, #tpu.memory_space<hbm>> -> memref<100000x768xf32, #tpu.memory_space<hbm>>
      tpu.wait_indirect_dma semaphore(%arg19 : memref<!tpu.dma_semaphore, #tpu.memory_space<semaphore_mem>>) src(%dma_wait3A_679 : memref<100000x768xf32, #tpu.memory_space<hbm>>) dst(%arg10 : memref<16x768xf32, #tpu.memory_space<vmem>>)
      %rem3A_680 = arith.constant 16 : i32
      %rem3A_681 = arith.remsi %add3A_665, %rem3A_680 : i32
      %eq3A_682 = arith.constant 0 : i32
      %eq3A_683 = arith.cmpi eq, %rem3A_681, %eq3A_682 : i32
      %convert_element_type3A = arith.extui %eq3A_683 : i1 to i32
      %cond3A = arith.constant 0 : i32
      %cond3A_684 = arith.cmpi ne, %convert_element_type3A, %cond3A : i32
      scf.if %cond3A_684 {
        %multiple_of3A_1903 = tpu.assume_multiple %add3A_665, 16 : i32
        "tpu.region"() ({
          %run_scoped3A_1904 = tpu.sem_alloc : memref<!tpu.dma_semaphore, #tpu.memory_space<semaphore_mem>>
          %dma_start3A_1905 = arith.constant 0 : i32
          %dma_start3A_1906 = tpu.memref_slice %arg4[%multiple_of3A_1903, %dma_start3A_1905] : memref<136x768xf32, #tpu.memory_space<hbm>> -> memref<16x768xf32, #tpu.memory_space<hbm>>
          %dma_start3A_1907 = arith.constant 0 : i32
          %dma_start3A_1908 = tpu.memref_slice %arg4[%multiple_of3A_1903, %dma_start3A_1907] : memref<136x768xf32, #tpu.memory_space<hbm>> -> memref<16x768xf32, #tpu.memory_space<hbm>>
          tpu.enqueue_dma source(%dma_start3A_1908 : memref<16x768xf32, #tpu.memory_space<hbm>>) target(%arg14 : memref<16x768xf32, #tpu.memory_space<vmem>>) target_semaphore(%run_scoped3A_1904 : memref<!tpu.dma_semaphore, #tpu.memory_space<semaphore_mem>>)
          %dma_wait3A_1909 = arith.constant 0 : i32
          %dma_wait3A_1910 = tpu.memref_slice %arg4[%multiple_of3A_1903, %dma_wait3A_1909] : memref<136x768xf32, #tpu.memory_space<hbm>> -> memref<16x768xf32, #tpu.memory_space<hbm>>
          %dma_wait3A_1911 = arith.constant 0 : i32
          %dma_wait3A_1912 = tpu.memref_slice %arg4[%multiple_of3A_1903, %dma_wait3A_1911] : memref<136x768xf32, #tpu.memory_space<hbm>> -> memref<16x768xf32, #tpu.memory_space<hbm>>
          tpu.wait_dma2 semaphore(%run_scoped3A_1904 : memref<!tpu.dma_semaphore, #tpu.memory_space<semaphore_mem>>) src(%dma_wait3A_1912 : memref<16x768xf32, #tpu.memory_space<hbm>>) dst(%arg14 : memref<16x768xf32, #tpu.memory_space<vmem>>)
          tpu.yield
        }) : () -> ()
      } else {
      }
      %rem3A_685 = arith.constant 16 : i32
      %rem3A_686 = arith.remsi %add3A_665, %rem3A_685 : i32
      %iota3A_687 = tpu.iota {dimensions = array<i32: 0>} : vector<16xi32>
      %broadcast_in_dim3A_688 = arith.constant 0.000000e+00 : f32
      %broadcast_in_dim3A_689 = vector.broadcast %broadcast_in_dim3A_688 : f32 to vector<16xf32>
      %broadcast_in_dim3A_690 = arith.constant 0.000000e+00 : f32
      %broadcast_in_dim3A_691 = vector.broadcast %broadcast_in_dim3A_690 : f32 to vector<16xf32>
      %broadcast_in_dim3A_692 = arith.constant 0.000000e+00 : f32
      %broadcast_in_dim3A_693 = vector.broadcast %broadcast_in_dim3A_692 : f32 to vector<16xf32>
      %broadcast_in_dim3A_694 = arith.constant 0.000000e+00 : f32
      %broadcast_in_dim3A_695 = vector.broadcast %broadcast_in_dim3A_694 : f32 to vector<16xf32>
      %broadcast_in_dim3A_696 = arith.constant 0.000000e+00 : f32
      %broadcast_in_dim3A_697 = vector.broadcast %broadcast_in_dim3A_696 : f32 to vector<16xf32>
      %broadcast_in_dim3A_698 = arith.constant 0.000000e+00 : f32
      %broadcast_in_dim3A_699 = vector.broadcast %broadcast_in_dim3A_698 : f32 to vector<16xf32>
      %broadcast_in_dim3A_700 = arith.constant 0.000000e+00 : f32
      %broadcast_in_dim3A_701 = vector.broadcast %broadcast_in_dim3A_700 : f32 to vector<16xf32>
      %broadcast_in_dim3A_702 = arith.constant 0.000000e+00 : f32
      %broadcast_in_dim3A_703 = vector.broadcast %broadcast_in_dim3A_702 : f32 to vector<16xf32>
      %broadcast_in_dim3A_704 = arith.constant 0.000000e+00 : f32
      %broadcast_in_dim3A_705 = vector.broadcast %broadcast_in_dim3A_704 : f32 to vector<16xf32>
      %broadcast_in_dim3A_706 = arith.constant 0.000000e+00 : f32
      %broadcast_in_dim3A_707 = vector.broadcast %broadcast_in_dim3A_706 : f32 to vector<16xf32>
      %broadcast_in_dim3A_708 = arith.constant 0.000000e+00 : f32
      %broadcast_in_dim3A_709 = vector.broadcast %broadcast_in_dim3A_708 : f32 to vector<16xf32>
      %broadcast_in_dim3A_710 = arith.constant 0.000000e+00 : f32
      %broadcast_in_dim3A_711 = vector.broadcast %broadcast_in_dim3A_710 : f32 to vector<16xf32>
      %broadcast_in_dim3A_712 = arith.constant 0.000000e+00 : f32
      %broadcast_in_dim3A_713 = vector.broadcast %broadcast_in_dim3A_712 : f32 to vector<16xf32>
      %broadcast_in_dim3A_714 = arith.constant 0.000000e+00 : f32
      %broadcast_in_dim3A_715 = vector.broadcast %broadcast_in_dim3A_714 : f32 to vector<16xf32>
      %broadcast_in_dim3A_716 = arith.constant 0.000000e+00 : f32
      %broadcast_in_dim3A_717 = vector.broadcast %broadcast_in_dim3A_716 : f32 to vector<16xf32>
      %broadcast_in_dim3A_718 = arith.constant 0.000000e+00 : f32
      %broadcast_in_dim3A_719 = vector.broadcast %broadcast_in_dim3A_718 : f32 to vector<16xf32>
      %broadcast_in_dim3A_720 = arith.constant 0.000000e+00 : f32
      %broadcast_in_dim3A_721 = vector.broadcast %broadcast_in_dim3A_720 : f32 to vector<16xf32>
      %broadcast_in_dim3A_722 = arith.constant 0.000000e+00 : f32
      %broadcast_in_dim3A_723 = vector.broadcast %broadcast_in_dim3A_722 : f32 to vector<16xf32>
      %broadcast_in_dim3A_724 = arith.constant 0.000000e+00 : f32
      %broadcast_in_dim3A_725 = vector.broadcast %broadcast_in_dim3A_724 : f32 to vector<16xf32>
      %broadcast_in_dim3A_726 = arith.constant 0.000000e+00 : f32
      %broadcast_in_dim3A_727 = vector.broadcast %broadcast_in_dim3A_726 : f32 to vector<16xf32>
      %broadcast_in_dim3A_728 = arith.constant 0.000000e+00 : f32
      %broadcast_in_dim3A_729 = vector.broadcast %broadcast_in_dim3A_728 : f32 to vector<16xf32>
      %broadcast_in_dim3A_730 = arith.constant 0.000000e+00 : f32
      %broadcast_in_dim3A_731 = vector.broadcast %broadcast_in_dim3A_730 : f32 to vector<16xf32>
      %broadcast_in_dim3A_732 = arith.constant 0.000000e+00 : f32
      %broadcast_in_dim3A_733 = vector.broadcast %broadcast_in_dim3A_732 : f32 to vector<16xf32>
      %broadcast_in_dim3A_734 = arith.constant 0.000000e+00 : f32
      %broadcast_in_dim3A_735 = vector.broadcast %broadcast_in_dim3A_734 : f32 to vector<16xf32>
      %broadcast_in_dim3A_736 = arith.constant 0.000000e+00 : f32
      %broadcast_in_dim3A_737 = vector.broadcast %broadcast_in_dim3A_736 : f32 to vector<16xf32>
      %broadcast_in_dim3A_738 = arith.constant 0.000000e+00 : f32
      %broadcast_in_dim3A_739 = vector.broadcast %broadcast_in_dim3A_738 : f32 to vector<16xf32>
      %broadcast_in_dim3A_740 = arith.constant 0.000000e+00 : f32
      %broadcast_in_dim3A_741 = vector.broadcast %broadcast_in_dim3A_740 : f32 to vector<16xf32>
      %broadcast_in_dim3A_742 = arith.constant 0.000000e+00 : f32
      %broadcast_in_dim3A_743 = vector.broadcast %broadcast_in_dim3A_742 : f32 to vector<16xf32>
      %broadcast_in_dim3A_744 = arith.constant 0.000000e+00 : f32
      %broadcast_in_dim3A_745 = vector.broadcast %broadcast_in_dim3A_744 : f32 to vector<16xf32>
      %broadcast_in_dim3A_746 = arith.constant 0.000000e+00 : f32
      %broadcast_in_dim3A_747 = vector.broadcast %broadcast_in_dim3A_746 : f32 to vector<16xf32>
      %broadcast_in_dim3A_748 = arith.constant 0.000000e+00 : f32
      %broadcast_in_dim3A_749 = vector.broadcast %broadcast_in_dim3A_748 : f32 to vector<16xf32>
      %broadcast_in_dim3A_750 = arith.constant 0.000000e+00 : f32
      %broadcast_in_dim3A_751 = vector.broadcast %broadcast_in_dim3A_750 : f32 to vector<16xf32>
      %scan3A_752 = arith.constant 0 : i32
      %scan3A_753 = arith.constant 48 : i32
      %scan3A_754 = arith.addi %scan3A_752, %scan3A_753 : i32
      %scan3A_755 = arith.constant 1 : i32
      %scan3A_756:32 = scf.for %scan3A_1903 = %scan3A_752 to %scan3A_754 step %scan3A_755 iter_args(%scan3A_1904 = %broadcast_in_dim3A_689, %scan3A_1905 = %broadcast_in_dim3A_691, %scan3A_1906 = %broadcast_in_dim3A_693, %scan3A_1907 = %broadcast_in_dim3A_695, %scan3A_1908 = %broadcast_in_dim3A_697, %scan3A_1909 = %broadcast_in_dim3A_699, %scan3A_1910 = %broadcast_in_dim3A_701, %scan3A_1911 = %broadcast_in_dim3A_703, %scan3A_1912 = %broadcast_in_dim3A_705, %scan3A_1913 = %broadcast_in_dim3A_707, %scan3A_1914 = %broadcast_in_dim3A_709, %scan3A_1915 = %broadcast_in_dim3A_711, %scan3A_1916 = %broadcast_in_dim3A_713, %scan3A_1917 = %broadcast_in_dim3A_715, %scan3A_1918 = %broadcast_in_dim3A_717, %scan3A_1919 = %broadcast_in_dim3A_719, %scan3A_1920 = %broadcast_in_dim3A_721, %scan3A_1921 = %broadcast_in_dim3A_723, %scan3A_1922 = %broadcast_in_dim3A_725, %scan3A_1923 = %broadcast_in_dim3A_727, %scan3A_1924 = %broadcast_in_dim3A_729, %scan3A_1925 = %broadcast_in_dim3A_731, %scan3A_1926 = %broadcast_in_dim3A_733, %scan3A_1927 = %broadcast_in_dim3A_735, %scan3A_1928 = %broadcast_in_dim3A_737, %scan3A_1929 = %broadcast_in_dim3A_739, %scan3A_1930 = %broadcast_in_dim3A_741, %scan3A_1931 = %broadcast_in_dim3A_743, %scan3A_1932 = %broadcast_in_dim3A_745, %scan3A_1933 = %broadcast_in_dim3A_747, %scan3A_1934 = %broadcast_in_dim3A_749, %scan3A_1935 = %broadcast_in_dim3A_751) -> (vector<16xf32>, vector<16xf32>, vector<16xf32>, vector<16xf32>, vector<16xf32>, vector<16xf32>, vector<16xf32>, vector<16xf32>, vector<16xf32>, vector<16xf32>, vector<16xf32>, vector<16xf32>, vector<16xf32>, vector<16xf32>, vector<16xf32>, vector<16xf32>, vector<16xf32>, vector<16xf32>, vector<16xf32>, vector<16xf32>, vector<16xf32>, vector<16xf32>, vector<16xf32>, vector<16xf32>, vector<16xf32>, vector<16xf32>, vector<16xf32>, vector<16xf32>, vector<16xf32>, vector<16xf32>, vector<16xf32>, vector<16xf32>)  : i32 {
        %mul3A_1936 = arith.constant 16 : i32
        %mul3A_1937 = arith.muli %scan3A_1903, %mul3A_1936 : i32
        %multiple_of3A_1938 = tpu.assume_multiple %mul3A_1937, 16 : i32
        %get3A = arith.index_cast %rem3A_686 : i32 to index
        %get3A_1939 = arith.index_cast %multiple_of3A_1938 : i32 to index
        %get3A_1940 = tpu.vector_load %arg14[%get3A, %get3A_1939] {strides = array<i32>} : memref<16x768xf32, #tpu.memory_space<vmem>>, vector<16xf32>,
        %get3A_1941 = arith.constant 0 : i32
        %get3A_1942 = arith.index_cast %get3A_1941 : i32 to index
        %get3A_1943 = arith.index_cast %multiple_of3A_1938 : i32 to index
        %get3A_1944 = tpu.vector_load %arg10[%get3A_1942, %get3A_1943] {strides = array<i32>} : memref<16x768xf32, #tpu.memory_space<vmem>>, vector<16xf32>,
        %get3A_1945 = arith.constant 0 : i32
        %get3A_1946 = arith.index_cast %get3A_1945 : i32 to index
        %get3A_1947 = arith.index_cast %multiple_of3A_1938 : i32 to index
        %get3A_1948 = tpu.vector_load %arg15[%get3A_1946, %get3A_1947] {strides = array<i32>} : memref<16x768xf32, #tpu.memory_space<vmem>>, vector<16xf32>,
        %add3A_1949 = arith.addf %get3A_1944, %get3A_1948 : vector<16xf32>
        %add3A_1950 = arith.addf %add3A_1949, %get3A_1940 : vector<16xf32>
        %swap3A = arith.constant 0 : i32
        %swap3A_1951 = arith.index_cast %swap3A : i32 to index
        %swap3A_1952 = arith.index_cast %multiple_of3A_1938 : i32 to index
        %swap3A_1953 = tpu.vector_load %arg12[%swap3A_1951, %swap3A_1952] {strides = array<i32>} : memref<16x768xf32, #tpu.memory_space<vmem>>, vector<16xf32>,
        tpu.vector_store %arg12[%swap3A_1951, %swap3A_1952], %add3A_1950 {strides = array<i32>} : memref<16x768xf32, #tpu.memory_space<vmem>>, vector<16xf32>,
        %add3A_1954 = arith.addf %scan3A_1904, %add3A_1950 : vector<16xf32>
        %mul3A_1955 = arith.mulf %add3A_1950, %add3A_1950 : vector<16xf32>
        %add3A_1956 = arith.addf %scan3A_1905, %mul3A_1955 : vector<16xf32>
        %get3A_1957 = arith.constant 1 : i32
        %get3A_1958 = arith.index_cast %get3A_1957 : i32 to index
        %get3A_1959 = arith.index_cast %multiple_of3A_1938 : i32 to index
        %get3A_1960 = tpu.vector_load %arg10[%get3A_1958, %get3A_1959] {strides = array<i32>} : memref<16x768xf32, #tpu.memory_space<vmem>>, vector<16xf32>,
        %get3A_1961 = arith.constant 1 : i32
        %get3A_1962 = arith.index_cast %get3A_1961 : i32 to index
        %get3A_1963 = arith.index_cast %multiple_of3A_1938 : i32 to index
        %get3A_1964 = tpu.vector_load %arg15[%get3A_1962, %get3A_1963] {strides = array<i32>} : memref<16x768xf32, #tpu.memory_space<vmem>>, vector<16xf32>,
        %add3A_1965 = arith.addf %get3A_1960, %get3A_1964 : vector<16xf32>
        %add3A_1966 = arith.addf %add3A_1965, %get3A_1940 : vector<16xf32>
        %swap3A_1967 = arith.constant 1 : i32
        %swap3A_1968 = arith.index_cast %swap3A_1967 : i32 to index
        %swap3A_1969 = arith.index_cast %multiple_of3A_1938 : i32 to index
        %swap3A_1970 = tpu.vector_load %arg12[%swap3A_1968, %swap3A_1969] {strides = array<i32>} : memref<16x768xf32, #tpu.memory_space<vmem>>, vector<16xf32>,
        tpu.vector_store %arg12[%swap3A_1968, %swap3A_1969], %add3A_1966 {strides = array<i32>} : memref<16x768xf32, #tpu.memory_space<vmem>>, vector<16xf32>,
        %add3A_1971 = arith.addf %scan3A_1906, %add3A_1966 : vector<16xf32>
        %mul3A_1972 = arith.mulf %add3A_1966, %add3A_1966 : vector<16xf32>
        %add3A_1973 = arith.addf %scan3A_1907, %mul3A_1972 : vector<16xf32>
        %get3A_1974 = arith.constant 2 : i32
        %get3A_1975 = arith.index_cast %get3A_1974 : i32 to index
        %get3A_1976 = arith.index_cast %multiple_of3A_1938 : i32 to index
        %get3A_1977 = tpu.vector_load %arg10[%get3A_1975, %get3A_1976] {strides = array<i32>} : memref<16x768xf32, #tpu.memory_space<vmem>>, vector<16xf32>,
        %get3A_1978 = arith.constant 2 : i32
        %get3A_1979 = arith.index_cast %get3A_1978 : i32 to index
        %get3A_1980 = arith.index_cast %multiple_of3A_1938 : i32 to index
        %get3A_1981 = tpu.vector_load %arg15[%get3A_1979, %get3A_1980] {strides = array<i32>} : memref<16x768xf32, #tpu.memory_space<vmem>>, vector<16xf32>,
        %add3A_1982 = arith.addf %get3A_1977, %get3A_1981 : vector<16xf32>
        %add3A_1983 = arith.addf %add3A_1982, %get3A_1940 : vector<16xf32>
        %swap3A_1984 = arith.constant 2 : i32
        %swap3A_1985 = arith.index_cast %swap3A_1984 : i32 to index
        %swap3A_1986 = arith.index_cast %multiple_of3A_1938 : i32 to index
        %swap3A_1987 = tpu.vector_load %arg12[%swap3A_1985, %swap3A_1986] {strides = array<i32>} : memref<16x768xf32, #tpu.memory_space<vmem>>, vector<16xf32>,
        tpu.vector_store %arg12[%swap3A_1985, %swap3A_1986], %add3A_1983 {strides = array<i32>} : memref<16x768xf32, #tpu.memory_space<vmem>>, vector<16xf32>,
        %add3A_1988 = arith.addf %scan3A_1908, %add3A_1983 : vector<16xf32>
        %mul3A_1989 = arith.mulf %add3A_1983, %add3A_1983 : vector<16xf32>
        %add3A_1990 = arith.addf %scan3A_1909, %mul3A_1989 : vector<16xf32>
        %get3A_1991 = arith.constant 3 : i32
        %get3A_1992 = arith.index_cast %get3A_1991 : i32 to index
        %get3A_1993 = arith.index_cast %multiple_of3A_1938 : i32 to index
        %get3A_1994 = tpu.vector_load %arg10[%get3A_1992, %get3A_1993] {strides = array<i32>} : memref<16x768xf32, #tpu.memory_space<vmem>>, vector<16xf32>,
        %get3A_1995 = arith.constant 3 : i32
        %get3A_1996 = arith.index_cast %get3A_1995 : i32 to index
        %get3A_1997 = arith.index_cast %multiple_of3A_1938 : i32 to index
        %get3A_1998 = tpu.vector_load %arg15[%get3A_1996, %get3A_1997] {strides = array<i32>} : memref<16x768xf32, #tpu.memory_space<vmem>>, vector<16xf32>,
        %add3A_1999 = arith.addf %get3A_1994, %get3A_1998 : vector<16xf32>
        %add3A_2000 = arith.addf %add3A_1999, %get3A_1940 : vector<16xf32>
        %swap3A_2001 = arith.constant 3 : i32
        %swap3A_2002 = arith.index_cast %swap3A_2001 : i32 to index
        %swap3A_2003 = arith.index_cast %multiple_of3A_1938 : i32 to index
        %swap3A_2004 = tpu.vector_load %arg12[%swap3A_2002, %swap3A_2003] {strides = array<i32>} : memref<16x768xf32, #tpu.memory_space<vmem>>, vector<16xf32>,
        tpu.vector_store %arg12[%swap3A_2002, %swap3A_2003], %add3A_2000 {strides = array<i32>} : memref<16x768xf32, #tpu.memory_space<vmem>>, vector<16xf32>,
        %add3A_2005 = arith.addf %scan3A_1910, %add3A_2000 : vector<16xf32>
        %mul3A_2006 = arith.mulf %add3A_2000, %add3A_2000 : vector<16xf32>
        %add3A_2007 = arith.addf %scan3A_1911, %mul3A_2006 : vector<16xf32>
        %get3A_2008 = arith.constant 4 : i32
        %get3A_2009 = arith.index_cast %get3A_2008 : i32 to index
        %get3A_2010 = arith.index_cast %multiple_of3A_1938 : i32 to index
        %get3A_2011 = tpu.vector_load %arg10[%get3A_2009, %get3A_2010] {strides = array<i32>} : memref<16x768xf32, #tpu.memory_space<vmem>>, vector<16xf32>,
        %get3A_2012 = arith.constant 4 : i32
        %get3A_2013 = arith.index_cast %get3A_2012 : i32 to index
        %get3A_2014 = arith.index_cast %multiple_of3A_1938 : i32 to index
        %get3A_2015 = tpu.vector_load %arg15[%get3A_2013, %get3A_2014] {strides = array<i32>} : memref<16x768xf32, #tpu.memory_space<vmem>>, vector<16xf32>,
        %add3A_2016 = arith.addf %get3A_2011, %get3A_2015 : vector<16xf32>
        %add3A_2017 = arith.addf %add3A_2016, %get3A_1940 : vector<16xf32>
        %swap3A_2018 = arith.constant 4 : i32
        %swap3A_2019 = arith.index_cast %swap3A_2018 : i32 to index
        %swap3A_2020 = arith.index_cast %multiple_of3A_1938 : i32 to index
        %swap3A_2021 = tpu.vector_load %arg12[%swap3A_2019, %swap3A_2020] {strides = array<i32>} : memref<16x768xf32, #tpu.memory_space<vmem>>, vector<16xf32>,
        tpu.vector_store %arg12[%swap3A_2019, %swap3A_2020], %add3A_2017 {strides = array<i32>} : memref<16x768xf32, #tpu.memory_space<vmem>>, vector<16xf32>,
        %add3A_2022 = arith.addf %scan3A_1912, %add3A_2017 : vector<16xf32>
        %mul3A_2023 = arith.mulf %add3A_2017, %add3A_2017 : vector<16xf32>
        %add3A_2024 = arith.addf %scan3A_1913, %mul3A_2023 : vector<16xf32>
        %get3A_2025 = arith.constant 5 : i32
        %get3A_2026 = arith.index_cast %get3A_2025 : i32 to index
        %get3A_2027 = arith.index_cast %multiple_of3A_1938 : i32 to index
        %get3A_2028 = tpu.vector_load %arg10[%get3A_2026, %get3A_2027] {strides = array<i32>} : memref<16x768xf32, #tpu.memory_space<vmem>>, vector<16xf32>,
        %get3A_2029 = arith.constant 5 : i32
        %get3A_2030 = arith.index_cast %get3A_2029 : i32 to index
        %get3A_2031 = arith.index_cast %multiple_of3A_1938 : i32 to index
        %get3A_2032 = tpu.vector_load %arg15[%get3A_2030, %get3A_2031] {strides = array<i32>} : memref<16x768xf32, #tpu.memory_space<vmem>>, vector<16xf32>,
        %add3A_2033 = arith.addf %get3A_2028, %get3A_2032 : vector<16xf32>
        %add3A_2034 = arith.addf %add3A_2033, %get3A_1940 : vector<16xf32>
        %swap3A_2035 = arith.constant 5 : i32
        %swap3A_2036 = arith.index_cast %swap3A_2035 : i32 to index
        %swap3A_2037 = arith.index_cast %multiple_of3A_1938 : i32 to index
        %swap3A_2038 = tpu.vector_load %arg12[%swap3A_2036, %swap3A_2037] {strides = array<i32>} : memref<16x768xf32, #tpu.memory_space<vmem>>, vector<16xf32>,
        tpu.vector_store %arg12[%swap3A_2036, %swap3A_2037], %add3A_2034 {strides = array<i32>} : memref<16x768xf32, #tpu.memory_space<vmem>>, vector<16xf32>,
        %add3A_2039 = arith.addf %scan3A_1914, %add3A_2034 : vector<16xf32>
        %mul3A_2040 = arith.mulf %add3A_2034, %add3A_2034 : vector<16xf32>
        %add3A_2041 = arith.addf %scan3A_1915, %mul3A_2040 : vector<16xf32>
        %get3A_2042 = arith.constant 6 : i32
        %get3A_2043 = arith.index_cast %get3A_2042 : i32 to index
        %get3A_2044 = arith.index_cast %multiple_of3A_1938 : i32 to index
        %get3A_2045 = tpu.vector_load %arg10[%get3A_2043, %get3A_2044] {strides = array<i32>} : memref<16x768xf32, #tpu.memory_space<vmem>>, vector<16xf32>,
        %get3A_2046 = arith.constant 6 : i32
        %get3A_2047 = arith.index_cast %get3A_2046 : i32 to index
        %get3A_2048 = arith.index_cast %multiple_of3A_1938 : i32 to index
        %get3A_2049 = tpu.vector_load %arg15[%get3A_2047, %get3A_2048] {strides = array<i32>} : memref<16x768xf32, #tpu.memory_space<vmem>>, vector<16xf32>,
        %add3A_2050 = arith.addf %get3A_2045, %get3A_2049 : vector<16xf32>
        %add3A_2051 = arith.addf %add3A_2050, %get3A_1940 : vector<16xf32>
        %swap3A_2052 = arith.constant 6 : i32
        %swap3A_2053 = arith.index_cast %swap3A_2052 : i32 to index
        %swap3A_2054 = arith.index_cast %multiple_of3A_1938 : i32 to index
        %swap3A_2055 = tpu.vector_load %arg12[%swap3A_2053, %swap3A_2054] {strides = array<i32>} : memref<16x768xf32, #tpu.memory_space<vmem>>, vector<16xf32>,
        tpu.vector_store %arg12[%swap3A_2053, %swap3A_2054], %add3A_2051 {strides = array<i32>} : memref<16x768xf32, #tpu.memory_space<vmem>>, vector<16xf32>,
        %add3A_2056 = arith.addf %scan3A_1916, %add3A_2051 : vector<16xf32>
        %mul3A_2057 = arith.mulf %add3A_2051, %add3A_2051 : vector<16xf32>
        %add3A_2058 = arith.addf %scan3A_1917, %mul3A_2057 : vector<16xf32>
        %get3A_2059 = arith.constant 7 : i32
        %get3A_2060 = arith.index_cast %get3A_2059 : i32 to index
        %get3A_2061 = arith.index_cast %multiple_of3A_1938 : i32 to index
        %get3A_2062 = tpu.vector_load %arg10[%get3A_2060, %get3A_2061] {strides = array<i32>} : memref<16x768xf32, #tpu.memory_space<vmem>>, vector<16xf32>,
        %get3A_2063 = arith.constant 7 : i32
        %get3A_2064 = arith.index_cast %get3A_2063 : i32 to index
        %get3A_2065 = arith.index_cast %multiple_of3A_1938 : i32 to index
        %get3A_2066 = tpu.vector_load %arg15[%get3A_2064, %get3A_2065] {strides = array<i32>} : memref<16x768xf32, #tpu.memory_space<vmem>>, vector<16xf32>,
        %add3A_2067 = arith.addf %get3A_2062, %get3A_2066 : vector<16xf32>
        %add3A_2068 = arith.addf %add3A_2067, %get3A_1940 : vector<16xf32>
        %swap3A_2069 = arith.constant 7 : i32
        %swap3A_2070 = arith.index_cast %swap3A_2069 : i32 to index
        %swap3A_2071 = arith.index_cast %multiple_of3A_1938 : i32 to index
        %swap3A_2072 = tpu.vector_load %arg12[%swap3A_2070, %swap3A_2071] {strides = array<i32>} : memref<16x768xf32, #tpu.memory_space<vmem>>, vector<16xf32>,
        tpu.vector_store %arg12[%swap3A_2070, %swap3A_2071], %add3A_2068 {strides = array<i32>} : memref<16x768xf32, #tpu.memory_space<vmem>>, vector<16xf32>,
        %add3A_2073 = arith.addf %scan3A_1918, %add3A_2068 : vector<16xf32>
        %mul3A_2074 = arith.mulf %add3A_2068, %add3A_2068 : vector<16xf32>
        %add3A_2075 = arith.addf %scan3A_1919, %mul3A_2074 : vector<16xf32>
        %get3A_2076 = arith.constant 8 : i32
        %get3A_2077 = arith.index_cast %get3A_2076 : i32 to index
        %get3A_2078 = arith.index_cast %multiple_of3A_1938 : i32 to index
        %get3A_2079 = tpu.vector_load %arg10[%get3A_2077, %get3A_2078] {strides = array<i32>} : memref<16x768xf32, #tpu.memory_space<vmem>>, vector<16xf32>,
        %get3A_2080 = arith.constant 8 : i32
        %get3A_2081 = arith.index_cast %get3A_2080 : i32 to index
        %get3A_2082 = arith.index_cast %multiple_of3A_1938 : i32 to index
        %get3A_2083 = tpu.vector_load %arg15[%get3A_2081, %get3A_2082] {strides = array<i32>} : memref<16x768xf32, #tpu.memory_space<vmem>>, vector<16xf32>,
        %add3A_2084 = arith.addf %get3A_2079, %get3A_2083 : vector<16xf32>
        %add3A_2085 = arith.addf %add3A_2084, %get3A_1940 : vector<16xf32>
        %swap3A_2086 = arith.constant 8 : i32
        %swap3A_2087 = arith.index_cast %swap3A_2086 : i32 to index
        %swap3A_2088 = arith.index_cast %multiple_of3A_1938 : i32 to index
        %swap3A_2089 = tpu.vector_load %arg12[%swap3A_2087, %swap3A_2088] {strides = array<i32>} : memref<16x768xf32, #tpu.memory_space<vmem>>, vector<16xf32>,
        tpu.vector_store %arg12[%swap3A_2087, %swap3A_2088], %add3A_2085 {strides = array<i32>} : memref<16x768xf32, #tpu.memory_space<vmem>>, vector<16xf32>,
        %add3A_2090 = arith.addf %scan3A_1920, %add3A_2085 : vector<16xf32>
        %mul3A_2091 = arith.mulf %add3A_2085, %add3A_2085 : vector<16xf32>
        %add3A_2092 = arith.addf %scan3A_1921, %mul3A_2091 : vector<16xf32>
        %get3A_2093 = arith.constant 9 : i32
        %get3A_2094 = arith.index_cast %get3A_2093 : i32 to index
        %get3A_2095 = arith.index_cast %multiple_of3A_1938 : i32 to index
        %get3A_2096 = tpu.vector_load %arg10[%get3A_2094, %get3A_2095] {strides = array<i32>} : memref<16x768xf32, #tpu.memory_space<vmem>>, vector<16xf32>,
        %get3A_2097 = arith.constant 9 : i32
        %get3A_2098 = arith.index_cast %get3A_2097 : i32 to index
        %get3A_2099 = arith.index_cast %multiple_of3A_1938 : i32 to index
        %get3A_2100 = tpu.vector_load %arg15[%get3A_2098, %get3A_2099] {strides = array<i32>} : memref<16x768xf32, #tpu.memory_space<vmem>>, vector<16xf32>,
        %add3A_2101 = arith.addf %get3A_2096, %get3A_2100 : vector<16xf32>
        %add3A_2102 = arith.addf %add3A_2101, %get3A_1940 : vector<16xf32>
        %swap3A_2103 = arith.constant 9 : i32
        %swap3A_2104 = arith.index_cast %swap3A_2103 : i32 to index
        %swap3A_2105 = arith.index_cast %multiple_of3A_1938 : i32 to index
        %swap3A_2106 = tpu.vector_load %arg12[%swap3A_2104, %swap3A_2105] {strides = array<i32>} : memref<16x768xf32, #tpu.memory_space<vmem>>, vector<16xf32>,
        tpu.vector_store %arg12[%swap3A_2104, %swap3A_2105], %add3A_2102 {strides = array<i32>} : memref<16x768xf32, #tpu.memory_space<vmem>>, vector<16xf32>,
        %add3A_2107 = arith.addf %scan3A_1922, %add3A_2102 : vector<16xf32>
        %mul3A_2108 = arith.mulf %add3A_2102, %add3A_2102 : vector<16xf32>
        %add3A_2109 = arith.addf %scan3A_1923, %mul3A_2108 : vector<16xf32>
        %get3A_2110 = arith.constant 10 : i32
        %get3A_2111 = arith.index_cast %get3A_2110 : i32 to index
        %get3A_2112 = arith.index_cast %multiple_of3A_1938 : i32 to index
        %get3A_2113 = tpu.vector_load %arg10[%get3A_2111, %get3A_2112] {strides = array<i32>} : memref<16x768xf32, #tpu.memory_space<vmem>>, vector<16xf32>,
        %get3A_2114 = arith.constant 10 : i32
        %get3A_2115 = arith.index_cast %get3A_2114 : i32 to index
        %get3A_2116 = arith.index_cast %multiple_of3A_1938 : i32 to index
        %get3A_2117 = tpu.vector_load %arg15[%get3A_2115, %get3A_2116] {strides = array<i32>} : memref<16x768xf32, #tpu.memory_space<vmem>>, vector<16xf32>,
        %add3A_2118 = arith.addf %get3A_2113, %get3A_2117 : vector<16xf32>
        %add3A_2119 = arith.addf %add3A_2118, %get3A_1940 : vector<16xf32>
        %swap3A_2120 = arith.constant 10 : i32
        %swap3A_2121 = arith.index_cast %swap3A_2120 : i32 to index
        %swap3A_2122 = arith.index_cast %multiple_of3A_1938 : i32 to index
        %swap3A_2123 = tpu.vector_load %arg12[%swap3A_2121, %swap3A_2122] {strides = array<i32>} : memref<16x768xf32, #tpu.memory_space<vmem>>, vector<16xf32>,
        tpu.vector_store %arg12[%swap3A_2121, %swap3A_2122], %add3A_2119 {strides = array<i32>} : memref<16x768xf32, #tpu.memory_space<vmem>>, vector<16xf32>,
        %add3A_2124 = arith.addf %scan3A_1924, %add3A_2119 : vector<16xf32>
        %mul3A_2125 = arith.mulf %add3A_2119, %add3A_2119 : vector<16xf32>
        %add3A_2126 = arith.addf %scan3A_1925, %mul3A_2125 : vector<16xf32>
        %get3A_2127 = arith.constant 11 : i32
        %get3A_2128 = arith.index_cast %get3A_2127 : i32 to index
        %get3A_2129 = arith.index_cast %multiple_of3A_1938 : i32 to index
        %get3A_2130 = tpu.vector_load %arg10[%get3A_2128, %get3A_2129] {strides = array<i32>} : memref<16x768xf32, #tpu.memory_space<vmem>>, vector<16xf32>,
        %get3A_2131 = arith.constant 11 : i32
        %get3A_2132 = arith.index_cast %get3A_2131 : i32 to index
        %get3A_2133 = arith.index_cast %multiple_of3A_1938 : i32 to index
        %get3A_2134 = tpu.vector_load %arg15[%get3A_2132, %get3A_2133] {strides = array<i32>} : memref<16x768xf32, #tpu.memory_space<vmem>>, vector<16xf32>,
        %add3A_2135 = arith.addf %get3A_2130, %get3A_2134 : vector<16xf32>
        %add3A_2136 = arith.addf %add3A_2135, %get3A_1940 : vector<16xf32>
        %swap3A_2137 = arith.constant 11 : i32
        %swap3A_2138 = arith.index_cast %swap3A_2137 : i32 to index
        %swap3A_2139 = arith.index_cast %multiple_of3A_1938 : i32 to index
        %swap3A_2140 = tpu.vector_load %arg12[%swap3A_2138, %swap3A_2139] {strides = array<i32>} : memref<16x768xf32, #tpu.memory_space<vmem>>, vector<16xf32>,
        tpu.vector_store %arg12[%swap3A_2138, %swap3A_2139], %add3A_2136 {strides = array<i32>} : memref<16x768xf32, #tpu.memory_space<vmem>>, vector<16xf32>,
        %add3A_2141 = arith.addf %scan3A_1926, %add3A_2136 : vector<16xf32>
        %mul3A_2142 = arith.mulf %add3A_2136, %add3A_2136 : vector<16xf32>
        %add3A_2143 = arith.addf %scan3A_1927, %mul3A_2142 : vector<16xf32>
        %get3A_2144 = arith.constant 12 : i32
        %get3A_2145 = arith.index_cast %get3A_2144 : i32 to index
        %get3A_2146 = arith.index_cast %multiple_of3A_1938 : i32 to index
        %get3A_2147 = tpu.vector_load %arg10[%get3A_2145, %get3A_2146] {strides = array<i32>} : memref<16x768xf32, #tpu.memory_space<vmem>>, vector<16xf32>,
        %get3A_2148 = arith.constant 12 : i32
        %get3A_2149 = arith.index_cast %get3A_2148 : i32 to index
        %get3A_2150 = arith.index_cast %multiple_of3A_1938 : i32 to index
        %get3A_2151 = tpu.vector_load %arg15[%get3A_2149, %get3A_2150] {strides = array<i32>} : memref<16x768xf32, #tpu.memory_space<vmem>>, vector<16xf32>,
        %add3A_2152 = arith.addf %get3A_2147, %get3A_2151 : vector<16xf32>
        %add3A_2153 = arith.addf %add3A_2152, %get3A_1940 : vector<16xf32>
        %swap3A_2154 = arith.constant 12 : i32
        %swap3A_2155 = arith.index_cast %swap3A_2154 : i32 to index
        %swap3A_2156 = arith.index_cast %multiple_of3A_1938 : i32 to index
        %swap3A_2157 = tpu.vector_load %arg12[%swap3A_2155, %swap3A_2156] {strides = array<i32>} : memref<16x768xf32, #tpu.memory_space<vmem>>, vector<16xf32>,
        tpu.vector_store %arg12[%swap3A_2155, %swap3A_2156], %add3A_2153 {strides = array<i32>} : memref<16x768xf32, #tpu.memory_space<vmem>>, vector<16xf32>,
        %add3A_2158 = arith.addf %scan3A_1928, %add3A_2153 : vector<16xf32>
        %mul3A_2159 = arith.mulf %add3A_2153, %add3A_2153 : vector<16xf32>
        %add3A_2160 = arith.addf %scan3A_1929, %mul3A_2159 : vector<16xf32>
        %get3A_2161 = arith.constant 13 : i32
        %get3A_2162 = arith.index_cast %get3A_2161 : i32 to index
        %get3A_2163 = arith.index_cast %multiple_of3A_1938 : i32 to index
        %get3A_2164 = tpu.vector_load %arg10[%get3A_2162, %get3A_2163] {strides = array<i32>} : memref<16x768xf32, #tpu.memory_space<vmem>>, vector<16xf32>,
        %get3A_2165 = arith.constant 13 : i32
        %get3A_2166 = arith.index_cast %get3A_2165 : i32 to index
        %get3A_2167 = arith.index_cast %multiple_of3A_1938 : i32 to index
        %get3A_2168 = tpu.vector_load %arg15[%get3A_2166, %get3A_2167] {strides = array<i32>} : memref<16x768xf32, #tpu.memory_space<vmem>>, vector<16xf32>,
        %add3A_2169 = arith.addf %get3A_2164, %get3A_2168 : vector<16xf32>
        %add3A_2170 = arith.addf %add3A_2169, %get3A_1940 : vector<16xf32>
        %swap3A_2171 = arith.constant 13 : i32
        %swap3A_2172 = arith.index_cast %swap3A_2171 : i32 to index
        %swap3A_2173 = arith.index_cast %multiple_of3A_1938 : i32 to index
        %swap3A_2174 = tpu.vector_load %arg12[%swap3A_2172, %swap3A_2173] {strides = array<i32>} : memref<16x768xf32, #tpu.memory_space<vmem>>, vector<16xf32>,
        tpu.vector_store %arg12[%swap3A_2172, %swap3A_2173], %add3A_2170 {strides = array<i32>} : memref<16x768xf32, #tpu.memory_space<vmem>>, vector<16xf32>,
        %add3A_2175 = arith.addf %scan3A_1930, %add3A_2170 : vector<16xf32>
        %mul3A_2176 = arith.mulf %add3A_2170, %add3A_2170 : vector<16xf32>
        %add3A_2177 = arith.addf %scan3A_1931, %mul3A_2176 : vector<16xf32>
        %get3A_2178 = arith.constant 14 : i32
        %get3A_2179 = arith.index_cast %get3A_2178 : i32 to index
        %get3A_2180 = arith.index_cast %multiple_of3A_1938 : i32 to index
        %get3A_2181 = tpu.vector_load %arg10[%get3A_2179, %get3A_2180] {strides = array<i32>} : memref<16x768xf32, #tpu.memory_space<vmem>>, vector<16xf32>,
        %get3A_2182 = arith.constant 14 : i32
        %get3A_2183 = arith.index_cast %get3A_2182 : i32 to index
        %get3A_2184 = arith.index_cast %multiple_of3A_1938 : i32 to index
        %get3A_2185 = tpu.vector_load %arg15[%get3A_2183, %get3A_2184] {strides = array<i32>} : memref<16x768xf32, #tpu.memory_space<vmem>>, vector<16xf32>,
        %add3A_2186 = arith.addf %get3A_2181, %get3A_2185 : vector<16xf32>
        %add3A_2187 = arith.addf %add3A_2186, %get3A_1940 : vector<16xf32>
        %swap3A_2188 = arith.constant 14 : i32
        %swap3A_2189 = arith.index_cast %swap3A_2188 : i32 to index
        %swap3A_2190 = arith.index_cast %multiple_of3A_1938 : i32 to index
        %swap3A_2191 = tpu.vector_load %arg12[%swap3A_2189, %swap3A_2190] {strides = array<i32>} : memref<16x768xf32, #tpu.memory_space<vmem>>, vector<16xf32>,
        tpu.vector_store %arg12[%swap3A_2189, %swap3A_2190], %add3A_2187 {strides = array<i32>} : memref<16x768xf32, #tpu.memory_space<vmem>>, vector<16xf32>,
        %add3A_2192 = arith.addf %scan3A_1932, %add3A_2187 : vector<16xf32>
        %mul3A_2193 = arith.mulf %add3A_2187, %add3A_2187 : vector<16xf32>
        %add3A_2194 = arith.addf %scan3A_1933, %mul3A_2193 : vector<16xf32>
        %get3A_2195 = arith.constant 15 : i32
        %get3A_2196 = arith.index_cast %get3A_2195 : i32 to index
        %get3A_2197 = arith.index_cast %multiple_of3A_1938 : i32 to index
        %get3A_2198 = tpu.vector_load %arg10[%get3A_2196, %get3A_2197] {strides = array<i32>} : memref<16x768xf32, #tpu.memory_space<vmem>>, vector<16xf32>,
        %get3A_2199 = arith.constant 15 : i32
        %get3A_2200 = arith.index_cast %get3A_2199 : i32 to index
        %get3A_2201 = arith.index_cast %multiple_of3A_1938 : i32 to index
        %get3A_2202 = tpu.vector_load %arg15[%get3A_2200, %get3A_2201] {strides = array<i32>} : memref<16x768xf32, #tpu.memory_space<vmem>>, vector<16xf32>,
        %add3A_2203 = arith.addf %get3A_2198, %get3A_2202 : vector<16xf32>
        %add3A_2204 = arith.addf %add3A_2203, %get3A_1940 : vector<16xf32>
        %swap3A_2205 = arith.constant 15 : i32
        %swap3A_2206 = arith.index_cast %swap3A_2205 : i32 to index
        %swap3A_2207 = arith.index_cast %multiple_of3A_1938 : i32 to index
        %swap3A_2208 = tpu.vector_load %arg12[%swap3A_2206, %swap3A_2207] {strides = array<i32>} : memref<16x768xf32, #tpu.memory_space<vmem>>, vector<16xf32>,
        tpu.vector_store %arg12[%swap3A_2206, %swap3A_2207], %add3A_2204 {strides = array<i32>} : memref<16x768xf32, #tpu.memory_space<vmem>>, vector<16xf32>,
        %add3A_2209 = arith.addf %scan3A_1934, %add3A_2204 : vector<16xf32>
        %mul3A_2210 = arith.mulf %add3A_2204, %add3A_2204 : vector<16xf32>
        %add3A_2211 = arith.addf %scan3A_1935, %mul3A_2210 : vector<16xf32>
        scf.yield %add3A_1954, %add3A_1956, %add3A_1971, %add3A_1973, %add3A_1988, %add3A_1990, %add3A_2005, %add3A_2007, %add3A_2022, %add3A_2024, %add3A_2039, %add3A_2041, %add3A_2056, %add3A_2058, %add3A_2073, %add3A_2075, %add3A_2090, %add3A_2092, %add3A_2107, %add3A_2109, %add3A_2124, %add3A_2126, %add3A_2141, %add3A_2143, %add3A_2158, %add3A_2160, %add3A_2175, %add3A_2177, %add3A_2192, %add3A_2194, %add3A_2209, %add3A_2211 : vector<16xf32>, vector<16xf32>, vector<16xf32>, vector<16xf32>, vector<16xf32>, vector<16xf32>, vector<16xf32>, vector<16xf32>, vector<16xf32>, vector<16xf32>, vector<16xf32>, vector<16xf32>, vector<16xf32>, vector<16xf32>, vector<16xf32>, vector<16xf32>, vector<16xf32>, vector<16xf32>, vector<16xf32>, vector<16xf32>, vector<16xf32>, vector<16xf32>, vector<16xf32>, vector<16xf32>, vector<16xf32>, vector<16xf32>, vector<16xf32>, vector<16xf32>, vector<16xf32>, vector<16xf32>, vector<16xf32>, vector<16xf32>
      }
      %scan3A_757 = arith.constant 48 : i32
      %add3A_758 = arith.constant 0 : i32
      %add3A_759 = vector.broadcast %add3A_758 : i32 to vector<16xi32>
      %add3A_760 = arith.addi %iota3A_687, %add3A_759 : vector<16xi32>
      tpu.vector_store_idx %arg18[%add3A_760], %scan3A_756#0 : memref<544xf32, #tpu.memory_space<vmem>>[vector<16xi32>], vector<16xf32>,
      %add3A_761 = arith.constant 272 : i32
      %add3A_762 = vector.broadcast %add3A_761 : i32 to vector<16xi32>
      %add3A_763 = arith.addi %iota3A_687, %add3A_762 : vector<16xi32>
      tpu.vector_store_idx %arg18[%add3A_763], %scan3A_756#1 : memref<544xf32, #tpu.memory_space<vmem>>[vector<16xi32>], vector<16xf32>,
      %add3A_764 = arith.constant 17 : i32
      %add3A_765 = vector.broadcast %add3A_764 : i32 to vector<16xi32>
      %add3A_766 = arith.addi %iota3A_687, %add3A_765 : vector<16xi32>
      tpu.vector_store_idx %arg18[%add3A_766], %scan3A_756#2 : memref<544xf32, #tpu.memory_space<vmem>>[vector<16xi32>], vector<16xf32>,
      %add3A_767 = arith.constant 289 : i32
      %add3A_768 = vector.broadcast %add3A_767 : i32 to vector<16xi32>
      %add3A_769 = arith.addi %iota3A_687, %add3A_768 : vector<16xi32>
      tpu.vector_store_idx %arg18[%add3A_769], %scan3A_756#3 : memref<544xf32, #tpu.memory_space<vmem>>[vector<16xi32>], vector<16xf32>,
      %add3A_770 = arith.constant 34 : i32
      %add3A_771 = vector.broadcast %add3A_770 : i32 to vector<16xi32>
      %add3A_772 = arith.addi %iota3A_687, %add3A_771 : vector<16xi32>
      tpu.vector_store_idx %arg18[%add3A_772], %scan3A_756#4 : memref<544xf32, #tpu.memory_space<vmem>>[vector<16xi32>], vector<16xf32>,
      %add3A_773 = arith.constant 306 : i32
      %add3A_774 = vector.broadcast %add3A_773 : i32 to vector<16xi32>
      %add3A_775 = arith.addi %iota3A_687, %add3A_774 : vector<16xi32>
      tpu.vector_store_idx %arg18[%add3A_775], %scan3A_756#5 : memref<544xf32, #tpu.memory_space<vmem>>[vector<16xi32>], vector<16xf32>,
      %add3A_776 = arith.constant 51 : i32
      %add3A_777 = vector.broadcast %add3A_776 : i32 to vector<16xi32>
      %add3A_778 = arith.addi %iota3A_687, %add3A_777 : vector<16xi32>
      tpu.vector_store_idx %arg18[%add3A_778], %scan3A_756#6 : memref<544xf32, #tpu.memory_space<vmem>>[vector<16xi32>], vector<16xf32>,
      %add3A_779 = arith.constant 323 : i32
      %add3A_780 = vector.broadcast %add3A_779 : i32 to vector<16xi32>
      %add3A_781 = arith.addi %iota3A_687, %add3A_780 : vector<16xi32>
      tpu.vector_store_idx %arg18[%add3A_781], %scan3A_756#7 : memref<544xf32, #tpu.memory_space<vmem>>[vector<16xi32>], vector<16xf32>,
      %add3A_782 = arith.constant 68 : i32
      %add3A_783 = vector.broadcast %add3A_782 : i32 to vector<16xi32>
      %add3A_784 = arith.addi %iota3A_687, %add3A_783 : vector<16xi32>
      tpu.vector_store_idx %arg18[%add3A_784], %scan3A_756#8 : memref<544xf32, #tpu.memory_space<vmem>>[vector<16xi32>], vector<16xf32>,
      %add3A_785 = arith.constant 340 : i32
      %add3A_786 = vector.broadcast %add3A_785 : i32 to vector<16xi32>
      %add3A_787 = arith.addi %iota3A_687, %add3A_786 : vector<16xi32>
      tpu.vector_store_idx %arg18[%add3A_787], %scan3A_756#9 : memref<544xf32, #tpu.memory_space<vmem>>[vector<16xi32>], vector<16xf32>,
      %add3A_788 = arith.constant 85 : i32
      %add3A_789 = vector.broadcast %add3A_788 : i32 to vector<16xi32>
      %add3A_790 = arith.addi %iota3A_687, %add3A_789 : vector<16xi32>
      tpu.vector_store_idx %arg18[%add3A_790], %scan3A_756#10 : memref<544xf32, #tpu.memory_space<vmem>>[vector<16xi32>], vector<16xf32>,
      %add3A_791 = arith.constant 357 : i32
      %add3A_792 = vector.broadcast %add3A_791 : i32 to vector<16xi32>
      %add3A_793 = arith.addi %iota3A_687, %add3A_792 : vector<16xi32>
      tpu.vector_store_idx %arg18[%add3A_793], %scan3A_756#11 : memref<544xf32, #tpu.memory_space<vmem>>[vector<16xi32>], vector<16xf32>,
      %add3A_794 = arith.constant 102 : i32
      %add3A_795 = vector.broadcast %add3A_794 : i32 to vector<16xi32>
      %add3A_796 = arith.addi %iota3A_687, %add3A_795 : vector<16xi32>
      tpu.vector_store_idx %arg18[%add3A_796], %scan3A_756#12 : memref<544xf32, #tpu.memory_space<vmem>>[vector<16xi32>], vector<16xf32>,
      %add3A_797 = arith.constant 374 : i32
      %add3A_798 = vector.broadcast %add3A_797 : i32 to vector<16xi32>
      %add3A_799 = arith.addi %iota3A_687, %add3A_798 : vector<16xi32>
      tpu.vector_store_idx %arg18[%add3A_799], %scan3A_756#13 : memref<544xf32, #tpu.memory_space<vmem>>[vector<16xi32>], vector<16xf32>,
      %add3A_800 = arith.constant 119 : i32
      %add3A_801 = vector.broadcast %add3A_800 : i32 to vector<16xi32>
      %add3A_802 = arith.addi %iota3A_687, %add3A_801 : vector<16xi32>
      tpu.vector_store_idx %arg18[%add3A_802], %scan3A_756#14 : memref<544xf32, #tpu.memory_space<vmem>>[vector<16xi32>], vector<16xf32>,
      %add3A_803 = arith.constant 391 : i32
      %add3A_804 = vector.broadcast %add3A_803 : i32 to vector<16xi32>
      %add3A_805 = arith.addi %iota3A_687, %add3A_804 : vector<16xi32>
      tpu.vector_store_idx %arg18[%add3A_805], %scan3A_756#15 : memref<544xf32, #tpu.memory_space<vmem>>[vector<16xi32>], vector<16xf32>,
      %add3A_806 = arith.constant 136 : i32
      %add3A_807 = vector.broadcast %add3A_806 : i32 to vector<16xi32>
      %add3A_808 = arith.addi %iota3A_687, %add3A_807 : vector<16xi32>
      tpu.vector_store_idx %arg18[%add3A_808], %scan3A_756#16 : memref<544xf32, #tpu.memory_space<vmem>>[vector<16xi32>], vector<16xf32>,
      %add3A_809 = arith.constant 408 : i32
      %add3A_810 = vector.broadcast %add3A_809 : i32 to vector<16xi32>
      %add3A_811 = arith.addi %iota3A_687, %add3A_810 : vector<16xi32>
      tpu.vector_store_idx %arg18[%add3A_811], %scan3A_756#17 : memref<544xf32, #tpu.memory_space<vmem>>[vector<16xi32>], vector<16xf32>,
      %add3A_812 = arith.constant 153 : i32
      %add3A_813 = vector.broadcast %add3A_812 : i32 to vector<16xi32>
      %add3A_814 = arith.addi %iota3A_687, %add3A_813 : vector<16xi32>
      tpu.vector_store_idx %arg18[%add3A_814], %scan3A_756#18 : memref<544xf32, #tpu.memory_space<vmem>>[vector<16xi32>], vector<16xf32>,
      %add3A_815 = arith.constant 425 : i32
      %add3A_816 = vector.broadcast %add3A_815 : i32 to vector<16xi32>
      %add3A_817 = arith.addi %iota3A_687, %add3A_816 : vector<16xi32>
      tpu.vector_store_idx %arg18[%add3A_817], %scan3A_756#19 : memref<544xf32, #tpu.memory_space<vmem>>[vector<16xi32>], vector<16xf32>,
      %add3A_818 = arith.constant 170 : i32
      %add3A_819 = vector.broadcast %add3A_818 : i32 to vector<16xi32>
      %add3A_820 = arith.addi %iota3A_687, %add3A_819 : vector<16xi32>
      tpu.vector_store_idx %arg18[%add3A_820], %scan3A_756#20 : memref<544xf32, #tpu.memory_space<vmem>>[vector<16xi32>], vector<16xf32>,
      %add3A_821 = arith.constant 442 : i32
      %add3A_822 = vector.broadcast %add3A_821 : i32 to vector<16xi32>
      %add3A_823 = arith.addi %iota3A_687, %add3A_822 : vector<16xi32>
      tpu.vector_store_idx %arg18[%add3A_823], %scan3A_756#21 : memref<544xf32, #tpu.memory_space<vmem>>[vector<16xi32>], vector<16xf32>,
      %add3A_824 = arith.constant 187 : i32
      %add3A_825 = vector.broadcast %add3A_824 : i32 to vector<16xi32>
      %add3A_826 = arith.addi %iota3A_687, %add3A_825 : vector<16xi32>
      tpu.vector_store_idx %arg18[%add3A_826], %scan3A_756#22 : memref<544xf32, #tpu.memory_space<vmem>>[vector<16xi32>], vector<16xf32>,
      %add3A_827 = arith.constant 459 : i32
      %add3A_828 = vector.broadcast %add3A_827 : i32 to vector<16xi32>
      %add3A_829 = arith.addi %iota3A_687, %add3A_828 : vector<16xi32>
      tpu.vector_store_idx %arg18[%add3A_829], %scan3A_756#23 : memref<544xf32, #tpu.memory_space<vmem>>[vector<16xi32>], vector<16xf32>,
      %add3A_830 = arith.constant 204 : i32
      %add3A_831 = vector.broadcast %add3A_830 : i32 to vector<16xi32>
      %add3A_832 = arith.addi %iota3A_687, %add3A_831 : vector<16xi32>
      tpu.vector_store_idx %arg18[%add3A_832], %scan3A_756#24 : memref<544xf32, #tpu.memory_space<vmem>>[vector<16xi32>], vector<16xf32>,
      %add3A_833 = arith.constant 476 : i32
      %add3A_834 = vector.broadcast %add3A_833 : i32 to vector<16xi32>
      %add3A_835 = arith.addi %iota3A_687, %add3A_834 : vector<16xi32>
      tpu.vector_store_idx %arg18[%add3A_835], %scan3A_756#25 : memref<544xf32, #tpu.memory_space<vmem>>[vector<16xi32>], vector<16xf32>,
      %add3A_836 = arith.constant 221 : i32
      %add3A_837 = vector.broadcast %add3A_836 : i32 to vector<16xi32>
      %add3A_838 = arith.addi %iota3A_687, %add3A_837 : vector<16xi32>
      tpu.vector_store_idx %arg18[%add3A_838], %scan3A_756#26 : memref<544xf32, #tpu.memory_space<vmem>>[vector<16xi32>], vector<16xf32>,
      %add3A_839 = arith.constant 493 : i32
      %add3A_840 = vector.broadcast %add3A_839 : i32 to vector<16xi32>
      %add3A_841 = arith.addi %iota3A_687, %add3A_840 : vector<16xi32>
      tpu.vector_store_idx %arg18[%add3A_841], %scan3A_756#27 : memref<544xf32, #tpu.memory_space<vmem>>[vector<16xi32>], vector<16xf32>,
      %add3A_842 = arith.constant 238 : i32
      %add3A_843 = vector.broadcast %add3A_842 : i32 to vector<16xi32>
      %add3A_844 = arith.addi %iota3A_687, %add3A_843 : vector<16xi32>
      tpu.vector_store_idx %arg18[%add3A_844], %scan3A_756#28 : memref<544xf32, #tpu.memory_space<vmem>>[vector<16xi32>], vector<16xf32>,
      %add3A_845 = arith.constant 510 : i32
      %add3A_846 = vector.broadcast %add3A_845 : i32 to vector<16xi32>
      %add3A_847 = arith.addi %iota3A_687, %add3A_846 : vector<16xi32>
      tpu.vector_store_idx %arg18[%add3A_847], %scan3A_756#29 : memref<544xf32, #tpu.memory_space<vmem>>[vector<16xi32>], vector<16xf32>,
      %add3A_848 = arith.constant 255 : i32
      %add3A_849 = vector.broadcast %add3A_848 : i32 to vector<16xi32>
      %add3A_850 = arith.addi %iota3A_687, %add3A_849 : vector<16xi32>
      tpu.vector_store_idx %arg18[%add3A_850], %scan3A_756#30 : memref<544xf32, #tpu.memory_space<vmem>>[vector<16xi32>], vector<16xf32>,
      %add3A_851 = arith.constant 527 : i32
      %add3A_852 = vector.broadcast %add3A_851 : i32 to vector<16xi32>
      %add3A_853 = arith.addi %iota3A_687, %add3A_852 : vector<16xi32>
      tpu.vector_store_idx %arg18[%add3A_853], %scan3A_756#31 : memref<544xf32, #tpu.memory_space<vmem>>[vector<16xi32>], vector<16xf32>,
      %broadcast_in_dim3A_854 = arith.constant 0.000000e+00 : f32
      %broadcast_in_dim3A_855 = vector.broadcast %broadcast_in_dim3A_854 : f32 to vector<16xf32>
      %broadcast_in_dim3A_856 = arith.constant 0.000000e+00 : f32
      %broadcast_in_dim3A_857 = vector.broadcast %broadcast_in_dim3A_856 : f32 to vector<16xf32>
      %mul3A_858 = arith.constant 17 : i32
      %mul3A_859 = vector.broadcast %mul3A_858 : i32 to vector<16xi32>
      %mul3A_860 = arith.muli %iota3A_687, %mul3A_859 : vector<16xi32>
      %add3A_861 = arith.constant 0 : i32
      %add3A_862 = vector.broadcast %add3A_861 : i32 to vector<16xi32>
      %add3A_863 = arith.addi %mul3A_860, %add3A_862 : vector<16xi32>
      %gather3A_864 = tpu.vector_load_idx %arg18[%add3A_863] : memref<544xf32, #tpu.memory_space<vmem>>[vector<16xi32>], vector<16xf32>,
      %add3A_865 = arith.addf %broadcast_in_dim3A_855, %gather3A_864 : vector<16xf32>
      %mul3A_866 = arith.constant 17 : i32
      %mul3A_867 = vector.broadcast %mul3A_866 : i32 to vector<16xi32>
      %mul3A_868 = arith.muli %iota3A_687, %mul3A_867 : vector<16xi32>
      %add3A_869 = arith.constant 272 : i32
      %add3A_870 = vector.broadcast %add3A_869 : i32 to vector<16xi32>
      %add3A_871 = arith.addi %mul3A_868, %add3A_870 : vector<16xi32>
      %gather3A_872 = tpu.vector_load_idx %arg18[%add3A_871] : memref<544xf32, #tpu.memory_space<vmem>>[vector<16xi32>], vector<16xf32>,
      %add3A_873 = arith.addf %broadcast_in_dim3A_857, %gather3A_872 : vector<16xf32>
      %mul3A_874 = arith.constant 17 : i32
      %mul3A_875 = vector.broadcast %mul3A_874 : i32 to vector<16xi32>
      %mul3A_876 = arith.muli %iota3A_687, %mul3A_875 : vector<16xi32>
      %add3A_877 = arith.constant 1 : i32
      %add3A_878 = vector.broadcast %add3A_877 : i32 to vector<16xi32>
      %add3A_879 = arith.addi %mul3A_876, %add3A_878 : vector<16xi32>
      %gather3A_880 = tpu.vector_load_idx %arg18[%add3A_879] : memref<544xf32, #tpu.memory_space<vmem>>[vector<16xi32>], vector<16xf32>,
      %add3A_881 = arith.addf %add3A_865, %gather3A_880 : vector<16xf32>
      %mul3A_882 = arith.constant 17 : i32
      %mul3A_883 = vector.broadcast %mul3A_882 : i32 to vector<16xi32>
      %mul3A_884 = arith.muli %iota3A_687, %mul3A_883 : vector<16xi32>
      %add3A_885 = arith.constant 273 : i32
      %add3A_886 = vector.broadcast %add3A_885 : i32 to vector<16xi32>
      %add3A_887 = arith.addi %mul3A_884, %add3A_886 : vector<16xi32>
      %gather3A_888 = tpu.vector_load_idx %arg18[%add3A_887] : memref<544xf32, #tpu.memory_space<vmem>>[vector<16xi32>], vector<16xf32>,
      %add3A_889 = arith.addf %add3A_873, %gather3A_888 : vector<16xf32>
      %mul3A_890 = arith.constant 17 : i32
      %mul3A_891 = vector.broadcast %mul3A_890 : i32 to vector<16xi32>
      %mul3A_892 = arith.muli %iota3A_687, %mul3A_891 : vector<16xi32>
      %add3A_893 = arith.constant 2 : i32
      %add3A_894 = vector.broadcast %add3A_893 : i32 to vector<16xi32>
      %add3A_895 = arith.addi %mul3A_892, %add3A_894 : vector<16xi32>
      %gather3A_896 = tpu.vector_load_idx %arg18[%add3A_895] : memref<544xf32, #tpu.memory_space<vmem>>[vector<16xi32>], vector<16xf32>,
      %add3A_897 = arith.addf %add3A_881, %gather3A_896 : vector<16xf32>
      %mul3A_898 = arith.constant 17 : i32
      %mul3A_899 = vector.broadcast %mul3A_898 : i32 to vector<16xi32>
      %mul3A_900 = arith.muli %iota3A_687, %mul3A_899 : vector<16xi32>
      %add3A_901 = arith.constant 274 : i32
      %add3A_902 = vector.broadcast %add3A_901 : i32 to vector<16xi32>
      %add3A_903 = arith.addi %mul3A_900, %add3A_902 : vector<16xi32>
      %gather3A_904 = tpu.vector_load_idx %arg18[%add3A_903] : memref<544xf32, #tpu.memory_space<vmem>>[vector<16xi32>], vector<16xf32>,
      %add3A_905 = arith.addf %add3A_889, %gather3A_904 : vector<16xf32>
      %mul3A_906 = arith.constant 17 : i32
      %mul3A_907 = vector.broadcast %mul3A_906 : i32 to vector<16xi32>
      %mul3A_908 = arith.muli %iota3A_687, %mul3A_907 : vector<16xi32>
      %add3A_909 = arith.constant 3 : i32
      %add3A_910 = vector.broadcast %add3A_909 : i32 to vector<16xi32>
      %add3A_911 = arith.addi %mul3A_908, %add3A_910 : vector<16xi32>
      %gather3A_912 = tpu.vector_load_idx %arg18[%add3A_911] : memref<544xf32, #tpu.memory_space<vmem>>[vector<16xi32>], vector<16xf32>,
      %add3A_913 = arith.addf %add3A_897, %gather3A_912 : vector<16xf32>
      %mul3A_914 = arith.constant 17 : i32
      %mul3A_915 = vector.broadcast %mul3A_914 : i32 to vector<16xi32>
      %mul3A_916 = arith.muli %iota3A_687, %mul3A_915 : vector<16xi32>
      %add3A_917 = arith.constant 275 : i32
      %add3A_918 = vector.broadcast %add3A_917 : i32 to vector<16xi32>
      %add3A_919 = arith.addi %mul3A_916, %add3A_918 : vector<16xi32>
      %gather3A_920 = tpu.vector_load_idx %arg18[%add3A_919] : memref<544xf32, #tpu.memory_space<vmem>>[vector<16xi32>], vector<16xf32>,
      %add3A_921 = arith.addf %add3A_905, %gather3A_920 : vector<16xf32>
      %mul3A_922 = arith.constant 17 : i32
      %mul3A_923 = vector.broadcast %mul3A_922 : i32 to vector<16xi32>
      %mul3A_924 = arith.muli %iota3A_687, %mul3A_923 : vector<16xi32>
      %add3A_925 = arith.constant 4 : i32
      %add3A_926 = vector.broadcast %add3A_925 : i32 to vector<16xi32>
      %add3A_927 = arith.addi %mul3A_924, %add3A_926 : vector<16xi32>
      %gather3A_928 = tpu.vector_load_idx %arg18[%add3A_927] : memref<544xf32, #tpu.memory_space<vmem>>[vector<16xi32>], vector<16xf32>,
      %add3A_929 = arith.addf %add3A_913, %gather3A_928 : vector<16xf32>
      %mul3A_930 = arith.constant 17 : i32
      %mul3A_931 = vector.broadcast %mul3A_930 : i32 to vector<16xi32>
      %mul3A_932 = arith.muli %iota3A_687, %mul3A_931 : vector<16xi32>
      %add3A_933 = arith.constant 276 : i32
      %add3A_934 = vector.broadcast %add3A_933 : i32 to vector<16xi32>
      %add3A_935 = arith.addi %mul3A_932, %add3A_934 : vector<16xi32>
      %gather3A_936 = tpu.vector_load_idx %arg18[%add3A_935] : memref<544xf32, #tpu.memory_space<vmem>>[vector<16xi32>], vector<16xf32>,
      %add3A_937 = arith.addf %add3A_921, %gather3A_936 : vector<16xf32>
      %mul3A_938 = arith.constant 17 : i32
      %mul3A_939 = vector.broadcast %mul3A_938 : i32 to vector<16xi32>
      %mul3A_940 = arith.muli %iota3A_687, %mul3A_939 : vector<16xi32>
      %add3A_941 = arith.constant 5 : i32
      %add3A_942 = vector.broadcast %add3A_941 : i32 to vector<16xi32>
      %add3A_943 = arith.addi %mul3A_940, %add3A_942 : vector<16xi32>
      %gather3A_944 = tpu.vector_load_idx %arg18[%add3A_943] : memref<544xf32, #tpu.memory_space<vmem>>[vector<16xi32>], vector<16xf32>,
      %add3A_945 = arith.addf %add3A_929, %gather3A_944 : vector<16xf32>
      %mul3A_946 = arith.constant 17 : i32
      %mul3A_947 = vector.broadcast %mul3A_946 : i32 to vector<16xi32>
      %mul3A_948 = arith.muli %iota3A_687, %mul3A_947 : vector<16xi32>
      %add3A_949 = arith.constant 277 : i32
      %add3A_950 = vector.broadcast %add3A_949 : i32 to vector<16xi32>
      %add3A_951 = arith.addi %mul3A_948, %add3A_950 : vector<16xi32>
      %gather3A_952 = tpu.vector_load_idx %arg18[%add3A_951] : memref<544xf32, #tpu.memory_space<vmem>>[vector<16xi32>], vector<16xf32>,
      %add3A_953 = arith.addf %add3A_937, %gather3A_952 : vector<16xf32>
      %mul3A_954 = arith.constant 17 : i32
      %mul3A_955 = vector.broadcast %mul3A_954 : i32 to vector<16xi32>
      %mul3A_956 = arith.muli %iota3A_687, %mul3A_955 : vector<16xi32>
      %add3A_957 = arith.constant 6 : i32
      %add3A_958 = vector.broadcast %add3A_957 : i32 to vector<16xi32>
      %add3A_959 = arith.addi %mul3A_956, %add3A_958 : vector<16xi32>
      %gather3A_960 = tpu.vector_load_idx %arg18[%add3A_959] : memref<544xf32, #tpu.memory_space<vmem>>[vector<16xi32>], vector<16xf32>,
      %add3A_961 = arith.addf %add3A_945, %gather3A_960 : vector<16xf32>
      %mul3A_962 = arith.constant 17 : i32
      %mul3A_963 = vector.broadcast %mul3A_962 : i32 to vector<16xi32>
      %mul3A_964 = arith.muli %iota3A_687, %mul3A_963 : vector<16xi32>
      %add3A_965 = arith.constant 278 : i32
      %add3A_966 = vector.broadcast %add3A_965 : i32 to vector<16xi32>
      %add3A_967 = arith.addi %mul3A_964, %add3A_966 : vector<16xi32>
      %gather3A_968 = tpu.vector_load_idx %arg18[%add3A_967] : memref<544xf32, #tpu.memory_space<vmem>>[vector<16xi32>], vector<16xf32>,
      %add3A_969 = arith.addf %add3A_953, %gather3A_968 : vector<16xf32>
      %mul3A_970 = arith.constant 17 : i32
      %mul3A_971 = vector.broadcast %mul3A_970 : i32 to vector<16xi32>
      %mul3A_972 = arith.muli %iota3A_687, %mul3A_971 : vector<16xi32>
      %add3A_973 = arith.constant 7 : i32
      %add3A_974 = vector.broadcast %add3A_973 : i32 to vector<16xi32>
      %add3A_975 = arith.addi %mul3A_972, %add3A_974 : vector<16xi32>
      %gather3A_976 = tpu.vector_load_idx %arg18[%add3A_975] : memref<544xf32, #tpu.memory_space<vmem>>[vector<16xi32>], vector<16xf32>,
      %add3A_977 = arith.addf %add3A_961, %gather3A_976 : vector<16xf32>
      %mul3A_978 = arith.constant 17 : i32
      %mul3A_979 = vector.broadcast %mul3A_978 : i32 to vector<16xi32>
      %mul3A_980 = arith.muli %iota3A_687, %mul3A_979 : vector<16xi32>
      %add3A_981 = arith.constant 279 : i32
      %add3A_982 = vector.broadcast %add3A_981 : i32 to vector<16xi32>
      %add3A_983 = arith.addi %mul3A_980, %add3A_982 : vector<16xi32>
      %gather3A_984 = tpu.vector_load_idx %arg18[%add3A_983] : memref<544xf32, #tpu.memory_space<vmem>>[vector<16xi32>], vector<16xf32>,
      %add3A_985 = arith.addf %add3A_969, %gather3A_984 : vector<16xf32>
      %mul3A_986 = arith.constant 17 : i32
      %mul3A_987 = vector.broadcast %mul3A_986 : i32 to vector<16xi32>
      %mul3A_988 = arith.muli %iota3A_687, %mul3A_987 : vector<16xi32>
      %add3A_989 = arith.constant 8 : i32
      %add3A_990 = vector.broadcast %add3A_989 : i32 to vector<16xi32>
      %add3A_991 = arith.addi %mul3A_988, %add3A_990 : vector<16xi32>
      %gather3A_992 = tpu.vector_load_idx %arg18[%add3A_991] : memref<544xf32, #tpu.memory_space<vmem>>[vector<16xi32>], vector<16xf32>,
      %add3A_993 = arith.addf %add3A_977, %gather3A_992 : vector<16xf32>
      %mul3A_994 = arith.constant 17 : i32
      %mul3A_995 = vector.broadcast %mul3A_994 : i32 to vector<16xi32>
      %mul3A_996 = arith.muli %iota3A_687, %mul3A_995 : vector<16xi32>
      %add3A_997 = arith.constant 280 : i32
      %add3A_998 = vector.broadcast %add3A_997 : i32 to vector<16xi32>
      %add3A_999 = arith.addi %mul3A_996, %add3A_998 : vector<16xi32>
      %gather3A_1000 = tpu.vector_load_idx %arg18[%add3A_999] : memref<544xf32, #tpu.memory_space<vmem>>[vector<16xi32>], vector<16xf32>,
      %add3A_1001 = arith.addf %add3A_985, %gather3A_1000 : vector<16xf32>
      %mul3A_1002 = arith.constant 17 : i32
      %mul3A_1003 = vector.broadcast %mul3A_1002 : i32 to vector<16xi32>
      %mul3A_1004 = arith.muli %iota3A_687, %mul3A_1003 : vector<16xi32>
      %add3A_1005 = arith.constant 9 : i32
      %add3A_1006 = vector.broadcast %add3A_1005 : i32 to vector<16xi32>
      %add3A_1007 = arith.addi %mul3A_1004, %add3A_1006 : vector<16xi32>
      %gather3A_1008 = tpu.vector_load_idx %arg18[%add3A_1007] : memref<544xf32, #tpu.memory_space<vmem>>[vector<16xi32>], vector<16xf32>,
      %add3A_1009 = arith.addf %add3A_993, %gather3A_1008 : vector<16xf32>
      %mul3A_1010 = arith.constant 17 : i32
      %mul3A_1011 = vector.broadcast %mul3A_1010 : i32 to vector<16xi32>
      %mul3A_1012 = arith.muli %iota3A_687, %mul3A_1011 : vector<16xi32>
      %add3A_1013 = arith.constant 281 : i32
      %add3A_1014 = vector.broadcast %add3A_1013 : i32 to vector<16xi32>
      %add3A_1015 = arith.addi %mul3A_1012, %add3A_1014 : vector<16xi32>
      %gather3A_1016 = tpu.vector_load_idx %arg18[%add3A_1015] : memref<544xf32, #tpu.memory_space<vmem>>[vector<16xi32>], vector<16xf32>,
      %add3A_1017 = arith.addf %add3A_1001, %gather3A_1016 : vector<16xf32>
      %mul3A_1018 = arith.constant 17 : i32
      %mul3A_1019 = vector.broadcast %mul3A_1018 : i32 to vector<16xi32>
      %mul3A_1020 = arith.muli %iota3A_687, %mul3A_1019 : vector<16xi32>
      %add3A_1021 = arith.constant 10 : i32
      %add3A_1022 = vector.broadcast %add3A_1021 : i32 to vector<16xi32>
      %add3A_1023 = arith.addi %mul3A_1020, %add3A_1022 : vector<16xi32>
      %gather3A_1024 = tpu.vector_load_idx %arg18[%add3A_1023] : memref<544xf32, #tpu.memory_space<vmem>>[vector<16xi32>], vector<16xf32>,
      %add3A_1025 = arith.addf %add3A_1009, %gather3A_1024 : vector<16xf32>
      %mul3A_1026 = arith.constant 17 : i32
      %mul3A_1027 = vector.broadcast %mul3A_1026 : i32 to vector<16xi32>
      %mul3A_1028 = arith.muli %iota3A_687, %mul3A_1027 : vector<16xi32>
      %add3A_1029 = arith.constant 282 : i32
      %add3A_1030 = vector.broadcast %add3A_1029 : i32 to vector<16xi32>
      %add3A_1031 = arith.addi %mul3A_1028, %add3A_1030 : vector<16xi32>
      %gather3A_1032 = tpu.vector_load_idx %arg18[%add3A_1031] : memref<544xf32, #tpu.memory_space<vmem>>[vector<16xi32>], vector<16xf32>,
      %add3A_1033 = arith.addf %add3A_1017, %gather3A_1032 : vector<16xf32>
      %mul3A_1034 = arith.constant 17 : i32
      %mul3A_1035 = vector.broadcast %mul3A_1034 : i32 to vector<16xi32>
      %mul3A_1036 = arith.muli %iota3A_687, %mul3A_1035 : vector<16xi32>
      %add3A_1037 = arith.constant 11 : i32
      %add3A_1038 = vector.broadcast %add3A_1037 : i32 to vector<16xi32>
      %add3A_1039 = arith.addi %mul3A_1036, %add3A_1038 : vector<16xi32>
      %gather3A_1040 = tpu.vector_load_idx %arg18[%add3A_1039] : memref<544xf32, #tpu.memory_space<vmem>>[vector<16xi32>], vector<16xf32>,
      %add3A_1041 = arith.addf %add3A_1025, %gather3A_1040 : vector<16xf32>
      %mul3A_1042 = arith.constant 17 : i32
      %mul3A_1043 = vector.broadcast %mul3A_1042 : i32 to vector<16xi32>
      %mul3A_1044 = arith.muli %iota3A_687, %mul3A_1043 : vector<16xi32>
      %add3A_1045 = arith.constant 283 : i32
      %add3A_1046 = vector.broadcast %add3A_1045 : i32 to vector<16xi32>
      %add3A_1047 = arith.addi %mul3A_1044, %add3A_1046 : vector<16xi32>
      %gather3A_1048 = tpu.vector_load_idx %arg18[%add3A_1047] : memref<544xf32, #tpu.memory_space<vmem>>[vector<16xi32>], vector<16xf32>,
      %add3A_1049 = arith.addf %add3A_1033, %gather3A_1048 : vector<16xf32>
      %mul3A_1050 = arith.constant 17 : i32
      %mul3A_1051 = vector.broadcast %mul3A_1050 : i32 to vector<16xi32>
      %mul3A_1052 = arith.muli %iota3A_687, %mul3A_1051 : vector<16xi32>
      %add3A_1053 = arith.constant 12 : i32
      %add3A_1054 = vector.broadcast %add3A_1053 : i32 to vector<16xi32>
      %add3A_1055 = arith.addi %mul3A_1052, %add3A_1054 : vector<16xi32>
      %gather3A_1056 = tpu.vector_load_idx %arg18[%add3A_1055] : memref<544xf32, #tpu.memory_space<vmem>>[vector<16xi32>], vector<16xf32>,
      %add3A_1057 = arith.addf %add3A_1041, %gather3A_1056 : vector<16xf32>
      %mul3A_1058 = arith.constant 17 : i32
      %mul3A_1059 = vector.broadcast %mul3A_1058 : i32 to vector<16xi32>
      %mul3A_1060 = arith.muli %iota3A_687, %mul3A_1059 : vector<16xi32>
      %add3A_1061 = arith.constant 284 : i32
      %add3A_1062 = vector.broadcast %add3A_1061 : i32 to vector<16xi32>
      %add3A_1063 = arith.addi %mul3A_1060, %add3A_1062 : vector<16xi32>
      %gather3A_1064 = tpu.vector_load_idx %arg18[%add3A_1063] : memref<544xf32, #tpu.memory_space<vmem>>[vector<16xi32>], vector<16xf32>,
      %add3A_1065 = arith.addf %add3A_1049, %gather3A_1064 : vector<16xf32>
      %mul3A_1066 = arith.constant 17 : i32
      %mul3A_1067 = vector.broadcast %mul3A_1066 : i32 to vector<16xi32>
      %mul3A_1068 = arith.muli %iota3A_687, %mul3A_1067 : vector<16xi32>
      %add3A_1069 = arith.constant 13 : i32
      %add3A_1070 = vector.broadcast %add3A_1069 : i32 to vector<16xi32>
      %add3A_1071 = arith.addi %mul3A_1068, %add3A_1070 : vector<16xi32>
      %gather3A_1072 = tpu.vector_load_idx %arg18[%add3A_1071] : memref<544xf32, #tpu.memory_space<vmem>>[vector<16xi32>], vector<16xf32>,
      %add3A_1073 = arith.addf %add3A_1057, %gather3A_1072 : vector<16xf32>
      %mul3A_1074 = arith.constant 17 : i32
      %mul3A_1075 = vector.broadcast %mul3A_1074 : i32 to vector<16xi32>
      %mul3A_1076 = arith.muli %iota3A_687, %mul3A_1075 : vector<16xi32>
      %add3A_1077 = arith.constant 285 : i32
      %add3A_1078 = vector.broadcast %add3A_1077 : i32 to vector<16xi32>
      %add3A_1079 = arith.addi %mul3A_1076, %add3A_1078 : vector<16xi32>
      %gather3A_1080 = tpu.vector_load_idx %arg18[%add3A_1079] : memref<544xf32, #tpu.memory_space<vmem>>[vector<16xi32>], vector<16xf32>,
      %add3A_1081 = arith.addf %add3A_1065, %gather3A_1080 : vector<16xf32>
      %mul3A_1082 = arith.constant 17 : i32
      %mul3A_1083 = vector.broadcast %mul3A_1082 : i32 to vector<16xi32>
      %mul3A_1084 = arith.muli %iota3A_687, %mul3A_1083 : vector<16xi32>
      %add3A_1085 = arith.constant 14 : i32
      %add3A_1086 = vector.broadcast %add3A_1085 : i32 to vector<16xi32>
      %add3A_1087 = arith.addi %mul3A_1084, %add3A_1086 : vector<16xi32>
      %gather3A_1088 = tpu.vector_load_idx %arg18[%add3A_1087] : memref<544xf32, #tpu.memory_space<vmem>>[vector<16xi32>], vector<16xf32>,
      %add3A_1089 = arith.addf %add3A_1073, %gather3A_1088 : vector<16xf32>
      %mul3A_1090 = arith.constant 17 : i32
      %mul3A_1091 = vector.broadcast %mul3A_1090 : i32 to vector<16xi32>
      %mul3A_1092 = arith.muli %iota3A_687, %mul3A_1091 : vector<16xi32>
      %add3A_1093 = arith.constant 286 : i32
      %add3A_1094 = vector.broadcast %add3A_1093 : i32 to vector<16xi32>
      %add3A_1095 = arith.addi %mul3A_1092, %add3A_1094 : vector<16xi32>
      %gather3A_1096 = tpu.vector_load_idx %arg18[%add3A_1095] : memref<544xf32, #tpu.memory_space<vmem>>[vector<16xi32>], vector<16xf32>,
      %add3A_1097 = arith.addf %add3A_1081, %gather3A_1096 : vector<16xf32>
      %mul3A_1098 = arith.constant 17 : i32
      %mul3A_1099 = vector.broadcast %mul3A_1098 : i32 to vector<16xi32>
      %mul3A_1100 = arith.muli %iota3A_687, %mul3A_1099 : vector<16xi32>
      %add3A_1101 = arith.constant 15 : i32
      %add3A_1102 = vector.broadcast %add3A_1101 : i32 to vector<16xi32>
      %add3A_1103 = arith.addi %mul3A_1100, %add3A_1102 : vector<16xi32>
      %gather3A_1104 = tpu.vector_load_idx %arg18[%add3A_1103] : memref<544xf32, #tpu.memory_space<vmem>>[vector<16xi32>], vector<16xf32>,
      %add3A_1105 = arith.addf %add3A_1089, %gather3A_1104 : vector<16xf32>
      %mul3A_1106 = arith.constant 17 : i32
      %mul3A_1107 = vector.broadcast %mul3A_1106 : i32 to vector<16xi32>
      %mul3A_1108 = arith.muli %iota3A_687, %mul3A_1107 : vector<16xi32>
      %add3A_1109 = arith.constant 287 : i32
      %add3A_1110 = vector.broadcast %add3A_1109 : i32 to vector<16xi32>
      %add3A_1111 = arith.addi %mul3A_1108, %add3A_1110 : vector<16xi32>
      %gather3A_1112 = tpu.vector_load_idx %arg18[%add3A_1111] : memref<544xf32, #tpu.memory_space<vmem>>[vector<16xi32>], vector<16xf32>,
      %add3A_1113 = arith.addf %add3A_1097, %gather3A_1112 : vector<16xf32>
      %mul3A_1114 = arith.constant 0.00130208337 : f32
      %mul3A_1115 = vector.broadcast %mul3A_1114 : f32 to vector<16xf32>
      %mul3A_1116 = arith.mulf %add3A_1105, %mul3A_1115 : vector<16xf32>
      %mul3A_1117 = arith.constant 0.00130208337 : f32
      %mul3A_1118 = vector.broadcast %mul3A_1117 : f32 to vector<16xf32>
      %mul3A_1119 = arith.mulf %add3A_1113, %mul3A_1118 : vector<16xf32>
      %mul3A_1120 = arith.mulf %mul3A_1116, %mul3A_1116 : vector<16xf32>
      %sub3A_1121 = arith.subf %mul3A_1119, %mul3A_1120 : vector<16xf32>
      %add3A_1122 = arith.constant 9.99999996E-13 : f32
      %add3A_1123 = vector.broadcast %add3A_1122 : f32 to vector<16xf32>
      %add3A_1124 = arith.addf %sub3A_1121, %add3A_1123 : vector<16xf32>
      %bitcast_convert_type3A_1125 = tpu.bitcast %add3A_1124 : vector<16xf32> -> vector<16xi32>
      %broadcast_in_dim3A_1126 = arith.constant 1597463007 : i32
      %broadcast_in_dim3A_1127 = vector.broadcast %broadcast_in_dim3A_1126 : i32 to vector<16xi32>
      %shift_right_arithmetic3A_1128 = arith.constant 1 : i32
      %shift_right_arithmetic3A_1129 = vector.broadcast %shift_right_arithmetic3A_1128 : i32 to vector<16xi32>
      %shift_right_arithmetic3A_1130 = arith.shrsi %bitcast_convert_type3A_1125, %shift_right_arithmetic3A_1129 : vector<16xi32>
      %sub3A_1131 = arith.subi %broadcast_in_dim3A_1127, %shift_right_arithmetic3A_1130 : vector<16xi32>
      %bitcast_convert_type3A_1132 = tpu.bitcast %sub3A_1131 : vector<16xi32> -> vector<16xf32>
      %mul3A_1133 = arith.constant 5.000000e-01 : f32
      %mul3A_1134 = vector.broadcast %mul3A_1133 : f32 to vector<16xf32>
      %mul3A_1135 = arith.mulf %mul3A_1134, %add3A_1124 : vector<16xf32>
      %mul3A_1136 = arith.mulf %mul3A_1135, %bitcast_convert_type3A_1132 : vector<16xf32>
      %mul3A_1137 = arith.mulf %mul3A_1136, %bitcast_convert_type3A_1132 : vector<16xf32>
      %sub3A_1138 = arith.constant 1.500000e+00 : f32
      %sub3A_1139 = vector.broadcast %sub3A_1138 : f32 to vector<16xf32>
      %sub3A_1140 = arith.subf %sub3A_1139, %mul3A_1137 : vector<16xf32>
      %mul3A_1141 = arith.mulf %bitcast_convert_type3A_1132, %sub3A_1140 : vector<16xf32>
      %mul3A_1142 = arith.constant 5.000000e-01 : f32
      %mul3A_1143 = vector.broadcast %mul3A_1142 : f32 to vector<16xf32>
      %mul3A_1144 = arith.mulf %mul3A_1143, %add3A_1124 : vector<16xf32>
      %mul3A_1145 = arith.mulf %mul3A_1144, %mul3A_1141 : vector<16xf32>
      %mul3A_1146 = arith.mulf %mul3A_1145, %mul3A_1141 : vector<16xf32>
      %sub3A_1147 = arith.constant 1.500000e+00 : f32
      %sub3A_1148 = vector.broadcast %sub3A_1147 : f32 to vector<16xf32>
      %sub3A_1149 = arith.subf %sub3A_1148, %mul3A_1146 : vector<16xf32>
      %mul3A_1150 = arith.mulf %mul3A_1141, %sub3A_1149 : vector<16xf32>
      %mul3A_1151 = arith.constant 5.000000e-01 : f32
      %mul3A_1152 = vector.broadcast %mul3A_1151 : f32 to vector<16xf32>
      %mul3A_1153 = arith.mulf %mul3A_1152, %add3A_1124 : vector<16xf32>
      %mul3A_1154 = arith.mulf %mul3A_1153, %mul3A_1150 : vector<16xf32>
      %mul3A_1155 = arith.mulf %mul3A_1154, %mul3A_1150 : vector<16xf32>
      %sub3A_1156 = arith.constant 1.500000e+00 : f32
      %sub3A_1157 = vector.broadcast %sub3A_1156 : f32 to vector<16xf32>
      %sub3A_1158 = arith.subf %sub3A_1157, %mul3A_1155 : vector<16xf32>
      %mul3A_1159 = arith.mulf %mul3A_1150, %sub3A_1158 : vector<16xf32>
      %neg3A_1160 = arith.constant 0.000000e+00 : f32
      %neg3A_1161 = vector.broadcast %neg3A_1160 : f32 to vector<16xf32>
      %neg3A_1162 = arith.subf %neg3A_1161, %mul3A_1116 : vector<16xf32>
      %mul3A_1163 = arith.mulf %neg3A_1162, %mul3A_1159 : vector<16xf32>
      %slice3A_1164 = vector.extract_strided_slice %mul3A_1159 {offsets = [0], sizes = [1], strides = [1]} : vector<16xf32> to vector<1xf32>
      %squeeze3A_1165 = vector.extract %slice3A_1164[0] : f32 from vector<1xf32>
      %broadcast_in_dim3A_1166 = vector.broadcast %squeeze3A_1165 : f32 to vector<16xf32>
      %slice3A_1167 = vector.extract_strided_slice %mul3A_1159 {offsets = [1], sizes = [1], strides = [1]} : vector<16xf32> to vector<1xf32>
      %squeeze3A_1168 = vector.extract %slice3A_1167[0] : f32 from vector<1xf32>
      %broadcast_in_dim3A_1169 = vector.broadcast %squeeze3A_1168 : f32 to vector<16xf32>
      %slice3A_1170 = vector.extract_strided_slice %mul3A_1159 {offsets = [2], sizes = [1], strides = [1]} : vector<16xf32> to vector<1xf32>
      %squeeze3A_1171 = vector.extract %slice3A_1170[0] : f32 from vector<1xf32>
      %broadcast_in_dim3A_1172 = vector.broadcast %squeeze3A_1171 : f32 to vector<16xf32>
      %slice3A_1173 = vector.extract_strided_slice %mul3A_1159 {offsets = [3], sizes = [1], strides = [1]} : vector<16xf32> to vector<1xf32>
      %squeeze3A_1174 = vector.extract %slice3A_1173[0] : f32 from vector<1xf32>
      %broadcast_in_dim3A_1175 = vector.broadcast %squeeze3A_1174 : f32 to vector<16xf32>
      %slice3A_1176 = vector.extract_strided_slice %mul3A_1159 {offsets = [4], sizes = [1], strides = [1]} : vector<16xf32> to vector<1xf32>
      %squeeze3A_1177 = vector.extract %slice3A_1176[0] : f32 from vector<1xf32>
      %broadcast_in_dim3A_1178 = vector.broadcast %squeeze3A_1177 : f32 to vector<16xf32>
      %slice3A_1179 = vector.extract_strided_slice %mul3A_1159 {offsets = [5], sizes = [1], strides = [1]} : vector<16xf32> to vector<1xf32>
      %squeeze3A_1180 = vector.extract %slice3A_1179[0] : f32 from vector<1xf32>
      %broadcast_in_dim3A_1181 = vector.broadcast %squeeze3A_1180 : f32 to vector<16xf32>
      %slice3A_1182 = vector.extract_strided_slice %mul3A_1159 {offsets = [6], sizes = [1], strides = [1]} : vector<16xf32> to vector<1xf32>
      %squeeze3A_1183 = vector.extract %slice3A_1182[0] : f32 from vector<1xf32>
      %broadcast_in_dim3A_1184 = vector.broadcast %squeeze3A_1183 : f32 to vector<16xf32>
      %slice3A_1185 = vector.extract_strided_slice %mul3A_1159 {offsets = [7], sizes = [1], strides = [1]} : vector<16xf32> to vector<1xf32>
      %squeeze3A_1186 = vector.extract %slice3A_1185[0] : f32 from vector<1xf32>
      %broadcast_in_dim3A_1187 = vector.broadcast %squeeze3A_1186 : f32 to vector<16xf32>
      %slice3A_1188 = vector.extract_strided_slice %mul3A_1163 {offsets = [0], sizes = [1], strides = [1]} : vector<16xf32> to vector<1xf32>
      %squeeze3A_1189 = vector.extract %slice3A_1188[0] : f32 from vector<1xf32>
      %broadcast_in_dim3A_1190 = vector.broadcast %squeeze3A_1189 : f32 to vector<16xf32>
      %slice3A_1191 = vector.extract_strided_slice %mul3A_1163 {offsets = [1], sizes = [1], strides = [1]} : vector<16xf32> to vector<1xf32>
      %squeeze3A_1192 = vector.extract %slice3A_1191[0] : f32 from vector<1xf32>
      %broadcast_in_dim3A_1193 = vector.broadcast %squeeze3A_1192 : f32 to vector<16xf32>
      %slice3A_1194 = vector.extract_strided_slice %mul3A_1163 {offsets = [2], sizes = [1], strides = [1]} : vector<16xf32> to vector<1xf32>
      %squeeze3A_1195 = vector.extract %slice3A_1194[0] : f32 from vector<1xf32>
      %broadcast_in_dim3A_1196 = vector.broadcast %squeeze3A_1195 : f32 to vector<16xf32>
      %slice3A_1197 = vector.extract_strided_slice %mul3A_1163 {offsets = [3], sizes = [1], strides = [1]} : vector<16xf32> to vector<1xf32>
      %squeeze3A_1198 = vector.extract %slice3A_1197[0] : f32 from vector<1xf32>
      %broadcast_in_dim3A_1199 = vector.broadcast %squeeze3A_1198 : f32 to vector<16xf32>
      %slice3A_1200 = vector.extract_strided_slice %mul3A_1163 {offsets = [4], sizes = [1], strides = [1]} : vector<16xf32> to vector<1xf32>
      %squeeze3A_1201 = vector.extract %slice3A_1200[0] : f32 from vector<1xf32>
      %broadcast_in_dim3A_1202 = vector.broadcast %squeeze3A_1201 : f32 to vector<16xf32>
      %slice3A_1203 = vector.extract_strided_slice %mul3A_1163 {offsets = [5], sizes = [1], strides = [1]} : vector<16xf32> to vector<1xf32>
      %squeeze3A_1204 = vector.extract %slice3A_1203[0] : f32 from vector<1xf32>
      %broadcast_in_dim3A_1205 = vector.broadcast %squeeze3A_1204 : f32 to vector<16xf32>
      %slice3A_1206 = vector.extract_strided_slice %mul3A_1163 {offsets = [6], sizes = [1], strides = [1]} : vector<16xf32> to vector<1xf32>
      %squeeze3A_1207 = vector.extract %slice3A_1206[0] : f32 from vector<1xf32>
      %broadcast_in_dim3A_1208 = vector.broadcast %squeeze3A_1207 : f32 to vector<16xf32>
      %slice3A_1209 = vector.extract_strided_slice %mul3A_1163 {offsets = [7], sizes = [1], strides = [1]} : vector<16xf32> to vector<1xf32>
      %squeeze3A_1210 = vector.extract %slice3A_1209[0] : f32 from vector<1xf32>
      %broadcast_in_dim3A_1211 = vector.broadcast %squeeze3A_1210 : f32 to vector<16xf32>
      %scan3A_1212 = arith.constant 0 : i32
      %scan3A_1213 = arith.constant 0 : i32
      %scan3A_1214 = arith.constant 48 : i32
      %scan3A_1215 = arith.addi %scan3A_1213, %scan3A_1214 : i32
      %scan3A_1216 = arith.constant 1 : i32
      scf.for %scan3A_1903 = %scan3A_1213 to %scan3A_1215 step %scan3A_1216  : i32 {
        %mul3A_1904 = arith.constant 16 : i32
        %mul3A_1905 = arith.muli %scan3A_1903, %mul3A_1904 : i32
        %multiple_of3A_1906 = tpu.assume_multiple %mul3A_1905, 16 : i32
        %get3A = arith.index_cast %multiple_of3A_1906 : i32 to index
        %get3A_1907 = tpu.vector_load %arg16[%get3A] {strides = array<i32>} : memref<768xf32, #tpu.memory_space<vmem>>, vector<16xf32>,
        %get3A_1908 = arith.index_cast %multiple_of3A_1906 : i32 to index
        %get3A_1909 = tpu.vector_load %arg17[%get3A_1908] {strides = array<i32>} : memref<768xf32, #tpu.memory_space<vmem>>, vector<16xf32>,
        %get3A_1910 = arith.constant 0 : i32
        %get3A_1911 = arith.index_cast %get3A_1910 : i32 to index
        %get3A_1912 = arith.index_cast %multiple_of3A_1906 : i32 to index
        %get3A_1913 = tpu.vector_load %arg12[%get3A_1911, %get3A_1912] {strides = array<i32>} : memref<16x768xf32, #tpu.memory_space<vmem>>, vector<16xf32>,
        %mul3A_1914 = arith.mulf %get3A_1913, %broadcast_in_dim3A_1166 : vector<16xf32>
        %add3A_1915 = arith.addf %mul3A_1914, %broadcast_in_dim3A_1190 : vector<16xf32>
        %mul3A_1916 = arith.mulf %add3A_1915, %get3A_1907 : vector<16xf32>
        %add3A_1917 = arith.addf %mul3A_1916, %get3A_1909 : vector<16xf32>
        %swap3A = arith.constant 0 : i32
        %swap3A_1918 = arith.index_cast %swap3A : i32 to index
        %swap3A_1919 = arith.index_cast %multiple_of3A_1906 : i32 to index
        %swap3A_1920 = tpu.vector_load %arg12[%swap3A_1918, %swap3A_1919] {strides = array<i32>} : memref<16x768xf32, #tpu.memory_space<vmem>>, vector<16xf32>,
        tpu.vector_store %arg12[%swap3A_1918, %swap3A_1919], %add3A_1917 {strides = array<i32>} : memref<16x768xf32, #tpu.memory_space<vmem>>, vector<16xf32>,
        %get3A_1921 = arith.constant 1 : i32
        %get3A_1922 = arith.index_cast %get3A_1921 : i32 to index
        %get3A_1923 = arith.index_cast %multiple_of3A_1906 : i32 to index
        %get3A_1924 = tpu.vector_load %arg12[%get3A_1922, %get3A_1923] {strides = array<i32>} : memref<16x768xf32, #tpu.memory_space<vmem>>, vector<16xf32>,
        %mul3A_1925 = arith.mulf %get3A_1924, %broadcast_in_dim3A_1169 : vector<16xf32>
        %add3A_1926 = arith.addf %mul3A_1925, %broadcast_in_dim3A_1193 : vector<16xf32>
        %mul3A_1927 = arith.mulf %add3A_1926, %get3A_1907 : vector<16xf32>
        %add3A_1928 = arith.addf %mul3A_1927, %get3A_1909 : vector<16xf32>
        %swap3A_1929 = arith.constant 1 : i32
        %swap3A_1930 = arith.index_cast %swap3A_1929 : i32 to index
        %swap3A_1931 = arith.index_cast %multiple_of3A_1906 : i32 to index
        %swap3A_1932 = tpu.vector_load %arg12[%swap3A_1930, %swap3A_1931] {strides = array<i32>} : memref<16x768xf32, #tpu.memory_space<vmem>>, vector<16xf32>,
        tpu.vector_store %arg12[%swap3A_1930, %swap3A_1931], %add3A_1928 {strides = array<i32>} : memref<16x768xf32, #tpu.memory_space<vmem>>, vector<16xf32>,
        %get3A_1933 = arith.constant 2 : i32
        %get3A_1934 = arith.index_cast %get3A_1933 : i32 to index
        %get3A_1935 = arith.index_cast %multiple_of3A_1906 : i32 to index
        %get3A_1936 = tpu.vector_load %arg12[%get3A_1934, %get3A_1935] {strides = array<i32>} : memref<16x768xf32, #tpu.memory_space<vmem>>, vector<16xf32>,
        %mul3A_1937 = arith.mulf %get3A_1936, %broadcast_in_dim3A_1172 : vector<16xf32>
        %add3A_1938 = arith.addf %mul3A_1937, %broadcast_in_dim3A_1196 : vector<16xf32>
        %mul3A_1939 = arith.mulf %add3A_1938, %get3A_1907 : vector<16xf32>
        %add3A_1940 = arith.addf %mul3A_1939, %get3A_1909 : vector<16xf32>
        %swap3A_1941 = arith.constant 2 : i32
        %swap3A_1942 = arith.index_cast %swap3A_1941 : i32 to index
        %swap3A_1943 = arith.index_cast %multiple_of3A_1906 : i32 to index
        %swap3A_1944 = tpu.vector_load %arg12[%swap3A_1942, %swap3A_1943] {strides = array<i32>} : memref<16x768xf32, #tpu.memory_space<vmem>>, vector<16xf32>,
        tpu.vector_store %arg12[%swap3A_1942, %swap3A_1943], %add3A_1940 {strides = array<i32>} : memref<16x768xf32, #tpu.memory_space<vmem>>, vector<16xf32>,
        %get3A_1945 = arith.constant 3 : i32
        %get3A_1946 = arith.index_cast %get3A_1945 : i32 to index
        %get3A_1947 = arith.index_cast %multiple_of3A_1906 : i32 to index
        %get3A_1948 = tpu.vector_load %arg12[%get3A_1946, %get3A_1947] {strides = array<i32>} : memref<16x768xf32, #tpu.memory_space<vmem>>, vector<16xf32>,
        %mul3A_1949 = arith.mulf %get3A_1948, %broadcast_in_dim3A_1175 : vector<16xf32>
        %add3A_1950 = arith.addf %mul3A_1949, %broadcast_in_dim3A_1199 : vector<16xf32>
        %mul3A_1951 = arith.mulf %add3A_1950, %get3A_1907 : vector<16xf32>
        %add3A_1952 = arith.addf %mul3A_1951, %get3A_1909 : vector<16xf32>
        %swap3A_1953 = arith.constant 3 : i32
        %swap3A_1954 = arith.index_cast %swap3A_1953 : i32 to index
        %swap3A_1955 = arith.index_cast %multiple_of3A_1906 : i32 to index
        %swap3A_1956 = tpu.vector_load %arg12[%swap3A_1954, %swap3A_1955] {strides = array<i32>} : memref<16x768xf32, #tpu.memory_space<vmem>>, vector<16xf32>,
        tpu.vector_store %arg12[%swap3A_1954, %swap3A_1955], %add3A_1952 {strides = array<i32>} : memref<16x768xf32, #tpu.memory_space<vmem>>, vector<16xf32>,
        %get3A_1957 = arith.constant 4 : i32
        %get3A_1958 = arith.index_cast %get3A_1957 : i32 to index
        %get3A_1959 = arith.index_cast %multiple_of3A_1906 : i32 to index
        %get3A_1960 = tpu.vector_load %arg12[%get3A_1958, %get3A_1959] {strides = array<i32>} : memref<16x768xf32, #tpu.memory_space<vmem>>, vector<16xf32>,
        %mul3A_1961 = arith.mulf %get3A_1960, %broadcast_in_dim3A_1178 : vector<16xf32>
        %add3A_1962 = arith.addf %mul3A_1961, %broadcast_in_dim3A_1202 : vector<16xf32>
        %mul3A_1963 = arith.mulf %add3A_1962, %get3A_1907 : vector<16xf32>
        %add3A_1964 = arith.addf %mul3A_1963, %get3A_1909 : vector<16xf32>
        %swap3A_1965 = arith.constant 4 : i32
        %swap3A_1966 = arith.index_cast %swap3A_1965 : i32 to index
        %swap3A_1967 = arith.index_cast %multiple_of3A_1906 : i32 to index
        %swap3A_1968 = tpu.vector_load %arg12[%swap3A_1966, %swap3A_1967] {strides = array<i32>} : memref<16x768xf32, #tpu.memory_space<vmem>>, vector<16xf32>,
        tpu.vector_store %arg12[%swap3A_1966, %swap3A_1967], %add3A_1964 {strides = array<i32>} : memref<16x768xf32, #tpu.memory_space<vmem>>, vector<16xf32>,
        %get3A_1969 = arith.constant 5 : i32
        %get3A_1970 = arith.index_cast %get3A_1969 : i32 to index
        %get3A_1971 = arith.index_cast %multiple_of3A_1906 : i32 to index
        %get3A_1972 = tpu.vector_load %arg12[%get3A_1970, %get3A_1971] {strides = array<i32>} : memref<16x768xf32, #tpu.memory_space<vmem>>, vector<16xf32>,
        %mul3A_1973 = arith.mulf %get3A_1972, %broadcast_in_dim3A_1181 : vector<16xf32>
        %add3A_1974 = arith.addf %mul3A_1973, %broadcast_in_dim3A_1205 : vector<16xf32>
        %mul3A_1975 = arith.mulf %add3A_1974, %get3A_1907 : vector<16xf32>
        %add3A_1976 = arith.addf %mul3A_1975, %get3A_1909 : vector<16xf32>
        %swap3A_1977 = arith.constant 5 : i32
        %swap3A_1978 = arith.index_cast %swap3A_1977 : i32 to index
        %swap3A_1979 = arith.index_cast %multiple_of3A_1906 : i32 to index
        %swap3A_1980 = tpu.vector_load %arg12[%swap3A_1978, %swap3A_1979] {strides = array<i32>} : memref<16x768xf32, #tpu.memory_space<vmem>>, vector<16xf32>,
        tpu.vector_store %arg12[%swap3A_1978, %swap3A_1979], %add3A_1976 {strides = array<i32>} : memref<16x768xf32, #tpu.memory_space<vmem>>, vector<16xf32>,
        %get3A_1981 = arith.constant 6 : i32
        %get3A_1982 = arith.index_cast %get3A_1981 : i32 to index
        %get3A_1983 = arith.index_cast %multiple_of3A_1906 : i32 to index
        %get3A_1984 = tpu.vector_load %arg12[%get3A_1982, %get3A_1983] {strides = array<i32>} : memref<16x768xf32, #tpu.memory_space<vmem>>, vector<16xf32>,
        %mul3A_1985 = arith.mulf %get3A_1984, %broadcast_in_dim3A_1184 : vector<16xf32>
        %add3A_1986 = arith.addf %mul3A_1985, %broadcast_in_dim3A_1208 : vector<16xf32>
        %mul3A_1987 = arith.mulf %add3A_1986, %get3A_1907 : vector<16xf32>
        %add3A_1988 = arith.addf %mul3A_1987, %get3A_1909 : vector<16xf32>
        %swap3A_1989 = arith.constant 6 : i32
        %swap3A_1990 = arith.index_cast %swap3A_1989 : i32 to index
        %swap3A_1991 = arith.index_cast %multiple_of3A_1906 : i32 to index
        %swap3A_1992 = tpu.vector_load %arg12[%swap3A_1990, %swap3A_1991] {strides = array<i32>} : memref<16x768xf32, #tpu.memory_space<vmem>>, vector<16xf32>,
        tpu.vector_store %arg12[%swap3A_1990, %swap3A_1991], %add3A_1988 {strides = array<i32>} : memref<16x768xf32, #tpu.memory_space<vmem>>, vector<16xf32>,
        %get3A_1993 = arith.constant 7 : i32
        %get3A_1994 = arith.index_cast %get3A_1993 : i32 to index
        %get3A_1995 = arith.index_cast %multiple_of3A_1906 : i32 to index
        %get3A_1996 = tpu.vector_load %arg12[%get3A_1994, %get3A_1995] {strides = array<i32>} : memref<16x768xf32, #tpu.memory_space<vmem>>, vector<16xf32>,
        %mul3A_1997 = arith.mulf %get3A_1996, %broadcast_in_dim3A_1187 : vector<16xf32>
        %add3A_1998 = arith.addf %mul3A_1997, %broadcast_in_dim3A_1211 : vector<16xf32>
        %mul3A_1999 = arith.mulf %add3A_1998, %get3A_1907 : vector<16xf32>
        %add3A_2000 = arith.addf %mul3A_1999, %get3A_1909 : vector<16xf32>
        %swap3A_2001 = arith.constant 7 : i32
        %swap3A_2002 = arith.index_cast %swap3A_2001 : i32 to index
        %swap3A_2003 = arith.index_cast %multiple_of3A_1906 : i32 to index
        %swap3A_2004 = tpu.vector_load %arg12[%swap3A_2002, %swap3A_2003] {strides = array<i32>} : memref<16x768xf32, #tpu.memory_space<vmem>>, vector<16xf32>,
        tpu.vector_store %arg12[%swap3A_2002, %swap3A_2003], %add3A_2000 {strides = array<i32>} : memref<16x768xf32, #tpu.memory_space<vmem>>, vector<16xf32>,
      }
      %scan3A_1217 = arith.constant 48 : i32
      %slice3A_1218 = vector.extract_strided_slice %mul3A_1159 {offsets = [8], sizes = [1], strides = [1]} : vector<16xf32> to vector<1xf32>
      %squeeze3A_1219 = vector.extract %slice3A_1218[0] : f32 from vector<1xf32>
      %broadcast_in_dim3A_1220 = vector.broadcast %squeeze3A_1219 : f32 to vector<16xf32>
      %slice3A_1221 = vector.extract_strided_slice %mul3A_1159 {offsets = [9], sizes = [1], strides = [1]} : vector<16xf32> to vector<1xf32>
      %squeeze3A_1222 = vector.extract %slice3A_1221[0] : f32 from vector<1xf32>
      %broadcast_in_dim3A_1223 = vector.broadcast %squeeze3A_1222 : f32 to vector<16xf32>
      %slice3A_1224 = vector.extract_strided_slice %mul3A_1159 {offsets = [10], sizes = [1], strides = [1]} : vector<16xf32> to vector<1xf32>
      %squeeze3A_1225 = vector.extract %slice3A_1224[0] : f32 from vector<1xf32>
      %broadcast_in_dim3A_1226 = vector.broadcast %squeeze3A_1225 : f32 to vector<16xf32>
      %slice3A_1227 = vector.extract_strided_slice %mul3A_1159 {offsets = [11], sizes = [1], strides = [1]} : vector<16xf32> to vector<1xf32>
      %squeeze3A_1228 = vector.extract %slice3A_1227[0] : f32 from vector<1xf32>
      %broadcast_in_dim3A_1229 = vector.broadcast %squeeze3A_1228 : f32 to vector<16xf32>
      %slice3A_1230 = vector.extract_strided_slice %mul3A_1159 {offsets = [12], sizes = [1], strides = [1]} : vector<16xf32> to vector<1xf32>
      %squeeze3A_1231 = vector.extract %slice3A_1230[0] : f32 from vector<1xf32>
      %broadcast_in_dim3A_1232 = vector.broadcast %squeeze3A_1231 : f32 to vector<16xf32>
      %slice3A_1233 = vector.extract_strided_slice %mul3A_1159 {offsets = [13], sizes = [1], strides = [1]} : vector<16xf32> to vector<1xf32>
      %squeeze3A_1234 = vector.extract %slice3A_1233[0] : f32 from vector<1xf32>
      %broadcast_in_dim3A_1235 = vector.broadcast %squeeze3A_1234 : f32 to vector<16xf32>
      %slice3A_1236 = vector.extract_strided_slice %mul3A_1159 {offsets = [14], sizes = [1], strides = [1]} : vector<16xf32> to vector<1xf32>
      %squeeze3A_1237 = vector.extract %slice3A_1236[0] : f32 from vector<1xf32>
      %broadcast_in_dim3A_1238 = vector.broadcast %squeeze3A_1237 : f32 to vector<16xf32>
      %slice3A_1239 = vector.extract_strided_slice %mul3A_1159 {offsets = [15], sizes = [1], strides = [1]} : vector<16xf32> to vector<1xf32>
      %squeeze3A_1240 = vector.extract %slice3A_1239[0] : f32 from vector<1xf32>
      %broadcast_in_dim3A_1241 = vector.broadcast %squeeze3A_1240 : f32 to vector<16xf32>
      %slice3A_1242 = vector.extract_strided_slice %mul3A_1163 {offsets = [8], sizes = [1], strides = [1]} : vector<16xf32> to vector<1xf32>
      %squeeze3A_1243 = vector.extract %slice3A_1242[0] : f32 from vector<1xf32>
      %broadcast_in_dim3A_1244 = vector.broadcast %squeeze3A_1243 : f32 to vector<16xf32>
      %slice3A_1245 = vector.extract_strided_slice %mul3A_1163 {offsets = [9], sizes = [1], strides = [1]} : vector<16xf32> to vector<1xf32>
      %squeeze3A_1246 = vector.extract %slice3A_1245[0] : f32 from vector<1xf32>
      %broadcast_in_dim3A_1247 = vector.broadcast %squeeze3A_1246 : f32 to vector<16xf32>
      %slice3A_1248 = vector.extract_strided_slice %mul3A_1163 {offsets = [10], sizes = [1], strides = [1]} : vector<16xf32> to vector<1xf32>
      %squeeze3A_1249 = vector.extract %slice3A_1248[0] : f32 from vector<1xf32>
      %broadcast_in_dim3A_1250 = vector.broadcast %squeeze3A_1249 : f32 to vector<16xf32>
      %slice3A_1251 = vector.extract_strided_slice %mul3A_1163 {offsets = [11], sizes = [1], strides = [1]} : vector<16xf32> to vector<1xf32>
      %squeeze3A_1252 = vector.extract %slice3A_1251[0] : f32 from vector<1xf32>
      %broadcast_in_dim3A_1253 = vector.broadcast %squeeze3A_1252 : f32 to vector<16xf32>
      %slice3A_1254 = vector.extract_strided_slice %mul3A_1163 {offsets = [12], sizes = [1], strides = [1]} : vector<16xf32> to vector<1xf32>
      %squeeze3A_1255 = vector.extract %slice3A_1254[0] : f32 from vector<1xf32>
      %broadcast_in_dim3A_1256 = vector.broadcast %squeeze3A_1255 : f32 to vector<16xf32>
      %slice3A_1257 = vector.extract_strided_slice %mul3A_1163 {offsets = [13], sizes = [1], strides = [1]} : vector<16xf32> to vector<1xf32>
      %squeeze3A_1258 = vector.extract %slice3A_1257[0] : f32 from vector<1xf32>
      %broadcast_in_dim3A_1259 = vector.broadcast %squeeze3A_1258 : f32 to vector<16xf32>
      %slice3A_1260 = vector.extract_strided_slice %mul3A_1163 {offsets = [14], sizes = [1], strides = [1]} : vector<16xf32> to vector<1xf32>
      %squeeze3A_1261 = vector.extract %slice3A_1260[0] : f32 from vector<1xf32>
      %broadcast_in_dim3A_1262 = vector.broadcast %squeeze3A_1261 : f32 to vector<16xf32>
      %slice3A_1263 = vector.extract_strided_slice %mul3A_1163 {offsets = [15], sizes = [1], strides = [1]} : vector<16xf32> to vector<1xf32>
      %squeeze3A_1264 = vector.extract %slice3A_1263[0] : f32 from vector<1xf32>
      %broadcast_in_dim3A_1265 = vector.broadcast %squeeze3A_1264 : f32 to vector<16xf32>
      %scan3A_1266 = arith.constant 0 : i32
      %scan3A_1267 = arith.constant 0 : i32
      %scan3A_1268 = arith.constant 48 : i32
      %scan3A_1269 = arith.addi %scan3A_1267, %scan3A_1268 : i32
      %scan3A_1270 = arith.constant 1 : i32
      scf.for %scan3A_1903 = %scan3A_1267 to %scan3A_1269 step %scan3A_1270  : i32 {
        %mul3A_1904 = arith.constant 16 : i32
        %mul3A_1905 = arith.muli %scan3A_1903, %mul3A_1904 : i32
        %multiple_of3A_1906 = tpu.assume_multiple %mul3A_1905, 16 : i32
        %get3A = arith.index_cast %multiple_of3A_1906 : i32 to index
        %get3A_1907 = tpu.vector_load %arg16[%get3A] {strides = array<i32>} : memref<768xf32, #tpu.memory_space<vmem>>, vector<16xf32>,
        %get3A_1908 = arith.index_cast %multiple_of3A_1906 : i32 to index
        %get3A_1909 = tpu.vector_load %arg17[%get3A_1908] {strides = array<i32>} : memref<768xf32, #tpu.memory_space<vmem>>, vector<16xf32>,
        %get3A_1910 = arith.constant 8 : i32
        %get3A_1911 = arith.index_cast %get3A_1910 : i32 to index
        %get3A_1912 = arith.index_cast %multiple_of3A_1906 : i32 to index
        %get3A_1913 = tpu.vector_load %arg12[%get3A_1911, %get3A_1912] {strides = array<i32>} : memref<16x768xf32, #tpu.memory_space<vmem>>, vector<16xf32>,
        %mul3A_1914 = arith.mulf %get3A_1913, %broadcast_in_dim3A_1220 : vector<16xf32>
        %add3A_1915 = arith.addf %mul3A_1914, %broadcast_in_dim3A_1244 : vector<16xf32>
        %mul3A_1916 = arith.mulf %add3A_1915, %get3A_1907 : vector<16xf32>
        %add3A_1917 = arith.addf %mul3A_1916, %get3A_1909 : vector<16xf32>
        %swap3A = arith.constant 8 : i32
        %swap3A_1918 = arith.index_cast %swap3A : i32 to index
        %swap3A_1919 = arith.index_cast %multiple_of3A_1906 : i32 to index
        %swap3A_1920 = tpu.vector_load %arg12[%swap3A_1918, %swap3A_1919] {strides = array<i32>} : memref<16x768xf32, #tpu.memory_space<vmem>>, vector<16xf32>,
        tpu.vector_store %arg12[%swap3A_1918, %swap3A_1919], %add3A_1917 {strides = array<i32>} : memref<16x768xf32, #tpu.memory_space<vmem>>, vector<16xf32>,
        %get3A_1921 = arith.constant 9 : i32
        %get3A_1922 = arith.index_cast %get3A_1921 : i32 to index
        %get3A_1923 = arith.index_cast %multiple_of3A_1906 : i32 to index
        %get3A_1924 = tpu.vector_load %arg12[%get3A_1922, %get3A_1923] {strides = array<i32>} : memref<16x768xf32, #tpu.memory_space<vmem>>, vector<16xf32>,
        %mul3A_1925 = arith.mulf %get3A_1924, %broadcast_in_dim3A_1223 : vector<16xf32>
        %add3A_1926 = arith.addf %mul3A_1925, %broadcast_in_dim3A_1247 : vector<16xf32>
        %mul3A_1927 = arith.mulf %add3A_1926, %get3A_1907 : vector<16xf32>
        %add3A_1928 = arith.addf %mul3A_1927, %get3A_1909 : vector<16xf32>
        %swap3A_1929 = arith.constant 9 : i32
        %swap3A_1930 = arith.index_cast %swap3A_1929 : i32 to index
        %swap3A_1931 = arith.index_cast %multiple_of3A_1906 : i32 to index
        %swap3A_1932 = tpu.vector_load %arg12[%swap3A_1930, %swap3A_1931] {strides = array<i32>} : memref<16x768xf32, #tpu.memory_space<vmem>>, vector<16xf32>,
        tpu.vector_store %arg12[%swap3A_1930, %swap3A_1931], %add3A_1928 {strides = array<i32>} : memref<16x768xf32, #tpu.memory_space<vmem>>, vector<16xf32>,
        %get3A_1933 = arith.constant 10 : i32
        %get3A_1934 = arith.index_cast %get3A_1933 : i32 to index
        %get3A_1935 = arith.index_cast %multiple_of3A_1906 : i32 to index
        %get3A_1936 = tpu.vector_load %arg12[%get3A_1934, %get3A_1935] {strides = array<i32>} : memref<16x768xf32, #tpu.memory_space<vmem>>, vector<16xf32>,
        %mul3A_1937 = arith.mulf %get3A_1936, %broadcast_in_dim3A_1226 : vector<16xf32>
        %add3A_1938 = arith.addf %mul3A_1937, %broadcast_in_dim3A_1250 : vector<16xf32>
        %mul3A_1939 = arith.mulf %add3A_1938, %get3A_1907 : vector<16xf32>
        %add3A_1940 = arith.addf %mul3A_1939, %get3A_1909 : vector<16xf32>
        %swap3A_1941 = arith.constant 10 : i32
        %swap3A_1942 = arith.index_cast %swap3A_1941 : i32 to index
        %swap3A_1943 = arith.index_cast %multiple_of3A_1906 : i32 to index
        %swap3A_1944 = tpu.vector_load %arg12[%swap3A_1942, %swap3A_1943] {strides = array<i32>} : memref<16x768xf32, #tpu.memory_space<vmem>>, vector<16xf32>,
        tpu.vector_store %arg12[%swap3A_1942, %swap3A_1943], %add3A_1940 {strides = array<i32>} : memref<16x768xf32, #tpu.memory_space<vmem>>, vector<16xf32>,
        %get3A_1945 = arith.constant 11 : i32
        %get3A_1946 = arith.index_cast %get3A_1945 : i32 to index
        %get3A_1947 = arith.index_cast %multiple_of3A_1906 : i32 to index
        %get3A_1948 = tpu.vector_load %arg12[%get3A_1946, %get3A_1947] {strides = array<i32>} : memref<16x768xf32, #tpu.memory_space<vmem>>, vector<16xf32>,
        %mul3A_1949 = arith.mulf %get3A_1948, %broadcast_in_dim3A_1229 : vector<16xf32>
        %add3A_1950 = arith.addf %mul3A_1949, %broadcast_in_dim3A_1253 : vector<16xf32>
        %mul3A_1951 = arith.mulf %add3A_1950, %get3A_1907 : vector<16xf32>
        %add3A_1952 = arith.addf %mul3A_1951, %get3A_1909 : vector<16xf32>
        %swap3A_1953 = arith.constant 11 : i32
        %swap3A_1954 = arith.index_cast %swap3A_1953 : i32 to index
        %swap3A_1955 = arith.index_cast %multiple_of3A_1906 : i32 to index
        %swap3A_1956 = tpu.vector_load %arg12[%swap3A_1954, %swap3A_1955] {strides = array<i32>} : memref<16x768xf32, #tpu.memory_space<vmem>>, vector<16xf32>,
        tpu.vector_store %arg12[%swap3A_1954, %swap3A_1955], %add3A_1952 {strides = array<i32>} : memref<16x768xf32, #tpu.memory_space<vmem>>, vector<16xf32>,
        %get3A_1957 = arith.constant 12 : i32
        %get3A_1958 = arith.index_cast %get3A_1957 : i32 to index
        %get3A_1959 = arith.index_cast %multiple_of3A_1906 : i32 to index
        %get3A_1960 = tpu.vector_load %arg12[%get3A_1958, %get3A_1959] {strides = array<i32>} : memref<16x768xf32, #tpu.memory_space<vmem>>, vector<16xf32>,
        %mul3A_1961 = arith.mulf %get3A_1960, %broadcast_in_dim3A_1232 : vector<16xf32>
        %add3A_1962 = arith.addf %mul3A_1961, %broadcast_in_dim3A_1256 : vector<16xf32>
        %mul3A_1963 = arith.mulf %add3A_1962, %get3A_1907 : vector<16xf32>
        %add3A_1964 = arith.addf %mul3A_1963, %get3A_1909 : vector<16xf32>
        %swap3A_1965 = arith.constant 12 : i32
        %swap3A_1966 = arith.index_cast %swap3A_1965 : i32 to index
        %swap3A_1967 = arith.index_cast %multiple_of3A_1906 : i32 to index
        %swap3A_1968 = tpu.vector_load %arg12[%swap3A_1966, %swap3A_1967] {strides = array<i32>} : memref<16x768xf32, #tpu.memory_space<vmem>>, vector<16xf32>,
        tpu.vector_store %arg12[%swap3A_1966, %swap3A_1967], %add3A_1964 {strides = array<i32>} : memref<16x768xf32, #tpu.memory_space<vmem>>, vector<16xf32>,
        %get3A_1969 = arith.constant 13 : i32
        %get3A_1970 = arith.index_cast %get3A_1969 : i32 to index
        %get3A_1971 = arith.index_cast %multiple_of3A_1906 : i32 to index
        %get3A_1972 = tpu.vector_load %arg12[%get3A_1970, %get3A_1971] {strides = array<i32>} : memref<16x768xf32, #tpu.memory_space<vmem>>, vector<16xf32>,
        %mul3A_1973 = arith.mulf %get3A_1972, %broadcast_in_dim3A_1235 : vector<16xf32>
        %add3A_1974 = arith.addf %mul3A_1973, %broadcast_in_dim3A_1259 : vector<16xf32>
        %mul3A_1975 = arith.mulf %add3A_1974, %get3A_1907 : vector<16xf32>
        %add3A_1976 = arith.addf %mul3A_1975, %get3A_1909 : vector<16xf32>
        %swap3A_1977 = arith.constant 13 : i32
        %swap3A_1978 = arith.index_cast %swap3A_1977 : i32 to index
        %swap3A_1979 = arith.index_cast %multiple_of3A_1906 : i32 to index
        %swap3A_1980 = tpu.vector_load %arg12[%swap3A_1978, %swap3A_1979] {strides = array<i32>} : memref<16x768xf32, #tpu.memory_space<vmem>>, vector<16xf32>,
        tpu.vector_store %arg12[%swap3A_1978, %swap3A_1979], %add3A_1976 {strides = array<i32>} : memref<16x768xf32, #tpu.memory_space<vmem>>, vector<16xf32>,
        %get3A_1981 = arith.constant 14 : i32
        %get3A_1982 = arith.index_cast %get3A_1981 : i32 to index
        %get3A_1983 = arith.index_cast %multiple_of3A_1906 : i32 to index
        %get3A_1984 = tpu.vector_load %arg12[%get3A_1982, %get3A_1983] {strides = array<i32>} : memref<16x768xf32, #tpu.memory_space<vmem>>, vector<16xf32>,
        %mul3A_1985 = arith.mulf %get3A_1984, %broadcast_in_dim3A_1238 : vector<16xf32>
        %add3A_1986 = arith.addf %mul3A_1985, %broadcast_in_dim3A_1262 : vector<16xf32>
        %mul3A_1987 = arith.mulf %add3A_1986, %get3A_1907 : vector<16xf32>
        %add3A_1988 = arith.addf %mul3A_1987, %get3A_1909 : vector<16xf32>
        %swap3A_1989 = arith.constant 14 : i32
        %swap3A_1990 = arith.index_cast %swap3A_1989 : i32 to index
        %swap3A_1991 = arith.index_cast %multiple_of3A_1906 : i32 to index
        %swap3A_1992 = tpu.vector_load %arg12[%swap3A_1990, %swap3A_1991] {strides = array<i32>} : memref<16x768xf32, #tpu.memory_space<vmem>>, vector<16xf32>,
        tpu.vector_store %arg12[%swap3A_1990, %swap3A_1991], %add3A_1988 {strides = array<i32>} : memref<16x768xf32, #tpu.memory_space<vmem>>, vector<16xf32>,
        %get3A_1993 = arith.constant 15 : i32
        %get3A_1994 = arith.index_cast %get3A_1993 : i32 to index
        %get3A_1995 = arith.index_cast %multiple_of3A_1906 : i32 to index
        %get3A_1996 = tpu.vector_load %arg12[%get3A_1994, %get3A_1995] {strides = array<i32>} : memref<16x768xf32, #tpu.memory_space<vmem>>, vector<16xf32>,
        %mul3A_1997 = arith.mulf %get3A_1996, %broadcast_in_dim3A_1241 : vector<16xf32>
        %add3A_1998 = arith.addf %mul3A_1997, %broadcast_in_dim3A_1265 : vector<16xf32>
        %mul3A_1999 = arith.mulf %add3A_1998, %get3A_1907 : vector<16xf32>
        %add3A_2000 = arith.addf %mul3A_1999, %get3A_1909 : vector<16xf32>
        %swap3A_2001 = arith.constant 15 : i32
        %swap3A_2002 = arith.index_cast %swap3A_2001 : i32 to index
        %swap3A_2003 = arith.index_cast %multiple_of3A_1906 : i32 to index
        %swap3A_2004 = tpu.vector_load %arg12[%swap3A_2002, %swap3A_2003] {strides = array<i32>} : memref<16x768xf32, #tpu.memory_space<vmem>>, vector<16xf32>,
        tpu.vector_store %arg12[%swap3A_2002, %swap3A_2003], %add3A_2000 {strides = array<i32>} : memref<16x768xf32, #tpu.memory_space<vmem>>, vector<16xf32>,
      }
      %scan3A_1271 = arith.constant 48 : i32
      %add3A_1272 = arith.constant 2 : i32
      %add3A_1273 = arith.addi %add3A_665, %add3A_1272 : i32
      %lt3A_1274 = arith.constant 129 : i32
      %lt3A_1275 = arith.cmpi slt, %add3A_1273, %lt3A_1274 : i32
      %convert_element_type3A_1276 = arith.extui %lt3A_1275 : i1 to i32
      %cond3A_1277 = arith.constant 0 : i32
      %cond3A_1278 = arith.cmpi ne, %convert_element_type3A_1276, %cond3A_1277 : i32
      scf.if %cond3A_1278 {
        %add3A_1903 = arith.constant 2 : i32
        %add3A_1904 = arith.addi %add3A_665, %add3A_1903 : i32
        %mul3A_1905 = arith.constant 64 : i32
        %mul3A_1906 = arith.muli %add3A_1904, %mul3A_1905 : i32
        %add3A_1907 = arith.addi %mul3A_1906, %mul3A_32 : i32
        %multiple_of3A_1908 = tpu.assume_multiple %add3A_1907, 8 : i32
        %dma_start3A_1909 = tpu.memref_slice %arg9[%multiple_of3A_1908] : memref<8256xi32, #tpu.memory_space<vmem>> -> memref<16xi32, #tpu.memory_space<vmem>>
        %dma_start3A_1910 = arith.constant 0 : i32
        %dma_start3A_1911 = arith.constant 0 : i32
        %dma_start3A_1912 = tpu.memref_slice %arg3[%dma_start3A_1910, %dma_start3A_1911] : memref<100000x768xf32, #tpu.memory_space<hbm>> -> memref<100000x768xf32, #tpu.memory_space<hbm>>
        tpu.enqueue_indirect_dma source(%dma_start3A_1912 : memref<100000x768xf32, #tpu.memory_space<hbm>>) target(%arg10 : memref<16x768xf32, #tpu.memory_space<vmem>>) offsets(%dma_start3A_1909 : memref<16xi32, #tpu.memory_space<vmem>>) semaphore(%arg19 : memref<!tpu.dma_semaphore, #tpu.memory_space<semaphore_mem>>)
      } else {
      }
      %dma_start3A_1279 = arith.constant 0 : i32
      %dma_start3A_1280 = tpu.memref_slice %arg8[%select_n3A, %add3A_665, %mul3A_32, %dma_start3A_1279] : memref<8x129x64x768xf32, #tpu.memory_space<hbm>> -> memref<1x1x16x768xf32, #tpu.memory_space<hbm>>
      %dma_start3A_1281 = tpu.memref_squeeze %dma_start3A_1280 : memref<1x1x16x768xf32, #tpu.memory_space<hbm>> -> memref<16x768xf32, #tpu.memory_space<hbm>>
      %dma_start3A_1282 = arith.constant 0 : i32
      %dma_start3A_1283 = tpu.memref_slice %arg8[%select_n3A, %add3A_665, %mul3A_32, %dma_start3A_1282] : memref<8x129x64x768xf32, #tpu.memory_space<hbm>> -> memref<1x1x16x768xf32, #tpu.memory_space<hbm>>
      %dma_start3A_1284 = tpu.memref_squeeze %dma_start3A_1283 : memref<1x1x16x768xf32, #tpu.memory_space<hbm>> -> memref<16x768xf32, #tpu.memory_space<hbm>>
      tpu.enqueue_dma source(%arg12 : memref<16x768xf32, #tpu.memory_space<vmem>>) target(%dma_start3A_1284 : memref<16x768xf32, #tpu.memory_space<hbm>>) target_semaphore(%arg21 : memref<!tpu.dma_semaphore, #tpu.memory_space<semaphore_mem>>)
      %mul3A_1285 = arith.constant 2 : i32
      %mul3A_1286 = arith.muli %scan3A_661, %mul3A_1285 : i32
      %add3A_1287 = arith.constant 1 : i32
      %add3A_1288 = arith.addi %mul3A_1286, %add3A_1287 : i32
      %dma_wait3A_1289 = arith.constant 0 : i32
      %dma_wait3A_1290 = arith.constant 0 : i32
      %dma_wait3A_1291 = tpu.memref_slice %arg4[%dma_wait3A_1289, %dma_wait3A_1290] : memref<136x768xf32, #tpu.memory_space<hbm>> -> memref<16x768xf32, #tpu.memory_space<hbm>>
      %dma_wait3A_1292 = arith.constant 0 : i32
      %dma_wait3A_1293 = arith.constant 0 : i32
      %dma_wait3A_1294 = tpu.memref_slice %arg4[%dma_wait3A_1292, %dma_wait3A_1293] : memref<136x768xf32, #tpu.memory_space<hbm>> -> memref<16x768xf32, #tpu.memory_space<hbm>>
      tpu.wait_dma2 semaphore(%arg22 : memref<!tpu.dma_semaphore, #tpu.memory_space<semaphore_mem>>) src(%dma_wait3A_1294 : memref<16x768xf32, #tpu.memory_space<hbm>>) dst(%arg13 : memref<16x768xf32, #tpu.memory_space<vmem>>)
      %mul3A_1295 = arith.constant 64 : i32
      %mul3A_1296 = arith.muli %add3A_1288, %mul3A_1295 : i32
      %add3A_1297 = arith.addi %mul3A_1296, %mul3A_32 : i32
      %multiple_of3A_1298 = tpu.assume_multiple %add3A_1297, 8 : i32
      %dma_wait3A_1299 = tpu.memref_slice %arg9[%multiple_of3A_1298] : memref<8256xi32, #tpu.memory_space<vmem>> -> memref<16xi32, #tpu.memory_space<vmem>>
      %dma_wait3A_1300 = arith.constant 0 : i32
      %dma_wait3A_1301 = arith.constant 0 : i32
      %dma_wait3A_1302 = tpu.memref_slice %arg3[%dma_wait3A_1300, %dma_wait3A_1301] : memref<100000x768xf32, #tpu.memory_space<hbm>> -> memref<100000x768xf32, #tpu.memory_space<hbm>>
      tpu.wait_indirect_dma semaphore(%arg20 : memref<!tpu.dma_semaphore, #tpu.memory_space<semaphore_mem>>) src(%dma_wait3A_1302 : memref<100000x768xf32, #tpu.memory_space<hbm>>) dst(%arg11 : memref<16x768xf32, #tpu.memory_space<vmem>>)
      %rem3A_1303 = arith.constant 16 : i32
      %rem3A_1304 = arith.remsi %add3A_1288, %rem3A_1303 : i32
      %iota3A_1305 = tpu.iota {dimensions = array<i32: 0>} : vector<16xi32>
      %broadcast_in_dim3A_1306 = arith.constant 0.000000e+00 : f32
      %broadcast_in_dim3A_1307 = vector.broadcast %broadcast_in_dim3A_1306 : f32 to vector<16xf32>
      %broadcast_in_dim3A_1308 = arith.constant 0.000000e+00 : f32
      %broadcast_in_dim3A_1309 = vector.broadcast %broadcast_in_dim3A_1308 : f32 to vector<16xf32>
      %broadcast_in_dim3A_1310 = arith.constant 0.000000e+00 : f32
      %broadcast_in_dim3A_1311 = vector.broadcast %broadcast_in_dim3A_1310 : f32 to vector<16xf32>
      %broadcast_in_dim3A_1312 = arith.constant 0.000000e+00 : f32
      %broadcast_in_dim3A_1313 = vector.broadcast %broadcast_in_dim3A_1312 : f32 to vector<16xf32>
      %broadcast_in_dim3A_1314 = arith.constant 0.000000e+00 : f32
      %broadcast_in_dim3A_1315 = vector.broadcast %broadcast_in_dim3A_1314 : f32 to vector<16xf32>
      %broadcast_in_dim3A_1316 = arith.constant 0.000000e+00 : f32
      %broadcast_in_dim3A_1317 = vector.broadcast %broadcast_in_dim3A_1316 : f32 to vector<16xf32>
      %broadcast_in_dim3A_1318 = arith.constant 0.000000e+00 : f32
      %broadcast_in_dim3A_1319 = vector.broadcast %broadcast_in_dim3A_1318 : f32 to vector<16xf32>
      %broadcast_in_dim3A_1320 = arith.constant 0.000000e+00 : f32
      %broadcast_in_dim3A_1321 = vector.broadcast %broadcast_in_dim3A_1320 : f32 to vector<16xf32>
      %broadcast_in_dim3A_1322 = arith.constant 0.000000e+00 : f32
      %broadcast_in_dim3A_1323 = vector.broadcast %broadcast_in_dim3A_1322 : f32 to vector<16xf32>
      %broadcast_in_dim3A_1324 = arith.constant 0.000000e+00 : f32
      %broadcast_in_dim3A_1325 = vector.broadcast %broadcast_in_dim3A_1324 : f32 to vector<16xf32>
      %broadcast_in_dim3A_1326 = arith.constant 0.000000e+00 : f32
      %broadcast_in_dim3A_1327 = vector.broadcast %broadcast_in_dim3A_1326 : f32 to vector<16xf32>
      %broadcast_in_dim3A_1328 = arith.constant 0.000000e+00 : f32
      %broadcast_in_dim3A_1329 = vector.broadcast %broadcast_in_dim3A_1328 : f32 to vector<16xf32>
      %broadcast_in_dim3A_1330 = arith.constant 0.000000e+00 : f32
      %broadcast_in_dim3A_1331 = vector.broadcast %broadcast_in_dim3A_1330 : f32 to vector<16xf32>
      %broadcast_in_dim3A_1332 = arith.constant 0.000000e+00 : f32
      %broadcast_in_dim3A_1333 = vector.broadcast %broadcast_in_dim3A_1332 : f32 to vector<16xf32>
      %broadcast_in_dim3A_1334 = arith.constant 0.000000e+00 : f32
      %broadcast_in_dim3A_1335 = vector.broadcast %broadcast_in_dim3A_1334 : f32 to vector<16xf32>
      %broadcast_in_dim3A_1336 = arith.constant 0.000000e+00 : f32
      %broadcast_in_dim3A_1337 = vector.broadcast %broadcast_in_dim3A_1336 : f32 to vector<16xf32>
      %broadcast_in_dim3A_1338 = arith.constant 0.000000e+00 : f32
      %broadcast_in_dim3A_1339 = vector.broadcast %broadcast_in_dim3A_1338 : f32 to vector<16xf32>
      %broadcast_in_dim3A_1340 = arith.constant 0.000000e+00 : f32
      %broadcast_in_dim3A_1341 = vector.broadcast %broadcast_in_dim3A_1340 : f32 to vector<16xf32>
      %broadcast_in_dim3A_1342 = arith.constant 0.000000e+00 : f32
      %broadcast_in_dim3A_1343 = vector.broadcast %broadcast_in_dim3A_1342 : f32 to vector<16xf32>
      %broadcast_in_dim3A_1344 = arith.constant 0.000000e+00 : f32
      %broadcast_in_dim3A_1345 = vector.broadcast %broadcast_in_dim3A_1344 : f32 to vector<16xf32>
      %broadcast_in_dim3A_1346 = arith.constant 0.000000e+00 : f32
      %broadcast_in_dim3A_1347 = vector.broadcast %broadcast_in_dim3A_1346 : f32 to vector<16xf32>
      %broadcast_in_dim3A_1348 = arith.constant 0.000000e+00 : f32
      %broadcast_in_dim3A_1349 = vector.broadcast %broadcast_in_dim3A_1348 : f32 to vector<16xf32>
      %broadcast_in_dim3A_1350 = arith.constant 0.000000e+00 : f32
      %broadcast_in_dim3A_1351 = vector.broadcast %broadcast_in_dim3A_1350 : f32 to vector<16xf32>
      %broadcast_in_dim3A_1352 = arith.constant 0.000000e+00 : f32
      %broadcast_in_dim3A_1353 = vector.broadcast %broadcast_in_dim3A_1352 : f32 to vector<16xf32>
      %broadcast_in_dim3A_1354 = arith.constant 0.000000e+00 : f32
      %broadcast_in_dim3A_1355 = vector.broadcast %broadcast_in_dim3A_1354 : f32 to vector<16xf32>
      %broadcast_in_dim3A_1356 = arith.constant 0.000000e+00 : f32
      %broadcast_in_dim3A_1357 = vector.broadcast %broadcast_in_dim3A_1356 : f32 to vector<16xf32>
      %broadcast_in_dim3A_1358 = arith.constant 0.000000e+00 : f32
      %broadcast_in_dim3A_1359 = vector.broadcast %broadcast_in_dim3A_1358 : f32 to vector<16xf32>
      %broadcast_in_dim3A_1360 = arith.constant 0.000000e+00 : f32
      %broadcast_in_dim3A_1361 = vector.broadcast %broadcast_in_dim3A_1360 : f32 to vector<16xf32>
      %broadcast_in_dim3A_1362 = arith.constant 0.000000e+00 : f32
      %broadcast_in_dim3A_1363 = vector.broadcast %broadcast_in_dim3A_1362 : f32 to vector<16xf32>
      %broadcast_in_dim3A_1364 = arith.constant 0.000000e+00 : f32
      %broadcast_in_dim3A_1365 = vector.broadcast %broadcast_in_dim3A_1364 : f32 to vector<16xf32>
      %broadcast_in_dim3A_1366 = arith.constant 0.000000e+00 : f32
      %broadcast_in_dim3A_1367 = vector.broadcast %broadcast_in_dim3A_1366 : f32 to vector<16xf32>
      %broadcast_in_dim3A_1368 = arith.constant 0.000000e+00 : f32
      %broadcast_in_dim3A_1369 = vector.broadcast %broadcast_in_dim3A_1368 : f32 to vector<16xf32>
      %scan3A_1370 = arith.constant 0 : i32
      %scan3A_1371 = arith.constant 48 : i32
      %scan3A_1372 = arith.addi %scan3A_1370, %scan3A_1371 : i32
      %scan3A_1373 = arith.constant 1 : i32
      %scan3A_1374:32 = scf.for %scan3A_1903 = %scan3A_1370 to %scan3A_1372 step %scan3A_1373 iter_args(%scan3A_1904 = %broadcast_in_dim3A_1307, %scan3A_1905 = %broadcast_in_dim3A_1309, %scan3A_1906 = %broadcast_in_dim3A_1311, %scan3A_1907 = %broadcast_in_dim3A_1313, %scan3A_1908 = %broadcast_in_dim3A_1315, %scan3A_1909 = %broadcast_in_dim3A_1317, %scan3A_1910 = %broadcast_in_dim3A_1319, %scan3A_1911 = %broadcast_in_dim3A_1321, %scan3A_1912 = %broadcast_in_dim3A_1323, %scan3A_1913 = %broadcast_in_dim3A_1325, %scan3A_1914 = %broadcast_in_dim3A_1327, %scan3A_1915 = %broadcast_in_dim3A_1329, %scan3A_1916 = %broadcast_in_dim3A_1331, %scan3A_1917 = %broadcast_in_dim3A_1333, %scan3A_1918 = %broadcast_in_dim3A_1335, %scan3A_1919 = %broadcast_in_dim3A_1337, %scan3A_1920 = %broadcast_in_dim3A_1339, %scan3A_1921 = %broadcast_in_dim3A_1341, %scan3A_1922 = %broadcast_in_dim3A_1343, %scan3A_1923 = %broadcast_in_dim3A_1345, %scan3A_1924 = %broadcast_in_dim3A_1347, %scan3A_1925 = %broadcast_in_dim3A_1349, %scan3A_1926 = %broadcast_in_dim3A_1351, %scan3A_1927 = %broadcast_in_dim3A_1353, %scan3A_1928 = %broadcast_in_dim3A_1355, %scan3A_1929 = %broadcast_in_dim3A_1357, %scan3A_1930 = %broadcast_in_dim3A_1359, %scan3A_1931 = %broadcast_in_dim3A_1361, %scan3A_1932 = %broadcast_in_dim3A_1363, %scan3A_1933 = %broadcast_in_dim3A_1365, %scan3A_1934 = %broadcast_in_dim3A_1367, %scan3A_1935 = %broadcast_in_dim3A_1369) -> (vector<16xf32>, vector<16xf32>, vector<16xf32>, vector<16xf32>, vector<16xf32>, vector<16xf32>, vector<16xf32>, vector<16xf32>, vector<16xf32>, vector<16xf32>, vector<16xf32>, vector<16xf32>, vector<16xf32>, vector<16xf32>, vector<16xf32>, vector<16xf32>, vector<16xf32>, vector<16xf32>, vector<16xf32>, vector<16xf32>, vector<16xf32>, vector<16xf32>, vector<16xf32>, vector<16xf32>, vector<16xf32>, vector<16xf32>, vector<16xf32>, vector<16xf32>, vector<16xf32>, vector<16xf32>, vector<16xf32>, vector<16xf32>)  : i32 {
        %mul3A_1936 = arith.constant 16 : i32
        %mul3A_1937 = arith.muli %scan3A_1903, %mul3A_1936 : i32
        %multiple_of3A_1938 = tpu.assume_multiple %mul3A_1937, 16 : i32
        %get3A = arith.index_cast %rem3A_1304 : i32 to index
        %get3A_1939 = arith.index_cast %multiple_of3A_1938 : i32 to index
        %get3A_1940 = tpu.vector_load %arg14[%get3A, %get3A_1939] {strides = array<i32>} : memref<16x768xf32, #tpu.memory_space<vmem>>, vector<16xf32>,
        %get3A_1941 = arith.constant 0 : i32
        %get3A_1942 = arith.index_cast %get3A_1941 : i32 to index
        %get3A_1943 = arith.index_cast %multiple_of3A_1938 : i32 to index
        %get3A_1944 = tpu.vector_load %arg11[%get3A_1942, %get3A_1943] {strides = array<i32>} : memref<16x768xf32, #tpu.memory_space<vmem>>, vector<16xf32>,
        %get3A_1945 = arith.constant 0 : i32
        %get3A_1946 = arith.index_cast %get3A_1945 : i32 to index
        %get3A_1947 = arith.index_cast %multiple_of3A_1938 : i32 to index
        %get3A_1948 = tpu.vector_load %arg15[%get3A_1946, %get3A_1947] {strides = array<i32>} : memref<16x768xf32, #tpu.memory_space<vmem>>, vector<16xf32>,
        %add3A_1949 = arith.addf %get3A_1944, %get3A_1948 : vector<16xf32>
        %add3A_1950 = arith.addf %add3A_1949, %get3A_1940 : vector<16xf32>
        %swap3A = arith.constant 0 : i32
        %swap3A_1951 = arith.index_cast %swap3A : i32 to index
        %swap3A_1952 = arith.index_cast %multiple_of3A_1938 : i32 to index
        %swap3A_1953 = tpu.vector_load %arg13[%swap3A_1951, %swap3A_1952] {strides = array<i32>} : memref<16x768xf32, #tpu.memory_space<vmem>>, vector<16xf32>,
        tpu.vector_store %arg13[%swap3A_1951, %swap3A_1952], %add3A_1950 {strides = array<i32>} : memref<16x768xf32, #tpu.memory_space<vmem>>, vector<16xf32>,
        %add3A_1954 = arith.addf %scan3A_1904, %add3A_1950 : vector<16xf32>
        %mul3A_1955 = arith.mulf %add3A_1950, %add3A_1950 : vector<16xf32>
        %add3A_1956 = arith.addf %scan3A_1905, %mul3A_1955 : vector<16xf32>
        %get3A_1957 = arith.constant 1 : i32
        %get3A_1958 = arith.index_cast %get3A_1957 : i32 to index
        %get3A_1959 = arith.index_cast %multiple_of3A_1938 : i32 to index
        %get3A_1960 = tpu.vector_load %arg11[%get3A_1958, %get3A_1959] {strides = array<i32>} : memref<16x768xf32, #tpu.memory_space<vmem>>, vector<16xf32>,
        %get3A_1961 = arith.constant 1 : i32
        %get3A_1962 = arith.index_cast %get3A_1961 : i32 to index
        %get3A_1963 = arith.index_cast %multiple_of3A_1938 : i32 to index
        %get3A_1964 = tpu.vector_load %arg15[%get3A_1962, %get3A_1963] {strides = array<i32>} : memref<16x768xf32, #tpu.memory_space<vmem>>, vector<16xf32>,
        %add3A_1965 = arith.addf %get3A_1960, %get3A_1964 : vector<16xf32>
        %add3A_1966 = arith.addf %add3A_1965, %get3A_1940 : vector<16xf32>
        %swap3A_1967 = arith.constant 1 : i32
        %swap3A_1968 = arith.index_cast %swap3A_1967 : i32 to index
        %swap3A_1969 = arith.index_cast %multiple_of3A_1938 : i32 to index
        %swap3A_1970 = tpu.vector_load %arg13[%swap3A_1968, %swap3A_1969] {strides = array<i32>} : memref<16x768xf32, #tpu.memory_space<vmem>>, vector<16xf32>,
        tpu.vector_store %arg13[%swap3A_1968, %swap3A_1969], %add3A_1966 {strides = array<i32>} : memref<16x768xf32, #tpu.memory_space<vmem>>, vector<16xf32>,
        %add3A_1971 = arith.addf %scan3A_1906, %add3A_1966 : vector<16xf32>
        %mul3A_1972 = arith.mulf %add3A_1966, %add3A_1966 : vector<16xf32>
        %add3A_1973 = arith.addf %scan3A_1907, %mul3A_1972 : vector<16xf32>
        %get3A_1974 = arith.constant 2 : i32
        %get3A_1975 = arith.index_cast %get3A_1974 : i32 to index
        %get3A_1976 = arith.index_cast %multiple_of3A_1938 : i32 to index
        %get3A_1977 = tpu.vector_load %arg11[%get3A_1975, %get3A_1976] {strides = array<i32>} : memref<16x768xf32, #tpu.memory_space<vmem>>, vector<16xf32>,
        %get3A_1978 = arith.constant 2 : i32
        %get3A_1979 = arith.index_cast %get3A_1978 : i32 to index
        %get3A_1980 = arith.index_cast %multiple_of3A_1938 : i32 to index
        %get3A_1981 = tpu.vector_load %arg15[%get3A_1979, %get3A_1980] {strides = array<i32>} : memref<16x768xf32, #tpu.memory_space<vmem>>, vector<16xf32>,
        %add3A_1982 = arith.addf %get3A_1977, %get3A_1981 : vector<16xf32>
        %add3A_1983 = arith.addf %add3A_1982, %get3A_1940 : vector<16xf32>
        %swap3A_1984 = arith.constant 2 : i32
        %swap3A_1985 = arith.index_cast %swap3A_1984 : i32 to index
        %swap3A_1986 = arith.index_cast %multiple_of3A_1938 : i32 to index
        %swap3A_1987 = tpu.vector_load %arg13[%swap3A_1985, %swap3A_1986] {strides = array<i32>} : memref<16x768xf32, #tpu.memory_space<vmem>>, vector<16xf32>,
        tpu.vector_store %arg13[%swap3A_1985, %swap3A_1986], %add3A_1983 {strides = array<i32>} : memref<16x768xf32, #tpu.memory_space<vmem>>, vector<16xf32>,
        %add3A_1988 = arith.addf %scan3A_1908, %add3A_1983 : vector<16xf32>
        %mul3A_1989 = arith.mulf %add3A_1983, %add3A_1983 : vector<16xf32>
        %add3A_1990 = arith.addf %scan3A_1909, %mul3A_1989 : vector<16xf32>
        %get3A_1991 = arith.constant 3 : i32
        %get3A_1992 = arith.index_cast %get3A_1991 : i32 to index
        %get3A_1993 = arith.index_cast %multiple_of3A_1938 : i32 to index
        %get3A_1994 = tpu.vector_load %arg11[%get3A_1992, %get3A_1993] {strides = array<i32>} : memref<16x768xf32, #tpu.memory_space<vmem>>, vector<16xf32>,
        %get3A_1995 = arith.constant 3 : i32
        %get3A_1996 = arith.index_cast %get3A_1995 : i32 to index
        %get3A_1997 = arith.index_cast %multiple_of3A_1938 : i32 to index
        %get3A_1998 = tpu.vector_load %arg15[%get3A_1996, %get3A_1997] {strides = array<i32>} : memref<16x768xf32, #tpu.memory_space<vmem>>, vector<16xf32>,
        %add3A_1999 = arith.addf %get3A_1994, %get3A_1998 : vector<16xf32>
        %add3A_2000 = arith.addf %add3A_1999, %get3A_1940 : vector<16xf32>
        %swap3A_2001 = arith.constant 3 : i32
        %swap3A_2002 = arith.index_cast %swap3A_2001 : i32 to index
        %swap3A_2003 = arith.index_cast %multiple_of3A_1938 : i32 to index
        %swap3A_2004 = tpu.vector_load %arg13[%swap3A_2002, %swap3A_2003] {strides = array<i32>} : memref<16x768xf32, #tpu.memory_space<vmem>>, vector<16xf32>,
        tpu.vector_store %arg13[%swap3A_2002, %swap3A_2003], %add3A_2000 {strides = array<i32>} : memref<16x768xf32, #tpu.memory_space<vmem>>, vector<16xf32>,
        %add3A_2005 = arith.addf %scan3A_1910, %add3A_2000 : vector<16xf32>
        %mul3A_2006 = arith.mulf %add3A_2000, %add3A_2000 : vector<16xf32>
        %add3A_2007 = arith.addf %scan3A_1911, %mul3A_2006 : vector<16xf32>
        %get3A_2008 = arith.constant 4 : i32
        %get3A_2009 = arith.index_cast %get3A_2008 : i32 to index
        %get3A_2010 = arith.index_cast %multiple_of3A_1938 : i32 to index
        %get3A_2011 = tpu.vector_load %arg11[%get3A_2009, %get3A_2010] {strides = array<i32>} : memref<16x768xf32, #tpu.memory_space<vmem>>, vector<16xf32>,
        %get3A_2012 = arith.constant 4 : i32
        %get3A_2013 = arith.index_cast %get3A_2012 : i32 to index
        %get3A_2014 = arith.index_cast %multiple_of3A_1938 : i32 to index
        %get3A_2015 = tpu.vector_load %arg15[%get3A_2013, %get3A_2014] {strides = array<i32>} : memref<16x768xf32, #tpu.memory_space<vmem>>, vector<16xf32>,
        %add3A_2016 = arith.addf %get3A_2011, %get3A_2015 : vector<16xf32>
        %add3A_2017 = arith.addf %add3A_2016, %get3A_1940 : vector<16xf32>
        %swap3A_2018 = arith.constant 4 : i32
        %swap3A_2019 = arith.index_cast %swap3A_2018 : i32 to index
        %swap3A_2020 = arith.index_cast %multiple_of3A_1938 : i32 to index
        %swap3A_2021 = tpu.vector_load %arg13[%swap3A_2019, %swap3A_2020] {strides = array<i32>} : memref<16x768xf32, #tpu.memory_space<vmem>>, vector<16xf32>,
        tpu.vector_store %arg13[%swap3A_2019, %swap3A_2020], %add3A_2017 {strides = array<i32>} : memref<16x768xf32, #tpu.memory_space<vmem>>, vector<16xf32>,
        %add3A_2022 = arith.addf %scan3A_1912, %add3A_2017 : vector<16xf32>
        %mul3A_2023 = arith.mulf %add3A_2017, %add3A_2017 : vector<16xf32>
        %add3A_2024 = arith.addf %scan3A_1913, %mul3A_2023 : vector<16xf32>
        %get3A_2025 = arith.constant 5 : i32
        %get3A_2026 = arith.index_cast %get3A_2025 : i32 to index
        %get3A_2027 = arith.index_cast %multiple_of3A_1938 : i32 to index
        %get3A_2028 = tpu.vector_load %arg11[%get3A_2026, %get3A_2027] {strides = array<i32>} : memref<16x768xf32, #tpu.memory_space<vmem>>, vector<16xf32>,
        %get3A_2029 = arith.constant 5 : i32
        %get3A_2030 = arith.index_cast %get3A_2029 : i32 to index
        %get3A_2031 = arith.index_cast %multiple_of3A_1938 : i32 to index
        %get3A_2032 = tpu.vector_load %arg15[%get3A_2030, %get3A_2031] {strides = array<i32>} : memref<16x768xf32, #tpu.memory_space<vmem>>, vector<16xf32>,
        %add3A_2033 = arith.addf %get3A_2028, %get3A_2032 : vector<16xf32>
        %add3A_2034 = arith.addf %add3A_2033, %get3A_1940 : vector<16xf32>
        %swap3A_2035 = arith.constant 5 : i32
        %swap3A_2036 = arith.index_cast %swap3A_2035 : i32 to index
        %swap3A_2037 = arith.index_cast %multiple_of3A_1938 : i32 to index
        %swap3A_2038 = tpu.vector_load %arg13[%swap3A_2036, %swap3A_2037] {strides = array<i32>} : memref<16x768xf32, #tpu.memory_space<vmem>>, vector<16xf32>,
        tpu.vector_store %arg13[%swap3A_2036, %swap3A_2037], %add3A_2034 {strides = array<i32>} : memref<16x768xf32, #tpu.memory_space<vmem>>, vector<16xf32>,
        %add3A_2039 = arith.addf %scan3A_1914, %add3A_2034 : vector<16xf32>
        %mul3A_2040 = arith.mulf %add3A_2034, %add3A_2034 : vector<16xf32>
        %add3A_2041 = arith.addf %scan3A_1915, %mul3A_2040 : vector<16xf32>
        %get3A_2042 = arith.constant 6 : i32
        %get3A_2043 = arith.index_cast %get3A_2042 : i32 to index
        %get3A_2044 = arith.index_cast %multiple_of3A_1938 : i32 to index
        %get3A_2045 = tpu.vector_load %arg11[%get3A_2043, %get3A_2044] {strides = array<i32>} : memref<16x768xf32, #tpu.memory_space<vmem>>, vector<16xf32>,
        %get3A_2046 = arith.constant 6 : i32
        %get3A_2047 = arith.index_cast %get3A_2046 : i32 to index
        %get3A_2048 = arith.index_cast %multiple_of3A_1938 : i32 to index
        %get3A_2049 = tpu.vector_load %arg15[%get3A_2047, %get3A_2048] {strides = array<i32>} : memref<16x768xf32, #tpu.memory_space<vmem>>, vector<16xf32>,
        %add3A_2050 = arith.addf %get3A_2045, %get3A_2049 : vector<16xf32>
        %add3A_2051 = arith.addf %add3A_2050, %get3A_1940 : vector<16xf32>
        %swap3A_2052 = arith.constant 6 : i32
        %swap3A_2053 = arith.index_cast %swap3A_2052 : i32 to index
        %swap3A_2054 = arith.index_cast %multiple_of3A_1938 : i32 to index
        %swap3A_2055 = tpu.vector_load %arg13[%swap3A_2053, %swap3A_2054] {strides = array<i32>} : memref<16x768xf32, #tpu.memory_space<vmem>>, vector<16xf32>,
        tpu.vector_store %arg13[%swap3A_2053, %swap3A_2054], %add3A_2051 {strides = array<i32>} : memref<16x768xf32, #tpu.memory_space<vmem>>, vector<16xf32>,
        %add3A_2056 = arith.addf %scan3A_1916, %add3A_2051 : vector<16xf32>
        %mul3A_2057 = arith.mulf %add3A_2051, %add3A_2051 : vector<16xf32>
        %add3A_2058 = arith.addf %scan3A_1917, %mul3A_2057 : vector<16xf32>
        %get3A_2059 = arith.constant 7 : i32
        %get3A_2060 = arith.index_cast %get3A_2059 : i32 to index
        %get3A_2061 = arith.index_cast %multiple_of3A_1938 : i32 to index
        %get3A_2062 = tpu.vector_load %arg11[%get3A_2060, %get3A_2061] {strides = array<i32>} : memref<16x768xf32, #tpu.memory_space<vmem>>, vector<16xf32>,
        %get3A_2063 = arith.constant 7 : i32
        %get3A_2064 = arith.index_cast %get3A_2063 : i32 to index
        %get3A_2065 = arith.index_cast %multiple_of3A_1938 : i32 to index
        %get3A_2066 = tpu.vector_load %arg15[%get3A_2064, %get3A_2065] {strides = array<i32>} : memref<16x768xf32, #tpu.memory_space<vmem>>, vector<16xf32>,
        %add3A_2067 = arith.addf %get3A_2062, %get3A_2066 : vector<16xf32>
        %add3A_2068 = arith.addf %add3A_2067, %get3A_1940 : vector<16xf32>
        %swap3A_2069 = arith.constant 7 : i32
        %swap3A_2070 = arith.index_cast %swap3A_2069 : i32 to index
        %swap3A_2071 = arith.index_cast %multiple_of3A_1938 : i32 to index
        %swap3A_2072 = tpu.vector_load %arg13[%swap3A_2070, %swap3A_2071] {strides = array<i32>} : memref<16x768xf32, #tpu.memory_space<vmem>>, vector<16xf32>,
        tpu.vector_store %arg13[%swap3A_2070, %swap3A_2071], %add3A_2068 {strides = array<i32>} : memref<16x768xf32, #tpu.memory_space<vmem>>, vector<16xf32>,
        %add3A_2073 = arith.addf %scan3A_1918, %add3A_2068 : vector<16xf32>
        %mul3A_2074 = arith.mulf %add3A_2068, %add3A_2068 : vector<16xf32>
        %add3A_2075 = arith.addf %scan3A_1919, %mul3A_2074 : vector<16xf32>
        %get3A_2076 = arith.constant 8 : i32
        %get3A_2077 = arith.index_cast %get3A_2076 : i32 to index
        %get3A_2078 = arith.index_cast %multiple_of3A_1938 : i32 to index
        %get3A_2079 = tpu.vector_load %arg11[%get3A_2077, %get3A_2078] {strides = array<i32>} : memref<16x768xf32, #tpu.memory_space<vmem>>, vector<16xf32>,
        %get3A_2080 = arith.constant 8 : i32
        %get3A_2081 = arith.index_cast %get3A_2080 : i32 to index
        %get3A_2082 = arith.index_cast %multiple_of3A_1938 : i32 to index
        %get3A_2083 = tpu.vector_load %arg15[%get3A_2081, %get3A_2082] {strides = array<i32>} : memref<16x768xf32, #tpu.memory_space<vmem>>, vector<16xf32>,
        %add3A_2084 = arith.addf %get3A_2079, %get3A_2083 : vector<16xf32>
        %add3A_2085 = arith.addf %add3A_2084, %get3A_1940 : vector<16xf32>
        %swap3A_2086 = arith.constant 8 : i32
        %swap3A_2087 = arith.index_cast %swap3A_2086 : i32 to index
        %swap3A_2088 = arith.index_cast %multiple_of3A_1938 : i32 to index
        %swap3A_2089 = tpu.vector_load %arg13[%swap3A_2087, %swap3A_2088] {strides = array<i32>} : memref<16x768xf32, #tpu.memory_space<vmem>>, vector<16xf32>,
        tpu.vector_store %arg13[%swap3A_2087, %swap3A_2088], %add3A_2085 {strides = array<i32>} : memref<16x768xf32, #tpu.memory_space<vmem>>, vector<16xf32>,
        %add3A_2090 = arith.addf %scan3A_1920, %add3A_2085 : vector<16xf32>
        %mul3A_2091 = arith.mulf %add3A_2085, %add3A_2085 : vector<16xf32>
        %add3A_2092 = arith.addf %scan3A_1921, %mul3A_2091 : vector<16xf32>
        %get3A_2093 = arith.constant 9 : i32
        %get3A_2094 = arith.index_cast %get3A_2093 : i32 to index
        %get3A_2095 = arith.index_cast %multiple_of3A_1938 : i32 to index
        %get3A_2096 = tpu.vector_load %arg11[%get3A_2094, %get3A_2095] {strides = array<i32>} : memref<16x768xf32, #tpu.memory_space<vmem>>, vector<16xf32>,
        %get3A_2097 = arith.constant 9 : i32
        %get3A_2098 = arith.index_cast %get3A_2097 : i32 to index
        %get3A_2099 = arith.index_cast %multiple_of3A_1938 : i32 to index
        %get3A_2100 = tpu.vector_load %arg15[%get3A_2098, %get3A_2099] {strides = array<i32>} : memref<16x768xf32, #tpu.memory_space<vmem>>, vector<16xf32>,
        %add3A_2101 = arith.addf %get3A_2096, %get3A_2100 : vector<16xf32>
        %add3A_2102 = arith.addf %add3A_2101, %get3A_1940 : vector<16xf32>
        %swap3A_2103 = arith.constant 9 : i32
        %swap3A_2104 = arith.index_cast %swap3A_2103 : i32 to index
        %swap3A_2105 = arith.index_cast %multiple_of3A_1938 : i32 to index
        %swap3A_2106 = tpu.vector_load %arg13[%swap3A_2104, %swap3A_2105] {strides = array<i32>} : memref<16x768xf32, #tpu.memory_space<vmem>>, vector<16xf32>,
        tpu.vector_store %arg13[%swap3A_2104, %swap3A_2105], %add3A_2102 {strides = array<i32>} : memref<16x768xf32, #tpu.memory_space<vmem>>, vector<16xf32>,
        %add3A_2107 = arith.addf %scan3A_1922, %add3A_2102 : vector<16xf32>
        %mul3A_2108 = arith.mulf %add3A_2102, %add3A_2102 : vector<16xf32>
        %add3A_2109 = arith.addf %scan3A_1923, %mul3A_2108 : vector<16xf32>
        %get3A_2110 = arith.constant 10 : i32
        %get3A_2111 = arith.index_cast %get3A_2110 : i32 to index
        %get3A_2112 = arith.index_cast %multiple_of3A_1938 : i32 to index
        %get3A_2113 = tpu.vector_load %arg11[%get3A_2111, %get3A_2112] {strides = array<i32>} : memref<16x768xf32, #tpu.memory_space<vmem>>, vector<16xf32>,
        %get3A_2114 = arith.constant 10 : i32
        %get3A_2115 = arith.index_cast %get3A_2114 : i32 to index
        %get3A_2116 = arith.index_cast %multiple_of3A_1938 : i32 to index
        %get3A_2117 = tpu.vector_load %arg15[%get3A_2115, %get3A_2116] {strides = array<i32>} : memref<16x768xf32, #tpu.memory_space<vmem>>, vector<16xf32>,
        %add3A_2118 = arith.addf %get3A_2113, %get3A_2117 : vector<16xf32>
        %add3A_2119 = arith.addf %add3A_2118, %get3A_1940 : vector<16xf32>
        %swap3A_2120 = arith.constant 10 : i32
        %swap3A_2121 = arith.index_cast %swap3A_2120 : i32 to index
        %swap3A_2122 = arith.index_cast %multiple_of3A_1938 : i32 to index
        %swap3A_2123 = tpu.vector_load %arg13[%swap3A_2121, %swap3A_2122] {strides = array<i32>} : memref<16x768xf32, #tpu.memory_space<vmem>>, vector<16xf32>,
        tpu.vector_store %arg13[%swap3A_2121, %swap3A_2122], %add3A_2119 {strides = array<i32>} : memref<16x768xf32, #tpu.memory_space<vmem>>, vector<16xf32>,
        %add3A_2124 = arith.addf %scan3A_1924, %add3A_2119 : vector<16xf32>
        %mul3A_2125 = arith.mulf %add3A_2119, %add3A_2119 : vector<16xf32>
        %add3A_2126 = arith.addf %scan3A_1925, %mul3A_2125 : vector<16xf32>
        %get3A_2127 = arith.constant 11 : i32
        %get3A_2128 = arith.index_cast %get3A_2127 : i32 to index
        %get3A_2129 = arith.index_cast %multiple_of3A_1938 : i32 to index
        %get3A_2130 = tpu.vector_load %arg11[%get3A_2128, %get3A_2129] {strides = array<i32>} : memref<16x768xf32, #tpu.memory_space<vmem>>, vector<16xf32>,
        %get3A_2131 = arith.constant 11 : i32
        %get3A_2132 = arith.index_cast %get3A_2131 : i32 to index
        %get3A_2133 = arith.index_cast %multiple_of3A_1938 : i32 to index
        %get3A_2134 = tpu.vector_load %arg15[%get3A_2132, %get3A_2133] {strides = array<i32>} : memref<16x768xf32, #tpu.memory_space<vmem>>, vector<16xf32>,
        %add3A_2135 = arith.addf %get3A_2130, %get3A_2134 : vector<16xf32>
        %add3A_2136 = arith.addf %add3A_2135, %get3A_1940 : vector<16xf32>
        %swap3A_2137 = arith.constant 11 : i32
        %swap3A_2138 = arith.index_cast %swap3A_2137 : i32 to index
        %swap3A_2139 = arith.index_cast %multiple_of3A_1938 : i32 to index
        %swap3A_2140 = tpu.vector_load %arg13[%swap3A_2138, %swap3A_2139] {strides = array<i32>} : memref<16x768xf32, #tpu.memory_space<vmem>>, vector<16xf32>,
        tpu.vector_store %arg13[%swap3A_2138, %swap3A_2139], %add3A_2136 {strides = array<i32>} : memref<16x768xf32, #tpu.memory_space<vmem>>, vector<16xf32>,
        %add3A_2141 = arith.addf %scan3A_1926, %add3A_2136 : vector<16xf32>
        %mul3A_2142 = arith.mulf %add3A_2136, %add3A_2136 : vector<16xf32>
        %add3A_2143 = arith.addf %scan3A_1927, %mul3A_2142 : vector<16xf32>
        %get3A_2144 = arith.constant 12 : i32
        %get3A_2145 = arith.index_cast %get3A_2144 : i32 to index
        %get3A_2146 = arith.index_cast %multiple_of3A_1938 : i32 to index
        %get3A_2147 = tpu.vector_load %arg11[%get3A_2145, %get3A_2146] {strides = array<i32>} : memref<16x768xf32, #tpu.memory_space<vmem>>, vector<16xf32>,
        %get3A_2148 = arith.constant 12 : i32
        %get3A_2149 = arith.index_cast %get3A_2148 : i32 to index
        %get3A_2150 = arith.index_cast %multiple_of3A_1938 : i32 to index
        %get3A_2151 = tpu.vector_load %arg15[%get3A_2149, %get3A_2150] {strides = array<i32>} : memref<16x768xf32, #tpu.memory_space<vmem>>, vector<16xf32>,
        %add3A_2152 = arith.addf %get3A_2147, %get3A_2151 : vector<16xf32>
        %add3A_2153 = arith.addf %add3A_2152, %get3A_1940 : vector<16xf32>
        %swap3A_2154 = arith.constant 12 : i32
        %swap3A_2155 = arith.index_cast %swap3A_2154 : i32 to index
        %swap3A_2156 = arith.index_cast %multiple_of3A_1938 : i32 to index
        %swap3A_2157 = tpu.vector_load %arg13[%swap3A_2155, %swap3A_2156] {strides = array<i32>} : memref<16x768xf32, #tpu.memory_space<vmem>>, vector<16xf32>,
        tpu.vector_store %arg13[%swap3A_2155, %swap3A_2156], %add3A_2153 {strides = array<i32>} : memref<16x768xf32, #tpu.memory_space<vmem>>, vector<16xf32>,
        %add3A_2158 = arith.addf %scan3A_1928, %add3A_2153 : vector<16xf32>
        %mul3A_2159 = arith.mulf %add3A_2153, %add3A_2153 : vector<16xf32>
        %add3A_2160 = arith.addf %scan3A_1929, %mul3A_2159 : vector<16xf32>
        %get3A_2161 = arith.constant 13 : i32
        %get3A_2162 = arith.index_cast %get3A_2161 : i32 to index
        %get3A_2163 = arith.index_cast %multiple_of3A_1938 : i32 to index
        %get3A_2164 = tpu.vector_load %arg11[%get3A_2162, %get3A_2163] {strides = array<i32>} : memref<16x768xf32, #tpu.memory_space<vmem>>, vector<16xf32>,
        %get3A_2165 = arith.constant 13 : i32
        %get3A_2166 = arith.index_cast %get3A_2165 : i32 to index
        %get3A_2167 = arith.index_cast %multiple_of3A_1938 : i32 to index
        %get3A_2168 = tpu.vector_load %arg15[%get3A_2166, %get3A_2167] {strides = array<i32>} : memref<16x768xf32, #tpu.memory_space<vmem>>, vector<16xf32>,
        %add3A_2169 = arith.addf %get3A_2164, %get3A_2168 : vector<16xf32>
        %add3A_2170 = arith.addf %add3A_2169, %get3A_1940 : vector<16xf32>
        %swap3A_2171 = arith.constant 13 : i32
        %swap3A_2172 = arith.index_cast %swap3A_2171 : i32 to index
        %swap3A_2173 = arith.index_cast %multiple_of3A_1938 : i32 to index
        %swap3A_2174 = tpu.vector_load %arg13[%swap3A_2172, %swap3A_2173] {strides = array<i32>} : memref<16x768xf32, #tpu.memory_space<vmem>>, vector<16xf32>,
        tpu.vector_store %arg13[%swap3A_2172, %swap3A_2173], %add3A_2170 {strides = array<i32>} : memref<16x768xf32, #tpu.memory_space<vmem>>, vector<16xf32>,
        %add3A_2175 = arith.addf %scan3A_1930, %add3A_2170 : vector<16xf32>
        %mul3A_2176 = arith.mulf %add3A_2170, %add3A_2170 : vector<16xf32>
        %add3A_2177 = arith.addf %scan3A_1931, %mul3A_2176 : vector<16xf32>
        %get3A_2178 = arith.constant 14 : i32
        %get3A_2179 = arith.index_cast %get3A_2178 : i32 to index
        %get3A_2180 = arith.index_cast %multiple_of3A_1938 : i32 to index
        %get3A_2181 = tpu.vector_load %arg11[%get3A_2179, %get3A_2180] {strides = array<i32>} : memref<16x768xf32, #tpu.memory_space<vmem>>, vector<16xf32>,
        %get3A_2182 = arith.constant 14 : i32
        %get3A_2183 = arith.index_cast %get3A_2182 : i32 to index
        %get3A_2184 = arith.index_cast %multiple_of3A_1938 : i32 to index
        %get3A_2185 = tpu.vector_load %arg15[%get3A_2183, %get3A_2184] {strides = array<i32>} : memref<16x768xf32, #tpu.memory_space<vmem>>, vector<16xf32>,
        %add3A_2186 = arith.addf %get3A_2181, %get3A_2185 : vector<16xf32>
        %add3A_2187 = arith.addf %add3A_2186, %get3A_1940 : vector<16xf32>
        %swap3A_2188 = arith.constant 14 : i32
        %swap3A_2189 = arith.index_cast %swap3A_2188 : i32 to index
        %swap3A_2190 = arith.index_cast %multiple_of3A_1938 : i32 to index
        %swap3A_2191 = tpu.vector_load %arg13[%swap3A_2189, %swap3A_2190] {strides = array<i32>} : memref<16x768xf32, #tpu.memory_space<vmem>>, vector<16xf32>,
        tpu.vector_store %arg13[%swap3A_2189, %swap3A_2190], %add3A_2187 {strides = array<i32>} : memref<16x768xf32, #tpu.memory_space<vmem>>, vector<16xf32>,
        %add3A_2192 = arith.addf %scan3A_1932, %add3A_2187 : vector<16xf32>
        %mul3A_2193 = arith.mulf %add3A_2187, %add3A_2187 : vector<16xf32>
        %add3A_2194 = arith.addf %scan3A_1933, %mul3A_2193 : vector<16xf32>
        %get3A_2195 = arith.constant 15 : i32
        %get3A_2196 = arith.index_cast %get3A_2195 : i32 to index
        %get3A_2197 = arith.index_cast %multiple_of3A_1938 : i32 to index
        %get3A_2198 = tpu.vector_load %arg11[%get3A_2196, %get3A_2197] {strides = array<i32>} : memref<16x768xf32, #tpu.memory_space<vmem>>, vector<16xf32>,
        %get3A_2199 = arith.constant 15 : i32
        %get3A_2200 = arith.index_cast %get3A_2199 : i32 to index
        %get3A_2201 = arith.index_cast %multiple_of3A_1938 : i32 to index
        %get3A_2202 = tpu.vector_load %arg15[%get3A_2200, %get3A_2201] {strides = array<i32>} : memref<16x768xf32, #tpu.memory_space<vmem>>, vector<16xf32>,
        %add3A_2203 = arith.addf %get3A_2198, %get3A_2202 : vector<16xf32>
        %add3A_2204 = arith.addf %add3A_2203, %get3A_1940 : vector<16xf32>
        %swap3A_2205 = arith.constant 15 : i32
        %swap3A_2206 = arith.index_cast %swap3A_2205 : i32 to index
        %swap3A_2207 = arith.index_cast %multiple_of3A_1938 : i32 to index
        %swap3A_2208 = tpu.vector_load %arg13[%swap3A_2206, %swap3A_2207] {strides = array<i32>} : memref<16x768xf32, #tpu.memory_space<vmem>>, vector<16xf32>,
        tpu.vector_store %arg13[%swap3A_2206, %swap3A_2207], %add3A_2204 {strides = array<i32>} : memref<16x768xf32, #tpu.memory_space<vmem>>, vector<16xf32>,
        %add3A_2209 = arith.addf %scan3A_1934, %add3A_2204 : vector<16xf32>
        %mul3A_2210 = arith.mulf %add3A_2204, %add3A_2204 : vector<16xf32>
        %add3A_2211 = arith.addf %scan3A_1935, %mul3A_2210 : vector<16xf32>
        scf.yield %add3A_1954, %add3A_1956, %add3A_1971, %add3A_1973, %add3A_1988, %add3A_1990, %add3A_2005, %add3A_2007, %add3A_2022, %add3A_2024, %add3A_2039, %add3A_2041, %add3A_2056, %add3A_2058, %add3A_2073, %add3A_2075, %add3A_2090, %add3A_2092, %add3A_2107, %add3A_2109, %add3A_2124, %add3A_2126, %add3A_2141, %add3A_2143, %add3A_2158, %add3A_2160, %add3A_2175, %add3A_2177, %add3A_2192, %add3A_2194, %add3A_2209, %add3A_2211 : vector<16xf32>, vector<16xf32>, vector<16xf32>, vector<16xf32>, vector<16xf32>, vector<16xf32>, vector<16xf32>, vector<16xf32>, vector<16xf32>, vector<16xf32>, vector<16xf32>, vector<16xf32>, vector<16xf32>, vector<16xf32>, vector<16xf32>, vector<16xf32>, vector<16xf32>, vector<16xf32>, vector<16xf32>, vector<16xf32>, vector<16xf32>, vector<16xf32>, vector<16xf32>, vector<16xf32>, vector<16xf32>, vector<16xf32>, vector<16xf32>, vector<16xf32>, vector<16xf32>, vector<16xf32>, vector<16xf32>, vector<16xf32>
      }
      %scan3A_1375 = arith.constant 48 : i32
      %add3A_1376 = arith.constant 0 : i32
      %add3A_1377 = vector.broadcast %add3A_1376 : i32 to vector<16xi32>
      %add3A_1378 = arith.addi %iota3A_1305, %add3A_1377 : vector<16xi32>
      tpu.vector_store_idx %arg18[%add3A_1378], %scan3A_1374#0 : memref<544xf32, #tpu.memory_space<vmem>>[vector<16xi32>], vector<16xf32>,
      %add3A_1379 = arith.constant 272 : i32
      %add3A_1380 = vector.broadcast %add3A_1379 : i32 to vector<16xi32>
      %add3A_1381 = arith.addi %iota3A_1305, %add3A_1380 : vector<16xi32>
      tpu.vector_store_idx %arg18[%add3A_1381], %scan3A_1374#1 : memref<544xf32, #tpu.memory_space<vmem>>[vector<16xi32>], vector<16xf32>,
      %add3A_1382 = arith.constant 17 : i32
      %add3A_1383 = vector.broadcast %add3A_1382 : i32 to vector<16xi32>
      %add3A_1384 = arith.addi %iota3A_1305, %add3A_1383 : vector<16xi32>
      tpu.vector_store_idx %arg18[%add3A_1384], %scan3A_1374#2 : memref<544xf32, #tpu.memory_space<vmem>>[vector<16xi32>], vector<16xf32>,
      %add3A_1385 = arith.constant 289 : i32
      %add3A_1386 = vector.broadcast %add3A_1385 : i32 to vector<16xi32>
      %add3A_1387 = arith.addi %iota3A_1305, %add3A_1386 : vector<16xi32>
      tpu.vector_store_idx %arg18[%add3A_1387], %scan3A_1374#3 : memref<544xf32, #tpu.memory_space<vmem>>[vector<16xi32>], vector<16xf32>,
      %add3A_1388 = arith.constant 34 : i32
      %add3A_1389 = vector.broadcast %add3A_1388 : i32 to vector<16xi32>
      %add3A_1390 = arith.addi %iota3A_1305, %add3A_1389 : vector<16xi32>
      tpu.vector_store_idx %arg18[%add3A_1390], %scan3A_1374#4 : memref<544xf32, #tpu.memory_space<vmem>>[vector<16xi32>], vector<16xf32>,
      %add3A_1391 = arith.constant 306 : i32
      %add3A_1392 = vector.broadcast %add3A_1391 : i32 to vector<16xi32>
      %add3A_1393 = arith.addi %iota3A_1305, %add3A_1392 : vector<16xi32>
      tpu.vector_store_idx %arg18[%add3A_1393], %scan3A_1374#5 : memref<544xf32, #tpu.memory_space<vmem>>[vector<16xi32>], vector<16xf32>,
      %add3A_1394 = arith.constant 51 : i32
      %add3A_1395 = vector.broadcast %add3A_1394 : i32 to vector<16xi32>
      %add3A_1396 = arith.addi %iota3A_1305, %add3A_1395 : vector<16xi32>
      tpu.vector_store_idx %arg18[%add3A_1396], %scan3A_1374#6 : memref<544xf32, #tpu.memory_space<vmem>>[vector<16xi32>], vector<16xf32>,
      %add3A_1397 = arith.constant 323 : i32
      %add3A_1398 = vector.broadcast %add3A_1397 : i32 to vector<16xi32>
      %add3A_1399 = arith.addi %iota3A_1305, %add3A_1398 : vector<16xi32>
      tpu.vector_store_idx %arg18[%add3A_1399], %scan3A_1374#7 : memref<544xf32, #tpu.memory_space<vmem>>[vector<16xi32>], vector<16xf32>,
      %add3A_1400 = arith.constant 68 : i32
      %add3A_1401 = vector.broadcast %add3A_1400 : i32 to vector<16xi32>
      %add3A_1402 = arith.addi %iota3A_1305, %add3A_1401 : vector<16xi32>
      tpu.vector_store_idx %arg18[%add3A_1402], %scan3A_1374#8 : memref<544xf32, #tpu.memory_space<vmem>>[vector<16xi32>], vector<16xf32>,
      %add3A_1403 = arith.constant 340 : i32
      %add3A_1404 = vector.broadcast %add3A_1403 : i32 to vector<16xi32>
      %add3A_1405 = arith.addi %iota3A_1305, %add3A_1404 : vector<16xi32>
      tpu.vector_store_idx %arg18[%add3A_1405], %scan3A_1374#9 : memref<544xf32, #tpu.memory_space<vmem>>[vector<16xi32>], vector<16xf32>,
      %add3A_1406 = arith.constant 85 : i32
      %add3A_1407 = vector.broadcast %add3A_1406 : i32 to vector<16xi32>
      %add3A_1408 = arith.addi %iota3A_1305, %add3A_1407 : vector<16xi32>
      tpu.vector_store_idx %arg18[%add3A_1408], %scan3A_1374#10 : memref<544xf32, #tpu.memory_space<vmem>>[vector<16xi32>], vector<16xf32>,
      %add3A_1409 = arith.constant 357 : i32
      %add3A_1410 = vector.broadcast %add3A_1409 : i32 to vector<16xi32>
      %add3A_1411 = arith.addi %iota3A_1305, %add3A_1410 : vector<16xi32>
      tpu.vector_store_idx %arg18[%add3A_1411], %scan3A_1374#11 : memref<544xf32, #tpu.memory_space<vmem>>[vector<16xi32>], vector<16xf32>,
      %add3A_1412 = arith.constant 102 : i32
      %add3A_1413 = vector.broadcast %add3A_1412 : i32 to vector<16xi32>
      %add3A_1414 = arith.addi %iota3A_1305, %add3A_1413 : vector<16xi32>
      tpu.vector_store_idx %arg18[%add3A_1414], %scan3A_1374#12 : memref<544xf32, #tpu.memory_space<vmem>>[vector<16xi32>], vector<16xf32>,
      %add3A_1415 = arith.constant 374 : i32
      %add3A_1416 = vector.broadcast %add3A_1415 : i32 to vector<16xi32>
      %add3A_1417 = arith.addi %iota3A_1305, %add3A_1416 : vector<16xi32>
      tpu.vector_store_idx %arg18[%add3A_1417], %scan3A_1374#13 : memref<544xf32, #tpu.memory_space<vmem>>[vector<16xi32>], vector<16xf32>,
      %add3A_1418 = arith.constant 119 : i32
      %add3A_1419 = vector.broadcast %add3A_1418 : i32 to vector<16xi32>
      %add3A_1420 = arith.addi %iota3A_1305, %add3A_1419 : vector<16xi32>
      tpu.vector_store_idx %arg18[%add3A_1420], %scan3A_1374#14 : memref<544xf32, #tpu.memory_space<vmem>>[vector<16xi32>], vector<16xf32>,
      %add3A_1421 = arith.constant 391 : i32
      %add3A_1422 = vector.broadcast %add3A_1421 : i32 to vector<16xi32>
      %add3A_1423 = arith.addi %iota3A_1305, %add3A_1422 : vector<16xi32>
      tpu.vector_store_idx %arg18[%add3A_1423], %scan3A_1374#15 : memref<544xf32, #tpu.memory_space<vmem>>[vector<16xi32>], vector<16xf32>,
      %add3A_1424 = arith.constant 136 : i32
      %add3A_1425 = vector.broadcast %add3A_1424 : i32 to vector<16xi32>
      %add3A_1426 = arith.addi %iota3A_1305, %add3A_1425 : vector<16xi32>
      tpu.vector_store_idx %arg18[%add3A_1426], %scan3A_1374#16 : memref<544xf32, #tpu.memory_space<vmem>>[vector<16xi32>], vector<16xf32>,
      %add3A_1427 = arith.constant 408 : i32
      %add3A_1428 = vector.broadcast %add3A_1427 : i32 to vector<16xi32>
      %add3A_1429 = arith.addi %iota3A_1305, %add3A_1428 : vector<16xi32>
      tpu.vector_store_idx %arg18[%add3A_1429], %scan3A_1374#17 : memref<544xf32, #tpu.memory_space<vmem>>[vector<16xi32>], vector<16xf32>,
      %add3A_1430 = arith.constant 153 : i32
      %add3A_1431 = vector.broadcast %add3A_1430 : i32 to vector<16xi32>
      %add3A_1432 = arith.addi %iota3A_1305, %add3A_1431 : vector<16xi32>
      tpu.vector_store_idx %arg18[%add3A_1432], %scan3A_1374#18 : memref<544xf32, #tpu.memory_space<vmem>>[vector<16xi32>], vector<16xf32>,
      %add3A_1433 = arith.constant 425 : i32
      %add3A_1434 = vector.broadcast %add3A_1433 : i32 to vector<16xi32>
      %add3A_1435 = arith.addi %iota3A_1305, %add3A_1434 : vector<16xi32>
      tpu.vector_store_idx %arg18[%add3A_1435], %scan3A_1374#19 : memref<544xf32, #tpu.memory_space<vmem>>[vector<16xi32>], vector<16xf32>,
      %add3A_1436 = arith.constant 170 : i32
      %add3A_1437 = vector.broadcast %add3A_1436 : i32 to vector<16xi32>
      %add3A_1438 = arith.addi %iota3A_1305, %add3A_1437 : vector<16xi32>
      tpu.vector_store_idx %arg18[%add3A_1438], %scan3A_1374#20 : memref<544xf32, #tpu.memory_space<vmem>>[vector<16xi32>], vector<16xf32>,
      %add3A_1439 = arith.constant 442 : i32
      %add3A_1440 = vector.broadcast %add3A_1439 : i32 to vector<16xi32>
      %add3A_1441 = arith.addi %iota3A_1305, %add3A_1440 : vector<16xi32>
      tpu.vector_store_idx %arg18[%add3A_1441], %scan3A_1374#21 : memref<544xf32, #tpu.memory_space<vmem>>[vector<16xi32>], vector<16xf32>,
      %add3A_1442 = arith.constant 187 : i32
      %add3A_1443 = vector.broadcast %add3A_1442 : i32 to vector<16xi32>
      %add3A_1444 = arith.addi %iota3A_1305, %add3A_1443 : vector<16xi32>
      tpu.vector_store_idx %arg18[%add3A_1444], %scan3A_1374#22 : memref<544xf32, #tpu.memory_space<vmem>>[vector<16xi32>], vector<16xf32>,
      %add3A_1445 = arith.constant 459 : i32
      %add3A_1446 = vector.broadcast %add3A_1445 : i32 to vector<16xi32>
      %add3A_1447 = arith.addi %iota3A_1305, %add3A_1446 : vector<16xi32>
      tpu.vector_store_idx %arg18[%add3A_1447], %scan3A_1374#23 : memref<544xf32, #tpu.memory_space<vmem>>[vector<16xi32>], vector<16xf32>,
      %add3A_1448 = arith.constant 204 : i32
      %add3A_1449 = vector.broadcast %add3A_1448 : i32 to vector<16xi32>
      %add3A_1450 = arith.addi %iota3A_1305, %add3A_1449 : vector<16xi32>
      tpu.vector_store_idx %arg18[%add3A_1450], %scan3A_1374#24 : memref<544xf32, #tpu.memory_space<vmem>>[vector<16xi32>], vector<16xf32>,
      %add3A_1451 = arith.constant 476 : i32
      %add3A_1452 = vector.broadcast %add3A_1451 : i32 to vector<16xi32>
      %add3A_1453 = arith.addi %iota3A_1305, %add3A_1452 : vector<16xi32>
      tpu.vector_store_idx %arg18[%add3A_1453], %scan3A_1374#25 : memref<544xf32, #tpu.memory_space<vmem>>[vector<16xi32>], vector<16xf32>,
      %add3A_1454 = arith.constant 221 : i32
      %add3A_1455 = vector.broadcast %add3A_1454 : i32 to vector<16xi32>
      %add3A_1456 = arith.addi %iota3A_1305, %add3A_1455 : vector<16xi32>
      tpu.vector_store_idx %arg18[%add3A_1456], %scan3A_1374#26 : memref<544xf32, #tpu.memory_space<vmem>>[vector<16xi32>], vector<16xf32>,
      %add3A_1457 = arith.constant 493 : i32
      %add3A_1458 = vector.broadcast %add3A_1457 : i32 to vector<16xi32>
      %add3A_1459 = arith.addi %iota3A_1305, %add3A_1458 : vector<16xi32>
      tpu.vector_store_idx %arg18[%add3A_1459], %scan3A_1374#27 : memref<544xf32, #tpu.memory_space<vmem>>[vector<16xi32>], vector<16xf32>,
      %add3A_1460 = arith.constant 238 : i32
      %add3A_1461 = vector.broadcast %add3A_1460 : i32 to vector<16xi32>
      %add3A_1462 = arith.addi %iota3A_1305, %add3A_1461 : vector<16xi32>
      tpu.vector_store_idx %arg18[%add3A_1462], %scan3A_1374#28 : memref<544xf32, #tpu.memory_space<vmem>>[vector<16xi32>], vector<16xf32>,
      %add3A_1463 = arith.constant 510 : i32
      %add3A_1464 = vector.broadcast %add3A_1463 : i32 to vector<16xi32>
      %add3A_1465 = arith.addi %iota3A_1305, %add3A_1464 : vector<16xi32>
      tpu.vector_store_idx %arg18[%add3A_1465], %scan3A_1374#29 : memref<544xf32, #tpu.memory_space<vmem>>[vector<16xi32>], vector<16xf32>,
      %add3A_1466 = arith.constant 255 : i32
      %add3A_1467 = vector.broadcast %add3A_1466 : i32 to vector<16xi32>
      %add3A_1468 = arith.addi %iota3A_1305, %add3A_1467 : vector<16xi32>
      tpu.vector_store_idx %arg18[%add3A_1468], %scan3A_1374#30 : memref<544xf32, #tpu.memory_space<vmem>>[vector<16xi32>], vector<16xf32>,
      %add3A_1469 = arith.constant 527 : i32
      %add3A_1470 = vector.broadcast %add3A_1469 : i32 to vector<16xi32>
      %add3A_1471 = arith.addi %iota3A_1305, %add3A_1470 : vector<16xi32>
      tpu.vector_store_idx %arg18[%add3A_1471], %scan3A_1374#31 : memref<544xf32, #tpu.memory_space<vmem>>[vector<16xi32>], vector<16xf32>,
      %broadcast_in_dim3A_1472 = arith.constant 0.000000e+00 : f32
      %broadcast_in_dim3A_1473 = vector.broadcast %broadcast_in_dim3A_1472 : f32 to vector<16xf32>
      %broadcast_in_dim3A_1474 = arith.constant 0.000000e+00 : f32
      %broadcast_in_dim3A_1475 = vector.broadcast %broadcast_in_dim3A_1474 : f32 to vector<16xf32>
      %mul3A_1476 = arith.constant 17 : i32
      %mul3A_1477 = vector.broadcast %mul3A_1476 : i32 to vector<16xi32>
      %mul3A_1478 = arith.muli %iota3A_1305, %mul3A_1477 : vector<16xi32>
      %add3A_1479 = arith.constant 0 : i32
      %add3A_1480 = vector.broadcast %add3A_1479 : i32 to vector<16xi32>
      %add3A_1481 = arith.addi %mul3A_1478, %add3A_1480 : vector<16xi32>
      %gather3A_1482 = tpu.vector_load_idx %arg18[%add3A_1481] : memref<544xf32, #tpu.memory_space<vmem>>[vector<16xi32>], vector<16xf32>,
      %add3A_1483 = arith.addf %broadcast_in_dim3A_1473, %gather3A_1482 : vector<16xf32>
      %mul3A_1484 = arith.constant 17 : i32
      %mul3A_1485 = vector.broadcast %mul3A_1484 : i32 to vector<16xi32>
      %mul3A_1486 = arith.muli %iota3A_1305, %mul3A_1485 : vector<16xi32>
      %add3A_1487 = arith.constant 272 : i32
      %add3A_1488 = vector.broadcast %add3A_1487 : i32 to vector<16xi32>
      %add3A_1489 = arith.addi %mul3A_1486, %add3A_1488 : vector<16xi32>
      %gather3A_1490 = tpu.vector_load_idx %arg18[%add3A_1489] : memref<544xf32, #tpu.memory_space<vmem>>[vector<16xi32>], vector<16xf32>,
      %add3A_1491 = arith.addf %broadcast_in_dim3A_1475, %gather3A_1490 : vector<16xf32>
      %mul3A_1492 = arith.constant 17 : i32
      %mul3A_1493 = vector.broadcast %mul3A_1492 : i32 to vector<16xi32>
      %mul3A_1494 = arith.muli %iota3A_1305, %mul3A_1493 : vector<16xi32>
      %add3A_1495 = arith.constant 1 : i32
      %add3A_1496 = vector.broadcast %add3A_1495 : i32 to vector<16xi32>
      %add3A_1497 = arith.addi %mul3A_1494, %add3A_1496 : vector<16xi32>
      %gather3A_1498 = tpu.vector_load_idx %arg18[%add3A_1497] : memref<544xf32, #tpu.memory_space<vmem>>[vector<16xi32>], vector<16xf32>,
      %add3A_1499 = arith.addf %add3A_1483, %gather3A_1498 : vector<16xf32>
      %mul3A_1500 = arith.constant 17 : i32
      %mul3A_1501 = vector.broadcast %mul3A_1500 : i32 to vector<16xi32>
      %mul3A_1502 = arith.muli %iota3A_1305, %mul3A_1501 : vector<16xi32>
      %add3A_1503 = arith.constant 273 : i32
      %add3A_1504 = vector.broadcast %add3A_1503 : i32 to vector<16xi32>
      %add3A_1505 = arith.addi %mul3A_1502, %add3A_1504 : vector<16xi32>
      %gather3A_1506 = tpu.vector_load_idx %arg18[%add3A_1505] : memref<544xf32, #tpu.memory_space<vmem>>[vector<16xi32>], vector<16xf32>,
      %add3A_1507 = arith.addf %add3A_1491, %gather3A_1506 : vector<16xf32>
      %mul3A_1508 = arith.constant 17 : i32
      %mul3A_1509 = vector.broadcast %mul3A_1508 : i32 to vector<16xi32>
      %mul3A_1510 = arith.muli %iota3A_1305, %mul3A_1509 : vector<16xi32>
      %add3A_1511 = arith.constant 2 : i32
      %add3A_1512 = vector.broadcast %add3A_1511 : i32 to vector<16xi32>
      %add3A_1513 = arith.addi %mul3A_1510, %add3A_1512 : vector<16xi32>
      %gather3A_1514 = tpu.vector_load_idx %arg18[%add3A_1513] : memref<544xf32, #tpu.memory_space<vmem>>[vector<16xi32>], vector<16xf32>,
      %add3A_1515 = arith.addf %add3A_1499, %gather3A_1514 : vector<16xf32>
      %mul3A_1516 = arith.constant 17 : i32
      %mul3A_1517 = vector.broadcast %mul3A_1516 : i32 to vector<16xi32>
      %mul3A_1518 = arith.muli %iota3A_1305, %mul3A_1517 : vector<16xi32>
      %add3A_1519 = arith.constant 274 : i32
      %add3A_1520 = vector.broadcast %add3A_1519 : i32 to vector<16xi32>
      %add3A_1521 = arith.addi %mul3A_1518, %add3A_1520 : vector<16xi32>
      %gather3A_1522 = tpu.vector_load_idx %arg18[%add3A_1521] : memref<544xf32, #tpu.memory_space<vmem>>[vector<16xi32>], vector<16xf32>,
      %add3A_1523 = arith.addf %add3A_1507, %gather3A_1522 : vector<16xf32>
      %mul3A_1524 = arith.constant 17 : i32
      %mul3A_1525 = vector.broadcast %mul3A_1524 : i32 to vector<16xi32>
      %mul3A_1526 = arith.muli %iota3A_1305, %mul3A_1525 : vector<16xi32>
      %add3A_1527 = arith.constant 3 : i32
      %add3A_1528 = vector.broadcast %add3A_1527 : i32 to vector<16xi32>
      %add3A_1529 = arith.addi %mul3A_1526, %add3A_1528 : vector<16xi32>
      %gather3A_1530 = tpu.vector_load_idx %arg18[%add3A_1529] : memref<544xf32, #tpu.memory_space<vmem>>[vector<16xi32>], vector<16xf32>,
      %add3A_1531 = arith.addf %add3A_1515, %gather3A_1530 : vector<16xf32>
      %mul3A_1532 = arith.constant 17 : i32
      %mul3A_1533 = vector.broadcast %mul3A_1532 : i32 to vector<16xi32>
      %mul3A_1534 = arith.muli %iota3A_1305, %mul3A_1533 : vector<16xi32>
      %add3A_1535 = arith.constant 275 : i32
      %add3A_1536 = vector.broadcast %add3A_1535 : i32 to vector<16xi32>
      %add3A_1537 = arith.addi %mul3A_1534, %add3A_1536 : vector<16xi32>
      %gather3A_1538 = tpu.vector_load_idx %arg18[%add3A_1537] : memref<544xf32, #tpu.memory_space<vmem>>[vector<16xi32>], vector<16xf32>,
      %add3A_1539 = arith.addf %add3A_1523, %gather3A_1538 : vector<16xf32>
      %mul3A_1540 = arith.constant 17 : i32
      %mul3A_1541 = vector.broadcast %mul3A_1540 : i32 to vector<16xi32>
      %mul3A_1542 = arith.muli %iota3A_1305, %mul3A_1541 : vector<16xi32>
      %add3A_1543 = arith.constant 4 : i32
      %add3A_1544 = vector.broadcast %add3A_1543 : i32 to vector<16xi32>
      %add3A_1545 = arith.addi %mul3A_1542, %add3A_1544 : vector<16xi32>
      %gather3A_1546 = tpu.vector_load_idx %arg18[%add3A_1545] : memref<544xf32, #tpu.memory_space<vmem>>[vector<16xi32>], vector<16xf32>,
      %add3A_1547 = arith.addf %add3A_1531, %gather3A_1546 : vector<16xf32>
      %mul3A_1548 = arith.constant 17 : i32
      %mul3A_1549 = vector.broadcast %mul3A_1548 : i32 to vector<16xi32>
      %mul3A_1550 = arith.muli %iota3A_1305, %mul3A_1549 : vector<16xi32>
      %add3A_1551 = arith.constant 276 : i32
      %add3A_1552 = vector.broadcast %add3A_1551 : i32 to vector<16xi32>
      %add3A_1553 = arith.addi %mul3A_1550, %add3A_1552 : vector<16xi32>
      %gather3A_1554 = tpu.vector_load_idx %arg18[%add3A_1553] : memref<544xf32, #tpu.memory_space<vmem>>[vector<16xi32>], vector<16xf32>,
      %add3A_1555 = arith.addf %add3A_1539, %gather3A_1554 : vector<16xf32>
      %mul3A_1556 = arith.constant 17 : i32
      %mul3A_1557 = vector.broadcast %mul3A_1556 : i32 to vector<16xi32>
      %mul3A_1558 = arith.muli %iota3A_1305, %mul3A_1557 : vector<16xi32>
      %add3A_1559 = arith.constant 5 : i32
      %add3A_1560 = vector.broadcast %add3A_1559 : i32 to vector<16xi32>
      %add3A_1561 = arith.addi %mul3A_1558, %add3A_1560 : vector<16xi32>
      %gather3A_1562 = tpu.vector_load_idx %arg18[%add3A_1561] : memref<544xf32, #tpu.memory_space<vmem>>[vector<16xi32>], vector<16xf32>,
      %add3A_1563 = arith.addf %add3A_1547, %gather3A_1562 : vector<16xf32>
      %mul3A_1564 = arith.constant 17 : i32
      %mul3A_1565 = vector.broadcast %mul3A_1564 : i32 to vector<16xi32>
      %mul3A_1566 = arith.muli %iota3A_1305, %mul3A_1565 : vector<16xi32>
      %add3A_1567 = arith.constant 277 : i32
      %add3A_1568 = vector.broadcast %add3A_1567 : i32 to vector<16xi32>
      %add3A_1569 = arith.addi %mul3A_1566, %add3A_1568 : vector<16xi32>
      %gather3A_1570 = tpu.vector_load_idx %arg18[%add3A_1569] : memref<544xf32, #tpu.memory_space<vmem>>[vector<16xi32>], vector<16xf32>,
      %add3A_1571 = arith.addf %add3A_1555, %gather3A_1570 : vector<16xf32>
      %mul3A_1572 = arith.constant 17 : i32
      %mul3A_1573 = vector.broadcast %mul3A_1572 : i32 to vector<16xi32>
      %mul3A_1574 = arith.muli %iota3A_1305, %mul3A_1573 : vector<16xi32>
      %add3A_1575 = arith.constant 6 : i32
      %add3A_1576 = vector.broadcast %add3A_1575 : i32 to vector<16xi32>
      %add3A_1577 = arith.addi %mul3A_1574, %add3A_1576 : vector<16xi32>
      %gather3A_1578 = tpu.vector_load_idx %arg18[%add3A_1577] : memref<544xf32, #tpu.memory_space<vmem>>[vector<16xi32>], vector<16xf32>,
      %add3A_1579 = arith.addf %add3A_1563, %gather3A_1578 : vector<16xf32>
      %mul3A_1580 = arith.constant 17 : i32
      %mul3A_1581 = vector.broadcast %mul3A_1580 : i32 to vector<16xi32>
      %mul3A_1582 = arith.muli %iota3A_1305, %mul3A_1581 : vector<16xi32>
      %add3A_1583 = arith.constant 278 : i32
      %add3A_1584 = vector.broadcast %add3A_1583 : i32 to vector<16xi32>
      %add3A_1585 = arith.addi %mul3A_1582, %add3A_1584 : vector<16xi32>
      %gather3A_1586 = tpu.vector_load_idx %arg18[%add3A_1585] : memref<544xf32, #tpu.memory_space<vmem>>[vector<16xi32>], vector<16xf32>,
      %add3A_1587 = arith.addf %add3A_1571, %gather3A_1586 : vector<16xf32>
      %mul3A_1588 = arith.constant 17 : i32
      %mul3A_1589 = vector.broadcast %mul3A_1588 : i32 to vector<16xi32>
      %mul3A_1590 = arith.muli %iota3A_1305, %mul3A_1589 : vector<16xi32>
      %add3A_1591 = arith.constant 7 : i32
      %add3A_1592 = vector.broadcast %add3A_1591 : i32 to vector<16xi32>
      %add3A_1593 = arith.addi %mul3A_1590, %add3A_1592 : vector<16xi32>
      %gather3A_1594 = tpu.vector_load_idx %arg18[%add3A_1593] : memref<544xf32, #tpu.memory_space<vmem>>[vector<16xi32>], vector<16xf32>,
      %add3A_1595 = arith.addf %add3A_1579, %gather3A_1594 : vector<16xf32>
      %mul3A_1596 = arith.constant 17 : i32
      %mul3A_1597 = vector.broadcast %mul3A_1596 : i32 to vector<16xi32>
      %mul3A_1598 = arith.muli %iota3A_1305, %mul3A_1597 : vector<16xi32>
      %add3A_1599 = arith.constant 279 : i32
      %add3A_1600 = vector.broadcast %add3A_1599 : i32 to vector<16xi32>
      %add3A_1601 = arith.addi %mul3A_1598, %add3A_1600 : vector<16xi32>
      %gather3A_1602 = tpu.vector_load_idx %arg18[%add3A_1601] : memref<544xf32, #tpu.memory_space<vmem>>[vector<16xi32>], vector<16xf32>,
      %add3A_1603 = arith.addf %add3A_1587, %gather3A_1602 : vector<16xf32>
      %mul3A_1604 = arith.constant 17 : i32
      %mul3A_1605 = vector.broadcast %mul3A_1604 : i32 to vector<16xi32>
      %mul3A_1606 = arith.muli %iota3A_1305, %mul3A_1605 : vector<16xi32>
      %add3A_1607 = arith.constant 8 : i32
      %add3A_1608 = vector.broadcast %add3A_1607 : i32 to vector<16xi32>
      %add3A_1609 = arith.addi %mul3A_1606, %add3A_1608 : vector<16xi32>
      %gather3A_1610 = tpu.vector_load_idx %arg18[%add3A_1609] : memref<544xf32, #tpu.memory_space<vmem>>[vector<16xi32>], vector<16xf32>,
      %add3A_1611 = arith.addf %add3A_1595, %gather3A_1610 : vector<16xf32>
      %mul3A_1612 = arith.constant 17 : i32
      %mul3A_1613 = vector.broadcast %mul3A_1612 : i32 to vector<16xi32>
      %mul3A_1614 = arith.muli %iota3A_1305, %mul3A_1613 : vector<16xi32>
      %add3A_1615 = arith.constant 280 : i32
      %add3A_1616 = vector.broadcast %add3A_1615 : i32 to vector<16xi32>
      %add3A_1617 = arith.addi %mul3A_1614, %add3A_1616 : vector<16xi32>
      %gather3A_1618 = tpu.vector_load_idx %arg18[%add3A_1617] : memref<544xf32, #tpu.memory_space<vmem>>[vector<16xi32>], vector<16xf32>,
      %add3A_1619 = arith.addf %add3A_1603, %gather3A_1618 : vector<16xf32>
      %mul3A_1620 = arith.constant 17 : i32
      %mul3A_1621 = vector.broadcast %mul3A_1620 : i32 to vector<16xi32>
      %mul3A_1622 = arith.muli %iota3A_1305, %mul3A_1621 : vector<16xi32>
      %add3A_1623 = arith.constant 9 : i32
      %add3A_1624 = vector.broadcast %add3A_1623 : i32 to vector<16xi32>
      %add3A_1625 = arith.addi %mul3A_1622, %add3A_1624 : vector<16xi32>
      %gather3A_1626 = tpu.vector_load_idx %arg18[%add3A_1625] : memref<544xf32, #tpu.memory_space<vmem>>[vector<16xi32>], vector<16xf32>,
      %add3A_1627 = arith.addf %add3A_1611, %gather3A_1626 : vector<16xf32>
      %mul3A_1628 = arith.constant 17 : i32
      %mul3A_1629 = vector.broadcast %mul3A_1628 : i32 to vector<16xi32>
      %mul3A_1630 = arith.muli %iota3A_1305, %mul3A_1629 : vector<16xi32>
      %add3A_1631 = arith.constant 281 : i32
      %add3A_1632 = vector.broadcast %add3A_1631 : i32 to vector<16xi32>
      %add3A_1633 = arith.addi %mul3A_1630, %add3A_1632 : vector<16xi32>
      %gather3A_1634 = tpu.vector_load_idx %arg18[%add3A_1633] : memref<544xf32, #tpu.memory_space<vmem>>[vector<16xi32>], vector<16xf32>,
      %add3A_1635 = arith.addf %add3A_1619, %gather3A_1634 : vector<16xf32>
      %mul3A_1636 = arith.constant 17 : i32
      %mul3A_1637 = vector.broadcast %mul3A_1636 : i32 to vector<16xi32>
      %mul3A_1638 = arith.muli %iota3A_1305, %mul3A_1637 : vector<16xi32>
      %add3A_1639 = arith.constant 10 : i32
      %add3A_1640 = vector.broadcast %add3A_1639 : i32 to vector<16xi32>
      %add3A_1641 = arith.addi %mul3A_1638, %add3A_1640 : vector<16xi32>
      %gather3A_1642 = tpu.vector_load_idx %arg18[%add3A_1641] : memref<544xf32, #tpu.memory_space<vmem>>[vector<16xi32>], vector<16xf32>,
      %add3A_1643 = arith.addf %add3A_1627, %gather3A_1642 : vector<16xf32>
      %mul3A_1644 = arith.constant 17 : i32
      %mul3A_1645 = vector.broadcast %mul3A_1644 : i32 to vector<16xi32>
      %mul3A_1646 = arith.muli %iota3A_1305, %mul3A_1645 : vector<16xi32>
      %add3A_1647 = arith.constant 282 : i32
      %add3A_1648 = vector.broadcast %add3A_1647 : i32 to vector<16xi32>
      %add3A_1649 = arith.addi %mul3A_1646, %add3A_1648 : vector<16xi32>
      %gather3A_1650 = tpu.vector_load_idx %arg18[%add3A_1649] : memref<544xf32, #tpu.memory_space<vmem>>[vector<16xi32>], vector<16xf32>,
      %add3A_1651 = arith.addf %add3A_1635, %gather3A_1650 : vector<16xf32>
      %mul3A_1652 = arith.constant 17 : i32
      %mul3A_1653 = vector.broadcast %mul3A_1652 : i32 to vector<16xi32>
      %mul3A_1654 = arith.muli %iota3A_1305, %mul3A_1653 : vector<16xi32>
      %add3A_1655 = arith.constant 11 : i32
      %add3A_1656 = vector.broadcast %add3A_1655 : i32 to vector<16xi32>
      %add3A_1657 = arith.addi %mul3A_1654, %add3A_1656 : vector<16xi32>
      %gather3A_1658 = tpu.vector_load_idx %arg18[%add3A_1657] : memref<544xf32, #tpu.memory_space<vmem>>[vector<16xi32>], vector<16xf32>,
      %add3A_1659 = arith.addf %add3A_1643, %gather3A_1658 : vector<16xf32>
      %mul3A_1660 = arith.constant 17 : i32
      %mul3A_1661 = vector.broadcast %mul3A_1660 : i32 to vector<16xi32>
      %mul3A_1662 = arith.muli %iota3A_1305, %mul3A_1661 : vector<16xi32>
      %add3A_1663 = arith.constant 283 : i32
      %add3A_1664 = vector.broadcast %add3A_1663 : i32 to vector<16xi32>
      %add3A_1665 = arith.addi %mul3A_1662, %add3A_1664 : vector<16xi32>
      %gather3A_1666 = tpu.vector_load_idx %arg18[%add3A_1665] : memref<544xf32, #tpu.memory_space<vmem>>[vector<16xi32>], vector<16xf32>,
      %add3A_1667 = arith.addf %add3A_1651, %gather3A_1666 : vector<16xf32>
      %mul3A_1668 = arith.constant 17 : i32
      %mul3A_1669 = vector.broadcast %mul3A_1668 : i32 to vector<16xi32>
      %mul3A_1670 = arith.muli %iota3A_1305, %mul3A_1669 : vector<16xi32>
      %add3A_1671 = arith.constant 12 : i32
      %add3A_1672 = vector.broadcast %add3A_1671 : i32 to vector<16xi32>
      %add3A_1673 = arith.addi %mul3A_1670, %add3A_1672 : vector<16xi32>
      %gather3A_1674 = tpu.vector_load_idx %arg18[%add3A_1673] : memref<544xf32, #tpu.memory_space<vmem>>[vector<16xi32>], vector<16xf32>,
      %add3A_1675 = arith.addf %add3A_1659, %gather3A_1674 : vector<16xf32>
      %mul3A_1676 = arith.constant 17 : i32
      %mul3A_1677 = vector.broadcast %mul3A_1676 : i32 to vector<16xi32>
      %mul3A_1678 = arith.muli %iota3A_1305, %mul3A_1677 : vector<16xi32>
      %add3A_1679 = arith.constant 284 : i32
      %add3A_1680 = vector.broadcast %add3A_1679 : i32 to vector<16xi32>
      %add3A_1681 = arith.addi %mul3A_1678, %add3A_1680 : vector<16xi32>
      %gather3A_1682 = tpu.vector_load_idx %arg18[%add3A_1681] : memref<544xf32, #tpu.memory_space<vmem>>[vector<16xi32>], vector<16xf32>,
      %add3A_1683 = arith.addf %add3A_1667, %gather3A_1682 : vector<16xf32>
      %mul3A_1684 = arith.constant 17 : i32
      %mul3A_1685 = vector.broadcast %mul3A_1684 : i32 to vector<16xi32>
      %mul3A_1686 = arith.muli %iota3A_1305, %mul3A_1685 : vector<16xi32>
      %add3A_1687 = arith.constant 13 : i32
      %add3A_1688 = vector.broadcast %add3A_1687 : i32 to vector<16xi32>
      %add3A_1689 = arith.addi %mul3A_1686, %add3A_1688 : vector<16xi32>
      %gather3A_1690 = tpu.vector_load_idx %arg18[%add3A_1689] : memref<544xf32, #tpu.memory_space<vmem>>[vector<16xi32>], vector<16xf32>,
      %add3A_1691 = arith.addf %add3A_1675, %gather3A_1690 : vector<16xf32>
      %mul3A_1692 = arith.constant 17 : i32
      %mul3A_1693 = vector.broadcast %mul3A_1692 : i32 to vector<16xi32>
      %mul3A_1694 = arith.muli %iota3A_1305, %mul3A_1693 : vector<16xi32>
      %add3A_1695 = arith.constant 285 : i32
      %add3A_1696 = vector.broadcast %add3A_1695 : i32 to vector<16xi32>
      %add3A_1697 = arith.addi %mul3A_1694, %add3A_1696 : vector<16xi32>
      %gather3A_1698 = tpu.vector_load_idx %arg18[%add3A_1697] : memref<544xf32, #tpu.memory_space<vmem>>[vector<16xi32>], vector<16xf32>,
      %add3A_1699 = arith.addf %add3A_1683, %gather3A_1698 : vector<16xf32>
      %mul3A_1700 = arith.constant 17 : i32
      %mul3A_1701 = vector.broadcast %mul3A_1700 : i32 to vector<16xi32>
      %mul3A_1702 = arith.muli %iota3A_1305, %mul3A_1701 : vector<16xi32>
      %add3A_1703 = arith.constant 14 : i32
      %add3A_1704 = vector.broadcast %add3A_1703 : i32 to vector<16xi32>
      %add3A_1705 = arith.addi %mul3A_1702, %add3A_1704 : vector<16xi32>
      %gather3A_1706 = tpu.vector_load_idx %arg18[%add3A_1705] : memref<544xf32, #tpu.memory_space<vmem>>[vector<16xi32>], vector<16xf32>,
      %add3A_1707 = arith.addf %add3A_1691, %gather3A_1706 : vector<16xf32>
      %mul3A_1708 = arith.constant 17 : i32
      %mul3A_1709 = vector.broadcast %mul3A_1708 : i32 to vector<16xi32>
      %mul3A_1710 = arith.muli %iota3A_1305, %mul3A_1709 : vector<16xi32>
      %add3A_1711 = arith.constant 286 : i32
      %add3A_1712 = vector.broadcast %add3A_1711 : i32 to vector<16xi32>
      %add3A_1713 = arith.addi %mul3A_1710, %add3A_1712 : vector<16xi32>
      %gather3A_1714 = tpu.vector_load_idx %arg18[%add3A_1713] : memref<544xf32, #tpu.memory_space<vmem>>[vector<16xi32>], vector<16xf32>,
      %add3A_1715 = arith.addf %add3A_1699, %gather3A_1714 : vector<16xf32>
      %mul3A_1716 = arith.constant 17 : i32
      %mul3A_1717 = vector.broadcast %mul3A_1716 : i32 to vector<16xi32>
      %mul3A_1718 = arith.muli %iota3A_1305, %mul3A_1717 : vector<16xi32>
      %add3A_1719 = arith.constant 15 : i32
      %add3A_1720 = vector.broadcast %add3A_1719 : i32 to vector<16xi32>
      %add3A_1721 = arith.addi %mul3A_1718, %add3A_1720 : vector<16xi32>
      %gather3A_1722 = tpu.vector_load_idx %arg18[%add3A_1721] : memref<544xf32, #tpu.memory_space<vmem>>[vector<16xi32>], vector<16xf32>,
      %add3A_1723 = arith.addf %add3A_1707, %gather3A_1722 : vector<16xf32>
      %mul3A_1724 = arith.constant 17 : i32
      %mul3A_1725 = vector.broadcast %mul3A_1724 : i32 to vector<16xi32>
      %mul3A_1726 = arith.muli %iota3A_1305, %mul3A_1725 : vector<16xi32>
      %add3A_1727 = arith.constant 287 : i32
      %add3A_1728 = vector.broadcast %add3A_1727 : i32 to vector<16xi32>
      %add3A_1729 = arith.addi %mul3A_1726, %add3A_1728 : vector<16xi32>
      %gather3A_1730 = tpu.vector_load_idx %arg18[%add3A_1729] : memref<544xf32, #tpu.memory_space<vmem>>[vector<16xi32>], vector<16xf32>,
      %add3A_1731 = arith.addf %add3A_1715, %gather3A_1730 : vector<16xf32>
      %mul3A_1732 = arith.constant 0.00130208337 : f32
      %mul3A_1733 = vector.broadcast %mul3A_1732 : f32 to vector<16xf32>
      %mul3A_1734 = arith.mulf %add3A_1723, %mul3A_1733 : vector<16xf32>
      %mul3A_1735 = arith.constant 0.00130208337 : f32
      %mul3A_1736 = vector.broadcast %mul3A_1735 : f32 to vector<16xf32>
      %mul3A_1737 = arith.mulf %add3A_1731, %mul3A_1736 : vector<16xf32>
      %mul3A_1738 = arith.mulf %mul3A_1734, %mul3A_1734 : vector<16xf32>
      %sub3A_1739 = arith.subf %mul3A_1737, %mul3A_1738 : vector<16xf32>
      %add3A_1740 = arith.constant 9.99999996E-13 : f32
      %add3A_1741 = vector.broadcast %add3A_1740 : f32 to vector<16xf32>
      %add3A_1742 = arith.addf %sub3A_1739, %add3A_1741 : vector<16xf32>
      %bitcast_convert_type3A_1743 = tpu.bitcast %add3A_1742 : vector<16xf32> -> vector<16xi32>
      %broadcast_in_dim3A_1744 = arith.constant 1597463007 : i32
      %broadcast_in_dim3A_1745 = vector.broadcast %broadcast_in_dim3A_1744 : i32 to vector<16xi32>
      %shift_right_arithmetic3A_1746 = arith.constant 1 : i32
      %shift_right_arithmetic3A_1747 = vector.broadcast %shift_right_arithmetic3A_1746 : i32 to vector<16xi32>
      %shift_right_arithmetic3A_1748 = arith.shrsi %bitcast_convert_type3A_1743, %shift_right_arithmetic3A_1747 : vector<16xi32>
      %sub3A_1749 = arith.subi %broadcast_in_dim3A_1745, %shift_right_arithmetic3A_1748 : vector<16xi32>
      %bitcast_convert_type3A_1750 = tpu.bitcast %sub3A_1749 : vector<16xi32> -> vector<16xf32>
      %mul3A_1751 = arith.constant 5.000000e-01 : f32
      %mul3A_1752 = vector.broadcast %mul3A_1751 : f32 to vector<16xf32>
      %mul3A_1753 = arith.mulf %mul3A_1752, %add3A_1742 : vector<16xf32>
      %mul3A_1754 = arith.mulf %mul3A_1753, %bitcast_convert_type3A_1750 : vector<16xf32>
      %mul3A_1755 = arith.mulf %mul3A_1754, %bitcast_convert_type3A_1750 : vector<16xf32>
      %sub3A_1756 = arith.constant 1.500000e+00 : f32
      %sub3A_1757 = vector.broadcast %sub3A_1756 : f32 to vector<16xf32>
      %sub3A_1758 = arith.subf %sub3A_1757, %mul3A_1755 : vector<16xf32>
      %mul3A_1759 = arith.mulf %bitcast_convert_type3A_1750, %sub3A_1758 : vector<16xf32>
      %mul3A_1760 = arith.constant 5.000000e-01 : f32
      %mul3A_1761 = vector.broadcast %mul3A_1760 : f32 to vector<16xf32>
      %mul3A_1762 = arith.mulf %mul3A_1761, %add3A_1742 : vector<16xf32>
      %mul3A_1763 = arith.mulf %mul3A_1762, %mul3A_1759 : vector<16xf32>
      %mul3A_1764 = arith.mulf %mul3A_1763, %mul3A_1759 : vector<16xf32>
      %sub3A_1765 = arith.constant 1.500000e+00 : f32
      %sub3A_1766 = vector.broadcast %sub3A_1765 : f32 to vector<16xf32>
      %sub3A_1767 = arith.subf %sub3A_1766, %mul3A_1764 : vector<16xf32>
      %mul3A_1768 = arith.mulf %mul3A_1759, %sub3A_1767 : vector<16xf32>
      %mul3A_1769 = arith.constant 5.000000e-01 : f32
      %mul3A_1770 = vector.broadcast %mul3A_1769 : f32 to vector<16xf32>
      %mul3A_1771 = arith.mulf %mul3A_1770, %add3A_1742 : vector<16xf32>
      %mul3A_1772 = arith.mulf %mul3A_1771, %mul3A_1768 : vector<16xf32>
      %mul3A_1773 = arith.mulf %mul3A_1772, %mul3A_1768 : vector<16xf32>
      %sub3A_1774 = arith.constant 1.500000e+00 : f32
      %sub3A_1775 = vector.broadcast %sub3A_1774 : f32 to vector<16xf32>
      %sub3A_1776 = arith.subf %sub3A_1775, %mul3A_1773 : vector<16xf32>
      %mul3A_1777 = arith.mulf %mul3A_1768, %sub3A_1776 : vector<16xf32>
      %neg3A_1778 = arith.constant 0.000000e+00 : f32
      %neg3A_1779 = vector.broadcast %neg3A_1778 : f32 to vector<16xf32>
      %neg3A_1780 = arith.subf %neg3A_1779, %mul3A_1734 : vector<16xf32>
      %mul3A_1781 = arith.mulf %neg3A_1780, %mul3A_1777 : vector<16xf32>
      %slice3A_1782 = vector.extract_strided_slice %mul3A_1777 {offsets = [0], sizes = [1], strides = [1]} : vector<16xf32> to vector<1xf32>
      %squeeze3A_1783 = vector.extract %slice3A_1782[0] : f32 from vector<1xf32>
      %broadcast_in_dim3A_1784 = vector.broadcast %squeeze3A_1783 : f32 to vector<16xf32>
      %slice3A_1785 = vector.extract_strided_slice %mul3A_1777 {offsets = [1], sizes = [1], strides = [1]} : vector<16xf32> to vector<1xf32>
      %squeeze3A_1786 = vector.extract %slice3A_1785[0] : f32 from vector<1xf32>
      %broadcast_in_dim3A_1787 = vector.broadcast %squeeze3A_1786 : f32 to vector<16xf32>
      %slice3A_1788 = vector.extract_strided_slice %mul3A_1777 {offsets = [2], sizes = [1], strides = [1]} : vector<16xf32> to vector<1xf32>
      %squeeze3A_1789 = vector.extract %slice3A_1788[0] : f32 from vector<1xf32>
      %broadcast_in_dim3A_1790 = vector.broadcast %squeeze3A_1789 : f32 to vector<16xf32>
      %slice3A_1791 = vector.extract_strided_slice %mul3A_1777 {offsets = [3], sizes = [1], strides = [1]} : vector<16xf32> to vector<1xf32>
      %squeeze3A_1792 = vector.extract %slice3A_1791[0] : f32 from vector<1xf32>
      %broadcast_in_dim3A_1793 = vector.broadcast %squeeze3A_1792 : f32 to vector<16xf32>
      %slice3A_1794 = vector.extract_strided_slice %mul3A_1777 {offsets = [4], sizes = [1], strides = [1]} : vector<16xf32> to vector<1xf32>
      %squeeze3A_1795 = vector.extract %slice3A_1794[0] : f32 from vector<1xf32>
      %broadcast_in_dim3A_1796 = vector.broadcast %squeeze3A_1795 : f32 to vector<16xf32>
      %slice3A_1797 = vector.extract_strided_slice %mul3A_1777 {offsets = [5], sizes = [1], strides = [1]} : vector<16xf32> to vector<1xf32>
      %squeeze3A_1798 = vector.extract %slice3A_1797[0] : f32 from vector<1xf32>
      %broadcast_in_dim3A_1799 = vector.broadcast %squeeze3A_1798 : f32 to vector<16xf32>
      %slice3A_1800 = vector.extract_strided_slice %mul3A_1777 {offsets = [6], sizes = [1], strides = [1]} : vector<16xf32> to vector<1xf32>
      %squeeze3A_1801 = vector.extract %slice3A_1800[0] : f32 from vector<1xf32>
      %broadcast_in_dim3A_1802 = vector.broadcast %squeeze3A_1801 : f32 to vector<16xf32>
      %slice3A_1803 = vector.extract_strided_slice %mul3A_1777 {offsets = [7], sizes = [1], strides = [1]} : vector<16xf32> to vector<1xf32>
      %squeeze3A_1804 = vector.extract %slice3A_1803[0] : f32 from vector<1xf32>
      %broadcast_in_dim3A_1805 = vector.broadcast %squeeze3A_1804 : f32 to vector<16xf32>
      %slice3A_1806 = vector.extract_strided_slice %mul3A_1781 {offsets = [0], sizes = [1], strides = [1]} : vector<16xf32> to vector<1xf32>
      %squeeze3A_1807 = vector.extract %slice3A_1806[0] : f32 from vector<1xf32>
      %broadcast_in_dim3A_1808 = vector.broadcast %squeeze3A_1807 : f32 to vector<16xf32>
      %slice3A_1809 = vector.extract_strided_slice %mul3A_1781 {offsets = [1], sizes = [1], strides = [1]} : vector<16xf32> to vector<1xf32>
      %squeeze3A_1810 = vector.extract %slice3A_1809[0] : f32 from vector<1xf32>
      %broadcast_in_dim3A_1811 = vector.broadcast %squeeze3A_1810 : f32 to vector<16xf32>
      %slice3A_1812 = vector.extract_strided_slice %mul3A_1781 {offsets = [2], sizes = [1], strides = [1]} : vector<16xf32> to vector<1xf32>
      %squeeze3A_1813 = vector.extract %slice3A_1812[0] : f32 from vector<1xf32>
      %broadcast_in_dim3A_1814 = vector.broadcast %squeeze3A_1813 : f32 to vector<16xf32>
      %slice3A_1815 = vector.extract_strided_slice %mul3A_1781 {offsets = [3], sizes = [1], strides = [1]} : vector<16xf32> to vector<1xf32>
      %squeeze3A_1816 = vector.extract %slice3A_1815[0] : f32 from vector<1xf32>
      %broadcast_in_dim3A_1817 = vector.broadcast %squeeze3A_1816 : f32 to vector<16xf32>
      %slice3A_1818 = vector.extract_strided_slice %mul3A_1781 {offsets = [4], sizes = [1], strides = [1]} : vector<16xf32> to vector<1xf32>
      %squeeze3A_1819 = vector.extract %slice3A_1818[0] : f32 from vector<1xf32>
      %broadcast_in_dim3A_1820 = vector.broadcast %squeeze3A_1819 : f32 to vector<16xf32>
      %slice3A_1821 = vector.extract_strided_slice %mul3A_1781 {offsets = [5], sizes = [1], strides = [1]} : vector<16xf32> to vector<1xf32>
      %squeeze3A_1822 = vector.extract %slice3A_1821[0] : f32 from vector<1xf32>
      %broadcast_in_dim3A_1823 = vector.broadcast %squeeze3A_1822 : f32 to vector<16xf32>
      %slice3A_1824 = vector.extract_strided_slice %mul3A_1781 {offsets = [6], sizes = [1], strides = [1]} : vector<16xf32> to vector<1xf32>
      %squeeze3A_1825 = vector.extract %slice3A_1824[0] : f32 from vector<1xf32>
      %broadcast_in_dim3A_1826 = vector.broadcast %squeeze3A_1825 : f32 to vector<16xf32>
      %slice3A_1827 = vector.extract_strided_slice %mul3A_1781 {offsets = [7], sizes = [1], strides = [1]} : vector<16xf32> to vector<1xf32>
      %squeeze3A_1828 = vector.extract %slice3A_1827[0] : f32 from vector<1xf32>
      %broadcast_in_dim3A_1829 = vector.broadcast %squeeze3A_1828 : f32 to vector<16xf32>
      %scan3A_1830 = arith.constant 0 : i32
      %scan3A_1831 = arith.constant 0 : i32
      %scan3A_1832 = arith.constant 48 : i32
      %scan3A_1833 = arith.addi %scan3A_1831, %scan3A_1832 : i32
      %scan3A_1834 = arith.constant 1 : i32
      scf.for %scan3A_1903 = %scan3A_1831 to %scan3A_1833 step %scan3A_1834  : i32 {
        %mul3A_1904 = arith.constant 16 : i32
        %mul3A_1905 = arith.muli %scan3A_1903, %mul3A_1904 : i32
        %multiple_of3A_1906 = tpu.assume_multiple %mul3A_1905, 16 : i32
        %get3A = arith.index_cast %multiple_of3A_1906 : i32 to index
        %get3A_1907 = tpu.vector_load %arg16[%get3A] {strides = array<i32>} : memref<768xf32, #tpu.memory_space<vmem>>, vector<16xf32>,
        %get3A_1908 = arith.index_cast %multiple_of3A_1906 : i32 to index
        %get3A_1909 = tpu.vector_load %arg17[%get3A_1908] {strides = array<i32>} : memref<768xf32, #tpu.memory_space<vmem>>, vector<16xf32>,
        %get3A_1910 = arith.constant 0 : i32
        %get3A_1911 = arith.index_cast %get3A_1910 : i32 to index
        %get3A_1912 = arith.index_cast %multiple_of3A_1906 : i32 to index
        %get3A_1913 = tpu.vector_load %arg13[%get3A_1911, %get3A_1912] {strides = array<i32>} : memref<16x768xf32, #tpu.memory_space<vmem>>, vector<16xf32>,
        %mul3A_1914 = arith.mulf %get3A_1913, %broadcast_in_dim3A_1784 : vector<16xf32>
        %add3A_1915 = arith.addf %mul3A_1914, %broadcast_in_dim3A_1808 : vector<16xf32>
        %mul3A_1916 = arith.mulf %add3A_1915, %get3A_1907 : vector<16xf32>
        %add3A_1917 = arith.addf %mul3A_1916, %get3A_1909 : vector<16xf32>
        %swap3A = arith.constant 0 : i32
        %swap3A_1918 = arith.index_cast %swap3A : i32 to index
        %swap3A_1919 = arith.index_cast %multiple_of3A_1906 : i32 to index
        %swap3A_1920 = tpu.vector_load %arg13[%swap3A_1918, %swap3A_1919] {strides = array<i32>} : memref<16x768xf32, #tpu.memory_space<vmem>>, vector<16xf32>,
        tpu.vector_store %arg13[%swap3A_1918, %swap3A_1919], %add3A_1917 {strides = array<i32>} : memref<16x768xf32, #tpu.memory_space<vmem>>, vector<16xf32>,
        %get3A_1921 = arith.constant 1 : i32
        %get3A_1922 = arith.index_cast %get3A_1921 : i32 to index
        %get3A_1923 = arith.index_cast %multiple_of3A_1906 : i32 to index
        %get3A_1924 = tpu.vector_load %arg13[%get3A_1922, %get3A_1923] {strides = array<i32>} : memref<16x768xf32, #tpu.memory_space<vmem>>, vector<16xf32>,
        %mul3A_1925 = arith.mulf %get3A_1924, %broadcast_in_dim3A_1787 : vector<16xf32>
        %add3A_1926 = arith.addf %mul3A_1925, %broadcast_in_dim3A_1811 : vector<16xf32>
        %mul3A_1927 = arith.mulf %add3A_1926, %get3A_1907 : vector<16xf32>
        %add3A_1928 = arith.addf %mul3A_1927, %get3A_1909 : vector<16xf32>
        %swap3A_1929 = arith.constant 1 : i32
        %swap3A_1930 = arith.index_cast %swap3A_1929 : i32 to index
        %swap3A_1931 = arith.index_cast %multiple_of3A_1906 : i32 to index
        %swap3A_1932 = tpu.vector_load %arg13[%swap3A_1930, %swap3A_1931] {strides = array<i32>} : memref<16x768xf32, #tpu.memory_space<vmem>>, vector<16xf32>,
        tpu.vector_store %arg13[%swap3A_1930, %swap3A_1931], %add3A_1928 {strides = array<i32>} : memref<16x768xf32, #tpu.memory_space<vmem>>, vector<16xf32>,
        %get3A_1933 = arith.constant 2 : i32
        %get3A_1934 = arith.index_cast %get3A_1933 : i32 to index
        %get3A_1935 = arith.index_cast %multiple_of3A_1906 : i32 to index
        %get3A_1936 = tpu.vector_load %arg13[%get3A_1934, %get3A_1935] {strides = array<i32>} : memref<16x768xf32, #tpu.memory_space<vmem>>, vector<16xf32>,
        %mul3A_1937 = arith.mulf %get3A_1936, %broadcast_in_dim3A_1790 : vector<16xf32>
        %add3A_1938 = arith.addf %mul3A_1937, %broadcast_in_dim3A_1814 : vector<16xf32>
        %mul3A_1939 = arith.mulf %add3A_1938, %get3A_1907 : vector<16xf32>
        %add3A_1940 = arith.addf %mul3A_1939, %get3A_1909 : vector<16xf32>
        %swap3A_1941 = arith.constant 2 : i32
        %swap3A_1942 = arith.index_cast %swap3A_1941 : i32 to index
        %swap3A_1943 = arith.index_cast %multiple_of3A_1906 : i32 to index
        %swap3A_1944 = tpu.vector_load %arg13[%swap3A_1942, %swap3A_1943] {strides = array<i32>} : memref<16x768xf32, #tpu.memory_space<vmem>>, vector<16xf32>,
        tpu.vector_store %arg13[%swap3A_1942, %swap3A_1943], %add3A_1940 {strides = array<i32>} : memref<16x768xf32, #tpu.memory_space<vmem>>, vector<16xf32>,
        %get3A_1945 = arith.constant 3 : i32
        %get3A_1946 = arith.index_cast %get3A_1945 : i32 to index
        %get3A_1947 = arith.index_cast %multiple_of3A_1906 : i32 to index
        %get3A_1948 = tpu.vector_load %arg13[%get3A_1946, %get3A_1947] {strides = array<i32>} : memref<16x768xf32, #tpu.memory_space<vmem>>, vector<16xf32>,
        %mul3A_1949 = arith.mulf %get3A_1948, %broadcast_in_dim3A_1793 : vector<16xf32>
        %add3A_1950 = arith.addf %mul3A_1949, %broadcast_in_dim3A_1817 : vector<16xf32>
        %mul3A_1951 = arith.mulf %add3A_1950, %get3A_1907 : vector<16xf32>
        %add3A_1952 = arith.addf %mul3A_1951, %get3A_1909 : vector<16xf32>
        %swap3A_1953 = arith.constant 3 : i32
        %swap3A_1954 = arith.index_cast %swap3A_1953 : i32 to index
        %swap3A_1955 = arith.index_cast %multiple_of3A_1906 : i32 to index
        %swap3A_1956 = tpu.vector_load %arg13[%swap3A_1954, %swap3A_1955] {strides = array<i32>} : memref<16x768xf32, #tpu.memory_space<vmem>>, vector<16xf32>,
        tpu.vector_store %arg13[%swap3A_1954, %swap3A_1955], %add3A_1952 {strides = array<i32>} : memref<16x768xf32, #tpu.memory_space<vmem>>, vector<16xf32>,
        %get3A_1957 = arith.constant 4 : i32
        %get3A_1958 = arith.index_cast %get3A_1957 : i32 to index
        %get3A_1959 = arith.index_cast %multiple_of3A_1906 : i32 to index
        %get3A_1960 = tpu.vector_load %arg13[%get3A_1958, %get3A_1959] {strides = array<i32>} : memref<16x768xf32, #tpu.memory_space<vmem>>, vector<16xf32>,
        %mul3A_1961 = arith.mulf %get3A_1960, %broadcast_in_dim3A_1796 : vector<16xf32>
        %add3A_1962 = arith.addf %mul3A_1961, %broadcast_in_dim3A_1820 : vector<16xf32>
        %mul3A_1963 = arith.mulf %add3A_1962, %get3A_1907 : vector<16xf32>
        %add3A_1964 = arith.addf %mul3A_1963, %get3A_1909 : vector<16xf32>
        %swap3A_1965 = arith.constant 4 : i32
        %swap3A_1966 = arith.index_cast %swap3A_1965 : i32 to index
        %swap3A_1967 = arith.index_cast %multiple_of3A_1906 : i32 to index
        %swap3A_1968 = tpu.vector_load %arg13[%swap3A_1966, %swap3A_1967] {strides = array<i32>} : memref<16x768xf32, #tpu.memory_space<vmem>>, vector<16xf32>,
        tpu.vector_store %arg13[%swap3A_1966, %swap3A_1967], %add3A_1964 {strides = array<i32>} : memref<16x768xf32, #tpu.memory_space<vmem>>, vector<16xf32>,
        %get3A_1969 = arith.constant 5 : i32
        %get3A_1970 = arith.index_cast %get3A_1969 : i32 to index
        %get3A_1971 = arith.index_cast %multiple_of3A_1906 : i32 to index
        %get3A_1972 = tpu.vector_load %arg13[%get3A_1970, %get3A_1971] {strides = array<i32>} : memref<16x768xf32, #tpu.memory_space<vmem>>, vector<16xf32>,
        %mul3A_1973 = arith.mulf %get3A_1972, %broadcast_in_dim3A_1799 : vector<16xf32>
        %add3A_1974 = arith.addf %mul3A_1973, %broadcast_in_dim3A_1823 : vector<16xf32>
        %mul3A_1975 = arith.mulf %add3A_1974, %get3A_1907 : vector<16xf32>
        %add3A_1976 = arith.addf %mul3A_1975, %get3A_1909 : vector<16xf32>
        %swap3A_1977 = arith.constant 5 : i32
        %swap3A_1978 = arith.index_cast %swap3A_1977 : i32 to index
        %swap3A_1979 = arith.index_cast %multiple_of3A_1906 : i32 to index
        %swap3A_1980 = tpu.vector_load %arg13[%swap3A_1978, %swap3A_1979] {strides = array<i32>} : memref<16x768xf32, #tpu.memory_space<vmem>>, vector<16xf32>,
        tpu.vector_store %arg13[%swap3A_1978, %swap3A_1979], %add3A_1976 {strides = array<i32>} : memref<16x768xf32, #tpu.memory_space<vmem>>, vector<16xf32>,
        %get3A_1981 = arith.constant 6 : i32
        %get3A_1982 = arith.index_cast %get3A_1981 : i32 to index
        %get3A_1983 = arith.index_cast %multiple_of3A_1906 : i32 to index
        %get3A_1984 = tpu.vector_load %arg13[%get3A_1982, %get3A_1983] {strides = array<i32>} : memref<16x768xf32, #tpu.memory_space<vmem>>, vector<16xf32>,
        %mul3A_1985 = arith.mulf %get3A_1984, %broadcast_in_dim3A_1802 : vector<16xf32>
        %add3A_1986 = arith.addf %mul3A_1985, %broadcast_in_dim3A_1826 : vector<16xf32>
        %mul3A_1987 = arith.mulf %add3A_1986, %get3A_1907 : vector<16xf32>
        %add3A_1988 = arith.addf %mul3A_1987, %get3A_1909 : vector<16xf32>
        %swap3A_1989 = arith.constant 6 : i32
        %swap3A_1990 = arith.index_cast %swap3A_1989 : i32 to index
        %swap3A_1991 = arith.index_cast %multiple_of3A_1906 : i32 to index
        %swap3A_1992 = tpu.vector_load %arg13[%swap3A_1990, %swap3A_1991] {strides = array<i32>} : memref<16x768xf32, #tpu.memory_space<vmem>>, vector<16xf32>,
        tpu.vector_store %arg13[%swap3A_1990, %swap3A_1991], %add3A_1988 {strides = array<i32>} : memref<16x768xf32, #tpu.memory_space<vmem>>, vector<16xf32>,
        %get3A_1993 = arith.constant 7 : i32
        %get3A_1994 = arith.index_cast %get3A_1993 : i32 to index
        %get3A_1995 = arith.index_cast %multiple_of3A_1906 : i32 to index
        %get3A_1996 = tpu.vector_load %arg13[%get3A_1994, %get3A_1995] {strides = array<i32>} : memref<16x768xf32, #tpu.memory_space<vmem>>, vector<16xf32>,
        %mul3A_1997 = arith.mulf %get3A_1996, %broadcast_in_dim3A_1805 : vector<16xf32>
        %add3A_1998 = arith.addf %mul3A_1997, %broadcast_in_dim3A_1829 : vector<16xf32>
        %mul3A_1999 = arith.mulf %add3A_1998, %get3A_1907 : vector<16xf32>
        %add3A_2000 = arith.addf %mul3A_1999, %get3A_1909 : vector<16xf32>
        %swap3A_2001 = arith.constant 7 : i32
        %swap3A_2002 = arith.index_cast %swap3A_2001 : i32 to index
        %swap3A_2003 = arith.index_cast %multiple_of3A_1906 : i32 to index
        %swap3A_2004 = tpu.vector_load %arg13[%swap3A_2002, %swap3A_2003] {strides = array<i32>} : memref<16x768xf32, #tpu.memory_space<vmem>>, vector<16xf32>,
        tpu.vector_store %arg13[%swap3A_2002, %swap3A_2003], %add3A_2000 {strides = array<i32>} : memref<16x768xf32, #tpu.memory_space<vmem>>, vector<16xf32>,
      }
      %scan3A_1835 = arith.constant 48 : i32
      %slice3A_1836 = vector.extract_strided_slice %mul3A_1777 {offsets = [8], sizes = [1], strides = [1]} : vector<16xf32> to vector<1xf32>
      %squeeze3A_1837 = vector.extract %slice3A_1836[0] : f32 from vector<1xf32>
      %broadcast_in_dim3A_1838 = vector.broadcast %squeeze3A_1837 : f32 to vector<16xf32>
      %slice3A_1839 = vector.extract_strided_slice %mul3A_1777 {offsets = [9], sizes = [1], strides = [1]} : vector<16xf32> to vector<1xf32>
      %squeeze3A_1840 = vector.extract %slice3A_1839[0] : f32 from vector<1xf32>
      %broadcast_in_dim3A_1841 = vector.broadcast %squeeze3A_1840 : f32 to vector<16xf32>
      %slice3A_1842 = vector.extract_strided_slice %mul3A_1777 {offsets = [10], sizes = [1], strides = [1]} : vector<16xf32> to vector<1xf32>
      %squeeze3A_1843 = vector.extract %slice3A_1842[0] : f32 from vector<1xf32>
      %broadcast_in_dim3A_1844 = vector.broadcast %squeeze3A_1843 : f32 to vector<16xf32>
      %slice3A_1845 = vector.extract_strided_slice %mul3A_1777 {offsets = [11], sizes = [1], strides = [1]} : vector<16xf32> to vector<1xf32>
      %squeeze3A_1846 = vector.extract %slice3A_1845[0] : f32 from vector<1xf32>
      %broadcast_in_dim3A_1847 = vector.broadcast %squeeze3A_1846 : f32 to vector<16xf32>
      %slice3A_1848 = vector.extract_strided_slice %mul3A_1777 {offsets = [12], sizes = [1], strides = [1]} : vector<16xf32> to vector<1xf32>
      %squeeze3A_1849 = vector.extract %slice3A_1848[0] : f32 from vector<1xf32>
      %broadcast_in_dim3A_1850 = vector.broadcast %squeeze3A_1849 : f32 to vector<16xf32>
      %slice3A_1851 = vector.extract_strided_slice %mul3A_1777 {offsets = [13], sizes = [1], strides = [1]} : vector<16xf32> to vector<1xf32>
      %squeeze3A_1852 = vector.extract %slice3A_1851[0] : f32 from vector<1xf32>
      %broadcast_in_dim3A_1853 = vector.broadcast %squeeze3A_1852 : f32 to vector<16xf32>
      %slice3A_1854 = vector.extract_strided_slice %mul3A_1777 {offsets = [14], sizes = [1], strides = [1]} : vector<16xf32> to vector<1xf32>
      %squeeze3A_1855 = vector.extract %slice3A_1854[0] : f32 from vector<1xf32>
      %broadcast_in_dim3A_1856 = vector.broadcast %squeeze3A_1855 : f32 to vector<16xf32>
      %slice3A_1857 = vector.extract_strided_slice %mul3A_1777 {offsets = [15], sizes = [1], strides = [1]} : vector<16xf32> to vector<1xf32>
      %squeeze3A_1858 = vector.extract %slice3A_1857[0] : f32 from vector<1xf32>
      %broadcast_in_dim3A_1859 = vector.broadcast %squeeze3A_1858 : f32 to vector<16xf32>
      %slice3A_1860 = vector.extract_strided_slice %mul3A_1781 {offsets = [8], sizes = [1], strides = [1]} : vector<16xf32> to vector<1xf32>
      %squeeze3A_1861 = vector.extract %slice3A_1860[0] : f32 from vector<1xf32>
      %broadcast_in_dim3A_1862 = vector.broadcast %squeeze3A_1861 : f32 to vector<16xf32>
      %slice3A_1863 = vector.extract_strided_slice %mul3A_1781 {offsets = [9], sizes = [1], strides = [1]} : vector<16xf32> to vector<1xf32>
      %squeeze3A_1864 = vector.extract %slice3A_1863[0] : f32 from vector<1xf32>
      %broadcast_in_dim3A_1865 = vector.broadcast %squeeze3A_1864 : f32 to vector<16xf32>
      %slice3A_1866 = vector.extract_strided_slice %mul3A_1781 {offsets = [10], sizes = [1], strides = [1]} : vector<16xf32> to vector<1xf32>
      %squeeze3A_1867 = vector.extract %slice3A_1866[0] : f32 from vector<1xf32>
      %broadcast_in_dim3A_1868 = vector.broadcast %squeeze3A_1867 : f32 to vector<16xf32>
      %slice3A_1869 = vector.extract_strided_slice %mul3A_1781 {offsets = [11], sizes = [1], strides = [1]} : vector<16xf32> to vector<1xf32>
      %squeeze3A_1870 = vector.extract %slice3A_1869[0] : f32 from vector<1xf32>
      %broadcast_in_dim3A_1871 = vector.broadcast %squeeze3A_1870 : f32 to vector<16xf32>
      %slice3A_1872 = vector.extract_strided_slice %mul3A_1781 {offsets = [12], sizes = [1], strides = [1]} : vector<16xf32> to vector<1xf32>
      %squeeze3A_1873 = vector.extract %slice3A_1872[0] : f32 from vector<1xf32>
      %broadcast_in_dim3A_1874 = vector.broadcast %squeeze3A_1873 : f32 to vector<16xf32>
      %slice3A_1875 = vector.extract_strided_slice %mul3A_1781 {offsets = [13], sizes = [1], strides = [1]} : vector<16xf32> to vector<1xf32>
      %squeeze3A_1876 = vector.extract %slice3A_1875[0] : f32 from vector<1xf32>
      %broadcast_in_dim3A_1877 = vector.broadcast %squeeze3A_1876 : f32 to vector<16xf32>
      %slice3A_1878 = vector.extract_strided_slice %mul3A_1781 {offsets = [14], sizes = [1], strides = [1]} : vector<16xf32> to vector<1xf32>
      %squeeze3A_1879 = vector.extract %slice3A_1878[0] : f32 from vector<1xf32>
      %broadcast_in_dim3A_1880 = vector.broadcast %squeeze3A_1879 : f32 to vector<16xf32>
      %slice3A_1881 = vector.extract_strided_slice %mul3A_1781 {offsets = [15], sizes = [1], strides = [1]} : vector<16xf32> to vector<1xf32>
      %squeeze3A_1882 = vector.extract %slice3A_1881[0] : f32 from vector<1xf32>
      %broadcast_in_dim3A_1883 = vector.broadcast %squeeze3A_1882 : f32 to vector<16xf32>
      %scan3A_1884 = arith.constant 0 : i32
      %scan3A_1885 = arith.constant 0 : i32
      %scan3A_1886 = arith.constant 48 : i32
      %scan3A_1887 = arith.addi %scan3A_1885, %scan3A_1886 : i32
      %scan3A_1888 = arith.constant 1 : i32
      scf.for %scan3A_1903 = %scan3A_1885 to %scan3A_1887 step %scan3A_1888  : i32 {
        %mul3A_1904 = arith.constant 16 : i32
        %mul3A_1905 = arith.muli %scan3A_1903, %mul3A_1904 : i32
        %multiple_of3A_1906 = tpu.assume_multiple %mul3A_1905, 16 : i32
        %get3A = arith.index_cast %multiple_of3A_1906 : i32 to index
        %get3A_1907 = tpu.vector_load %arg16[%get3A] {strides = array<i32>} : memref<768xf32, #tpu.memory_space<vmem>>, vector<16xf32>,
        %get3A_1908 = arith.index_cast %multiple_of3A_1906 : i32 to index
        %get3A_1909 = tpu.vector_load %arg17[%get3A_1908] {strides = array<i32>} : memref<768xf32, #tpu.memory_space<vmem>>, vector<16xf32>,
        %get3A_1910 = arith.constant 8 : i32
        %get3A_1911 = arith.index_cast %get3A_1910 : i32 to index
        %get3A_1912 = arith.index_cast %multiple_of3A_1906 : i32 to index
        %get3A_1913 = tpu.vector_load %arg13[%get3A_1911, %get3A_1912] {strides = array<i32>} : memref<16x768xf32, #tpu.memory_space<vmem>>, vector<16xf32>,
        %mul3A_1914 = arith.mulf %get3A_1913, %broadcast_in_dim3A_1838 : vector<16xf32>
        %add3A_1915 = arith.addf %mul3A_1914, %broadcast_in_dim3A_1862 : vector<16xf32>
        %mul3A_1916 = arith.mulf %add3A_1915, %get3A_1907 : vector<16xf32>
        %add3A_1917 = arith.addf %mul3A_1916, %get3A_1909 : vector<16xf32>
        %swap3A = arith.constant 8 : i32
        %swap3A_1918 = arith.index_cast %swap3A : i32 to index
        %swap3A_1919 = arith.index_cast %multiple_of3A_1906 : i32 to index
        %swap3A_1920 = tpu.vector_load %arg13[%swap3A_1918, %swap3A_1919] {strides = array<i32>} : memref<16x768xf32, #tpu.memory_space<vmem>>, vector<16xf32>,
        tpu.vector_store %arg13[%swap3A_1918, %swap3A_1919], %add3A_1917 {strides = array<i32>} : memref<16x768xf32, #tpu.memory_space<vmem>>, vector<16xf32>,
        %get3A_1921 = arith.constant 9 : i32
        %get3A_1922 = arith.index_cast %get3A_1921 : i32 to index
        %get3A_1923 = arith.index_cast %multiple_of3A_1906 : i32 to index
        %get3A_1924 = tpu.vector_load %arg13[%get3A_1922, %get3A_1923] {strides = array<i32>} : memref<16x768xf32, #tpu.memory_space<vmem>>, vector<16xf32>,
        %mul3A_1925 = arith.mulf %get3A_1924, %broadcast_in_dim3A_1841 : vector<16xf32>
        %add3A_1926 = arith.addf %mul3A_1925, %broadcast_in_dim3A_1865 : vector<16xf32>
        %mul3A_1927 = arith.mulf %add3A_1926, %get3A_1907 : vector<16xf32>
        %add3A_1928 = arith.addf %mul3A_1927, %get3A_1909 : vector<16xf32>
        %swap3A_1929 = arith.constant 9 : i32
        %swap3A_1930 = arith.index_cast %swap3A_1929 : i32 to index
        %swap3A_1931 = arith.index_cast %multiple_of3A_1906 : i32 to index
        %swap3A_1932 = tpu.vector_load %arg13[%swap3A_1930, %swap3A_1931] {strides = array<i32>} : memref<16x768xf32, #tpu.memory_space<vmem>>, vector<16xf32>,
        tpu.vector_store %arg13[%swap3A_1930, %swap3A_1931], %add3A_1928 {strides = array<i32>} : memref<16x768xf32, #tpu.memory_space<vmem>>, vector<16xf32>,
        %get3A_1933 = arith.constant 10 : i32
        %get3A_1934 = arith.index_cast %get3A_1933 : i32 to index
        %get3A_1935 = arith.index_cast %multiple_of3A_1906 : i32 to index
        %get3A_1936 = tpu.vector_load %arg13[%get3A_1934, %get3A_1935] {strides = array<i32>} : memref<16x768xf32, #tpu.memory_space<vmem>>, vector<16xf32>,
        %mul3A_1937 = arith.mulf %get3A_1936, %broadcast_in_dim3A_1844 : vector<16xf32>
        %add3A_1938 = arith.addf %mul3A_1937, %broadcast_in_dim3A_1868 : vector<16xf32>
        %mul3A_1939 = arith.mulf %add3A_1938, %get3A_1907 : vector<16xf32>
        %add3A_1940 = arith.addf %mul3A_1939, %get3A_1909 : vector<16xf32>
        %swap3A_1941 = arith.constant 10 : i32
        %swap3A_1942 = arith.index_cast %swap3A_1941 : i32 to index
        %swap3A_1943 = arith.index_cast %multiple_of3A_1906 : i32 to index
        %swap3A_1944 = tpu.vector_load %arg13[%swap3A_1942, %swap3A_1943] {strides = array<i32>} : memref<16x768xf32, #tpu.memory_space<vmem>>, vector<16xf32>,
        tpu.vector_store %arg13[%swap3A_1942, %swap3A_1943], %add3A_1940 {strides = array<i32>} : memref<16x768xf32, #tpu.memory_space<vmem>>, vector<16xf32>,
        %get3A_1945 = arith.constant 11 : i32
        %get3A_1946 = arith.index_cast %get3A_1945 : i32 to index
        %get3A_1947 = arith.index_cast %multiple_of3A_1906 : i32 to index
        %get3A_1948 = tpu.vector_load %arg13[%get3A_1946, %get3A_1947] {strides = array<i32>} : memref<16x768xf32, #tpu.memory_space<vmem>>, vector<16xf32>,
        %mul3A_1949 = arith.mulf %get3A_1948, %broadcast_in_dim3A_1847 : vector<16xf32>
        %add3A_1950 = arith.addf %mul3A_1949, %broadcast_in_dim3A_1871 : vector<16xf32>
        %mul3A_1951 = arith.mulf %add3A_1950, %get3A_1907 : vector<16xf32>
        %add3A_1952 = arith.addf %mul3A_1951, %get3A_1909 : vector<16xf32>
        %swap3A_1953 = arith.constant 11 : i32
        %swap3A_1954 = arith.index_cast %swap3A_1953 : i32 to index
        %swap3A_1955 = arith.index_cast %multiple_of3A_1906 : i32 to index
        %swap3A_1956 = tpu.vector_load %arg13[%swap3A_1954, %swap3A_1955] {strides = array<i32>} : memref<16x768xf32, #tpu.memory_space<vmem>>, vector<16xf32>,
        tpu.vector_store %arg13[%swap3A_1954, %swap3A_1955], %add3A_1952 {strides = array<i32>} : memref<16x768xf32, #tpu.memory_space<vmem>>, vector<16xf32>,
        %get3A_1957 = arith.constant 12 : i32
        %get3A_1958 = arith.index_cast %get3A_1957 : i32 to index
        %get3A_1959 = arith.index_cast %multiple_of3A_1906 : i32 to index
        %get3A_1960 = tpu.vector_load %arg13[%get3A_1958, %get3A_1959] {strides = array<i32>} : memref<16x768xf32, #tpu.memory_space<vmem>>, vector<16xf32>,
        %mul3A_1961 = arith.mulf %get3A_1960, %broadcast_in_dim3A_1850 : vector<16xf32>
        %add3A_1962 = arith.addf %mul3A_1961, %broadcast_in_dim3A_1874 : vector<16xf32>
        %mul3A_1963 = arith.mulf %add3A_1962, %get3A_1907 : vector<16xf32>
        %add3A_1964 = arith.addf %mul3A_1963, %get3A_1909 : vector<16xf32>
        %swap3A_1965 = arith.constant 12 : i32
        %swap3A_1966 = arith.index_cast %swap3A_1965 : i32 to index
        %swap3A_1967 = arith.index_cast %multiple_of3A_1906 : i32 to index
        %swap3A_1968 = tpu.vector_load %arg13[%swap3A_1966, %swap3A_1967] {strides = array<i32>} : memref<16x768xf32, #tpu.memory_space<vmem>>, vector<16xf32>,
        tpu.vector_store %arg13[%swap3A_1966, %swap3A_1967], %add3A_1964 {strides = array<i32>} : memref<16x768xf32, #tpu.memory_space<vmem>>, vector<16xf32>,
        %get3A_1969 = arith.constant 13 : i32
        %get3A_1970 = arith.index_cast %get3A_1969 : i32 to index
        %get3A_1971 = arith.index_cast %multiple_of3A_1906 : i32 to index
        %get3A_1972 = tpu.vector_load %arg13[%get3A_1970, %get3A_1971] {strides = array<i32>} : memref<16x768xf32, #tpu.memory_space<vmem>>, vector<16xf32>,
        %mul3A_1973 = arith.mulf %get3A_1972, %broadcast_in_dim3A_1853 : vector<16xf32>
        %add3A_1974 = arith.addf %mul3A_1973, %broadcast_in_dim3A_1877 : vector<16xf32>
        %mul3A_1975 = arith.mulf %add3A_1974, %get3A_1907 : vector<16xf32>
        %add3A_1976 = arith.addf %mul3A_1975, %get3A_1909 : vector<16xf32>
        %swap3A_1977 = arith.constant 13 : i32
        %swap3A_1978 = arith.index_cast %swap3A_1977 : i32 to index
        %swap3A_1979 = arith.index_cast %multiple_of3A_1906 : i32 to index
        %swap3A_1980 = tpu.vector_load %arg13[%swap3A_1978, %swap3A_1979] {strides = array<i32>} : memref<16x768xf32, #tpu.memory_space<vmem>>, vector<16xf32>,
        tpu.vector_store %arg13[%swap3A_1978, %swap3A_1979], %add3A_1976 {strides = array<i32>} : memref<16x768xf32, #tpu.memory_space<vmem>>, vector<16xf32>,
        %get3A_1981 = arith.constant 14 : i32
        %get3A_1982 = arith.index_cast %get3A_1981 : i32 to index
        %get3A_1983 = arith.index_cast %multiple_of3A_1906 : i32 to index
        %get3A_1984 = tpu.vector_load %arg13[%get3A_1982, %get3A_1983] {strides = array<i32>} : memref<16x768xf32, #tpu.memory_space<vmem>>, vector<16xf32>,
        %mul3A_1985 = arith.mulf %get3A_1984, %broadcast_in_dim3A_1856 : vector<16xf32>
        %add3A_1986 = arith.addf %mul3A_1985, %broadcast_in_dim3A_1880 : vector<16xf32>
        %mul3A_1987 = arith.mulf %add3A_1986, %get3A_1907 : vector<16xf32>
        %add3A_1988 = arith.addf %mul3A_1987, %get3A_1909 : vector<16xf32>
        %swap3A_1989 = arith.constant 14 : i32
        %swap3A_1990 = arith.index_cast %swap3A_1989 : i32 to index
        %swap3A_1991 = arith.index_cast %multiple_of3A_1906 : i32 to index
        %swap3A_1992 = tpu.vector_load %arg13[%swap3A_1990, %swap3A_1991] {strides = array<i32>} : memref<16x768xf32, #tpu.memory_space<vmem>>, vector<16xf32>,
        tpu.vector_store %arg13[%swap3A_1990, %swap3A_1991], %add3A_1988 {strides = array<i32>} : memref<16x768xf32, #tpu.memory_space<vmem>>, vector<16xf32>,
        %get3A_1993 = arith.constant 15 : i32
        %get3A_1994 = arith.index_cast %get3A_1993 : i32 to index
        %get3A_1995 = arith.index_cast %multiple_of3A_1906 : i32 to index
        %get3A_1996 = tpu.vector_load %arg13[%get3A_1994, %get3A_1995] {strides = array<i32>} : memref<16x768xf32, #tpu.memory_space<vmem>>, vector<16xf32>,
        %mul3A_1997 = arith.mulf %get3A_1996, %broadcast_in_dim3A_1859 : vector<16xf32>
        %add3A_1998 = arith.addf %mul3A_1997, %broadcast_in_dim3A_1883 : vector<16xf32>
        %mul3A_1999 = arith.mulf %add3A_1998, %get3A_1907 : vector<16xf32>
        %add3A_2000 = arith.addf %mul3A_1999, %get3A_1909 : vector<16xf32>
        %swap3A_2001 = arith.constant 15 : i32
        %swap3A_2002 = arith.index_cast %swap3A_2001 : i32 to index
        %swap3A_2003 = arith.index_cast %multiple_of3A_1906 : i32 to index
        %swap3A_2004 = tpu.vector_load %arg13[%swap3A_2002, %swap3A_2003] {strides = array<i32>} : memref<16x768xf32, #tpu.memory_space<vmem>>, vector<16xf32>,
        tpu.vector_store %arg13[%swap3A_2002, %swap3A_2003], %add3A_2000 {strides = array<i32>} : memref<16x768xf32, #tpu.memory_space<vmem>>, vector<16xf32>,
      }
      %scan3A_1889 = arith.constant 48 : i32
      %add3A_1890 = arith.constant 2 : i32
      %add3A_1891 = arith.addi %add3A_1288, %add3A_1890 : i32
      %lt3A_1892 = arith.constant 129 : i32
      %lt3A_1893 = arith.cmpi slt, %add3A_1891, %lt3A_1892 : i32
      %convert_element_type3A_1894 = arith.extui %lt3A_1893 : i1 to i32
      %cond3A_1895 = arith.constant 0 : i32
      %cond3A_1896 = arith.cmpi ne, %convert_element_type3A_1894, %cond3A_1895 : i32
      scf.if %cond3A_1896 {
        %add3A_1903 = arith.constant 2 : i32
        %add3A_1904 = arith.addi %add3A_1288, %add3A_1903 : i32
        %mul3A_1905 = arith.constant 64 : i32
        %mul3A_1906 = arith.muli %add3A_1904, %mul3A_1905 : i32
        %add3A_1907 = arith.addi %mul3A_1906, %mul3A_32 : i32
        %multiple_of3A_1908 = tpu.assume_multiple %add3A_1907, 8 : i32
        %dma_start3A_1909 = tpu.memref_slice %arg9[%multiple_of3A_1908] : memref<8256xi32, #tpu.memory_space<vmem>> -> memref<16xi32, #tpu.memory_space<vmem>>
        %dma_start3A_1910 = arith.constant 0 : i32
        %dma_start3A_1911 = arith.constant 0 : i32
        %dma_start3A_1912 = tpu.memref_slice %arg3[%dma_start3A_1910, %dma_start3A_1911] : memref<100000x768xf32, #tpu.memory_space<hbm>> -> memref<100000x768xf32, #tpu.memory_space<hbm>>
        tpu.enqueue_indirect_dma source(%dma_start3A_1912 : memref<100000x768xf32, #tpu.memory_space<hbm>>) target(%arg11 : memref<16x768xf32, #tpu.memory_space<vmem>>) offsets(%dma_start3A_1909 : memref<16xi32, #tpu.memory_space<vmem>>) semaphore(%arg20 : memref<!tpu.dma_semaphore, #tpu.memory_space<semaphore_mem>>)
      } else {
      }
      %dma_start3A_1897 = arith.constant 0 : i32
      %dma_start3A_1898 = tpu.memref_slice %arg8[%select_n3A, %add3A_1288, %mul3A_32, %dma_start3A_1897] : memref<8x129x64x768xf32, #tpu.memory_space<hbm>> -> memref<1x1x16x768xf32, #tpu.memory_space<hbm>>
      %dma_start3A_1899 = tpu.memref_squeeze %dma_start3A_1898 : memref<1x1x16x768xf32, #tpu.memory_space<hbm>> -> memref<16x768xf32, #tpu.memory_space<hbm>>
      %dma_start3A_1900 = arith.constant 0 : i32
      %dma_start3A_1901 = tpu.memref_slice %arg8[%select_n3A, %add3A_1288, %mul3A_32, %dma_start3A_1900] : memref<8x129x64x768xf32, #tpu.memory_space<hbm>> -> memref<1x1x16x768xf32, #tpu.memory_space<hbm>>
      %dma_start3A_1902 = tpu.memref_squeeze %dma_start3A_1901 : memref<1x1x16x768xf32, #tpu.memory_space<hbm>> -> memref<16x768xf32, #tpu.memory_space<hbm>>
      tpu.enqueue_dma source(%arg13 : memref<16x768xf32, #tpu.memory_space<vmem>>) target(%dma_start3A_1902 : memref<16x768xf32, #tpu.memory_space<hbm>>) target_semaphore(%arg22 : memref<!tpu.dma_semaphore, #tpu.memory_space<semaphore_mem>>)
    }
    %scan3A_65 = arith.constant 64 : i32
    %dma_wait3A = arith.constant 0 : i32
    %dma_wait3A_66 = arith.constant 0 : i32
    %dma_wait3A_67 = tpu.memref_slice %arg4[%dma_wait3A, %dma_wait3A_66] : memref<136x768xf32, #tpu.memory_space<hbm>> -> memref<16x768xf32, #tpu.memory_space<hbm>>
    %dma_wait3A_68 = arith.constant 0 : i32
    %dma_wait3A_69 = arith.constant 0 : i32
    %dma_wait3A_70 = tpu.memref_slice %arg4[%dma_wait3A_68, %dma_wait3A_69] : memref<136x768xf32, #tpu.memory_space<hbm>> -> memref<16x768xf32, #tpu.memory_space<hbm>>
    tpu.wait_dma2 semaphore(%arg21 : memref<!tpu.dma_semaphore, #tpu.memory_space<semaphore_mem>>) src(%dma_wait3A_70 : memref<16x768xf32, #tpu.memory_space<hbm>>) dst(%arg12 : memref<16x768xf32, #tpu.memory_space<vmem>>)
    %add3A_71 = arith.constant 8192 : i32
    %add3A_72 = arith.addi %add3A_71, %mul3A_32 : i32
    %multiple_of3A_73 = tpu.assume_multiple %add3A_72, 8 : i32
    %dma_wait3A_74 = tpu.memref_slice %arg9[%multiple_of3A_73] : memref<8256xi32, #tpu.memory_space<vmem>> -> memref<16xi32, #tpu.memory_space<vmem>>
    %dma_wait3A_75 = arith.constant 0 : i32
    %dma_wait3A_76 = arith.constant 0 : i32
    %dma_wait3A_77 = tpu.memref_slice %arg3[%dma_wait3A_75, %dma_wait3A_76] : memref<100000x768xf32, #tpu.memory_space<hbm>> -> memref<100000x768xf32, #tpu.memory_space<hbm>>
    tpu.wait_indirect_dma semaphore(%arg19 : memref<!tpu.dma_semaphore, #tpu.memory_space<semaphore_mem>>) src(%dma_wait3A_77 : memref<100000x768xf32, #tpu.memory_space<hbm>>) dst(%arg10 : memref<16x768xf32, #tpu.memory_space<vmem>>)
    "tpu.region"() ({
      %run_scoped3A_661 = tpu.sem_alloc : memref<!tpu.dma_semaphore, #tpu.memory_space<semaphore_mem>>
      %dma_start3A_662 = arith.constant 0 : i32
      %dma_start3A_663 = arith.constant 0 : i32
      %dma_start3A_664 = tpu.memref_slice %arg14[%dma_start3A_662, %dma_start3A_663] : memref<16x768xf32, #tpu.memory_space<vmem>> -> memref<8x768xf32, #tpu.memory_space<vmem>>
      %dma_start3A_665 = arith.constant 128 : i32
      %dma_start3A_666 = arith.constant 0 : i32
      %dma_start3A_667 = tpu.memref_slice %arg4[%dma_start3A_665, %dma_start3A_666] : memref<136x768xf32, #tpu.memory_space<hbm>> -> memref<8x768xf32, #tpu.memory_space<hbm>>
      %dma_start3A_668 = arith.constant 0 : i32
      %dma_start3A_669 = arith.constant 0 : i32
      %dma_start3A_670 = tpu.memref_slice %arg14[%dma_start3A_668, %dma_start3A_669] : memref<16x768xf32, #tpu.memory_space<vmem>> -> memref<8x768xf32, #tpu.memory_space<vmem>>
      %dma_start3A_671 = arith.constant 128 : i32
      %dma_start3A_672 = arith.constant 0 : i32
      %dma_start3A_673 = tpu.memref_slice %arg4[%dma_start3A_671, %dma_start3A_672] : memref<136x768xf32, #tpu.memory_space<hbm>> -> memref<8x768xf32, #tpu.memory_space<hbm>>
      tpu.enqueue_dma source(%dma_start3A_673 : memref<8x768xf32, #tpu.memory_space<hbm>>) target(%dma_start3A_670 : memref<8x768xf32, #tpu.memory_space<vmem>>) target_semaphore(%run_scoped3A_661 : memref<!tpu.dma_semaphore, #tpu.memory_space<semaphore_mem>>)
      %dma_wait3A_674 = arith.constant 0 : i32
      %dma_wait3A_675 = arith.constant 0 : i32
      %dma_wait3A_676 = tpu.memref_slice %arg14[%dma_wait3A_674, %dma_wait3A_675] : memref<16x768xf32, #tpu.memory_space<vmem>> -> memref<8x768xf32, #tpu.memory_space<vmem>>
      %dma_wait3A_677 = arith.constant 128 : i32
      %dma_wait3A_678 = arith.constant 0 : i32
      %dma_wait3A_679 = tpu.memref_slice %arg4[%dma_wait3A_677, %dma_wait3A_678] : memref<136x768xf32, #tpu.memory_space<hbm>> -> memref<8x768xf32, #tpu.memory_space<hbm>>
      %dma_wait3A_680 = arith.constant 0 : i32
      %dma_wait3A_681 = arith.constant 0 : i32
      %dma_wait3A_682 = tpu.memref_slice %arg14[%dma_wait3A_680, %dma_wait3A_681] : memref<16x768xf32, #tpu.memory_space<vmem>> -> memref<8x768xf32, #tpu.memory_space<vmem>>
      %dma_wait3A_683 = arith.constant 128 : i32
      %dma_wait3A_684 = arith.constant 0 : i32
      %dma_wait3A_685 = tpu.memref_slice %arg4[%dma_wait3A_683, %dma_wait3A_684] : memref<136x768xf32, #tpu.memory_space<hbm>> -> memref<8x768xf32, #tpu.memory_space<hbm>>
      tpu.wait_dma2 semaphore(%run_scoped3A_661 : memref<!tpu.dma_semaphore, #tpu.memory_space<semaphore_mem>>) src(%dma_wait3A_685 : memref<8x768xf32, #tpu.memory_space<hbm>>) dst(%dma_wait3A_682 : memref<8x768xf32, #tpu.memory_space<vmem>>)
      tpu.yield
    }) : () -> ()
    %iota3A = tpu.iota {dimensions = array<i32: 0>} : vector<16xi32>
    %broadcast_in_dim3A = arith.constant 0.000000e+00 : f32
    %broadcast_in_dim3A_78 = vector.broadcast %broadcast_in_dim3A : f32 to vector<16xf32>
    %broadcast_in_dim3A_79 = arith.constant 0.000000e+00 : f32
    %broadcast_in_dim3A_80 = vector.broadcast %broadcast_in_dim3A_79 : f32 to vector<16xf32>
    %broadcast_in_dim3A_81 = arith.constant 0.000000e+00 : f32
    %broadcast_in_dim3A_82 = vector.broadcast %broadcast_in_dim3A_81 : f32 to vector<16xf32>
    %broadcast_in_dim3A_83 = arith.constant 0.000000e+00 : f32
    %broadcast_in_dim3A_84 = vector.broadcast %broadcast_in_dim3A_83 : f32 to vector<16xf32>
    %broadcast_in_dim3A_85 = arith.constant 0.000000e+00 : f32
    %broadcast_in_dim3A_86 = vector.broadcast %broadcast_in_dim3A_85 : f32 to vector<16xf32>
    %broadcast_in_dim3A_87 = arith.constant 0.000000e+00 : f32
    %broadcast_in_dim3A_88 = vector.broadcast %broadcast_in_dim3A_87 : f32 to vector<16xf32>
    %broadcast_in_dim3A_89 = arith.constant 0.000000e+00 : f32
    %broadcast_in_dim3A_90 = vector.broadcast %broadcast_in_dim3A_89 : f32 to vector<16xf32>
    %broadcast_in_dim3A_91 = arith.constant 0.000000e+00 : f32
    %broadcast_in_dim3A_92 = vector.broadcast %broadcast_in_dim3A_91 : f32 to vector<16xf32>
    %broadcast_in_dim3A_93 = arith.constant 0.000000e+00 : f32
    %broadcast_in_dim3A_94 = vector.broadcast %broadcast_in_dim3A_93 : f32 to vector<16xf32>
    %broadcast_in_dim3A_95 = arith.constant 0.000000e+00 : f32
    %broadcast_in_dim3A_96 = vector.broadcast %broadcast_in_dim3A_95 : f32 to vector<16xf32>
    %broadcast_in_dim3A_97 = arith.constant 0.000000e+00 : f32
    %broadcast_in_dim3A_98 = vector.broadcast %broadcast_in_dim3A_97 : f32 to vector<16xf32>
    %broadcast_in_dim3A_99 = arith.constant 0.000000e+00 : f32
    %broadcast_in_dim3A_100 = vector.broadcast %broadcast_in_dim3A_99 : f32 to vector<16xf32>
    %broadcast_in_dim3A_101 = arith.constant 0.000000e+00 : f32
    %broadcast_in_dim3A_102 = vector.broadcast %broadcast_in_dim3A_101 : f32 to vector<16xf32>
    %broadcast_in_dim3A_103 = arith.constant 0.000000e+00 : f32
    %broadcast_in_dim3A_104 = vector.broadcast %broadcast_in_dim3A_103 : f32 to vector<16xf32>
    %broadcast_in_dim3A_105 = arith.constant 0.000000e+00 : f32
    %broadcast_in_dim3A_106 = vector.broadcast %broadcast_in_dim3A_105 : f32 to vector<16xf32>
    %broadcast_in_dim3A_107 = arith.constant 0.000000e+00 : f32
    %broadcast_in_dim3A_108 = vector.broadcast %broadcast_in_dim3A_107 : f32 to vector<16xf32>
    %broadcast_in_dim3A_109 = arith.constant 0.000000e+00 : f32
    %broadcast_in_dim3A_110 = vector.broadcast %broadcast_in_dim3A_109 : f32 to vector<16xf32>
    %broadcast_in_dim3A_111 = arith.constant 0.000000e+00 : f32
    %broadcast_in_dim3A_112 = vector.broadcast %broadcast_in_dim3A_111 : f32 to vector<16xf32>
    %broadcast_in_dim3A_113 = arith.constant 0.000000e+00 : f32
    %broadcast_in_dim3A_114 = vector.broadcast %broadcast_in_dim3A_113 : f32 to vector<16xf32>
    %broadcast_in_dim3A_115 = arith.constant 0.000000e+00 : f32
    %broadcast_in_dim3A_116 = vector.broadcast %broadcast_in_dim3A_115 : f32 to vector<16xf32>
    %broadcast_in_dim3A_117 = arith.constant 0.000000e+00 : f32
    %broadcast_in_dim3A_118 = vector.broadcast %broadcast_in_dim3A_117 : f32 to vector<16xf32>
    %broadcast_in_dim3A_119 = arith.constant 0.000000e+00 : f32
    %broadcast_in_dim3A_120 = vector.broadcast %broadcast_in_dim3A_119 : f32 to vector<16xf32>
    %broadcast_in_dim3A_121 = arith.constant 0.000000e+00 : f32
    %broadcast_in_dim3A_122 = vector.broadcast %broadcast_in_dim3A_121 : f32 to vector<16xf32>
    %broadcast_in_dim3A_123 = arith.constant 0.000000e+00 : f32
    %broadcast_in_dim3A_124 = vector.broadcast %broadcast_in_dim3A_123 : f32 to vector<16xf32>
    %broadcast_in_dim3A_125 = arith.constant 0.000000e+00 : f32
    %broadcast_in_dim3A_126 = vector.broadcast %broadcast_in_dim3A_125 : f32 to vector<16xf32>
    %broadcast_in_dim3A_127 = arith.constant 0.000000e+00 : f32
    %broadcast_in_dim3A_128 = vector.broadcast %broadcast_in_dim3A_127 : f32 to vector<16xf32>
    %broadcast_in_dim3A_129 = arith.constant 0.000000e+00 : f32
    %broadcast_in_dim3A_130 = vector.broadcast %broadcast_in_dim3A_129 : f32 to vector<16xf32>
    %broadcast_in_dim3A_131 = arith.constant 0.000000e+00 : f32
    %broadcast_in_dim3A_132 = vector.broadcast %broadcast_in_dim3A_131 : f32 to vector<16xf32>
    %broadcast_in_dim3A_133 = arith.constant 0.000000e+00 : f32
    %broadcast_in_dim3A_134 = vector.broadcast %broadcast_in_dim3A_133 : f32 to vector<16xf32>
    %broadcast_in_dim3A_135 = arith.constant 0.000000e+00 : f32
    %broadcast_in_dim3A_136 = vector.broadcast %broadcast_in_dim3A_135 : f32 to vector<16xf32>
    %broadcast_in_dim3A_137 = arith.constant 0.000000e+00 : f32
    %broadcast_in_dim3A_138 = vector.broadcast %broadcast_in_dim3A_137 : f32 to vector<16xf32>
    %broadcast_in_dim3A_139 = arith.constant 0.000000e+00 : f32
    %broadcast_in_dim3A_140 = vector.broadcast %broadcast_in_dim3A_139 : f32 to vector<16xf32>
    %scan3A_141 = arith.constant 0 : i32
    %scan3A_142 = arith.constant 48 : i32
    %scan3A_143 = arith.addi %scan3A_141, %scan3A_142 : i32
    %scan3A_144 = arith.constant 1 : i32
    %scan3A_145:32 = scf.for %scan3A_661 = %scan3A_141 to %scan3A_143 step %scan3A_144 iter_args(%scan3A_662 = %broadcast_in_dim3A_78, %scan3A_663 = %broadcast_in_dim3A_80, %scan3A_664 = %broadcast_in_dim3A_82, %scan3A_665 = %broadcast_in_dim3A_84, %scan3A_666 = %broadcast_in_dim3A_86, %scan3A_667 = %broadcast_in_dim3A_88, %scan3A_668 = %broadcast_in_dim3A_90, %scan3A_669 = %broadcast_in_dim3A_92, %scan3A_670 = %broadcast_in_dim3A_94, %scan3A_671 = %broadcast_in_dim3A_96, %scan3A_672 = %broadcast_in_dim3A_98, %scan3A_673 = %broadcast_in_dim3A_100, %scan3A_674 = %broadcast_in_dim3A_102, %scan3A_675 = %broadcast_in_dim3A_104, %scan3A_676 = %broadcast_in_dim3A_106, %scan3A_677 = %broadcast_in_dim3A_108, %scan3A_678 = %broadcast_in_dim3A_110, %scan3A_679 = %broadcast_in_dim3A_112, %scan3A_680 = %broadcast_in_dim3A_114, %scan3A_681 = %broadcast_in_dim3A_116, %scan3A_682 = %broadcast_in_dim3A_118, %scan3A_683 = %broadcast_in_dim3A_120, %scan3A_684 = %broadcast_in_dim3A_122, %scan3A_685 = %broadcast_in_dim3A_124, %scan3A_686 = %broadcast_in_dim3A_126, %scan3A_687 = %broadcast_in_dim3A_128, %scan3A_688 = %broadcast_in_dim3A_130, %scan3A_689 = %broadcast_in_dim3A_132, %scan3A_690 = %broadcast_in_dim3A_134, %scan3A_691 = %broadcast_in_dim3A_136, %scan3A_692 = %broadcast_in_dim3A_138, %scan3A_693 = %broadcast_in_dim3A_140) -> (vector<16xf32>, vector<16xf32>, vector<16xf32>, vector<16xf32>, vector<16xf32>, vector<16xf32>, vector<16xf32>, vector<16xf32>, vector<16xf32>, vector<16xf32>, vector<16xf32>, vector<16xf32>, vector<16xf32>, vector<16xf32>, vector<16xf32>, vector<16xf32>, vector<16xf32>, vector<16xf32>, vector<16xf32>, vector<16xf32>, vector<16xf32>, vector<16xf32>, vector<16xf32>, vector<16xf32>, vector<16xf32>, vector<16xf32>, vector<16xf32>, vector<16xf32>, vector<16xf32>, vector<16xf32>, vector<16xf32>, vector<16xf32>)  : i32 {
      %mul3A_694 = arith.constant 16 : i32
      %mul3A_695 = arith.muli %scan3A_661, %mul3A_694 : i32
      %multiple_of3A_696 = tpu.assume_multiple %mul3A_695, 16 : i32
      %get3A = arith.constant 0 : i32
      %get3A_697 = arith.index_cast %get3A : i32 to index
      %get3A_698 = arith.index_cast %multiple_of3A_696 : i32 to index
      %get3A_699 = tpu.vector_load %arg14[%get3A_697, %get3A_698] {strides = array<i32>} : memref<16x768xf32, #tpu.memory_space<vmem>>, vector<16xf32>,
      %get3A_700 = arith.constant 0 : i32
      %get3A_701 = arith.index_cast %get3A_700 : i32 to index
      %get3A_702 = arith.index_cast %multiple_of3A_696 : i32 to index
      %get3A_703 = tpu.vector_load %arg10[%get3A_701, %get3A_702] {strides = array<i32>} : memref<16x768xf32, #tpu.memory_space<vmem>>, vector<16xf32>,
      %get3A_704 = arith.constant 0 : i32
      %get3A_705 = arith.index_cast %get3A_704 : i32 to index
      %get3A_706 = arith.index_cast %multiple_of3A_696 : i32 to index
      %get3A_707 = tpu.vector_load %arg15[%get3A_705, %get3A_706] {strides = array<i32>} : memref<16x768xf32, #tpu.memory_space<vmem>>, vector<16xf32>,
      %add3A_708 = arith.addf %get3A_703, %get3A_707 : vector<16xf32>
      %add3A_709 = arith.addf %add3A_708, %get3A_699 : vector<16xf32>
      %swap3A = arith.constant 0 : i32
      %swap3A_710 = arith.index_cast %swap3A : i32 to index
      %swap3A_711 = arith.index_cast %multiple_of3A_696 : i32 to index
      %swap3A_712 = tpu.vector_load %arg12[%swap3A_710, %swap3A_711] {strides = array<i32>} : memref<16x768xf32, #tpu.memory_space<vmem>>, vector<16xf32>,
      tpu.vector_store %arg12[%swap3A_710, %swap3A_711], %add3A_709 {strides = array<i32>} : memref<16x768xf32, #tpu.memory_space<vmem>>, vector<16xf32>,
      %add3A_713 = arith.addf %scan3A_662, %add3A_709 : vector<16xf32>
      %mul3A_714 = arith.mulf %add3A_709, %add3A_709 : vector<16xf32>
      %add3A_715 = arith.addf %scan3A_663, %mul3A_714 : vector<16xf32>
      %get3A_716 = arith.constant 1 : i32
      %get3A_717 = arith.index_cast %get3A_716 : i32 to index
      %get3A_718 = arith.index_cast %multiple_of3A_696 : i32 to index
      %get3A_719 = tpu.vector_load %arg10[%get3A_717, %get3A_718] {strides = array<i32>} : memref<16x768xf32, #tpu.memory_space<vmem>>, vector<16xf32>,
      %get3A_720 = arith.constant 1 : i32
      %get3A_721 = arith.index_cast %get3A_720 : i32 to index
      %get3A_722 = arith.index_cast %multiple_of3A_696 : i32 to index
      %get3A_723 = tpu.vector_load %arg15[%get3A_721, %get3A_722] {strides = array<i32>} : memref<16x768xf32, #tpu.memory_space<vmem>>, vector<16xf32>,
      %add3A_724 = arith.addf %get3A_719, %get3A_723 : vector<16xf32>
      %add3A_725 = arith.addf %add3A_724, %get3A_699 : vector<16xf32>
      %swap3A_726 = arith.constant 1 : i32
      %swap3A_727 = arith.index_cast %swap3A_726 : i32 to index
      %swap3A_728 = arith.index_cast %multiple_of3A_696 : i32 to index
      %swap3A_729 = tpu.vector_load %arg12[%swap3A_727, %swap3A_728] {strides = array<i32>} : memref<16x768xf32, #tpu.memory_space<vmem>>, vector<16xf32>,
      tpu.vector_store %arg12[%swap3A_727, %swap3A_728], %add3A_725 {strides = array<i32>} : memref<16x768xf32, #tpu.memory_space<vmem>>, vector<16xf32>,
      %add3A_730 = arith.addf %scan3A_664, %add3A_725 : vector<16xf32>
      %mul3A_731 = arith.mulf %add3A_725, %add3A_725 : vector<16xf32>
      %add3A_732 = arith.addf %scan3A_665, %mul3A_731 : vector<16xf32>
      %get3A_733 = arith.constant 2 : i32
      %get3A_734 = arith.index_cast %get3A_733 : i32 to index
      %get3A_735 = arith.index_cast %multiple_of3A_696 : i32 to index
      %get3A_736 = tpu.vector_load %arg10[%get3A_734, %get3A_735] {strides = array<i32>} : memref<16x768xf32, #tpu.memory_space<vmem>>, vector<16xf32>,
      %get3A_737 = arith.constant 2 : i32
      %get3A_738 = arith.index_cast %get3A_737 : i32 to index
      %get3A_739 = arith.index_cast %multiple_of3A_696 : i32 to index
      %get3A_740 = tpu.vector_load %arg15[%get3A_738, %get3A_739] {strides = array<i32>} : memref<16x768xf32, #tpu.memory_space<vmem>>, vector<16xf32>,
      %add3A_741 = arith.addf %get3A_736, %get3A_740 : vector<16xf32>
      %add3A_742 = arith.addf %add3A_741, %get3A_699 : vector<16xf32>
      %swap3A_743 = arith.constant 2 : i32
      %swap3A_744 = arith.index_cast %swap3A_743 : i32 to index
      %swap3A_745 = arith.index_cast %multiple_of3A_696 : i32 to index
      %swap3A_746 = tpu.vector_load %arg12[%swap3A_744, %swap3A_745] {strides = array<i32>} : memref<16x768xf32, #tpu.memory_space<vmem>>, vector<16xf32>,
      tpu.vector_store %arg12[%swap3A_744, %swap3A_745], %add3A_742 {strides = array<i32>} : memref<16x768xf32, #tpu.memory_space<vmem>>, vector<16xf32>,
      %add3A_747 = arith.addf %scan3A_666, %add3A_742 : vector<16xf32>
      %mul3A_748 = arith.mulf %add3A_742, %add3A_742 : vector<16xf32>
      %add3A_749 = arith.addf %scan3A_667, %mul3A_748 : vector<16xf32>
      %get3A_750 = arith.constant 3 : i32
      %get3A_751 = arith.index_cast %get3A_750 : i32 to index
      %get3A_752 = arith.index_cast %multiple_of3A_696 : i32 to index
      %get3A_753 = tpu.vector_load %arg10[%get3A_751, %get3A_752] {strides = array<i32>} : memref<16x768xf32, #tpu.memory_space<vmem>>, vector<16xf32>,
      %get3A_754 = arith.constant 3 : i32
      %get3A_755 = arith.index_cast %get3A_754 : i32 to index
      %get3A_756 = arith.index_cast %multiple_of3A_696 : i32 to index
      %get3A_757 = tpu.vector_load %arg15[%get3A_755, %get3A_756] {strides = array<i32>} : memref<16x768xf32, #tpu.memory_space<vmem>>, vector<16xf32>,
      %add3A_758 = arith.addf %get3A_753, %get3A_757 : vector<16xf32>
      %add3A_759 = arith.addf %add3A_758, %get3A_699 : vector<16xf32>
      %swap3A_760 = arith.constant 3 : i32
      %swap3A_761 = arith.index_cast %swap3A_760 : i32 to index
      %swap3A_762 = arith.index_cast %multiple_of3A_696 : i32 to index
      %swap3A_763 = tpu.vector_load %arg12[%swap3A_761, %swap3A_762] {strides = array<i32>} : memref<16x768xf32, #tpu.memory_space<vmem>>, vector<16xf32>,
      tpu.vector_store %arg12[%swap3A_761, %swap3A_762], %add3A_759 {strides = array<i32>} : memref<16x768xf32, #tpu.memory_space<vmem>>, vector<16xf32>,
      %add3A_764 = arith.addf %scan3A_668, %add3A_759 : vector<16xf32>
      %mul3A_765 = arith.mulf %add3A_759, %add3A_759 : vector<16xf32>
      %add3A_766 = arith.addf %scan3A_669, %mul3A_765 : vector<16xf32>
      %get3A_767 = arith.constant 4 : i32
      %get3A_768 = arith.index_cast %get3A_767 : i32 to index
      %get3A_769 = arith.index_cast %multiple_of3A_696 : i32 to index
      %get3A_770 = tpu.vector_load %arg10[%get3A_768, %get3A_769] {strides = array<i32>} : memref<16x768xf32, #tpu.memory_space<vmem>>, vector<16xf32>,
      %get3A_771 = arith.constant 4 : i32
      %get3A_772 = arith.index_cast %get3A_771 : i32 to index
      %get3A_773 = arith.index_cast %multiple_of3A_696 : i32 to index
      %get3A_774 = tpu.vector_load %arg15[%get3A_772, %get3A_773] {strides = array<i32>} : memref<16x768xf32, #tpu.memory_space<vmem>>, vector<16xf32>,
      %add3A_775 = arith.addf %get3A_770, %get3A_774 : vector<16xf32>
      %add3A_776 = arith.addf %add3A_775, %get3A_699 : vector<16xf32>
      %swap3A_777 = arith.constant 4 : i32
      %swap3A_778 = arith.index_cast %swap3A_777 : i32 to index
      %swap3A_779 = arith.index_cast %multiple_of3A_696 : i32 to index
      %swap3A_780 = tpu.vector_load %arg12[%swap3A_778, %swap3A_779] {strides = array<i32>} : memref<16x768xf32, #tpu.memory_space<vmem>>, vector<16xf32>,
      tpu.vector_store %arg12[%swap3A_778, %swap3A_779], %add3A_776 {strides = array<i32>} : memref<16x768xf32, #tpu.memory_space<vmem>>, vector<16xf32>,
      %add3A_781 = arith.addf %scan3A_670, %add3A_776 : vector<16xf32>
      %mul3A_782 = arith.mulf %add3A_776, %add3A_776 : vector<16xf32>
      %add3A_783 = arith.addf %scan3A_671, %mul3A_782 : vector<16xf32>
      %get3A_784 = arith.constant 5 : i32
      %get3A_785 = arith.index_cast %get3A_784 : i32 to index
      %get3A_786 = arith.index_cast %multiple_of3A_696 : i32 to index
      %get3A_787 = tpu.vector_load %arg10[%get3A_785, %get3A_786] {strides = array<i32>} : memref<16x768xf32, #tpu.memory_space<vmem>>, vector<16xf32>,
      %get3A_788 = arith.constant 5 : i32
      %get3A_789 = arith.index_cast %get3A_788 : i32 to index
      %get3A_790 = arith.index_cast %multiple_of3A_696 : i32 to index
      %get3A_791 = tpu.vector_load %arg15[%get3A_789, %get3A_790] {strides = array<i32>} : memref<16x768xf32, #tpu.memory_space<vmem>>, vector<16xf32>,
      %add3A_792 = arith.addf %get3A_787, %get3A_791 : vector<16xf32>
      %add3A_793 = arith.addf %add3A_792, %get3A_699 : vector<16xf32>
      %swap3A_794 = arith.constant 5 : i32
      %swap3A_795 = arith.index_cast %swap3A_794 : i32 to index
      %swap3A_796 = arith.index_cast %multiple_of3A_696 : i32 to index
      %swap3A_797 = tpu.vector_load %arg12[%swap3A_795, %swap3A_796] {strides = array<i32>} : memref<16x768xf32, #tpu.memory_space<vmem>>, vector<16xf32>,
      tpu.vector_store %arg12[%swap3A_795, %swap3A_796], %add3A_793 {strides = array<i32>} : memref<16x768xf32, #tpu.memory_space<vmem>>, vector<16xf32>,
      %add3A_798 = arith.addf %scan3A_672, %add3A_793 : vector<16xf32>
      %mul3A_799 = arith.mulf %add3A_793, %add3A_793 : vector<16xf32>
      %add3A_800 = arith.addf %scan3A_673, %mul3A_799 : vector<16xf32>
      %get3A_801 = arith.constant 6 : i32
      %get3A_802 = arith.index_cast %get3A_801 : i32 to index
      %get3A_803 = arith.index_cast %multiple_of3A_696 : i32 to index
      %get3A_804 = tpu.vector_load %arg10[%get3A_802, %get3A_803] {strides = array<i32>} : memref<16x768xf32, #tpu.memory_space<vmem>>, vector<16xf32>,
      %get3A_805 = arith.constant 6 : i32
      %get3A_806 = arith.index_cast %get3A_805 : i32 to index
      %get3A_807 = arith.index_cast %multiple_of3A_696 : i32 to index
      %get3A_808 = tpu.vector_load %arg15[%get3A_806, %get3A_807] {strides = array<i32>} : memref<16x768xf32, #tpu.memory_space<vmem>>, vector<16xf32>,
      %add3A_809 = arith.addf %get3A_804, %get3A_808 : vector<16xf32>
      %add3A_810 = arith.addf %add3A_809, %get3A_699 : vector<16xf32>
      %swap3A_811 = arith.constant 6 : i32
      %swap3A_812 = arith.index_cast %swap3A_811 : i32 to index
      %swap3A_813 = arith.index_cast %multiple_of3A_696 : i32 to index
      %swap3A_814 = tpu.vector_load %arg12[%swap3A_812, %swap3A_813] {strides = array<i32>} : memref<16x768xf32, #tpu.memory_space<vmem>>, vector<16xf32>,
      tpu.vector_store %arg12[%swap3A_812, %swap3A_813], %add3A_810 {strides = array<i32>} : memref<16x768xf32, #tpu.memory_space<vmem>>, vector<16xf32>,
      %add3A_815 = arith.addf %scan3A_674, %add3A_810 : vector<16xf32>
      %mul3A_816 = arith.mulf %add3A_810, %add3A_810 : vector<16xf32>
      %add3A_817 = arith.addf %scan3A_675, %mul3A_816 : vector<16xf32>
      %get3A_818 = arith.constant 7 : i32
      %get3A_819 = arith.index_cast %get3A_818 : i32 to index
      %get3A_820 = arith.index_cast %multiple_of3A_696 : i32 to index
      %get3A_821 = tpu.vector_load %arg10[%get3A_819, %get3A_820] {strides = array<i32>} : memref<16x768xf32, #tpu.memory_space<vmem>>, vector<16xf32>,
      %get3A_822 = arith.constant 7 : i32
      %get3A_823 = arith.index_cast %get3A_822 : i32 to index
      %get3A_824 = arith.index_cast %multiple_of3A_696 : i32 to index
      %get3A_825 = tpu.vector_load %arg15[%get3A_823, %get3A_824] {strides = array<i32>} : memref<16x768xf32, #tpu.memory_space<vmem>>, vector<16xf32>,
      %add3A_826 = arith.addf %get3A_821, %get3A_825 : vector<16xf32>
      %add3A_827 = arith.addf %add3A_826, %get3A_699 : vector<16xf32>
      %swap3A_828 = arith.constant 7 : i32
      %swap3A_829 = arith.index_cast %swap3A_828 : i32 to index
      %swap3A_830 = arith.index_cast %multiple_of3A_696 : i32 to index
      %swap3A_831 = tpu.vector_load %arg12[%swap3A_829, %swap3A_830] {strides = array<i32>} : memref<16x768xf32, #tpu.memory_space<vmem>>, vector<16xf32>,
      tpu.vector_store %arg12[%swap3A_829, %swap3A_830], %add3A_827 {strides = array<i32>} : memref<16x768xf32, #tpu.memory_space<vmem>>, vector<16xf32>,
      %add3A_832 = arith.addf %scan3A_676, %add3A_827 : vector<16xf32>
      %mul3A_833 = arith.mulf %add3A_827, %add3A_827 : vector<16xf32>
      %add3A_834 = arith.addf %scan3A_677, %mul3A_833 : vector<16xf32>
      %get3A_835 = arith.constant 8 : i32
      %get3A_836 = arith.index_cast %get3A_835 : i32 to index
      %get3A_837 = arith.index_cast %multiple_of3A_696 : i32 to index
      %get3A_838 = tpu.vector_load %arg10[%get3A_836, %get3A_837] {strides = array<i32>} : memref<16x768xf32, #tpu.memory_space<vmem>>, vector<16xf32>,
      %get3A_839 = arith.constant 8 : i32
      %get3A_840 = arith.index_cast %get3A_839 : i32 to index
      %get3A_841 = arith.index_cast %multiple_of3A_696 : i32 to index
      %get3A_842 = tpu.vector_load %arg15[%get3A_840, %get3A_841] {strides = array<i32>} : memref<16x768xf32, #tpu.memory_space<vmem>>, vector<16xf32>,
      %add3A_843 = arith.addf %get3A_838, %get3A_842 : vector<16xf32>
      %add3A_844 = arith.addf %add3A_843, %get3A_699 : vector<16xf32>
      %swap3A_845 = arith.constant 8 : i32
      %swap3A_846 = arith.index_cast %swap3A_845 : i32 to index
      %swap3A_847 = arith.index_cast %multiple_of3A_696 : i32 to index
      %swap3A_848 = tpu.vector_load %arg12[%swap3A_846, %swap3A_847] {strides = array<i32>} : memref<16x768xf32, #tpu.memory_space<vmem>>, vector<16xf32>,
      tpu.vector_store %arg12[%swap3A_846, %swap3A_847], %add3A_844 {strides = array<i32>} : memref<16x768xf32, #tpu.memory_space<vmem>>, vector<16xf32>,
      %add3A_849 = arith.addf %scan3A_678, %add3A_844 : vector<16xf32>
      %mul3A_850 = arith.mulf %add3A_844, %add3A_844 : vector<16xf32>
      %add3A_851 = arith.addf %scan3A_679, %mul3A_850 : vector<16xf32>
      %get3A_852 = arith.constant 9 : i32
      %get3A_853 = arith.index_cast %get3A_852 : i32 to index
      %get3A_854 = arith.index_cast %multiple_of3A_696 : i32 to index
      %get3A_855 = tpu.vector_load %arg10[%get3A_853, %get3A_854] {strides = array<i32>} : memref<16x768xf32, #tpu.memory_space<vmem>>, vector<16xf32>,
      %get3A_856 = arith.constant 9 : i32
      %get3A_857 = arith.index_cast %get3A_856 : i32 to index
      %get3A_858 = arith.index_cast %multiple_of3A_696 : i32 to index
      %get3A_859 = tpu.vector_load %arg15[%get3A_857, %get3A_858] {strides = array<i32>} : memref<16x768xf32, #tpu.memory_space<vmem>>, vector<16xf32>,
      %add3A_860 = arith.addf %get3A_855, %get3A_859 : vector<16xf32>
      %add3A_861 = arith.addf %add3A_860, %get3A_699 : vector<16xf32>
      %swap3A_862 = arith.constant 9 : i32
      %swap3A_863 = arith.index_cast %swap3A_862 : i32 to index
      %swap3A_864 = arith.index_cast %multiple_of3A_696 : i32 to index
      %swap3A_865 = tpu.vector_load %arg12[%swap3A_863, %swap3A_864] {strides = array<i32>} : memref<16x768xf32, #tpu.memory_space<vmem>>, vector<16xf32>,
      tpu.vector_store %arg12[%swap3A_863, %swap3A_864], %add3A_861 {strides = array<i32>} : memref<16x768xf32, #tpu.memory_space<vmem>>, vector<16xf32>,
      %add3A_866 = arith.addf %scan3A_680, %add3A_861 : vector<16xf32>
      %mul3A_867 = arith.mulf %add3A_861, %add3A_861 : vector<16xf32>
      %add3A_868 = arith.addf %scan3A_681, %mul3A_867 : vector<16xf32>
      %get3A_869 = arith.constant 10 : i32
      %get3A_870 = arith.index_cast %get3A_869 : i32 to index
      %get3A_871 = arith.index_cast %multiple_of3A_696 : i32 to index
      %get3A_872 = tpu.vector_load %arg10[%get3A_870, %get3A_871] {strides = array<i32>} : memref<16x768xf32, #tpu.memory_space<vmem>>, vector<16xf32>,
      %get3A_873 = arith.constant 10 : i32
      %get3A_874 = arith.index_cast %get3A_873 : i32 to index
      %get3A_875 = arith.index_cast %multiple_of3A_696 : i32 to index
      %get3A_876 = tpu.vector_load %arg15[%get3A_874, %get3A_875] {strides = array<i32>} : memref<16x768xf32, #tpu.memory_space<vmem>>, vector<16xf32>,
      %add3A_877 = arith.addf %get3A_872, %get3A_876 : vector<16xf32>
      %add3A_878 = arith.addf %add3A_877, %get3A_699 : vector<16xf32>
      %swap3A_879 = arith.constant 10 : i32
      %swap3A_880 = arith.index_cast %swap3A_879 : i32 to index
      %swap3A_881 = arith.index_cast %multiple_of3A_696 : i32 to index
      %swap3A_882 = tpu.vector_load %arg12[%swap3A_880, %swap3A_881] {strides = array<i32>} : memref<16x768xf32, #tpu.memory_space<vmem>>, vector<16xf32>,
      tpu.vector_store %arg12[%swap3A_880, %swap3A_881], %add3A_878 {strides = array<i32>} : memref<16x768xf32, #tpu.memory_space<vmem>>, vector<16xf32>,
      %add3A_883 = arith.addf %scan3A_682, %add3A_878 : vector<16xf32>
      %mul3A_884 = arith.mulf %add3A_878, %add3A_878 : vector<16xf32>
      %add3A_885 = arith.addf %scan3A_683, %mul3A_884 : vector<16xf32>
      %get3A_886 = arith.constant 11 : i32
      %get3A_887 = arith.index_cast %get3A_886 : i32 to index
      %get3A_888 = arith.index_cast %multiple_of3A_696 : i32 to index
      %get3A_889 = tpu.vector_load %arg10[%get3A_887, %get3A_888] {strides = array<i32>} : memref<16x768xf32, #tpu.memory_space<vmem>>, vector<16xf32>,
      %get3A_890 = arith.constant 11 : i32
      %get3A_891 = arith.index_cast %get3A_890 : i32 to index
      %get3A_892 = arith.index_cast %multiple_of3A_696 : i32 to index
      %get3A_893 = tpu.vector_load %arg15[%get3A_891, %get3A_892] {strides = array<i32>} : memref<16x768xf32, #tpu.memory_space<vmem>>, vector<16xf32>,
      %add3A_894 = arith.addf %get3A_889, %get3A_893 : vector<16xf32>
      %add3A_895 = arith.addf %add3A_894, %get3A_699 : vector<16xf32>
      %swap3A_896 = arith.constant 11 : i32
      %swap3A_897 = arith.index_cast %swap3A_896 : i32 to index
      %swap3A_898 = arith.index_cast %multiple_of3A_696 : i32 to index
      %swap3A_899 = tpu.vector_load %arg12[%swap3A_897, %swap3A_898] {strides = array<i32>} : memref<16x768xf32, #tpu.memory_space<vmem>>, vector<16xf32>,
      tpu.vector_store %arg12[%swap3A_897, %swap3A_898], %add3A_895 {strides = array<i32>} : memref<16x768xf32, #tpu.memory_space<vmem>>, vector<16xf32>,
      %add3A_900 = arith.addf %scan3A_684, %add3A_895 : vector<16xf32>
      %mul3A_901 = arith.mulf %add3A_895, %add3A_895 : vector<16xf32>
      %add3A_902 = arith.addf %scan3A_685, %mul3A_901 : vector<16xf32>
      %get3A_903 = arith.constant 12 : i32
      %get3A_904 = arith.index_cast %get3A_903 : i32 to index
      %get3A_905 = arith.index_cast %multiple_of3A_696 : i32 to index
      %get3A_906 = tpu.vector_load %arg10[%get3A_904, %get3A_905] {strides = array<i32>} : memref<16x768xf32, #tpu.memory_space<vmem>>, vector<16xf32>,
      %get3A_907 = arith.constant 12 : i32
      %get3A_908 = arith.index_cast %get3A_907 : i32 to index
      %get3A_909 = arith.index_cast %multiple_of3A_696 : i32 to index
      %get3A_910 = tpu.vector_load %arg15[%get3A_908, %get3A_909] {strides = array<i32>} : memref<16x768xf32, #tpu.memory_space<vmem>>, vector<16xf32>,
      %add3A_911 = arith.addf %get3A_906, %get3A_910 : vector<16xf32>
      %add3A_912 = arith.addf %add3A_911, %get3A_699 : vector<16xf32>
      %swap3A_913 = arith.constant 12 : i32
      %swap3A_914 = arith.index_cast %swap3A_913 : i32 to index
      %swap3A_915 = arith.index_cast %multiple_of3A_696 : i32 to index
      %swap3A_916 = tpu.vector_load %arg12[%swap3A_914, %swap3A_915] {strides = array<i32>} : memref<16x768xf32, #tpu.memory_space<vmem>>, vector<16xf32>,
      tpu.vector_store %arg12[%swap3A_914, %swap3A_915], %add3A_912 {strides = array<i32>} : memref<16x768xf32, #tpu.memory_space<vmem>>, vector<16xf32>,
      %add3A_917 = arith.addf %scan3A_686, %add3A_912 : vector<16xf32>
      %mul3A_918 = arith.mulf %add3A_912, %add3A_912 : vector<16xf32>
      %add3A_919 = arith.addf %scan3A_687, %mul3A_918 : vector<16xf32>
      %get3A_920 = arith.constant 13 : i32
      %get3A_921 = arith.index_cast %get3A_920 : i32 to index
      %get3A_922 = arith.index_cast %multiple_of3A_696 : i32 to index
      %get3A_923 = tpu.vector_load %arg10[%get3A_921, %get3A_922] {strides = array<i32>} : memref<16x768xf32, #tpu.memory_space<vmem>>, vector<16xf32>,
      %get3A_924 = arith.constant 13 : i32
      %get3A_925 = arith.index_cast %get3A_924 : i32 to index
      %get3A_926 = arith.index_cast %multiple_of3A_696 : i32 to index
      %get3A_927 = tpu.vector_load %arg15[%get3A_925, %get3A_926] {strides = array<i32>} : memref<16x768xf32, #tpu.memory_space<vmem>>, vector<16xf32>,
      %add3A_928 = arith.addf %get3A_923, %get3A_927 : vector<16xf32>
      %add3A_929 = arith.addf %add3A_928, %get3A_699 : vector<16xf32>
      %swap3A_930 = arith.constant 13 : i32
      %swap3A_931 = arith.index_cast %swap3A_930 : i32 to index
      %swap3A_932 = arith.index_cast %multiple_of3A_696 : i32 to index
      %swap3A_933 = tpu.vector_load %arg12[%swap3A_931, %swap3A_932] {strides = array<i32>} : memref<16x768xf32, #tpu.memory_space<vmem>>, vector<16xf32>,
      tpu.vector_store %arg12[%swap3A_931, %swap3A_932], %add3A_929 {strides = array<i32>} : memref<16x768xf32, #tpu.memory_space<vmem>>, vector<16xf32>,
      %add3A_934 = arith.addf %scan3A_688, %add3A_929 : vector<16xf32>
      %mul3A_935 = arith.mulf %add3A_929, %add3A_929 : vector<16xf32>
      %add3A_936 = arith.addf %scan3A_689, %mul3A_935 : vector<16xf32>
      %get3A_937 = arith.constant 14 : i32
      %get3A_938 = arith.index_cast %get3A_937 : i32 to index
      %get3A_939 = arith.index_cast %multiple_of3A_696 : i32 to index
      %get3A_940 = tpu.vector_load %arg10[%get3A_938, %get3A_939] {strides = array<i32>} : memref<16x768xf32, #tpu.memory_space<vmem>>, vector<16xf32>,
      %get3A_941 = arith.constant 14 : i32
      %get3A_942 = arith.index_cast %get3A_941 : i32 to index
      %get3A_943 = arith.index_cast %multiple_of3A_696 : i32 to index
      %get3A_944 = tpu.vector_load %arg15[%get3A_942, %get3A_943] {strides = array<i32>} : memref<16x768xf32, #tpu.memory_space<vmem>>, vector<16xf32>,
      %add3A_945 = arith.addf %get3A_940, %get3A_944 : vector<16xf32>
      %add3A_946 = arith.addf %add3A_945, %get3A_699 : vector<16xf32>
      %swap3A_947 = arith.constant 14 : i32
      %swap3A_948 = arith.index_cast %swap3A_947 : i32 to index
      %swap3A_949 = arith.index_cast %multiple_of3A_696 : i32 to index
      %swap3A_950 = tpu.vector_load %arg12[%swap3A_948, %swap3A_949] {strides = array<i32>} : memref<16x768xf32, #tpu.memory_space<vmem>>, vector<16xf32>,
      tpu.vector_store %arg12[%swap3A_948, %swap3A_949], %add3A_946 {strides = array<i32>} : memref<16x768xf32, #tpu.memory_space<vmem>>, vector<16xf32>,
      %add3A_951 = arith.addf %scan3A_690, %add3A_946 : vector<16xf32>
      %mul3A_952 = arith.mulf %add3A_946, %add3A_946 : vector<16xf32>
      %add3A_953 = arith.addf %scan3A_691, %mul3A_952 : vector<16xf32>
      %get3A_954 = arith.constant 15 : i32
      %get3A_955 = arith.index_cast %get3A_954 : i32 to index
      %get3A_956 = arith.index_cast %multiple_of3A_696 : i32 to index
      %get3A_957 = tpu.vector_load %arg10[%get3A_955, %get3A_956] {strides = array<i32>} : memref<16x768xf32, #tpu.memory_space<vmem>>, vector<16xf32>,
      %get3A_958 = arith.constant 15 : i32
      %get3A_959 = arith.index_cast %get3A_958 : i32 to index
      %get3A_960 = arith.index_cast %multiple_of3A_696 : i32 to index
      %get3A_961 = tpu.vector_load %arg15[%get3A_959, %get3A_960] {strides = array<i32>} : memref<16x768xf32, #tpu.memory_space<vmem>>, vector<16xf32>,
      %add3A_962 = arith.addf %get3A_957, %get3A_961 : vector<16xf32>
      %add3A_963 = arith.addf %add3A_962, %get3A_699 : vector<16xf32>
      %swap3A_964 = arith.constant 15 : i32
      %swap3A_965 = arith.index_cast %swap3A_964 : i32 to index
      %swap3A_966 = arith.index_cast %multiple_of3A_696 : i32 to index
      %swap3A_967 = tpu.vector_load %arg12[%swap3A_965, %swap3A_966] {strides = array<i32>} : memref<16x768xf32, #tpu.memory_space<vmem>>, vector<16xf32>,
      tpu.vector_store %arg12[%swap3A_965, %swap3A_966], %add3A_963 {strides = array<i32>} : memref<16x768xf32, #tpu.memory_space<vmem>>, vector<16xf32>,
      %add3A_968 = arith.addf %scan3A_692, %add3A_963 : vector<16xf32>
      %mul3A_969 = arith.mulf %add3A_963, %add3A_963 : vector<16xf32>
      %add3A_970 = arith.addf %scan3A_693, %mul3A_969 : vector<16xf32>
      scf.yield %add3A_713, %add3A_715, %add3A_730, %add3A_732, %add3A_747, %add3A_749, %add3A_764, %add3A_766, %add3A_781, %add3A_783, %add3A_798, %add3A_800, %add3A_815, %add3A_817, %add3A_832, %add3A_834, %add3A_849, %add3A_851, %add3A_866, %add3A_868, %add3A_883, %add3A_885, %add3A_900, %add3A_902, %add3A_917, %add3A_919, %add3A_934, %add3A_936, %add3A_951, %add3A_953, %add3A_968, %add3A_970 : vector<16xf32>, vector<16xf32>, vector<16xf32>, vector<16xf32>, vector<16xf32>, vector<16xf32>, vector<16xf32>, vector<16xf32>, vector<16xf32>, vector<16xf32>, vector<16xf32>, vector<16xf32>, vector<16xf32>, vector<16xf32>, vector<16xf32>, vector<16xf32>, vector<16xf32>, vector<16xf32>, vector<16xf32>, vector<16xf32>, vector<16xf32>, vector<16xf32>, vector<16xf32>, vector<16xf32>, vector<16xf32>, vector<16xf32>, vector<16xf32>, vector<16xf32>, vector<16xf32>, vector<16xf32>, vector<16xf32>, vector<16xf32>
    }
    %scan3A_146 = arith.constant 48 : i32
    %add3A_147 = arith.constant 0 : i32
    %add3A_148 = vector.broadcast %add3A_147 : i32 to vector<16xi32>
    %add3A_149 = arith.addi %iota3A, %add3A_148 : vector<16xi32>
    tpu.vector_store_idx %arg18[%add3A_149], %scan3A_145#0 : memref<544xf32, #tpu.memory_space<vmem>>[vector<16xi32>], vector<16xf32>,
    %add3A_150 = arith.constant 272 : i32
    %add3A_151 = vector.broadcast %add3A_150 : i32 to vector<16xi32>
    %add3A_152 = arith.addi %iota3A, %add3A_151 : vector<16xi32>
    tpu.vector_store_idx %arg18[%add3A_152], %scan3A_145#1 : memref<544xf32, #tpu.memory_space<vmem>>[vector<16xi32>], vector<16xf32>,
    %add3A_153 = arith.constant 17 : i32
    %add3A_154 = vector.broadcast %add3A_153 : i32 to vector<16xi32>
    %add3A_155 = arith.addi %iota3A, %add3A_154 : vector<16xi32>
    tpu.vector_store_idx %arg18[%add3A_155], %scan3A_145#2 : memref<544xf32, #tpu.memory_space<vmem>>[vector<16xi32>], vector<16xf32>,
    %add3A_156 = arith.constant 289 : i32
    %add3A_157 = vector.broadcast %add3A_156 : i32 to vector<16xi32>
    %add3A_158 = arith.addi %iota3A, %add3A_157 : vector<16xi32>
    tpu.vector_store_idx %arg18[%add3A_158], %scan3A_145#3 : memref<544xf32, #tpu.memory_space<vmem>>[vector<16xi32>], vector<16xf32>,
    %add3A_159 = arith.constant 34 : i32
    %add3A_160 = vector.broadcast %add3A_159 : i32 to vector<16xi32>
    %add3A_161 = arith.addi %iota3A, %add3A_160 : vector<16xi32>
    tpu.vector_store_idx %arg18[%add3A_161], %scan3A_145#4 : memref<544xf32, #tpu.memory_space<vmem>>[vector<16xi32>], vector<16xf32>,
    %add3A_162 = arith.constant 306 : i32
    %add3A_163 = vector.broadcast %add3A_162 : i32 to vector<16xi32>
    %add3A_164 = arith.addi %iota3A, %add3A_163 : vector<16xi32>
    tpu.vector_store_idx %arg18[%add3A_164], %scan3A_145#5 : memref<544xf32, #tpu.memory_space<vmem>>[vector<16xi32>], vector<16xf32>,
    %add3A_165 = arith.constant 51 : i32
    %add3A_166 = vector.broadcast %add3A_165 : i32 to vector<16xi32>
    %add3A_167 = arith.addi %iota3A, %add3A_166 : vector<16xi32>
    tpu.vector_store_idx %arg18[%add3A_167], %scan3A_145#6 : memref<544xf32, #tpu.memory_space<vmem>>[vector<16xi32>], vector<16xf32>,
    %add3A_168 = arith.constant 323 : i32
    %add3A_169 = vector.broadcast %add3A_168 : i32 to vector<16xi32>
    %add3A_170 = arith.addi %iota3A, %add3A_169 : vector<16xi32>
    tpu.vector_store_idx %arg18[%add3A_170], %scan3A_145#7 : memref<544xf32, #tpu.memory_space<vmem>>[vector<16xi32>], vector<16xf32>,
    %add3A_171 = arith.constant 68 : i32
    %add3A_172 = vector.broadcast %add3A_171 : i32 to vector<16xi32>
    %add3A_173 = arith.addi %iota3A, %add3A_172 : vector<16xi32>
    tpu.vector_store_idx %arg18[%add3A_173], %scan3A_145#8 : memref<544xf32, #tpu.memory_space<vmem>>[vector<16xi32>], vector<16xf32>,
    %add3A_174 = arith.constant 340 : i32
    %add3A_175 = vector.broadcast %add3A_174 : i32 to vector<16xi32>
    %add3A_176 = arith.addi %iota3A, %add3A_175 : vector<16xi32>
    tpu.vector_store_idx %arg18[%add3A_176], %scan3A_145#9 : memref<544xf32, #tpu.memory_space<vmem>>[vector<16xi32>], vector<16xf32>,
    %add3A_177 = arith.constant 85 : i32
    %add3A_178 = vector.broadcast %add3A_177 : i32 to vector<16xi32>
    %add3A_179 = arith.addi %iota3A, %add3A_178 : vector<16xi32>
    tpu.vector_store_idx %arg18[%add3A_179], %scan3A_145#10 : memref<544xf32, #tpu.memory_space<vmem>>[vector<16xi32>], vector<16xf32>,
    %add3A_180 = arith.constant 357 : i32
    %add3A_181 = vector.broadcast %add3A_180 : i32 to vector<16xi32>
    %add3A_182 = arith.addi %iota3A, %add3A_181 : vector<16xi32>
    tpu.vector_store_idx %arg18[%add3A_182], %scan3A_145#11 : memref<544xf32, #tpu.memory_space<vmem>>[vector<16xi32>], vector<16xf32>,
    %add3A_183 = arith.constant 102 : i32
    %add3A_184 = vector.broadcast %add3A_183 : i32 to vector<16xi32>
    %add3A_185 = arith.addi %iota3A, %add3A_184 : vector<16xi32>
    tpu.vector_store_idx %arg18[%add3A_185], %scan3A_145#12 : memref<544xf32, #tpu.memory_space<vmem>>[vector<16xi32>], vector<16xf32>,
    %add3A_186 = arith.constant 374 : i32
    %add3A_187 = vector.broadcast %add3A_186 : i32 to vector<16xi32>
    %add3A_188 = arith.addi %iota3A, %add3A_187 : vector<16xi32>
    tpu.vector_store_idx %arg18[%add3A_188], %scan3A_145#13 : memref<544xf32, #tpu.memory_space<vmem>>[vector<16xi32>], vector<16xf32>,
    %add3A_189 = arith.constant 119 : i32
    %add3A_190 = vector.broadcast %add3A_189 : i32 to vector<16xi32>
    %add3A_191 = arith.addi %iota3A, %add3A_190 : vector<16xi32>
    tpu.vector_store_idx %arg18[%add3A_191], %scan3A_145#14 : memref<544xf32, #tpu.memory_space<vmem>>[vector<16xi32>], vector<16xf32>,
    %add3A_192 = arith.constant 391 : i32
    %add3A_193 = vector.broadcast %add3A_192 : i32 to vector<16xi32>
    %add3A_194 = arith.addi %iota3A, %add3A_193 : vector<16xi32>
    tpu.vector_store_idx %arg18[%add3A_194], %scan3A_145#15 : memref<544xf32, #tpu.memory_space<vmem>>[vector<16xi32>], vector<16xf32>,
    %add3A_195 = arith.constant 136 : i32
    %add3A_196 = vector.broadcast %add3A_195 : i32 to vector<16xi32>
    %add3A_197 = arith.addi %iota3A, %add3A_196 : vector<16xi32>
    tpu.vector_store_idx %arg18[%add3A_197], %scan3A_145#16 : memref<544xf32, #tpu.memory_space<vmem>>[vector<16xi32>], vector<16xf32>,
    %add3A_198 = arith.constant 408 : i32
    %add3A_199 = vector.broadcast %add3A_198 : i32 to vector<16xi32>
    %add3A_200 = arith.addi %iota3A, %add3A_199 : vector<16xi32>
    tpu.vector_store_idx %arg18[%add3A_200], %scan3A_145#17 : memref<544xf32, #tpu.memory_space<vmem>>[vector<16xi32>], vector<16xf32>,
    %add3A_201 = arith.constant 153 : i32
    %add3A_202 = vector.broadcast %add3A_201 : i32 to vector<16xi32>
    %add3A_203 = arith.addi %iota3A, %add3A_202 : vector<16xi32>
    tpu.vector_store_idx %arg18[%add3A_203], %scan3A_145#18 : memref<544xf32, #tpu.memory_space<vmem>>[vector<16xi32>], vector<16xf32>,
    %add3A_204 = arith.constant 425 : i32
    %add3A_205 = vector.broadcast %add3A_204 : i32 to vector<16xi32>
    %add3A_206 = arith.addi %iota3A, %add3A_205 : vector<16xi32>
    tpu.vector_store_idx %arg18[%add3A_206], %scan3A_145#19 : memref<544xf32, #tpu.memory_space<vmem>>[vector<16xi32>], vector<16xf32>,
    %add3A_207 = arith.constant 170 : i32
    %add3A_208 = vector.broadcast %add3A_207 : i32 to vector<16xi32>
    %add3A_209 = arith.addi %iota3A, %add3A_208 : vector<16xi32>
    tpu.vector_store_idx %arg18[%add3A_209], %scan3A_145#20 : memref<544xf32, #tpu.memory_space<vmem>>[vector<16xi32>], vector<16xf32>,
    %add3A_210 = arith.constant 442 : i32
    %add3A_211 = vector.broadcast %add3A_210 : i32 to vector<16xi32>
    %add3A_212 = arith.addi %iota3A, %add3A_211 : vector<16xi32>
    tpu.vector_store_idx %arg18[%add3A_212], %scan3A_145#21 : memref<544xf32, #tpu.memory_space<vmem>>[vector<16xi32>], vector<16xf32>,
    %add3A_213 = arith.constant 187 : i32
    %add3A_214 = vector.broadcast %add3A_213 : i32 to vector<16xi32>
    %add3A_215 = arith.addi %iota3A, %add3A_214 : vector<16xi32>
    tpu.vector_store_idx %arg18[%add3A_215], %scan3A_145#22 : memref<544xf32, #tpu.memory_space<vmem>>[vector<16xi32>], vector<16xf32>,
    %add3A_216 = arith.constant 459 : i32
    %add3A_217 = vector.broadcast %add3A_216 : i32 to vector<16xi32>
    %add3A_218 = arith.addi %iota3A, %add3A_217 : vector<16xi32>
    tpu.vector_store_idx %arg18[%add3A_218], %scan3A_145#23 : memref<544xf32, #tpu.memory_space<vmem>>[vector<16xi32>], vector<16xf32>,
    %add3A_219 = arith.constant 204 : i32
    %add3A_220 = vector.broadcast %add3A_219 : i32 to vector<16xi32>
    %add3A_221 = arith.addi %iota3A, %add3A_220 : vector<16xi32>
    tpu.vector_store_idx %arg18[%add3A_221], %scan3A_145#24 : memref<544xf32, #tpu.memory_space<vmem>>[vector<16xi32>], vector<16xf32>,
    %add3A_222 = arith.constant 476 : i32
    %add3A_223 = vector.broadcast %add3A_222 : i32 to vector<16xi32>
    %add3A_224 = arith.addi %iota3A, %add3A_223 : vector<16xi32>
    tpu.vector_store_idx %arg18[%add3A_224], %scan3A_145#25 : memref<544xf32, #tpu.memory_space<vmem>>[vector<16xi32>], vector<16xf32>,
    %add3A_225 = arith.constant 221 : i32
    %add3A_226 = vector.broadcast %add3A_225 : i32 to vector<16xi32>
    %add3A_227 = arith.addi %iota3A, %add3A_226 : vector<16xi32>
    tpu.vector_store_idx %arg18[%add3A_227], %scan3A_145#26 : memref<544xf32, #tpu.memory_space<vmem>>[vector<16xi32>], vector<16xf32>,
    %add3A_228 = arith.constant 493 : i32
    %add3A_229 = vector.broadcast %add3A_228 : i32 to vector<16xi32>
    %add3A_230 = arith.addi %iota3A, %add3A_229 : vector<16xi32>
    tpu.vector_store_idx %arg18[%add3A_230], %scan3A_145#27 : memref<544xf32, #tpu.memory_space<vmem>>[vector<16xi32>], vector<16xf32>,
    %add3A_231 = arith.constant 238 : i32
    %add3A_232 = vector.broadcast %add3A_231 : i32 to vector<16xi32>
    %add3A_233 = arith.addi %iota3A, %add3A_232 : vector<16xi32>
    tpu.vector_store_idx %arg18[%add3A_233], %scan3A_145#28 : memref<544xf32, #tpu.memory_space<vmem>>[vector<16xi32>], vector<16xf32>,
    %add3A_234 = arith.constant 510 : i32
    %add3A_235 = vector.broadcast %add3A_234 : i32 to vector<16xi32>
    %add3A_236 = arith.addi %iota3A, %add3A_235 : vector<16xi32>
    tpu.vector_store_idx %arg18[%add3A_236], %scan3A_145#29 : memref<544xf32, #tpu.memory_space<vmem>>[vector<16xi32>], vector<16xf32>,
    %add3A_237 = arith.constant 255 : i32
    %add3A_238 = vector.broadcast %add3A_237 : i32 to vector<16xi32>
    %add3A_239 = arith.addi %iota3A, %add3A_238 : vector<16xi32>
    tpu.vector_store_idx %arg18[%add3A_239], %scan3A_145#30 : memref<544xf32, #tpu.memory_space<vmem>>[vector<16xi32>], vector<16xf32>,
    %add3A_240 = arith.constant 527 : i32
    %add3A_241 = vector.broadcast %add3A_240 : i32 to vector<16xi32>
    %add3A_242 = arith.addi %iota3A, %add3A_241 : vector<16xi32>
    tpu.vector_store_idx %arg18[%add3A_242], %scan3A_145#31 : memref<544xf32, #tpu.memory_space<vmem>>[vector<16xi32>], vector<16xf32>,
    %broadcast_in_dim3A_243 = arith.constant 0.000000e+00 : f32
    %broadcast_in_dim3A_244 = vector.broadcast %broadcast_in_dim3A_243 : f32 to vector<16xf32>
    %broadcast_in_dim3A_245 = arith.constant 0.000000e+00 : f32
    %broadcast_in_dim3A_246 = vector.broadcast %broadcast_in_dim3A_245 : f32 to vector<16xf32>
    %mul3A_247 = arith.constant 17 : i32
    %mul3A_248 = vector.broadcast %mul3A_247 : i32 to vector<16xi32>
    %mul3A_249 = arith.muli %iota3A, %mul3A_248 : vector<16xi32>
    %add3A_250 = arith.constant 0 : i32
    %add3A_251 = vector.broadcast %add3A_250 : i32 to vector<16xi32>
    %add3A_252 = arith.addi %mul3A_249, %add3A_251 : vector<16xi32>
    %gather3A = tpu.vector_load_idx %arg18[%add3A_252] : memref<544xf32, #tpu.memory_space<vmem>>[vector<16xi32>], vector<16xf32>,
    %add3A_253 = arith.addf %broadcast_in_dim3A_244, %gather3A : vector<16xf32>
    %mul3A_254 = arith.constant 17 : i32
    %mul3A_255 = vector.broadcast %mul3A_254 : i32 to vector<16xi32>
    %mul3A_256 = arith.muli %iota3A, %mul3A_255 : vector<16xi32>
    %add3A_257 = arith.constant 272 : i32
    %add3A_258 = vector.broadcast %add3A_257 : i32 to vector<16xi32>
    %add3A_259 = arith.addi %mul3A_256, %add3A_258 : vector<16xi32>
    %gather3A_260 = tpu.vector_load_idx %arg18[%add3A_259] : memref<544xf32, #tpu.memory_space<vmem>>[vector<16xi32>], vector<16xf32>,
    %add3A_261 = arith.addf %broadcast_in_dim3A_246, %gather3A_260 : vector<16xf32>
    %mul3A_262 = arith.constant 17 : i32
    %mul3A_263 = vector.broadcast %mul3A_262 : i32 to vector<16xi32>
    %mul3A_264 = arith.muli %iota3A, %mul3A_263 : vector<16xi32>
    %add3A_265 = arith.constant 1 : i32
    %add3A_266 = vector.broadcast %add3A_265 : i32 to vector<16xi32>
    %add3A_267 = arith.addi %mul3A_264, %add3A_266 : vector<16xi32>
    %gather3A_268 = tpu.vector_load_idx %arg18[%add3A_267] : memref<544xf32, #tpu.memory_space<vmem>>[vector<16xi32>], vector<16xf32>,
    %add3A_269 = arith.addf %add3A_253, %gather3A_268 : vector<16xf32>
    %mul3A_270 = arith.constant 17 : i32
    %mul3A_271 = vector.broadcast %mul3A_270 : i32 to vector<16xi32>
    %mul3A_272 = arith.muli %iota3A, %mul3A_271 : vector<16xi32>
    %add3A_273 = arith.constant 273 : i32
    %add3A_274 = vector.broadcast %add3A_273 : i32 to vector<16xi32>
    %add3A_275 = arith.addi %mul3A_272, %add3A_274 : vector<16xi32>
    %gather3A_276 = tpu.vector_load_idx %arg18[%add3A_275] : memref<544xf32, #tpu.memory_space<vmem>>[vector<16xi32>], vector<16xf32>,
    %add3A_277 = arith.addf %add3A_261, %gather3A_276 : vector<16xf32>
    %mul3A_278 = arith.constant 17 : i32
    %mul3A_279 = vector.broadcast %mul3A_278 : i32 to vector<16xi32>
    %mul3A_280 = arith.muli %iota3A, %mul3A_279 : vector<16xi32>
    %add3A_281 = arith.constant 2 : i32
    %add3A_282 = vector.broadcast %add3A_281 : i32 to vector<16xi32>
    %add3A_283 = arith.addi %mul3A_280, %add3A_282 : vector<16xi32>
    %gather3A_284 = tpu.vector_load_idx %arg18[%add3A_283] : memref<544xf32, #tpu.memory_space<vmem>>[vector<16xi32>], vector<16xf32>,
    %add3A_285 = arith.addf %add3A_269, %gather3A_284 : vector<16xf32>
    %mul3A_286 = arith.constant 17 : i32
    %mul3A_287 = vector.broadcast %mul3A_286 : i32 to vector<16xi32>
    %mul3A_288 = arith.muli %iota3A, %mul3A_287 : vector<16xi32>
    %add3A_289 = arith.constant 274 : i32
    %add3A_290 = vector.broadcast %add3A_289 : i32 to vector<16xi32>
    %add3A_291 = arith.addi %mul3A_288, %add3A_290 : vector<16xi32>
    %gather3A_292 = tpu.vector_load_idx %arg18[%add3A_291] : memref<544xf32, #tpu.memory_space<vmem>>[vector<16xi32>], vector<16xf32>,
    %add3A_293 = arith.addf %add3A_277, %gather3A_292 : vector<16xf32>
    %mul3A_294 = arith.constant 17 : i32
    %mul3A_295 = vector.broadcast %mul3A_294 : i32 to vector<16xi32>
    %mul3A_296 = arith.muli %iota3A, %mul3A_295 : vector<16xi32>
    %add3A_297 = arith.constant 3 : i32
    %add3A_298 = vector.broadcast %add3A_297 : i32 to vector<16xi32>
    %add3A_299 = arith.addi %mul3A_296, %add3A_298 : vector<16xi32>
    %gather3A_300 = tpu.vector_load_idx %arg18[%add3A_299] : memref<544xf32, #tpu.memory_space<vmem>>[vector<16xi32>], vector<16xf32>,
    %add3A_301 = arith.addf %add3A_285, %gather3A_300 : vector<16xf32>
    %mul3A_302 = arith.constant 17 : i32
    %mul3A_303 = vector.broadcast %mul3A_302 : i32 to vector<16xi32>
    %mul3A_304 = arith.muli %iota3A, %mul3A_303 : vector<16xi32>
    %add3A_305 = arith.constant 275 : i32
    %add3A_306 = vector.broadcast %add3A_305 : i32 to vector<16xi32>
    %add3A_307 = arith.addi %mul3A_304, %add3A_306 : vector<16xi32>
    %gather3A_308 = tpu.vector_load_idx %arg18[%add3A_307] : memref<544xf32, #tpu.memory_space<vmem>>[vector<16xi32>], vector<16xf32>,
    %add3A_309 = arith.addf %add3A_293, %gather3A_308 : vector<16xf32>
    %mul3A_310 = arith.constant 17 : i32
    %mul3A_311 = vector.broadcast %mul3A_310 : i32 to vector<16xi32>
    %mul3A_312 = arith.muli %iota3A, %mul3A_311 : vector<16xi32>
    %add3A_313 = arith.constant 4 : i32
    %add3A_314 = vector.broadcast %add3A_313 : i32 to vector<16xi32>
    %add3A_315 = arith.addi %mul3A_312, %add3A_314 : vector<16xi32>
    %gather3A_316 = tpu.vector_load_idx %arg18[%add3A_315] : memref<544xf32, #tpu.memory_space<vmem>>[vector<16xi32>], vector<16xf32>,
    %add3A_317 = arith.addf %add3A_301, %gather3A_316 : vector<16xf32>
    %mul3A_318 = arith.constant 17 : i32
    %mul3A_319 = vector.broadcast %mul3A_318 : i32 to vector<16xi32>
    %mul3A_320 = arith.muli %iota3A, %mul3A_319 : vector<16xi32>
    %add3A_321 = arith.constant 276 : i32
    %add3A_322 = vector.broadcast %add3A_321 : i32 to vector<16xi32>
    %add3A_323 = arith.addi %mul3A_320, %add3A_322 : vector<16xi32>
    %gather3A_324 = tpu.vector_load_idx %arg18[%add3A_323] : memref<544xf32, #tpu.memory_space<vmem>>[vector<16xi32>], vector<16xf32>,
    %add3A_325 = arith.addf %add3A_309, %gather3A_324 : vector<16xf32>
    %mul3A_326 = arith.constant 17 : i32
    %mul3A_327 = vector.broadcast %mul3A_326 : i32 to vector<16xi32>
    %mul3A_328 = arith.muli %iota3A, %mul3A_327 : vector<16xi32>
    %add3A_329 = arith.constant 5 : i32
    %add3A_330 = vector.broadcast %add3A_329 : i32 to vector<16xi32>
    %add3A_331 = arith.addi %mul3A_328, %add3A_330 : vector<16xi32>
    %gather3A_332 = tpu.vector_load_idx %arg18[%add3A_331] : memref<544xf32, #tpu.memory_space<vmem>>[vector<16xi32>], vector<16xf32>,
    %add3A_333 = arith.addf %add3A_317, %gather3A_332 : vector<16xf32>
    %mul3A_334 = arith.constant 17 : i32
    %mul3A_335 = vector.broadcast %mul3A_334 : i32 to vector<16xi32>
    %mul3A_336 = arith.muli %iota3A, %mul3A_335 : vector<16xi32>
    %add3A_337 = arith.constant 277 : i32
    %add3A_338 = vector.broadcast %add3A_337 : i32 to vector<16xi32>
    %add3A_339 = arith.addi %mul3A_336, %add3A_338 : vector<16xi32>
    %gather3A_340 = tpu.vector_load_idx %arg18[%add3A_339] : memref<544xf32, #tpu.memory_space<vmem>>[vector<16xi32>], vector<16xf32>,
    %add3A_341 = arith.addf %add3A_325, %gather3A_340 : vector<16xf32>
    %mul3A_342 = arith.constant 17 : i32
    %mul3A_343 = vector.broadcast %mul3A_342 : i32 to vector<16xi32>
    %mul3A_344 = arith.muli %iota3A, %mul3A_343 : vector<16xi32>
    %add3A_345 = arith.constant 6 : i32
    %add3A_346 = vector.broadcast %add3A_345 : i32 to vector<16xi32>
    %add3A_347 = arith.addi %mul3A_344, %add3A_346 : vector<16xi32>
    %gather3A_348 = tpu.vector_load_idx %arg18[%add3A_347] : memref<544xf32, #tpu.memory_space<vmem>>[vector<16xi32>], vector<16xf32>,
    %add3A_349 = arith.addf %add3A_333, %gather3A_348 : vector<16xf32>
    %mul3A_350 = arith.constant 17 : i32
    %mul3A_351 = vector.broadcast %mul3A_350 : i32 to vector<16xi32>
    %mul3A_352 = arith.muli %iota3A, %mul3A_351 : vector<16xi32>
    %add3A_353 = arith.constant 278 : i32
    %add3A_354 = vector.broadcast %add3A_353 : i32 to vector<16xi32>
    %add3A_355 = arith.addi %mul3A_352, %add3A_354 : vector<16xi32>
    %gather3A_356 = tpu.vector_load_idx %arg18[%add3A_355] : memref<544xf32, #tpu.memory_space<vmem>>[vector<16xi32>], vector<16xf32>,
    %add3A_357 = arith.addf %add3A_341, %gather3A_356 : vector<16xf32>
    %mul3A_358 = arith.constant 17 : i32
    %mul3A_359 = vector.broadcast %mul3A_358 : i32 to vector<16xi32>
    %mul3A_360 = arith.muli %iota3A, %mul3A_359 : vector<16xi32>
    %add3A_361 = arith.constant 7 : i32
    %add3A_362 = vector.broadcast %add3A_361 : i32 to vector<16xi32>
    %add3A_363 = arith.addi %mul3A_360, %add3A_362 : vector<16xi32>
    %gather3A_364 = tpu.vector_load_idx %arg18[%add3A_363] : memref<544xf32, #tpu.memory_space<vmem>>[vector<16xi32>], vector<16xf32>,
    %add3A_365 = arith.addf %add3A_349, %gather3A_364 : vector<16xf32>
    %mul3A_366 = arith.constant 17 : i32
    %mul3A_367 = vector.broadcast %mul3A_366 : i32 to vector<16xi32>
    %mul3A_368 = arith.muli %iota3A, %mul3A_367 : vector<16xi32>
    %add3A_369 = arith.constant 279 : i32
    %add3A_370 = vector.broadcast %add3A_369 : i32 to vector<16xi32>
    %add3A_371 = arith.addi %mul3A_368, %add3A_370 : vector<16xi32>
    %gather3A_372 = tpu.vector_load_idx %arg18[%add3A_371] : memref<544xf32, #tpu.memory_space<vmem>>[vector<16xi32>], vector<16xf32>,
    %add3A_373 = arith.addf %add3A_357, %gather3A_372 : vector<16xf32>
    %mul3A_374 = arith.constant 17 : i32
    %mul3A_375 = vector.broadcast %mul3A_374 : i32 to vector<16xi32>
    %mul3A_376 = arith.muli %iota3A, %mul3A_375 : vector<16xi32>
    %add3A_377 = arith.constant 8 : i32
    %add3A_378 = vector.broadcast %add3A_377 : i32 to vector<16xi32>
    %add3A_379 = arith.addi %mul3A_376, %add3A_378 : vector<16xi32>
    %gather3A_380 = tpu.vector_load_idx %arg18[%add3A_379] : memref<544xf32, #tpu.memory_space<vmem>>[vector<16xi32>], vector<16xf32>,
    %add3A_381 = arith.addf %add3A_365, %gather3A_380 : vector<16xf32>
    %mul3A_382 = arith.constant 17 : i32
    %mul3A_383 = vector.broadcast %mul3A_382 : i32 to vector<16xi32>
    %mul3A_384 = arith.muli %iota3A, %mul3A_383 : vector<16xi32>
    %add3A_385 = arith.constant 280 : i32
    %add3A_386 = vector.broadcast %add3A_385 : i32 to vector<16xi32>
    %add3A_387 = arith.addi %mul3A_384, %add3A_386 : vector<16xi32>
    %gather3A_388 = tpu.vector_load_idx %arg18[%add3A_387] : memref<544xf32, #tpu.memory_space<vmem>>[vector<16xi32>], vector<16xf32>,
    %add3A_389 = arith.addf %add3A_373, %gather3A_388 : vector<16xf32>
    %mul3A_390 = arith.constant 17 : i32
    %mul3A_391 = vector.broadcast %mul3A_390 : i32 to vector<16xi32>
    %mul3A_392 = arith.muli %iota3A, %mul3A_391 : vector<16xi32>
    %add3A_393 = arith.constant 9 : i32
    %add3A_394 = vector.broadcast %add3A_393 : i32 to vector<16xi32>
    %add3A_395 = arith.addi %mul3A_392, %add3A_394 : vector<16xi32>
    %gather3A_396 = tpu.vector_load_idx %arg18[%add3A_395] : memref<544xf32, #tpu.memory_space<vmem>>[vector<16xi32>], vector<16xf32>,
    %add3A_397 = arith.addf %add3A_381, %gather3A_396 : vector<16xf32>
    %mul3A_398 = arith.constant 17 : i32
    %mul3A_399 = vector.broadcast %mul3A_398 : i32 to vector<16xi32>
    %mul3A_400 = arith.muli %iota3A, %mul3A_399 : vector<16xi32>
    %add3A_401 = arith.constant 281 : i32
    %add3A_402 = vector.broadcast %add3A_401 : i32 to vector<16xi32>
    %add3A_403 = arith.addi %mul3A_400, %add3A_402 : vector<16xi32>
    %gather3A_404 = tpu.vector_load_idx %arg18[%add3A_403] : memref<544xf32, #tpu.memory_space<vmem>>[vector<16xi32>], vector<16xf32>,
    %add3A_405 = arith.addf %add3A_389, %gather3A_404 : vector<16xf32>
    %mul3A_406 = arith.constant 17 : i32
    %mul3A_407 = vector.broadcast %mul3A_406 : i32 to vector<16xi32>
    %mul3A_408 = arith.muli %iota3A, %mul3A_407 : vector<16xi32>
    %add3A_409 = arith.constant 10 : i32
    %add3A_410 = vector.broadcast %add3A_409 : i32 to vector<16xi32>
    %add3A_411 = arith.addi %mul3A_408, %add3A_410 : vector<16xi32>
    %gather3A_412 = tpu.vector_load_idx %arg18[%add3A_411] : memref<544xf32, #tpu.memory_space<vmem>>[vector<16xi32>], vector<16xf32>,
    %add3A_413 = arith.addf %add3A_397, %gather3A_412 : vector<16xf32>
    %mul3A_414 = arith.constant 17 : i32
    %mul3A_415 = vector.broadcast %mul3A_414 : i32 to vector<16xi32>
    %mul3A_416 = arith.muli %iota3A, %mul3A_415 : vector<16xi32>
    %add3A_417 = arith.constant 282 : i32
    %add3A_418 = vector.broadcast %add3A_417 : i32 to vector<16xi32>
    %add3A_419 = arith.addi %mul3A_416, %add3A_418 : vector<16xi32>
    %gather3A_420 = tpu.vector_load_idx %arg18[%add3A_419] : memref<544xf32, #tpu.memory_space<vmem>>[vector<16xi32>], vector<16xf32>,
    %add3A_421 = arith.addf %add3A_405, %gather3A_420 : vector<16xf32>
    %mul3A_422 = arith.constant 17 : i32
    %mul3A_423 = vector.broadcast %mul3A_422 : i32 to vector<16xi32>
    %mul3A_424 = arith.muli %iota3A, %mul3A_423 : vector<16xi32>
    %add3A_425 = arith.constant 11 : i32
    %add3A_426 = vector.broadcast %add3A_425 : i32 to vector<16xi32>
    %add3A_427 = arith.addi %mul3A_424, %add3A_426 : vector<16xi32>
    %gather3A_428 = tpu.vector_load_idx %arg18[%add3A_427] : memref<544xf32, #tpu.memory_space<vmem>>[vector<16xi32>], vector<16xf32>,
    %add3A_429 = arith.addf %add3A_413, %gather3A_428 : vector<16xf32>
    %mul3A_430 = arith.constant 17 : i32
    %mul3A_431 = vector.broadcast %mul3A_430 : i32 to vector<16xi32>
    %mul3A_432 = arith.muli %iota3A, %mul3A_431 : vector<16xi32>
    %add3A_433 = arith.constant 283 : i32
    %add3A_434 = vector.broadcast %add3A_433 : i32 to vector<16xi32>
    %add3A_435 = arith.addi %mul3A_432, %add3A_434 : vector<16xi32>
    %gather3A_436 = tpu.vector_load_idx %arg18[%add3A_435] : memref<544xf32, #tpu.memory_space<vmem>>[vector<16xi32>], vector<16xf32>,
    %add3A_437 = arith.addf %add3A_421, %gather3A_436 : vector<16xf32>
    %mul3A_438 = arith.constant 17 : i32
    %mul3A_439 = vector.broadcast %mul3A_438 : i32 to vector<16xi32>
    %mul3A_440 = arith.muli %iota3A, %mul3A_439 : vector<16xi32>
    %add3A_441 = arith.constant 12 : i32
    %add3A_442 = vector.broadcast %add3A_441 : i32 to vector<16xi32>
    %add3A_443 = arith.addi %mul3A_440, %add3A_442 : vector<16xi32>
    %gather3A_444 = tpu.vector_load_idx %arg18[%add3A_443] : memref<544xf32, #tpu.memory_space<vmem>>[vector<16xi32>], vector<16xf32>,
    %add3A_445 = arith.addf %add3A_429, %gather3A_444 : vector<16xf32>
    %mul3A_446 = arith.constant 17 : i32
    %mul3A_447 = vector.broadcast %mul3A_446 : i32 to vector<16xi32>
    %mul3A_448 = arith.muli %iota3A, %mul3A_447 : vector<16xi32>
    %add3A_449 = arith.constant 284 : i32
    %add3A_450 = vector.broadcast %add3A_449 : i32 to vector<16xi32>
    %add3A_451 = arith.addi %mul3A_448, %add3A_450 : vector<16xi32>
    %gather3A_452 = tpu.vector_load_idx %arg18[%add3A_451] : memref<544xf32, #tpu.memory_space<vmem>>[vector<16xi32>], vector<16xf32>,
    %add3A_453 = arith.addf %add3A_437, %gather3A_452 : vector<16xf32>
    %mul3A_454 = arith.constant 17 : i32
    %mul3A_455 = vector.broadcast %mul3A_454 : i32 to vector<16xi32>
    %mul3A_456 = arith.muli %iota3A, %mul3A_455 : vector<16xi32>
    %add3A_457 = arith.constant 13 : i32
    %add3A_458 = vector.broadcast %add3A_457 : i32 to vector<16xi32>
    %add3A_459 = arith.addi %mul3A_456, %add3A_458 : vector<16xi32>
    %gather3A_460 = tpu.vector_load_idx %arg18[%add3A_459] : memref<544xf32, #tpu.memory_space<vmem>>[vector<16xi32>], vector<16xf32>,
    %add3A_461 = arith.addf %add3A_445, %gather3A_460 : vector<16xf32>
    %mul3A_462 = arith.constant 17 : i32
    %mul3A_463 = vector.broadcast %mul3A_462 : i32 to vector<16xi32>
    %mul3A_464 = arith.muli %iota3A, %mul3A_463 : vector<16xi32>
    %add3A_465 = arith.constant 285 : i32
    %add3A_466 = vector.broadcast %add3A_465 : i32 to vector<16xi32>
    %add3A_467 = arith.addi %mul3A_464, %add3A_466 : vector<16xi32>
    %gather3A_468 = tpu.vector_load_idx %arg18[%add3A_467] : memref<544xf32, #tpu.memory_space<vmem>>[vector<16xi32>], vector<16xf32>,
    %add3A_469 = arith.addf %add3A_453, %gather3A_468 : vector<16xf32>
    %mul3A_470 = arith.constant 17 : i32
    %mul3A_471 = vector.broadcast %mul3A_470 : i32 to vector<16xi32>
    %mul3A_472 = arith.muli %iota3A, %mul3A_471 : vector<16xi32>
    %add3A_473 = arith.constant 14 : i32
    %add3A_474 = vector.broadcast %add3A_473 : i32 to vector<16xi32>
    %add3A_475 = arith.addi %mul3A_472, %add3A_474 : vector<16xi32>
    %gather3A_476 = tpu.vector_load_idx %arg18[%add3A_475] : memref<544xf32, #tpu.memory_space<vmem>>[vector<16xi32>], vector<16xf32>,
    %add3A_477 = arith.addf %add3A_461, %gather3A_476 : vector<16xf32>
    %mul3A_478 = arith.constant 17 : i32
    %mul3A_479 = vector.broadcast %mul3A_478 : i32 to vector<16xi32>
    %mul3A_480 = arith.muli %iota3A, %mul3A_479 : vector<16xi32>
    %add3A_481 = arith.constant 286 : i32
    %add3A_482 = vector.broadcast %add3A_481 : i32 to vector<16xi32>
    %add3A_483 = arith.addi %mul3A_480, %add3A_482 : vector<16xi32>
    %gather3A_484 = tpu.vector_load_idx %arg18[%add3A_483] : memref<544xf32, #tpu.memory_space<vmem>>[vector<16xi32>], vector<16xf32>,
    %add3A_485 = arith.addf %add3A_469, %gather3A_484 : vector<16xf32>
    %mul3A_486 = arith.constant 17 : i32
    %mul3A_487 = vector.broadcast %mul3A_486 : i32 to vector<16xi32>
    %mul3A_488 = arith.muli %iota3A, %mul3A_487 : vector<16xi32>
    %add3A_489 = arith.constant 15 : i32
    %add3A_490 = vector.broadcast %add3A_489 : i32 to vector<16xi32>
    %add3A_491 = arith.addi %mul3A_488, %add3A_490 : vector<16xi32>
    %gather3A_492 = tpu.vector_load_idx %arg18[%add3A_491] : memref<544xf32, #tpu.memory_space<vmem>>[vector<16xi32>], vector<16xf32>,
    %add3A_493 = arith.addf %add3A_477, %gather3A_492 : vector<16xf32>
    %mul3A_494 = arith.constant 17 : i32
    %mul3A_495 = vector.broadcast %mul3A_494 : i32 to vector<16xi32>
    %mul3A_496 = arith.muli %iota3A, %mul3A_495 : vector<16xi32>
    %add3A_497 = arith.constant 287 : i32
    %add3A_498 = vector.broadcast %add3A_497 : i32 to vector<16xi32>
    %add3A_499 = arith.addi %mul3A_496, %add3A_498 : vector<16xi32>
    %gather3A_500 = tpu.vector_load_idx %arg18[%add3A_499] : memref<544xf32, #tpu.memory_space<vmem>>[vector<16xi32>], vector<16xf32>,
    %add3A_501 = arith.addf %add3A_485, %gather3A_500 : vector<16xf32>
    %mul3A_502 = arith.constant 0.00130208337 : f32
    %mul3A_503 = vector.broadcast %mul3A_502 : f32 to vector<16xf32>
    %mul3A_504 = arith.mulf %add3A_493, %mul3A_503 : vector<16xf32>
    %mul3A_505 = arith.constant 0.00130208337 : f32
    %mul3A_506 = vector.broadcast %mul3A_505 : f32 to vector<16xf32>
    %mul3A_507 = arith.mulf %add3A_501, %mul3A_506 : vector<16xf32>
    %mul3A_508 = arith.mulf %mul3A_504, %mul3A_504 : vector<16xf32>
    %sub3A_509 = arith.subf %mul3A_507, %mul3A_508 : vector<16xf32>
    %add3A_510 = arith.constant 9.99999996E-13 : f32
    %add3A_511 = vector.broadcast %add3A_510 : f32 to vector<16xf32>
    %add3A_512 = arith.addf %sub3A_509, %add3A_511 : vector<16xf32>
    %bitcast_convert_type3A = tpu.bitcast %add3A_512 : vector<16xf32> -> vector<16xi32>
    %broadcast_in_dim3A_513 = arith.constant 1597463007 : i32
    %broadcast_in_dim3A_514 = vector.broadcast %broadcast_in_dim3A_513 : i32 to vector<16xi32>
    %shift_right_arithmetic3A = arith.constant 1 : i32
    %shift_right_arithmetic3A_515 = vector.broadcast %shift_right_arithmetic3A : i32 to vector<16xi32>
    %shift_right_arithmetic3A_516 = arith.shrsi %bitcast_convert_type3A, %shift_right_arithmetic3A_515 : vector<16xi32>
    %sub3A_517 = arith.subi %broadcast_in_dim3A_514, %shift_right_arithmetic3A_516 : vector<16xi32>
    %bitcast_convert_type3A_518 = tpu.bitcast %sub3A_517 : vector<16xi32> -> vector<16xf32>
    %mul3A_519 = arith.constant 5.000000e-01 : f32
    %mul3A_520 = vector.broadcast %mul3A_519 : f32 to vector<16xf32>
    %mul3A_521 = arith.mulf %mul3A_520, %add3A_512 : vector<16xf32>
    %mul3A_522 = arith.mulf %mul3A_521, %bitcast_convert_type3A_518 : vector<16xf32>
    %mul3A_523 = arith.mulf %mul3A_522, %bitcast_convert_type3A_518 : vector<16xf32>
    %sub3A_524 = arith.constant 1.500000e+00 : f32
    %sub3A_525 = vector.broadcast %sub3A_524 : f32 to vector<16xf32>
    %sub3A_526 = arith.subf %sub3A_525, %mul3A_523 : vector<16xf32>
    %mul3A_527 = arith.mulf %bitcast_convert_type3A_518, %sub3A_526 : vector<16xf32>
    %mul3A_528 = arith.constant 5.000000e-01 : f32
    %mul3A_529 = vector.broadcast %mul3A_528 : f32 to vector<16xf32>
    %mul3A_530 = arith.mulf %mul3A_529, %add3A_512 : vector<16xf32>
    %mul3A_531 = arith.mulf %mul3A_530, %mul3A_527 : vector<16xf32>
    %mul3A_532 = arith.mulf %mul3A_531, %mul3A_527 : vector<16xf32>
    %sub3A_533 = arith.constant 1.500000e+00 : f32
    %sub3A_534 = vector.broadcast %sub3A_533 : f32 to vector<16xf32>
    %sub3A_535 = arith.subf %sub3A_534, %mul3A_532 : vector<16xf32>
    %mul3A_536 = arith.mulf %mul3A_527, %sub3A_535 : vector<16xf32>
    %mul3A_537 = arith.constant 5.000000e-01 : f32
    %mul3A_538 = vector.broadcast %mul3A_537 : f32 to vector<16xf32>
    %mul3A_539 = arith.mulf %mul3A_538, %add3A_512 : vector<16xf32>
    %mul3A_540 = arith.mulf %mul3A_539, %mul3A_536 : vector<16xf32>
    %mul3A_541 = arith.mulf %mul3A_540, %mul3A_536 : vector<16xf32>
    %sub3A_542 = arith.constant 1.500000e+00 : f32
    %sub3A_543 = vector.broadcast %sub3A_542 : f32 to vector<16xf32>
    %sub3A_544 = arith.subf %sub3A_543, %mul3A_541 : vector<16xf32>
    %mul3A_545 = arith.mulf %mul3A_536, %sub3A_544 : vector<16xf32>
    %neg3A = arith.constant 0.000000e+00 : f32
    %neg3A_546 = vector.broadcast %neg3A : f32 to vector<16xf32>
    %neg3A_547 = arith.subf %neg3A_546, %mul3A_504 : vector<16xf32>
    %mul3A_548 = arith.mulf %neg3A_547, %mul3A_545 : vector<16xf32>
    %slice3A = vector.extract_strided_slice %mul3A_545 {offsets = [0], sizes = [1], strides = [1]} : vector<16xf32> to vector<1xf32>
    %squeeze3A = vector.extract %slice3A[0] : f32 from vector<1xf32>
    %broadcast_in_dim3A_549 = vector.broadcast %squeeze3A : f32 to vector<16xf32>
    %slice3A_550 = vector.extract_strided_slice %mul3A_545 {offsets = [1], sizes = [1], strides = [1]} : vector<16xf32> to vector<1xf32>
    %squeeze3A_551 = vector.extract %slice3A_550[0] : f32 from vector<1xf32>
    %broadcast_in_dim3A_552 = vector.broadcast %squeeze3A_551 : f32 to vector<16xf32>
    %slice3A_553 = vector.extract_strided_slice %mul3A_545 {offsets = [2], sizes = [1], strides = [1]} : vector<16xf32> to vector<1xf32>
    %squeeze3A_554 = vector.extract %slice3A_553[0] : f32 from vector<1xf32>
    %broadcast_in_dim3A_555 = vector.broadcast %squeeze3A_554 : f32 to vector<16xf32>
    %slice3A_556 = vector.extract_strided_slice %mul3A_545 {offsets = [3], sizes = [1], strides = [1]} : vector<16xf32> to vector<1xf32>
    %squeeze3A_557 = vector.extract %slice3A_556[0] : f32 from vector<1xf32>
    %broadcast_in_dim3A_558 = vector.broadcast %squeeze3A_557 : f32 to vector<16xf32>
    %slice3A_559 = vector.extract_strided_slice %mul3A_545 {offsets = [4], sizes = [1], strides = [1]} : vector<16xf32> to vector<1xf32>
    %squeeze3A_560 = vector.extract %slice3A_559[0] : f32 from vector<1xf32>
    %broadcast_in_dim3A_561 = vector.broadcast %squeeze3A_560 : f32 to vector<16xf32>
    %slice3A_562 = vector.extract_strided_slice %mul3A_545 {offsets = [5], sizes = [1], strides = [1]} : vector<16xf32> to vector<1xf32>
    %squeeze3A_563 = vector.extract %slice3A_562[0] : f32 from vector<1xf32>
    %broadcast_in_dim3A_564 = vector.broadcast %squeeze3A_563 : f32 to vector<16xf32>
    %slice3A_565 = vector.extract_strided_slice %mul3A_545 {offsets = [6], sizes = [1], strides = [1]} : vector<16xf32> to vector<1xf32>
    %squeeze3A_566 = vector.extract %slice3A_565[0] : f32 from vector<1xf32>
    %broadcast_in_dim3A_567 = vector.broadcast %squeeze3A_566 : f32 to vector<16xf32>
    %slice3A_568 = vector.extract_strided_slice %mul3A_545 {offsets = [7], sizes = [1], strides = [1]} : vector<16xf32> to vector<1xf32>
    %squeeze3A_569 = vector.extract %slice3A_568[0] : f32 from vector<1xf32>
    %broadcast_in_dim3A_570 = vector.broadcast %squeeze3A_569 : f32 to vector<16xf32>
    %slice3A_571 = vector.extract_strided_slice %mul3A_548 {offsets = [0], sizes = [1], strides = [1]} : vector<16xf32> to vector<1xf32>
    %squeeze3A_572 = vector.extract %slice3A_571[0] : f32 from vector<1xf32>
    %broadcast_in_dim3A_573 = vector.broadcast %squeeze3A_572 : f32 to vector<16xf32>
    %slice3A_574 = vector.extract_strided_slice %mul3A_548 {offsets = [1], sizes = [1], strides = [1]} : vector<16xf32> to vector<1xf32>
    %squeeze3A_575 = vector.extract %slice3A_574[0] : f32 from vector<1xf32>
    %broadcast_in_dim3A_576 = vector.broadcast %squeeze3A_575 : f32 to vector<16xf32>
    %slice3A_577 = vector.extract_strided_slice %mul3A_548 {offsets = [2], sizes = [1], strides = [1]} : vector<16xf32> to vector<1xf32>
    %squeeze3A_578 = vector.extract %slice3A_577[0] : f32 from vector<1xf32>
    %broadcast_in_dim3A_579 = vector.broadcast %squeeze3A_578 : f32 to vector<16xf32>
    %slice3A_580 = vector.extract_strided_slice %mul3A_548 {offsets = [3], sizes = [1], strides = [1]} : vector<16xf32> to vector<1xf32>
    %squeeze3A_581 = vector.extract %slice3A_580[0] : f32 from vector<1xf32>
    %broadcast_in_dim3A_582 = vector.broadcast %squeeze3A_581 : f32 to vector<16xf32>
    %slice3A_583 = vector.extract_strided_slice %mul3A_548 {offsets = [4], sizes = [1], strides = [1]} : vector<16xf32> to vector<1xf32>
    %squeeze3A_584 = vector.extract %slice3A_583[0] : f32 from vector<1xf32>
    %broadcast_in_dim3A_585 = vector.broadcast %squeeze3A_584 : f32 to vector<16xf32>
    %slice3A_586 = vector.extract_strided_slice %mul3A_548 {offsets = [5], sizes = [1], strides = [1]} : vector<16xf32> to vector<1xf32>
    %squeeze3A_587 = vector.extract %slice3A_586[0] : f32 from vector<1xf32>
    %broadcast_in_dim3A_588 = vector.broadcast %squeeze3A_587 : f32 to vector<16xf32>
    %slice3A_589 = vector.extract_strided_slice %mul3A_548 {offsets = [6], sizes = [1], strides = [1]} : vector<16xf32> to vector<1xf32>
    %squeeze3A_590 = vector.extract %slice3A_589[0] : f32 from vector<1xf32>
    %broadcast_in_dim3A_591 = vector.broadcast %squeeze3A_590 : f32 to vector<16xf32>
    %slice3A_592 = vector.extract_strided_slice %mul3A_548 {offsets = [7], sizes = [1], strides = [1]} : vector<16xf32> to vector<1xf32>
    %squeeze3A_593 = vector.extract %slice3A_592[0] : f32 from vector<1xf32>
    %broadcast_in_dim3A_594 = vector.broadcast %squeeze3A_593 : f32 to vector<16xf32>
    %scan3A_595 = arith.constant 0 : i32
    %scan3A_596 = arith.constant 0 : i32
    %scan3A_597 = arith.constant 48 : i32
    %scan3A_598 = arith.addi %scan3A_596, %scan3A_597 : i32
    %scan3A_599 = arith.constant 1 : i32
    scf.for %scan3A_661 = %scan3A_596 to %scan3A_598 step %scan3A_599  : i32 {
      %mul3A_662 = arith.constant 16 : i32
      %mul3A_663 = arith.muli %scan3A_661, %mul3A_662 : i32
      %multiple_of3A_664 = tpu.assume_multiple %mul3A_663, 16 : i32
      %get3A = arith.index_cast %multiple_of3A_664 : i32 to index
      %get3A_665 = tpu.vector_load %arg16[%get3A] {strides = array<i32>} : memref<768xf32, #tpu.memory_space<vmem>>, vector<16xf32>,
      %get3A_666 = arith.index_cast %multiple_of3A_664 : i32 to index
      %get3A_667 = tpu.vector_load %arg17[%get3A_666] {strides = array<i32>} : memref<768xf32, #tpu.memory_space<vmem>>, vector<16xf32>,
      %get3A_668 = arith.constant 0 : i32
      %get3A_669 = arith.index_cast %get3A_668 : i32 to index
      %get3A_670 = arith.index_cast %multiple_of3A_664 : i32 to index
      %get3A_671 = tpu.vector_load %arg12[%get3A_669, %get3A_670] {strides = array<i32>} : memref<16x768xf32, #tpu.memory_space<vmem>>, vector<16xf32>,
      %mul3A_672 = arith.mulf %get3A_671, %broadcast_in_dim3A_549 : vector<16xf32>
      %add3A_673 = arith.addf %mul3A_672, %broadcast_in_dim3A_573 : vector<16xf32>
      %mul3A_674 = arith.mulf %add3A_673, %get3A_665 : vector<16xf32>
      %add3A_675 = arith.addf %mul3A_674, %get3A_667 : vector<16xf32>
      %swap3A = arith.constant 0 : i32
      %swap3A_676 = arith.index_cast %swap3A : i32 to index
      %swap3A_677 = arith.index_cast %multiple_of3A_664 : i32 to index
      %swap3A_678 = tpu.vector_load %arg12[%swap3A_676, %swap3A_677] {strides = array<i32>} : memref<16x768xf32, #tpu.memory_space<vmem>>, vector<16xf32>,
      tpu.vector_store %arg12[%swap3A_676, %swap3A_677], %add3A_675 {strides = array<i32>} : memref<16x768xf32, #tpu.memory_space<vmem>>, vector<16xf32>,
      %get3A_679 = arith.constant 1 : i32
      %get3A_680 = arith.index_cast %get3A_679 : i32 to index
      %get3A_681 = arith.index_cast %multiple_of3A_664 : i32 to index
      %get3A_682 = tpu.vector_load %arg12[%get3A_680, %get3A_681] {strides = array<i32>} : memref<16x768xf32, #tpu.memory_space<vmem>>, vector<16xf32>,
      %mul3A_683 = arith.mulf %get3A_682, %broadcast_in_dim3A_552 : vector<16xf32>
      %add3A_684 = arith.addf %mul3A_683, %broadcast_in_dim3A_576 : vector<16xf32>
      %mul3A_685 = arith.mulf %add3A_684, %get3A_665 : vector<16xf32>
      %add3A_686 = arith.addf %mul3A_685, %get3A_667 : vector<16xf32>
      %swap3A_687 = arith.constant 1 : i32
      %swap3A_688 = arith.index_cast %swap3A_687 : i32 to index
      %swap3A_689 = arith.index_cast %multiple_of3A_664 : i32 to index
      %swap3A_690 = tpu.vector_load %arg12[%swap3A_688, %swap3A_689] {strides = array<i32>} : memref<16x768xf32, #tpu.memory_space<vmem>>, vector<16xf32>,
      tpu.vector_store %arg12[%swap3A_688, %swap3A_689], %add3A_686 {strides = array<i32>} : memref<16x768xf32, #tpu.memory_space<vmem>>, vector<16xf32>,
      %get3A_691 = arith.constant 2 : i32
      %get3A_692 = arith.index_cast %get3A_691 : i32 to index
      %get3A_693 = arith.index_cast %multiple_of3A_664 : i32 to index
      %get3A_694 = tpu.vector_load %arg12[%get3A_692, %get3A_693] {strides = array<i32>} : memref<16x768xf32, #tpu.memory_space<vmem>>, vector<16xf32>,
      %mul3A_695 = arith.mulf %get3A_694, %broadcast_in_dim3A_555 : vector<16xf32>
      %add3A_696 = arith.addf %mul3A_695, %broadcast_in_dim3A_579 : vector<16xf32>
      %mul3A_697 = arith.mulf %add3A_696, %get3A_665 : vector<16xf32>
      %add3A_698 = arith.addf %mul3A_697, %get3A_667 : vector<16xf32>
      %swap3A_699 = arith.constant 2 : i32
      %swap3A_700 = arith.index_cast %swap3A_699 : i32 to index
      %swap3A_701 = arith.index_cast %multiple_of3A_664 : i32 to index
      %swap3A_702 = tpu.vector_load %arg12[%swap3A_700, %swap3A_701] {strides = array<i32>} : memref<16x768xf32, #tpu.memory_space<vmem>>, vector<16xf32>,
      tpu.vector_store %arg12[%swap3A_700, %swap3A_701], %add3A_698 {strides = array<i32>} : memref<16x768xf32, #tpu.memory_space<vmem>>, vector<16xf32>,
      %get3A_703 = arith.constant 3 : i32
      %get3A_704 = arith.index_cast %get3A_703 : i32 to index
      %get3A_705 = arith.index_cast %multiple_of3A_664 : i32 to index
      %get3A_706 = tpu.vector_load %arg12[%get3A_704, %get3A_705] {strides = array<i32>} : memref<16x768xf32, #tpu.memory_space<vmem>>, vector<16xf32>,
      %mul3A_707 = arith.mulf %get3A_706, %broadcast_in_dim3A_558 : vector<16xf32>
      %add3A_708 = arith.addf %mul3A_707, %broadcast_in_dim3A_582 : vector<16xf32>
      %mul3A_709 = arith.mulf %add3A_708, %get3A_665 : vector<16xf32>
      %add3A_710 = arith.addf %mul3A_709, %get3A_667 : vector<16xf32>
      %swap3A_711 = arith.constant 3 : i32
      %swap3A_712 = arith.index_cast %swap3A_711 : i32 to index
      %swap3A_713 = arith.index_cast %multiple_of3A_664 : i32 to index
      %swap3A_714 = tpu.vector_load %arg12[%swap3A_712, %swap3A_713] {strides = array<i32>} : memref<16x768xf32, #tpu.memory_space<vmem>>, vector<16xf32>,
      tpu.vector_store %arg12[%swap3A_712, %swap3A_713], %add3A_710 {strides = array<i32>} : memref<16x768xf32, #tpu.memory_space<vmem>>, vector<16xf32>,
      %get3A_715 = arith.constant 4 : i32
      %get3A_716 = arith.index_cast %get3A_715 : i32 to index
      %get3A_717 = arith.index_cast %multiple_of3A_664 : i32 to index
      %get3A_718 = tpu.vector_load %arg12[%get3A_716, %get3A_717] {strides = array<i32>} : memref<16x768xf32, #tpu.memory_space<vmem>>, vector<16xf32>,
      %mul3A_719 = arith.mulf %get3A_718, %broadcast_in_dim3A_561 : vector<16xf32>
      %add3A_720 = arith.addf %mul3A_719, %broadcast_in_dim3A_585 : vector<16xf32>
      %mul3A_721 = arith.mulf %add3A_720, %get3A_665 : vector<16xf32>
      %add3A_722 = arith.addf %mul3A_721, %get3A_667 : vector<16xf32>
      %swap3A_723 = arith.constant 4 : i32
      %swap3A_724 = arith.index_cast %swap3A_723 : i32 to index
      %swap3A_725 = arith.index_cast %multiple_of3A_664 : i32 to index
      %swap3A_726 = tpu.vector_load %arg12[%swap3A_724, %swap3A_725] {strides = array<i32>} : memref<16x768xf32, #tpu.memory_space<vmem>>, vector<16xf32>,
      tpu.vector_store %arg12[%swap3A_724, %swap3A_725], %add3A_722 {strides = array<i32>} : memref<16x768xf32, #tpu.memory_space<vmem>>, vector<16xf32>,
      %get3A_727 = arith.constant 5 : i32
      %get3A_728 = arith.index_cast %get3A_727 : i32 to index
      %get3A_729 = arith.index_cast %multiple_of3A_664 : i32 to index
      %get3A_730 = tpu.vector_load %arg12[%get3A_728, %get3A_729] {strides = array<i32>} : memref<16x768xf32, #tpu.memory_space<vmem>>, vector<16xf32>,
      %mul3A_731 = arith.mulf %get3A_730, %broadcast_in_dim3A_564 : vector<16xf32>
      %add3A_732 = arith.addf %mul3A_731, %broadcast_in_dim3A_588 : vector<16xf32>
      %mul3A_733 = arith.mulf %add3A_732, %get3A_665 : vector<16xf32>
      %add3A_734 = arith.addf %mul3A_733, %get3A_667 : vector<16xf32>
      %swap3A_735 = arith.constant 5 : i32
      %swap3A_736 = arith.index_cast %swap3A_735 : i32 to index
      %swap3A_737 = arith.index_cast %multiple_of3A_664 : i32 to index
      %swap3A_738 = tpu.vector_load %arg12[%swap3A_736, %swap3A_737] {strides = array<i32>} : memref<16x768xf32, #tpu.memory_space<vmem>>, vector<16xf32>,
      tpu.vector_store %arg12[%swap3A_736, %swap3A_737], %add3A_734 {strides = array<i32>} : memref<16x768xf32, #tpu.memory_space<vmem>>, vector<16xf32>,
      %get3A_739 = arith.constant 6 : i32
      %get3A_740 = arith.index_cast %get3A_739 : i32 to index
      %get3A_741 = arith.index_cast %multiple_of3A_664 : i32 to index
      %get3A_742 = tpu.vector_load %arg12[%get3A_740, %get3A_741] {strides = array<i32>} : memref<16x768xf32, #tpu.memory_space<vmem>>, vector<16xf32>,
      %mul3A_743 = arith.mulf %get3A_742, %broadcast_in_dim3A_567 : vector<16xf32>
      %add3A_744 = arith.addf %mul3A_743, %broadcast_in_dim3A_591 : vector<16xf32>
      %mul3A_745 = arith.mulf %add3A_744, %get3A_665 : vector<16xf32>
      %add3A_746 = arith.addf %mul3A_745, %get3A_667 : vector<16xf32>
      %swap3A_747 = arith.constant 6 : i32
      %swap3A_748 = arith.index_cast %swap3A_747 : i32 to index
      %swap3A_749 = arith.index_cast %multiple_of3A_664 : i32 to index
      %swap3A_750 = tpu.vector_load %arg12[%swap3A_748, %swap3A_749] {strides = array<i32>} : memref<16x768xf32, #tpu.memory_space<vmem>>, vector<16xf32>,
      tpu.vector_store %arg12[%swap3A_748, %swap3A_749], %add3A_746 {strides = array<i32>} : memref<16x768xf32, #tpu.memory_space<vmem>>, vector<16xf32>,
      %get3A_751 = arith.constant 7 : i32
      %get3A_752 = arith.index_cast %get3A_751 : i32 to index
      %get3A_753 = arith.index_cast %multiple_of3A_664 : i32 to index
      %get3A_754 = tpu.vector_load %arg12[%get3A_752, %get3A_753] {strides = array<i32>} : memref<16x768xf32, #tpu.memory_space<vmem>>, vector<16xf32>,
      %mul3A_755 = arith.mulf %get3A_754, %broadcast_in_dim3A_570 : vector<16xf32>
      %add3A_756 = arith.addf %mul3A_755, %broadcast_in_dim3A_594 : vector<16xf32>
      %mul3A_757 = arith.mulf %add3A_756, %get3A_665 : vector<16xf32>
      %add3A_758 = arith.addf %mul3A_757, %get3A_667 : vector<16xf32>
      %swap3A_759 = arith.constant 7 : i32
      %swap3A_760 = arith.index_cast %swap3A_759 : i32 to index
      %swap3A_761 = arith.index_cast %multiple_of3A_664 : i32 to index
      %swap3A_762 = tpu.vector_load %arg12[%swap3A_760, %swap3A_761] {strides = array<i32>} : memref<16x768xf32, #tpu.memory_space<vmem>>, vector<16xf32>,
      tpu.vector_store %arg12[%swap3A_760, %swap3A_761], %add3A_758 {strides = array<i32>} : memref<16x768xf32, #tpu.memory_space<vmem>>, vector<16xf32>,
    }
    %scan3A_600 = arith.constant 48 : i32
    %slice3A_601 = vector.extract_strided_slice %mul3A_545 {offsets = [8], sizes = [1], strides = [1]} : vector<16xf32> to vector<1xf32>
    %squeeze3A_602 = vector.extract %slice3A_601[0] : f32 from vector<1xf32>
    %broadcast_in_dim3A_603 = vector.broadcast %squeeze3A_602 : f32 to vector<16xf32>
    %slice3A_604 = vector.extract_strided_slice %mul3A_545 {offsets = [9], sizes = [1], strides = [1]} : vector<16xf32> to vector<1xf32>
    %squeeze3A_605 = vector.extract %slice3A_604[0] : f32 from vector<1xf32>
    %broadcast_in_dim3A_606 = vector.broadcast %squeeze3A_605 : f32 to vector<16xf32>
    %slice3A_607 = vector.extract_strided_slice %mul3A_545 {offsets = [10], sizes = [1], strides = [1]} : vector<16xf32> to vector<1xf32>
    %squeeze3A_608 = vector.extract %slice3A_607[0] : f32 from vector<1xf32>
    %broadcast_in_dim3A_609 = vector.broadcast %squeeze3A_608 : f32 to vector<16xf32>
    %slice3A_610 = vector.extract_strided_slice %mul3A_545 {offsets = [11], sizes = [1], strides = [1]} : vector<16xf32> to vector<1xf32>
    %squeeze3A_611 = vector.extract %slice3A_610[0] : f32 from vector<1xf32>
    %broadcast_in_dim3A_612 = vector.broadcast %squeeze3A_611 : f32 to vector<16xf32>
    %slice3A_613 = vector.extract_strided_slice %mul3A_545 {offsets = [12], sizes = [1], strides = [1]} : vector<16xf32> to vector<1xf32>
    %squeeze3A_614 = vector.extract %slice3A_613[0] : f32 from vector<1xf32>
    %broadcast_in_dim3A_615 = vector.broadcast %squeeze3A_614 : f32 to vector<16xf32>
    %slice3A_616 = vector.extract_strided_slice %mul3A_545 {offsets = [13], sizes = [1], strides = [1]} : vector<16xf32> to vector<1xf32>
    %squeeze3A_617 = vector.extract %slice3A_616[0] : f32 from vector<1xf32>
    %broadcast_in_dim3A_618 = vector.broadcast %squeeze3A_617 : f32 to vector<16xf32>
    %slice3A_619 = vector.extract_strided_slice %mul3A_545 {offsets = [14], sizes = [1], strides = [1]} : vector<16xf32> to vector<1xf32>
    %squeeze3A_620 = vector.extract %slice3A_619[0] : f32 from vector<1xf32>
    %broadcast_in_dim3A_621 = vector.broadcast %squeeze3A_620 : f32 to vector<16xf32>
    %slice3A_622 = vector.extract_strided_slice %mul3A_545 {offsets = [15], sizes = [1], strides = [1]} : vector<16xf32> to vector<1xf32>
    %squeeze3A_623 = vector.extract %slice3A_622[0] : f32 from vector<1xf32>
    %broadcast_in_dim3A_624 = vector.broadcast %squeeze3A_623 : f32 to vector<16xf32>
    %slice3A_625 = vector.extract_strided_slice %mul3A_548 {offsets = [8], sizes = [1], strides = [1]} : vector<16xf32> to vector<1xf32>
    %squeeze3A_626 = vector.extract %slice3A_625[0] : f32 from vector<1xf32>
    %broadcast_in_dim3A_627 = vector.broadcast %squeeze3A_626 : f32 to vector<16xf32>
    %slice3A_628 = vector.extract_strided_slice %mul3A_548 {offsets = [9], sizes = [1], strides = [1]} : vector<16xf32> to vector<1xf32>
    %squeeze3A_629 = vector.extract %slice3A_628[0] : f32 from vector<1xf32>
    %broadcast_in_dim3A_630 = vector.broadcast %squeeze3A_629 : f32 to vector<16xf32>
    %slice3A_631 = vector.extract_strided_slice %mul3A_548 {offsets = [10], sizes = [1], strides = [1]} : vector<16xf32> to vector<1xf32>
    %squeeze3A_632 = vector.extract %slice3A_631[0] : f32 from vector<1xf32>
    %broadcast_in_dim3A_633 = vector.broadcast %squeeze3A_632 : f32 to vector<16xf32>
    %slice3A_634 = vector.extract_strided_slice %mul3A_548 {offsets = [11], sizes = [1], strides = [1]} : vector<16xf32> to vector<1xf32>
    %squeeze3A_635 = vector.extract %slice3A_634[0] : f32 from vector<1xf32>
    %broadcast_in_dim3A_636 = vector.broadcast %squeeze3A_635 : f32 to vector<16xf32>
    %slice3A_637 = vector.extract_strided_slice %mul3A_548 {offsets = [12], sizes = [1], strides = [1]} : vector<16xf32> to vector<1xf32>
    %squeeze3A_638 = vector.extract %slice3A_637[0] : f32 from vector<1xf32>
    %broadcast_in_dim3A_639 = vector.broadcast %squeeze3A_638 : f32 to vector<16xf32>
    %slice3A_640 = vector.extract_strided_slice %mul3A_548 {offsets = [13], sizes = [1], strides = [1]} : vector<16xf32> to vector<1xf32>
    %squeeze3A_641 = vector.extract %slice3A_640[0] : f32 from vector<1xf32>
    %broadcast_in_dim3A_642 = vector.broadcast %squeeze3A_641 : f32 to vector<16xf32>
    %slice3A_643 = vector.extract_strided_slice %mul3A_548 {offsets = [14], sizes = [1], strides = [1]} : vector<16xf32> to vector<1xf32>
    %squeeze3A_644 = vector.extract %slice3A_643[0] : f32 from vector<1xf32>
    %broadcast_in_dim3A_645 = vector.broadcast %squeeze3A_644 : f32 to vector<16xf32>
    %slice3A_646 = vector.extract_strided_slice %mul3A_548 {offsets = [15], sizes = [1], strides = [1]} : vector<16xf32> to vector<1xf32>
    %squeeze3A_647 = vector.extract %slice3A_646[0] : f32 from vector<1xf32>
    %broadcast_in_dim3A_648 = vector.broadcast %squeeze3A_647 : f32 to vector<16xf32>
    %scan3A_649 = arith.constant 0 : i32
    %scan3A_650 = arith.constant 0 : i32
    %scan3A_651 = arith.constant 48 : i32
    %scan3A_652 = arith.addi %scan3A_650, %scan3A_651 : i32
    %scan3A_653 = arith.constant 1 : i32
    scf.for %scan3A_661 = %scan3A_650 to %scan3A_652 step %scan3A_653  : i32 {
      %mul3A_662 = arith.constant 16 : i32
      %mul3A_663 = arith.muli %scan3A_661, %mul3A_662 : i32
      %multiple_of3A_664 = tpu.assume_multiple %mul3A_663, 16 : i32
      %get3A = arith.index_cast %multiple_of3A_664 : i32 to index
      %get3A_665 = tpu.vector_load %arg16[%get3A] {strides = array<i32>} : memref<768xf32, #tpu.memory_space<vmem>>, vector<16xf32>,
      %get3A_666 = arith.index_cast %multiple_of3A_664 : i32 to index
      %get3A_667 = tpu.vector_load %arg17[%get3A_666] {strides = array<i32>} : memref<768xf32, #tpu.memory_space<vmem>>, vector<16xf32>,
      %get3A_668 = arith.constant 8 : i32
      %get3A_669 = arith.index_cast %get3A_668 : i32 to index
      %get3A_670 = arith.index_cast %multiple_of3A_664 : i32 to index
      %get3A_671 = tpu.vector_load %arg12[%get3A_669, %get3A_670] {strides = array<i32>} : memref<16x768xf32, #tpu.memory_space<vmem>>, vector<16xf32>,
      %mul3A_672 = arith.mulf %get3A_671, %broadcast_in_dim3A_603 : vector<16xf32>
      %add3A_673 = arith.addf %mul3A_672, %broadcast_in_dim3A_627 : vector<16xf32>
      %mul3A_674 = arith.mulf %add3A_673, %get3A_665 : vector<16xf32>
      %add3A_675 = arith.addf %mul3A_674, %get3A_667 : vector<16xf32>
      %swap3A = arith.constant 8 : i32
      %swap3A_676 = arith.index_cast %swap3A : i32 to index
      %swap3A_677 = arith.index_cast %multiple_of3A_664 : i32 to index
      %swap3A_678 = tpu.vector_load %arg12[%swap3A_676, %swap3A_677] {strides = array<i32>} : memref<16x768xf32, #tpu.memory_space<vmem>>, vector<16xf32>,
      tpu.vector_store %arg12[%swap3A_676, %swap3A_677], %add3A_675 {strides = array<i32>} : memref<16x768xf32, #tpu.memory_space<vmem>>, vector<16xf32>,
      %get3A_679 = arith.constant 9 : i32
      %get3A_680 = arith.index_cast %get3A_679 : i32 to index
      %get3A_681 = arith.index_cast %multiple_of3A_664 : i32 to index
      %get3A_682 = tpu.vector_load %arg12[%get3A_680, %get3A_681] {strides = array<i32>} : memref<16x768xf32, #tpu.memory_space<vmem>>, vector<16xf32>,
      %mul3A_683 = arith.mulf %get3A_682, %broadcast_in_dim3A_606 : vector<16xf32>
      %add3A_684 = arith.addf %mul3A_683, %broadcast_in_dim3A_630 : vector<16xf32>
      %mul3A_685 = arith.mulf %add3A_684, %get3A_665 : vector<16xf32>
      %add3A_686 = arith.addf %mul3A_685, %get3A_667 : vector<16xf32>
      %swap3A_687 = arith.constant 9 : i32
      %swap3A_688 = arith.index_cast %swap3A_687 : i32 to index
      %swap3A_689 = arith.index_cast %multiple_of3A_664 : i32 to index
      %swap3A_690 = tpu.vector_load %arg12[%swap3A_688, %swap3A_689] {strides = array<i32>} : memref<16x768xf32, #tpu.memory_space<vmem>>, vector<16xf32>,
      tpu.vector_store %arg12[%swap3A_688, %swap3A_689], %add3A_686 {strides = array<i32>} : memref<16x768xf32, #tpu.memory_space<vmem>>, vector<16xf32>,
      %get3A_691 = arith.constant 10 : i32
      %get3A_692 = arith.index_cast %get3A_691 : i32 to index
      %get3A_693 = arith.index_cast %multiple_of3A_664 : i32 to index
      %get3A_694 = tpu.vector_load %arg12[%get3A_692, %get3A_693] {strides = array<i32>} : memref<16x768xf32, #tpu.memory_space<vmem>>, vector<16xf32>,
      %mul3A_695 = arith.mulf %get3A_694, %broadcast_in_dim3A_609 : vector<16xf32>
      %add3A_696 = arith.addf %mul3A_695, %broadcast_in_dim3A_633 : vector<16xf32>
      %mul3A_697 = arith.mulf %add3A_696, %get3A_665 : vector<16xf32>
      %add3A_698 = arith.addf %mul3A_697, %get3A_667 : vector<16xf32>
      %swap3A_699 = arith.constant 10 : i32
      %swap3A_700 = arith.index_cast %swap3A_699 : i32 to index
      %swap3A_701 = arith.index_cast %multiple_of3A_664 : i32 to index
      %swap3A_702 = tpu.vector_load %arg12[%swap3A_700, %swap3A_701] {strides = array<i32>} : memref<16x768xf32, #tpu.memory_space<vmem>>, vector<16xf32>,
      tpu.vector_store %arg12[%swap3A_700, %swap3A_701], %add3A_698 {strides = array<i32>} : memref<16x768xf32, #tpu.memory_space<vmem>>, vector<16xf32>,
      %get3A_703 = arith.constant 11 : i32
      %get3A_704 = arith.index_cast %get3A_703 : i32 to index
      %get3A_705 = arith.index_cast %multiple_of3A_664 : i32 to index
      %get3A_706 = tpu.vector_load %arg12[%get3A_704, %get3A_705] {strides = array<i32>} : memref<16x768xf32, #tpu.memory_space<vmem>>, vector<16xf32>,
      %mul3A_707 = arith.mulf %get3A_706, %broadcast_in_dim3A_612 : vector<16xf32>
      %add3A_708 = arith.addf %mul3A_707, %broadcast_in_dim3A_636 : vector<16xf32>
      %mul3A_709 = arith.mulf %add3A_708, %get3A_665 : vector<16xf32>
      %add3A_710 = arith.addf %mul3A_709, %get3A_667 : vector<16xf32>
      %swap3A_711 = arith.constant 11 : i32
      %swap3A_712 = arith.index_cast %swap3A_711 : i32 to index
      %swap3A_713 = arith.index_cast %multiple_of3A_664 : i32 to index
      %swap3A_714 = tpu.vector_load %arg12[%swap3A_712, %swap3A_713] {strides = array<i32>} : memref<16x768xf32, #tpu.memory_space<vmem>>, vector<16xf32>,
      tpu.vector_store %arg12[%swap3A_712, %swap3A_713], %add3A_710 {strides = array<i32>} : memref<16x768xf32, #tpu.memory_space<vmem>>, vector<16xf32>,
      %get3A_715 = arith.constant 12 : i32
      %get3A_716 = arith.index_cast %get3A_715 : i32 to index
      %get3A_717 = arith.index_cast %multiple_of3A_664 : i32 to index
      %get3A_718 = tpu.vector_load %arg12[%get3A_716, %get3A_717] {strides = array<i32>} : memref<16x768xf32, #tpu.memory_space<vmem>>, vector<16xf32>,
      %mul3A_719 = arith.mulf %get3A_718, %broadcast_in_dim3A_615 : vector<16xf32>
      %add3A_720 = arith.addf %mul3A_719, %broadcast_in_dim3A_639 : vector<16xf32>
      %mul3A_721 = arith.mulf %add3A_720, %get3A_665 : vector<16xf32>
      %add3A_722 = arith.addf %mul3A_721, %get3A_667 : vector<16xf32>
      %swap3A_723 = arith.constant 12 : i32
      %swap3A_724 = arith.index_cast %swap3A_723 : i32 to index
      %swap3A_725 = arith.index_cast %multiple_of3A_664 : i32 to index
      %swap3A_726 = tpu.vector_load %arg12[%swap3A_724, %swap3A_725] {strides = array<i32>} : memref<16x768xf32, #tpu.memory_space<vmem>>, vector<16xf32>,
      tpu.vector_store %arg12[%swap3A_724, %swap3A_725], %add3A_722 {strides = array<i32>} : memref<16x768xf32, #tpu.memory_space<vmem>>, vector<16xf32>,
      %get3A_727 = arith.constant 13 : i32
      %get3A_728 = arith.index_cast %get3A_727 : i32 to index
      %get3A_729 = arith.index_cast %multiple_of3A_664 : i32 to index
      %get3A_730 = tpu.vector_load %arg12[%get3A_728, %get3A_729] {strides = array<i32>} : memref<16x768xf32, #tpu.memory_space<vmem>>, vector<16xf32>,
      %mul3A_731 = arith.mulf %get3A_730, %broadcast_in_dim3A_618 : vector<16xf32>
      %add3A_732 = arith.addf %mul3A_731, %broadcast_in_dim3A_642 : vector<16xf32>
      %mul3A_733 = arith.mulf %add3A_732, %get3A_665 : vector<16xf32>
      %add3A_734 = arith.addf %mul3A_733, %get3A_667 : vector<16xf32>
      %swap3A_735 = arith.constant 13 : i32
      %swap3A_736 = arith.index_cast %swap3A_735 : i32 to index
      %swap3A_737 = arith.index_cast %multiple_of3A_664 : i32 to index
      %swap3A_738 = tpu.vector_load %arg12[%swap3A_736, %swap3A_737] {strides = array<i32>} : memref<16x768xf32, #tpu.memory_space<vmem>>, vector<16xf32>,
      tpu.vector_store %arg12[%swap3A_736, %swap3A_737], %add3A_734 {strides = array<i32>} : memref<16x768xf32, #tpu.memory_space<vmem>>, vector<16xf32>,
      %get3A_739 = arith.constant 14 : i32
      %get3A_740 = arith.index_cast %get3A_739 : i32 to index
      %get3A_741 = arith.index_cast %multiple_of3A_664 : i32 to index
      %get3A_742 = tpu.vector_load %arg12[%get3A_740, %get3A_741] {strides = array<i32>} : memref<16x768xf32, #tpu.memory_space<vmem>>, vector<16xf32>,
      %mul3A_743 = arith.mulf %get3A_742, %broadcast_in_dim3A_621 : vector<16xf32>
      %add3A_744 = arith.addf %mul3A_743, %broadcast_in_dim3A_645 : vector<16xf32>
      %mul3A_745 = arith.mulf %add3A_744, %get3A_665 : vector<16xf32>
      %add3A_746 = arith.addf %mul3A_745, %get3A_667 : vector<16xf32>
      %swap3A_747 = arith.constant 14 : i32
      %swap3A_748 = arith.index_cast %swap3A_747 : i32 to index
      %swap3A_749 = arith.index_cast %multiple_of3A_664 : i32 to index
      %swap3A_750 = tpu.vector_load %arg12[%swap3A_748, %swap3A_749] {strides = array<i32>} : memref<16x768xf32, #tpu.memory_space<vmem>>, vector<16xf32>,
      tpu.vector_store %arg12[%swap3A_748, %swap3A_749], %add3A_746 {strides = array<i32>} : memref<16x768xf32, #tpu.memory_space<vmem>>, vector<16xf32>,
      %get3A_751 = arith.constant 15 : i32
      %get3A_752 = arith.index_cast %get3A_751 : i32 to index
      %get3A_753 = arith.index_cast %multiple_of3A_664 : i32 to index
      %get3A_754 = tpu.vector_load %arg12[%get3A_752, %get3A_753] {strides = array<i32>} : memref<16x768xf32, #tpu.memory_space<vmem>>, vector<16xf32>,
      %mul3A_755 = arith.mulf %get3A_754, %broadcast_in_dim3A_624 : vector<16xf32>
      %add3A_756 = arith.addf %mul3A_755, %broadcast_in_dim3A_648 : vector<16xf32>
      %mul3A_757 = arith.mulf %add3A_756, %get3A_665 : vector<16xf32>
      %add3A_758 = arith.addf %mul3A_757, %get3A_667 : vector<16xf32>
      %swap3A_759 = arith.constant 15 : i32
      %swap3A_760 = arith.index_cast %swap3A_759 : i32 to index
      %swap3A_761 = arith.index_cast %multiple_of3A_664 : i32 to index
      %swap3A_762 = tpu.vector_load %arg12[%swap3A_760, %swap3A_761] {strides = array<i32>} : memref<16x768xf32, #tpu.memory_space<vmem>>, vector<16xf32>,
      tpu.vector_store %arg12[%swap3A_760, %swap3A_761], %add3A_758 {strides = array<i32>} : memref<16x768xf32, #tpu.memory_space<vmem>>, vector<16xf32>,
    }
    %scan3A_654 = arith.constant 48 : i32
    %run_scoped3A = arith.constant 128 : i32
    "tpu.region"() ({
      %run_scoped3A_661 = tpu.sem_alloc : memref<!tpu.dma_semaphore, #tpu.memory_space<semaphore_mem>>
      %dma_start3A_662 = arith.constant 0 : i32
      %dma_start3A_663 = tpu.memref_slice %arg8[%select_n3A, %run_scoped3A, %mul3A_32, %dma_start3A_662] : memref<8x129x64x768xf32, #tpu.memory_space<hbm>> -> memref<1x1x16x768xf32, #tpu.memory_space<hbm>>
      %dma_start3A_664 = tpu.memref_squeeze %dma_start3A_663 : memref<1x1x16x768xf32, #tpu.memory_space<hbm>> -> memref<16x768xf32, #tpu.memory_space<hbm>>
      %dma_start3A_665 = arith.constant 0 : i32
      %dma_start3A_666 = tpu.memref_slice %arg8[%select_n3A, %run_scoped3A, %mul3A_32, %dma_start3A_665] : memref<8x129x64x768xf32, #tpu.memory_space<hbm>> -> memref<1x1x16x768xf32, #tpu.memory_space<hbm>>
      %dma_start3A_667 = tpu.memref_squeeze %dma_start3A_666 : memref<1x1x16x768xf32, #tpu.memory_space<hbm>> -> memref<16x768xf32, #tpu.memory_space<hbm>>
      tpu.enqueue_dma source(%arg12 : memref<16x768xf32, #tpu.memory_space<vmem>>) target(%dma_start3A_667 : memref<16x768xf32, #tpu.memory_space<hbm>>) target_semaphore(%run_scoped3A_661 : memref<!tpu.dma_semaphore, #tpu.memory_space<semaphore_mem>>)
      %dma_wait3A_668 = arith.constant 0 : i32
      %dma_wait3A_669 = tpu.memref_slice %arg8[%select_n3A, %run_scoped3A, %mul3A_32, %dma_wait3A_668] : memref<8x129x64x768xf32, #tpu.memory_space<hbm>> -> memref<1x1x16x768xf32, #tpu.memory_space<hbm>>
      %dma_wait3A_670 = tpu.memref_squeeze %dma_wait3A_669 : memref<1x1x16x768xf32, #tpu.memory_space<hbm>> -> memref<16x768xf32, #tpu.memory_space<hbm>>
      %dma_wait3A_671 = arith.constant 0 : i32
      %dma_wait3A_672 = tpu.memref_slice %arg8[%select_n3A, %run_scoped3A, %mul3A_32, %dma_wait3A_671] : memref<8x129x64x768xf32, #tpu.memory_space<hbm>> -> memref<1x1x16x768xf32, #tpu.memory_space<hbm>>
      %dma_wait3A_673 = tpu.memref_squeeze %dma_wait3A_672 : memref<1x1x16x768xf32, #tpu.memory_space<hbm>> -> memref<16x768xf32, #tpu.memory_space<hbm>>
      tpu.wait_dma2 semaphore(%run_scoped3A_661 : memref<!tpu.dma_semaphore, #tpu.memory_space<semaphore_mem>>) src(%arg12 : memref<16x768xf32, #tpu.memory_space<vmem>>) dst(%dma_wait3A_673 : memref<16x768xf32, #tpu.memory_space<hbm>>)
      tpu.yield
    }) : () -> ()
    %dma_wait3A_655 = arith.constant 0 : i32
    %dma_wait3A_656 = arith.constant 0 : i32
    %dma_wait3A_657 = tpu.memref_slice %arg4[%dma_wait3A_655, %dma_wait3A_656] : memref<136x768xf32, #tpu.memory_space<hbm>> -> memref<16x768xf32, #tpu.memory_space<hbm>>
    %dma_wait3A_658 = arith.constant 0 : i32
    %dma_wait3A_659 = arith.constant 0 : i32
    %dma_wait3A_660 = tpu.memref_slice %arg4[%dma_wait3A_658, %dma_wait3A_659] : memref<136x768xf32, #tpu.memory_space<hbm>> -> memref<16x768xf32, #tpu.memory_space<hbm>>
    tpu.wait_dma2 semaphore(%arg22 : memref<!tpu.dma_semaphore, #tpu.memory_space<semaphore_mem>>) src(%dma_wait3A_660 : memref<16x768xf32, #tpu.memory_space<hbm>>) dst(%arg13 : memref<16x768xf32, #tpu.memory_space<vmem>>)
    return
  }
}

</mosaic_0001>

<sc_bundles>
// kernel: kernel.3.cloned.1.call-start
scs
__scs_entry_jumppad:
0x0: {  	(pc) =	sbr.rel $0x88, $3  }
0x1: {  	(tag) =	ssettag $0x0;
	lr =	simm.s32 $0x1  }
0x2: {  	[smem:$0x3F9B] =	sst lr;
	_ =	strace $0xD0000000  }
0x3: {  	_ = 	snop  }
0x4: {  	_ = 	snop  }
0x5: {  	_ = 	snop  }
0x6: {  	_ = 	snop  }
0x7: {  	_ = 	snop  }
__scs_overlays_trampoline_lowered:
0x8: {  	[smem:$0x3FAA] =	sst s0  }
0x9: {  	[smem:$0x3FAB] =	sst s1  }
0xa: {  	[smem:$0x3FAC] =	sst s2  }
0xb: {  	[smem:$0x3FAD] =	sst s3  }
0xc: {  	[smem:$0x3FAE] =	sst s4  }
0xd: {  	[smem:$0x3FAF] =	sst s5  }
0xe: {  	[smem:$0x3FB0] =	sst s6  }
0xf: {  	[smem:$0x3FB1] =	sst s7  }
0x10: {  	[smem:$0x3FB2] =	sst s8  }
0x11: {  	[smem:$0x3FB3] =	sst s9;
	s0 =	simm.s32 @!p0 $0x0  }
0x12: {  	s1 =	sld [smem:$0x3F99];
	s0 =	simm.s32 @p0 $0x1  }
0x13: {  	[smem:$0x3FB4] =	sst s0;
	s0 =	simm.s32 @!p1 $0x0  }
0x14: {  	s2 =	sld [smem:$0x3F98];
	s0 =	simm.s32 @p1 $0x1  }
0x15: {  	[smem:$0x3FB5] =	sst s0;
	s0 =	simm.s32 @!p2 $0x0  }
0x16: {  	s3 =	sld [smem:$0x3FDB];
	s0 =	simm.s32 @p2 $0x1  }
0x17: {  	s4 =	simm.s32 $0x1BF5;
	[smem:$0x3FB7] =	sst s0  }
0x18: {  	s0 =	sld [smem:$0x3F9A];
	_ =	swait.ge [sflag:s4], $0x0  }
0x19: {  	s7 =	sld [smem:$0x3F9B]  }
0x1a: {  	s8 =	sadd.s32 $0xFFFFE003, lr  }
0x1b: {  	s9 =	sadd.s32 $0xFFFFFEF7, lr;
	s5 =	simm.s32 $0xFFFFFFFF;
	p2 =	slt.u32 s8, $0xFFFFF086  }
0x1c: {  	p1 =	slt.u32 s9, $0xF7A;
	s5 =	simm.s32 @!p2 $0x0  }
0x1d: {  	s5 =	simm.s32 @p1 $0x1;
	p0 =	seq.s32 s7, s2  }
0x1e: {  	s7 =	smul.u32 @!p0 $0xF7A, s2;
	p2 =	seq.s32 @!p0 s5, $0x0  }
0x1f: {  	s9 =	smul.u32 $0xF7A, s1;
	s8 =	simm.s32 @!p0 $0x1BF5;
	p2 =	por !p2, p0  }
0x20: {  	[sflag:s8] =	ssyncset.s32 @!p0 $0xFFFFF086;
	s6 =	sadd.s32 @!p0 s3, s7;
	s7 =	simm.s32 @!p0 $0x108  }
0x21: {  	s3 =	sadd.s32 s3, s9;
	s6 =	sadd.s32 @!p0 $0x88, s6;
	s7 =	simm.s32 @p2 $0x1082  }
0x22: {  	[simem:s7], [sflag:s8] =	dma.local @!p0 [hbm:s6], $0xF7A  }
0x23: {  	s9 =	sor.u32 $0xD0000000, s2;
	s6 =	simm.s32 $0x108;
	_ =	swait.ge @!p0 [sflag:s8], $0x0  }
0x24: {  	s3 =	sadd.s32 $0x88, s3;
	s6 =	simm.s32 @!p1 $0x1082;
	[sflag:s4] =	ssyncset.s32 $0xFFFFF086  }
0x25: {  	[simem:s6], [sflag:s4] =	dma.local [hbm:s3], $0xF7A  }
0x26: {  	[smem:$0x3F9B] =	sst s1;
	(tag) =	ssettag s2;
	_ =	strace s9  }
0x27: {  	s1 =	sld [smem:$0x3FAB]  }
0x28: {  	s2 =	sld [smem:$0x3FAC]  }
0x29: {  	s4 =	sld [smem:$0x3FAE]  }
0x2a: {  	p0 =	seq.s32 s5, $0x0;
	s5 =	sld [smem:$0x3FAF]  }
0x2b: {  	s6 =	sld [smem:$0x3FB0]  }
0x2c: {  	s7 =	sld [smem:$0x3FB1]  }
0x2d: {  	s3 =	simm.s32 $0x108;
	s8 =	sld [smem:$0x3FB2]  }
0x2e: {  	s3 =	simm.s32 @!p0 $0x1082;
	s9 =	sld [smem:$0x3FB3]  }
0x2f: {  	lr =	sadd.s32 s0, s3;
	s0 =	sld [smem:$0x3FAA]  }
0x30: {  	s3 =	sld [smem:$0x3FAD]  }
0x31: {  	[smem:$0x3FB6] =	sst s10  }
0x32: {  	s10 =	sld [smem:$0x3FB4];
	_ =	sdelay $0x3  }
0x33: {  	p0 =	seq.s32 s10, $0x1;
	s10 =	sld [smem:$0x3FB6];
	_ =	sdelay $0x3  }
0x34: {  	[smem:$0x3FB6] =	sst s10  }
0x35: {  	s10 =	sld [smem:$0x3FB5];
	_ =	sdelay $0x3  }
0x36: {  	p1 =	seq.s32 s10, $0x1;
	s10 =	sld [smem:$0x3FB6];
	_ =	sdelay $0x3  }
0x37: {  	[smem:$0x3FB6] =	sst s10  }
0x38: {  	s10 =	sld [smem:$0x3FB7]  }
0x39: {  	_ = 	snop;
	(pc) =	sbr.ind lr, $3  }
0x3a: {  	_ = 	snop  }
0x3b: {  	_ = 	snop  }
0x3c: {  	p2 =	seq.s32 s10, $0x1;
	s10 =	sld [smem:$0x3FB6]  }
0x3d: {  	_ =	shalt  }
0x3e: {  	_ =	shalt  }
0x3f: {  	_ =	shalt  }
0x40: {  	_ =	shalt  }
0x41: {  	_ =	shalt  }
0x42: {  	_ =	shalt  }
0x43: {  	_ =	shalt  }
0x44: {  	_ =	shalt  }
0x45: {  	_ =	shalt  }
0x46: {  	_ =	shalt  }
0x47: {  	_ =	shalt  }
0x48: {  	_ =	shalt  }
0x49: {  	_ =	shalt  }
0x4a: {  	_ =	shalt  }
0x4b: {  	_ =	shalt  }
0x4c: {  	_ =	shalt  }
0x4d: {  	_ =	shalt  }
0x4e: {  	_ =	shalt  }
0x4f: {  	_ =	shalt  }
0x50: {  	_ =	shalt  }
0x51: {  	_ =	shalt  }
0x52: {  	_ =	shalt  }
0x53: {  	_ =	shalt  }
0x54: {  	_ =	shalt  }
0x55: {  	_ =	shalt  }
0x56: {  	_ =	shalt  }
0x57: {  	_ =	shalt  }
0x58: {  	_ =	shalt  }
0x59: {  	_ =	shalt  }
0x5a: {  	_ =	shalt  }
0x5b: {  	_ =	shalt  }
0x5c: {  	_ =	shalt  }
0x5d: {  	_ =	shalt  }
0x5e: {  	_ =	shalt  }
0x5f: {  	_ =	shalt  }
0x60: {  	_ =	shalt  }
0x61: {  	_ =	shalt  }
0x62: {  	_ =	shalt  }
0x63: {  	_ =	shalt  }
0x64: {  	_ =	shalt  }
0x65: {  	_ =	shalt  }
0x66: {  	_ =	shalt  }
0x67: {  	_ =	shalt  }
0x68: {  	_ =	shalt  }
0x69: {  	_ =	shalt  }
0x6a: {  	_ =	shalt  }
0x6b: {  	_ =	shalt  }
0x6c: {  	_ =	shalt  }
0x6d: {  	_ =	shalt  }
0x6e: {  	_ =	shalt  }
0x6f: {  	_ =	shalt  }
0x70: {  	_ =	shalt  }
0x71: {  	_ =	shalt  }
0x72: {  	_ =	shalt  }
0x73: {  	_ =	shalt  }
0x74: {  	_ =	shalt  }
0x75: {  	_ =	shalt  }
0x76: {  	_ =	shalt  }
0x77: {  	_ =	shalt  }
0x78: {  	_ =	shalt  }
0x79: {  	_ =	shalt  }
0x7a: {  	_ =	shalt  }
0x7b: {  	_ =	shalt  }
0x7c: {  	_ =	shalt  }
0x7d: {  	_ =	shalt  }
0x7e: {  	_ =	shalt  }
0x7f: {  	_ =	shalt  }
0x80: {  	_ =	shalt  }
0x81: {  	_ =	shalt  }
0x82: {  	_ =	shalt  }
0x83: {  	_ =	shalt  }
0x84: {  	_ =	shalt  }
0x85: {  	_ =	shalt  }
0x86: {  	_ =	shalt  }
0x87: {  	_ =	shalt  }
.Lfunc_end0:
.L_simem_size_0:
called_computation_lowered:
.L_overlay_start_0:
0x88: {  	s2 =	sld [smem:$0x3FD9]  }
0x89: {  	s3 =	sld [smem:$0x3FFE];
	_ =	sdelay $0x1  }
0x8a: {  	s1 =	srdreg.scid  }
0x8b: {  	s0 =	sand.u32 $0x1, s1  }
0x8c: {  	s17 =	sshll.u32 s0, $0xA;
	s2 =	sadd.s32 s3, s2  }
0x8d: {  	s2 =	sadd.s32 s2, s17  }
0x8e: {  	[smem:$0x3FC2] =	sst s2  }
0x8f: {  	_ = 	snop  }
0x90: {  	s2 =	sld [smem:$0x3FC8]  }
0x91: {  	s18 =	sld [smem:$0x3FC6]  }
0x92: {  	s4 =	sld [smem:$0x3FC5]  }
0x93: {  	s5 =	sld [smem:$0x3FC4]  }
0x94: {  	s6 =	sld [smem:$0x3FD0];
	(tm) =	ssettm $0x1  }
0x95: {  	s7 =	sld [smem:$0x3FFB];
	_ =	sdelay $0x3  }
0x96: {  	_ =	strace s7  }
0x97: {  	s7 =	sld [smem:$0x3FFC];
	_ =	sdelay $0x3  }
0x98: {  	_ =	strace s7  }
0x99: {  	s7 =	sld [smem:$0x3FFD];
	_ =	sdelay $0x3  }
0x9a: {  	_ =	strace s7  }
0x9b: {  	_ =	strace $0x8FFFFFFF  }
0x9c: {  	s19 =	sld [smem:$0x3FDB];
	_ =	sdelay $0x1  }
0x9d: {  	s8 =	simm.s32 $_scs_section_size  }
0x9e: {  	s9 =	simm.s32 $_size__tile_overlayer_lowered;
	s10 =	simm.s32 $_tile_overlayer_lowered  }
0x9f: {  	s22 =	simm.s32 $0x1BFF;
	s21 =	sshll.u32 s10, $0x1;
	s7 =	sadd.s32 s8, s19  }
0xa0: {  	s11 =	simm.s32 $0x0;
	s20 =	sshll.u32 s9, $0x1;
	s9 =	sadd.s32 s21, s7  }
0xa1: {  	[timem:s11], [sflag:s22] =	dma.local [hbm:s9], s20  }
0xa2: {  	_ =	swait.ge [sflag:s22], s20  }
0xa3: {  	s8 =	ssub.s32 $0x0, s20;
	[sflag:s22] =	ssyncset.done $0x0  }
0xa4: {  	[sflag:s22] =	ssyncadd.s32 s8;
	_ =	sdelay $0x1  }
0xa5: {  	s23 =	simm.s32 $0x1B8B  }
0xa6: {  	_ =	swait.ge [sflag:s23], $0x1  }
0xa7: {  	[sflag:s23] =	ssyncset.done $0x0  }
0xa8: {  	s25 =	simm.s32 $0x1B8E;
	s24 =	sld [smem:$0x3FFE];
	[sflag:s23] =	ssyncadd.s32 $0xFFFFFFFF  }
0xa9: {  	s26 =	simm.s32 $execute0_lowered;
	[smem:$0x3FD2] =	sst s25  }
0xaa: {  	s9 =	sshll.u32 s26, $0x1;
	_ =	strace $0x80000046;
	[dreg:$0x1] =	wrdreg $0xFFFFFFFF  }
0xab: {  	s28 =	simm.s32 $_size_execute0_lowered;
	s7 =	sadd.s32 s7, s9;
	[dreg:$0x0] =	wrdreg $0x0  }
0xac: {  	s9 =	sshll.u32 s28, $0x1;
	[dreg:$0x2] =	wrdreg s7  }
0xad: {  	[dreg:$0x3] =	wrdreg s9  }
0xae: {  	[dreg:$0x4] =	wrdreg $0xC0  }
0xaf: {  	_ =	task [dreg:s11], $0x5FFFF  }
0xb0: {  	[dreg:$0x1] =	wrdreg $0xFFFFFFFF  }
0xb1: {  	[dreg:$0x0] =	wrdreg $0x60  }
0xb2: {  	[dreg:$0x2] =	wrdreg s24  }
0xb3: {  	[dreg:$0x3] =	wrdreg s2  }
0xb4: {  	[dreg:$0x4] =	wrdreg s18  }
0xb5: {  	[dreg:$0x5] =	wrdreg s4  }
0xb6: {  	[dreg:$0x6] =	wrdreg s5  }
0xb7: {  	[dreg:$0x7] =	wrdreg s6  }
0xb8: {  	[dreg:$0x8] =	wrdreg $0x9  }
0xb9: {  	_ =	task.clear_ibuf [dreg:s11], $0x9FFFF;
	_ =	strace $0x90000046  }
0xba: {  	s29 =	simm.s32 $0x9;
	_ =	strace $0x80000048  }
0xbb: {  	_ =	swait.ge [sflag:s29], $0x1  }
0xbc: {  	[sflag:s29] =	ssyncadd.s32 $0xFFFFFFFF  }
0xbd: {  	_ =	strace $0x90000048  }
0xbe: {  	_ =	sfence  }
0xbf: {  	s30 =	sld [smem:$0x0];
	_ =	sdelay $0x2  }
0xc0: {  	s31 =	sshll.u32 s1, $0xD;
	s1 =	sshrl.u32 s1, $0x2  }
0xc1: {  	s3 =	sand.u32 $0x4000, s31;
	s1 =	sadd.s32 s1, s30  }
0xc2: {  	s0 =	sor.u32 s3, s0;
	s1 =	sshll.u32 s1, $0x11  }
0xc3: {  	s0 =	sor.u32 s1, s0  }
0xc4: {  	s0 =	sadd.s32 $0x8F2B, s0  }
0xc5: {  	[sflag:s0] =	ssyncadd.remote.s32 $0x1  }
0xc6: {  	_ =	sfence.sel $0xFFFF  }
0xc7: {  	[dreg:$0x0] =	wrdreg $0xFFFFFFFF;
	(pc) =	sbr.abs _section_cstart, $3  }
0xc8: {  	[dreg:$0x1] =	wrdreg $0xFFFFFFFF  }
0xc9: {  	_ =	task.clear_ibuf [dreg:s11], $0x2FFFF;
	_ =	strace $0x9FFFFFFF  }
0xca: {  	(tm) =	ssettm $0x7FFFFFFF  }
0xcb: {  	_ =	shalt  }
tec
execute0_lowered:
.L_overlay_start_1:
0x0: {  	(tag) =	ssettag $0x1  }
0x1: {  	s0 =	rddreg [dreg:$0x0]  }
0x2: {  	s1 =	rddreg [dreg:$0x1]  }
0x3: {  	s2 =	rddreg [dreg:$0x2]  }
0x4: {  	s5 =	rddreg [dreg:$0x5]  }
0x5: {  	s6 =	stileid.u32;
	s3 =	srdreg.scid  }
0x6: {  	s28 =	simm.s32 $0x4080;
	s29 =	simm.s32 $0x4880;
	s19 =	simm.s32 $0x3  }
0x7: {  	s30 =	simm.s32 $0x14680;
	s31 =	simm.s32 $0x8080;
	s4 =	sshll.u32 s6, $0x1  }
0x8: {  	s7 =	sshrl.u32 s6, $0x1;
	s3 =	sand.u32 $0x1, s3;
	s6 =	simm.s32 $0x0  }
0x9: {  	s14 =	sadd.s32 $0x200, s1;
	s4 =	sand.u32 $0x2, s4;
	s8 =	smul.u32 $0x408, s7  }
0xa: {  	[smem:$0x7FF] =	sst s6;
	s10 =	smul.u32 $0x60C000, s7;
	s7 =	sadd.s32 $0x2600, s0  }
0xb: {  	s4 =	sor.u32 s3, s4;
	_ =	strace $0x80000047;
	s3 =	ssub.s32 $0x2, s3  }
0xc: {  	v0 =	vlaneseq.u32;
	s9 =	smul.u32 $0x3000, s4;
	s11 =	sadd.s32 s8, s0;
	s21 =	sshrl.u32 s3, $0x1  }
0xd: {  	v1 =	vand.u32 $0x7, v0;
	s0 =	sadd.s32 $0x5600, s0;
	s3 =	ssub.s32 s3, s21;
	s23 =	sadd.s32 $0x400, s11  }
0xe: {  	[tilespmem:$0x1FFA0] =	vst v1;
	v1 =	vshrl.u32 v0, $0x3;
	[dreg:$0xd] =	wrdreg s0;
	s21 =	simm.s32 $0x1;
	s0 =	simm.s32 $0x4  }
0xf: {  	v1 =	vmul.u32 $0x8, v1;
	s12 =	sshrl.u32 s9, $0x3;
	s8 =	sadd.s32 s10, s9;
	s9 =	sshll.u32 s4, $0x4  }
0x10: {  	[dreg:$0xa] =	wrdreg s23;
	s26 =	smax.u32 s3, $0x1;
	s10 =	simm.s32 $0x5  }
0x11: {  	[tilespmem:$0x1FFB0] =	vst v1;
	v1 =	vor.u32 $0x8, v0;
	s2 =	sadd.s32 s2, s12;
	s22 =	sshrl.u32 s8, $0x3;
	[dreg:$0xf] =	wrdreg s26  }
0x12: {  	s4 =	simm.s32 $0x0;
	[tilespmem:$0x1FFC0] =	vst v1;
	v1 =	vor.u32 $0x110, v0;
	[dreg:$0x9] =	wrdreg s2;
	s2 =	sadd.s32 s5, s22  }
0x13: {  	s12 =	sadd.s32 $0x100, s1;
	[tilespmem:$0x1FFD0] =	vst v1;
	v1 =	vadd.s32 $0x11, v0;
	s24 =	sadd.s32 $0x1800, s2;
	[dreg:$0xb] =	wrdreg s2  }
0x14: {  	s26 =	simm.s32 $0x3880;
	s25 =	sadd.s32 $0xC0000, s2;
	[tilespmem:$0x1FFE0] =	vst v1;
	v1 =	vmov s9;
	[dreg:$0xc] =	wrdreg s24  }
0x15: {  	vm0 =	vmmov $0xffff;
	s2 =	simm.s32 $0x2;
	[dreg:$0xe] =	wrdreg s25;
	s25 =	simm.s32 $0x3080;
	[tilespmem:$0x1FFF0] =	vst v1  }
.LBB2_1:
0x16: {  	[dreg:$0x10] =	wrdreg s4  }
0x17: {  	s3 =	rddreg [dreg:$0x3];
	s18 =	simm.s32 $0x14080  }
0x18: {  	[tilespmem:s18], [sflag:$0x5] =	stream.linear.gather [hbm4b:s3+s6], $0x300, $0x38;
	[tilespmem:$0x14900] =	vst v63  }
0x19: {  	_ =	swait.ge [sflag:s10], $0x300  }
0x1a: {  	[sflag:s10] =	ssyncset.done $0x0  }
0x1b: {  	[sflag:s10] =	ssyncadd.s32 $0xFFFFFD00  }
0x1c: {  	s22 =	simm.s32 $0x14380;
	s20 =	rddreg [dreg:$0x4]  }
0x1d: {  	[tilespmem:s22], [sflag:$0x5] =	stream.linear.gather [hbm4b:s20+s6], $0x300, $0x38;
	[tilespmem:$0x14900] =	vst v63  }
0x1e: {  	_ =	swait.ge [sflag:s10], $0x300  }
0x1f: {  	[sflag:s10] =	ssyncset.done $0x0  }
0x20: {  	s4 =	simm.s32 $0x11080;
	s23 =	rddreg [dreg:$0x9];
	[sflag:s10] =	ssyncadd.s32 $0xFFFFFD00  }
0x21: {  	[tilespmem:s4], [sflag:$0x5] =	stream.linear.gather [hbm4b:s23+s6], $0x3000, $0x38;
	[tilespmem:$0x14900] =	vst v63  }
0x22: {  	_ =	swait.ge [sflag:s10], $0x3000  }
0x23: {  	[sflag:s10] =	ssyncset.done $0x0  }
0x24: {  	s24 =	rddreg [dreg:$0xa];
	[sflag:s10] =	ssyncadd.s32 $0xFFFFD000  }
0x25: {  	[tilespmem:s6], [sflag:$0x5] =	stream.linear.gather [hbm4b:s24+s6], $0x2040, $0x38;
	[tilespmem:$0x14900] =	vst v63  }
0x26: {  	_ =	swait.ge [sflag:s10], $0x2040  }
0x27: {  	[sflag:s10] =	ssyncset.done $0x0  }
0x28: {  	[sflag:s10] =	ssyncadd.s32 $0xFFFFDFC0  }
0x29: {  	v1 =	vld [tilespmem:s9+$0x0];
	_ =	sdelay $0x3  }
0x2a: {  	v3 =	vld [tilespmem:$0x1FFA0]  }
0x2b: {  	v2 =	vshrl.u32 v1, $0x3  }
0x2c: {  	v4 =	vld [tilespmem:$0x1FFB0];
	v2 =	vmul.u32 $0x30, v2  }
0x2d: {  	v1 =	vand.u32 $0x7, v1  }
0x2e: {  	v1 =	vor.u32 v1, v2  }
0x2f: {  	v2 =	vperm.xlane v1, v3  }
0x30: {  	v5 =	vld [tilespmem:$0x1FFC0]  }
0x31: {  	v2 =	vadd.s32 v4, v2;
	_ =	sdelay $0x3  }
0x32: {  	s11 =	simm.s32 $0x2080;
	v1 =	vperm.xlane v1, v5  }
0x33: {  	[tilespmem:s11], [sflag:$0x1] =	stream.indirect_vreg.gather [hbm4b:s1+s6], $0x80, v2, vm0, $0xb8;
	[tilespmem:$0x14900] =	vst v63  }
0x34: {  	s13 =	simm.s32 $0x2880;
	v1 =	vadd.s32 v4, v1  }
0x35: {  	[tilespmem:s13], [sflag:$0x1] =	stream.indirect_vreg.gather [hbm4b:s12+s6], $0x80, v2, vm0, $0xb8;
	[tilespmem:$0x14900] =	vst v63  }
0x36: {  	_ = 	snop  }
0x37: {  	[tilespmem:s25], [sflag:$0x1] =	stream.indirect_vreg.gather [hbm4b:s14+s6], $0x80, v2, vm0, $0xb8;
	[tilespmem:$0x14900] =	vst v63  }
0x38: {  	_ = 	snop  }
0x39: {  	[tilespmem:s26], [sflag:$0x1] =	stream.indirect_vreg.gather [hbm4b:s1+s6], $0x80, v1, vm0, $0xb8;
	[tilespmem:$0x14900] =	vst v63  }
0x3a: {  	_ = 	snop  }
0x3b: {  	[tilespmem:s28], [sflag:$0x1] =	stream.indirect_vreg.gather [hbm4b:s12+s6], $0x80, v1, vm0, $0xb8;
	[tilespmem:$0x14900] =	vst v63  }
0x3c: {  	_ = 	snop  }
0x3d: {  	[tilespmem:s29], [sflag:$0x1] =	stream.indirect_vreg.gather [hbm4b:s14+s6], $0x80, v1, vm0, $0xb8;
	[tilespmem:$0x14900] =	vst v63  }
0x3e: {  	s15 =	rddreg [dreg:$0xb]  }
0x3f: {  	[hbm4b:s15+s6] =	stream.linear.scatter [tilespmem:s4], [sflag:$0x3], $0x3000, $0x38;
	[tilespmem:$0x14900] =	vst v63  }
0x40: {  	v1 =	vld [tilespmem:s9+$0x40];
	_ =	sdelay $0x4  }
0x41: {  	v2 =	vshrl.u32 v1, $0x3  }
0x42: {  	v2 =	vmul.u32 $0x30, v2  }
0x43: {  	v1 =	vand.u32 $0x7, v1  }
0x44: {  	v1 =	vor.u32 v1, v2  }
0x45: {  	v2 =	vperm.xlane v1, v3;
	_ =	sdelay $0x1  }
0x46: {  	v2 =	vadd.s32 v4, v2;
	_ =	sdelay $0x3  }
0x47: {  	s16 =	simm.s32 $0x5080;
	v1 =	vperm.xlane v1, v5  }
0x48: {  	[tilespmem:s16], [sflag:$0x2] =	stream.indirect_vreg.gather [hbm4b:s1+s6], $0x80, v2, vm0, $0xb8;
	[tilespmem:$0x14900] =	vst v63  }
0x49: {  	s17 =	simm.s32 $0x5880;
	v1 =	vadd.s32 v4, v1  }
0x4a: {  	[tilespmem:s17], [sflag:$0x2] =	stream.indirect_vreg.gather [hbm4b:s12+s6], $0x80, v2, vm0, $0xb8;
	[tilespmem:$0x14900] =	vst v63  }
0x4b: {  	s18 =	simm.s32 $0x6080  }
0x4c: {  	[tilespmem:s18], [sflag:$0x2] =	stream.indirect_vreg.gather [hbm4b:s14+s6], $0x80, v2, vm0, $0xb8;
	[tilespmem:$0x14900] =	vst v63  }
0x4d: {  	s20 =	simm.s32 $0x6880  }
0x4e: {  	[tilespmem:s20], [sflag:$0x2] =	stream.indirect_vreg.gather [hbm4b:s1+s6], $0x80, v1, vm0, $0xb8;
	[tilespmem:$0x14900] =	vst v63  }
0x4f: {  	s22 =	simm.s32 $0x7080  }
0x50: {  	[tilespmem:s22], [sflag:$0x2] =	stream.indirect_vreg.gather [hbm4b:s12+s6], $0x80, v1, vm0, $0xb8;
	[tilespmem:$0x14900] =	vst v63  }
0x51: {  	s23 =	simm.s32 $0x7880  }
0x52: {  	[tilespmem:s23], [sflag:$0x2] =	stream.indirect_vreg.gather [hbm4b:s14+s6], $0x80, v1, vm0, $0xb8;
	[tilespmem:$0x14900] =	vst v63  }
0x53: {  	s24 =	rddreg [dreg:$0xc];
	s10 =	simm.s32 $0x0  }
0x54: {  	[hbm4b:s24+s6] =	stream.linear.scatter [tilespmem:s4], [sflag:$0x4], $0x3000, $0x38;
	[tilespmem:$0x14900] =	vst v63  }
.LBB2_2:
0x55: {  	s11 =	sshll.u32 s10, $0x1  }
0x56: {  	_ =	swait.ge [sflag:s19], $0x3000;
	s3 =	sand.u32 $0xE, s11  }
0x57: {  	[sflag:s19] =	ssyncset.done $0x0;
	p0 =	sne.s32 s3, $0x0  }
0x58: {  	[sflag:s19] =	ssyncadd.s32 $0xFFFFD000;
	s4 =	sshrl.u32 @!p0 s10, $0x2  }
0x59: {  	_ =	swait.ge [sflag:s21], $0x3000;
	s4 =	smul.u32 @!p0 $0x300, s4  }
0x5a: {  	s13 =	simm.s32 @!p0 $0x0;
	[sflag:s21] =	ssyncset.done $0x0  }
0x5b: {  	s15 =	simm.s32 @!p0 $0xE080;
	[sflag:s21] =	ssyncadd.s32 $0xFFFFD000;
	s4 =	sadd.s32 @!p0 s7, s4  }
0x5c: {  	[tilespmem:s15], [sflag:$0x5] =	stream.linear.gather @!p0 [hbm4b:s4+s13], $0x3000, $0x38;
	[tilespmem:$0x14900] =	vst v63  }
0x5d: {  	s4 =	simm.s32 @!p0 $0x5  }
0x5e: {  	s16 =	simm.s32 $0x0;
	_ =	swait.ge @!p0 [sflag:s4], $0x3000  }
0x5f: {  	s22 =	sand.u32 $0x70, s16;
	s17 =	sand.u32 $0x1C00, s16;
	[sflag:s4] =	ssyncset.done @!p0 $0x0  }
0x60: {  	s15 =	sor.u32 s22, s17;
	[sflag:s4] =	ssyncadd.s32 @!p0 $0xFFFFD000  }
0x61: {  	v1 =	vld [tilespmem:s15+$0x2200]  }
0x62: {  	s3 =	sshrl.u32 s3, $0x3;
	v2 =	vld [tilespmem:s15+$0x11200]  }
0x63: {  	s3 =	smul.u32 $0x6000, s3;
	v3 =	vld [tilespmem:s15+$0x11300]  }
0x64: {  	s23 =	sshll.u32 s10, $0x8;
	v4 =	vld [tilespmem:s15+$0x11180]  }
0x65: {  	s3 =	sshrl.u32 s3, $0x2;
	s4 =	sand.u32 $0x300, s23;
	v5 =	vld [tilespmem:s15+$0x2300]  }
0x66: {  	s3 =	sor.u32 s4, s3;
	v6 =	vld [tilespmem:s15+$0x11100]  }
0x67: {  	v7 =	vld [tilespmem:s15+$0x11280];
	s3 =	sor.u32 $0xE080, s3  }
0x68: {  	v8 =	vld [tilespmem:s15+$0x2100];
	[dreg:$0x7] =	wrdreg s3  }
0x69: {  	v9 =	vld [tilespmem:s15+$0x11380];
	s3 =	rddreg [dreg:$0x7]  }
0x6a: {  	v10 =	vld [tilespmem:s15+$0x2180];
	s3 =	sadd.s32 s17, s3  }
0x6b: {  	v11 =	vld [tilespmem:s15+$0x11080];
	s3 =	sadd.s32 s22, s3  }
0x6c: {  	v14 =	vld [tilespmem:s3+$0x0]  }
0x6d: {  	v1 =	vadd.f32 v2, v1;
	v2 =	vld [tilespmem:s15+$0x2280]  }
0x6e: {  	v6 =	vadd.f32 v6, v8;
	v8 =	vld [tilespmem:s15+$0x2380]  }
0x6f: {  	v21 =	vimm.f32 $0.0e+00;
	v12 =	vld [tilespmem:s15+$0x2080]  }
0x70: {  	v23 =	vimm.f32 $0.0e+00;
	v27 =	vimm.f32 $0.0e+00;
	v4 =	vadd.f32 v4, v10  }
0x71: {  	v28 =	vimm.f32 $0.0e+00;
	v3 =	vadd.f32 v3, v5;
	v1 =	vadd.f32 v1, v14  }
0x72: {  	v29 =	vimm.f32 $0.0e+00;
	v2 =	vadd.f32 v7, v2;
	v5 =	vadd.f32 v6, v14  }
0x73: {  	v30 =	vimm.f32 $0.0e+00;
	v7 =	vadd.f32 v9, v8;
	v4 =	vadd.f32 v4, v14;
	[tilespmem:s15+$0x8200] =	vst v1  }
0x74: {  	v31 =	vimm.f32 $0.0e+00;
	v6 =	vadd.f32 v11, v12;
	v3 =	vadd.f32 v3, v14;
	[tilespmem:s15+$0x8100] =	vst v5  }
0x75: {  	v33 =	vimm.f32 $0.0e+00;
	v34 =	vimm.f32 $0.0e+00;
	v2 =	vadd.f32 v2, v14;
	[tilespmem:s15+$0x8180] =	vst v4  }
0x76: {  	v7 =	vadd.f32 v7, v14;
	v6 =	vadd.f32 v6, v14;
	[tilespmem:s15+$0x8300] =	vst v3;
	v8 =	vmul.f32 v5, v5  }
0x77: {  	v9 =	vmul.f32 v3, v3;
	v10 =	vmul.f32 v4, v4;
	v24 =	vadd.f32 v4, v21;
	[tilespmem:s15+$0x8280] =	vst v2  }
0x78: {  	s24 =	sor.u32 s16, s16;
	v18 =	vmul.f32 v1, v1;
	v26 =	vadd.f32 v5, v21;
	v25 =	vadd.f32 v1, v21;
	[tilespmem:s15+$0x8380] =	vst v7  }
0x79: {  	s3 =	sor.u32 $0x380, s24;
	v5 =	vimm.f32 $0.0e+00;
	[tilespmem:s15+$0x8080] =	vst v6;
	v16 =	vadd.f32 v6, v21;
	v6 =	vmul.f32 v6, v6  }
0x7a: {  	v1 =	vimm.f32 $0.0e+00;
	v22 =	vadd.f32 v7, v21;
	v11 =	vadd.f32 v8, v21;
	v12 =	vld [tilespmem:s3+$0x2080]  }
0x7b: {  	v13 =	vadd.f32 v10, v21;
	v20 =	vadd.f32 v6, v21;
	v6 =	vmul.f32 v7, v7;
	v7 =	vld [tilespmem:s3+$0x11080]  }
0x7c: {  	v10 =	vadd.f32 v2, v21;
	v2 =	vmul.f32 v2, v2;
	v17 =	vadd.f32 v9, v21  }
0x7d: {  	v4 =	vimm.f32 $0.0e+00;
	v19 =	vadd.f32 v18, v21;
	v18 =	vadd.f32 v3, v21  }
0x7e: {  	v9 =	vimm.f32 $0.0e+00;
	v3 =	vimm.f32 $0.0e+00;
	v15 =	vadd.f32 v2, v21  }
0x7f: {  	v2 =	vimm.f32 $0.0e+00;
	v8 =	vadd.f32 v6, v21;
	v6 =	vimm.f32 $0.0e+00  }
0x80: {  	s17 =	simm.s32 $0x10;
	v32 =	vadd.f32 v7, v12;
	v12 =	vimm.f32 $0.0e+00;
	v7 =	vimm.f32 $0.0e+00  }
.LBB2_3:
0x81: {  	_ = 	snop  }
0x82: {  	v32 =	vadd.f32 v32, v14;
	_ =	sdelay $0x1  }
0x83: {  	[tilespmem:s3+$0x8080] =	vst v32  }
0x84: {  	v35 =	vld [tilespmem:s15+$0x3880]  }
0x85: {  	v47 =	vld [tilespmem:s15+$0x12880]  }
0x86: {  	v36 =	vld [tilespmem:s15+$0x3900]  }
0x87: {  	v37 =	vld [tilespmem:s15+$0x12900]  }
0x88: {  	v38 =	vld [tilespmem:s15+$0x3980]  }
0x89: {  	v39 =	vld [tilespmem:s15+$0x12980]  }
0x8a: {  	v48 =	vld [tilespmem:s15+$0x3A00]  }
0x8b: {  	v21 =	vadd.f32 v32, v21;
	v32 =	vmul.f32 v32, v32;
	v40 =	vld [tilespmem:s15+$0x12A00]  }
0x8c: {  	v49 =	vld [tilespmem:s15+$0x3A80]  }
0x8d: {  	v41 =	vld [tilespmem:s15+$0x12A80];
	v12 =	vadd.f32 v32, v12;
	v32 =	vadd.f32 v47, v35  }
0x8e: {  	v50 =	vld [tilespmem:s15+$0x3B00];
	v36 =	vadd.f32 v37, v36  }
0x8f: {  	v51 =	vld [tilespmem:s15+$0x12B80];
	v38 =	vadd.f32 v39, v38;
	v32 =	vadd.f32 v32, v14  }
0x90: {  	v52 =	vld [tilespmem:s15+$0x12C00];
	v36 =	vadd.f32 v36, v14  }
0x91: {  	s16 =	sadd.s32 $0x80, s16;
	s18 =	smov.u32 s17;
	v53 =	vld [tilespmem:s15+$0x12B00];
	v35 =	vadd.f32 v40, v48;
	v38 =	vadd.f32 v38, v14;
	[tilespmem:s15+$0x9880] =	vst v32  }
0x92: {  	s4 =	sand.u32 $0x70, s18;
	s13 =	sand.u32 $0x1C00, s16;
	v55 =	vld [tilespmem:s15+$0x3C00];
	v54 =	vadd.f32 v41, v49;
	[tilespmem:s15+$0x9900] =	vst v36;
	v7 =	vadd.f32 v36, v7;
	v36 =	vmul.f32 v36, v36  }
0x93: {  	s20 =	sor.u32 s4, s13;
	v56 =	vld [tilespmem:s15+$0x3B80];
	v35 =	vadd.f32 v35, v14;
	[tilespmem:s15+$0x9980] =	vst v38  }
0x94: {  	v43 =	vld [tilespmem:s20+$0x2200];
	v2 =	vadd.f32 v36, v2;
	v36 =	vadd.f32 v54, v14  }
0x95: {  	v44 =	vld [tilespmem:s20+$0x11200];
	[tilespmem:s15+$0x9A00] =	vst v35  }
0x96: {  	v39 =	vadd.f32 v53, v50;
	v57 =	vld [tilespmem:s20+$0x11300];
	[tilespmem:s15+$0x9A80] =	vst v36  }
0x97: {  	v59 =	vadd.f32 v52, v55;
	v29 =	vadd.f32 v35, v29;
	v35 =	vmul.f32 v35, v35;
	v58 =	vld [tilespmem:s20+$0x11180]  }
0x98: {  	v42 =	vmul.f32 v32, v32;
	v23 =	vadd.f32 v32, v23;
	v32 =	vadd.f32 v51, v56;
	v60 =	vld [tilespmem:s20+$0x2300]  }
0x99: {  	v30 =	vadd.f32 v35, v30;
	v35 =	vadd.f32 v59, v14;
	v61 =	vld [tilespmem:s20+$0x11100]  }
0x9a: {  	v39 =	vadd.f32 v39, v14;
	v62 =	vld [tilespmem:s20+$0x11280]  }
0x9b: {  	s23 =	rddreg [dreg:$0x7];
	v14 =	vadd.f32 v32, v14;
	v63 =	vld [tilespmem:s20+$0x2100];
	[tilespmem:s15+$0x9C00] =	vst v35  }
0x9c: {  	s3 =	sadd.s32 s13, s23;
	v49 =	vld [tilespmem:s20+$0x11380];
	[tilespmem:s15+$0x9B00] =	vst v39  }
0x9d: {  	s3 =	sadd.s32 s4, s3;
	v27 =	vadd.f32 v38, v27;
	v46 =	vld [tilespmem:s20+$0x2180];
	[tilespmem:s15+$0x9B80] =	vst v14  }
0x9e: {  	v38 =	vmul.f32 v38, v38;
	v6 =	vadd.f32 v14, v6;
	v50 =	vmul.f32 v14, v14;
	s15 =	smov.u32 s20;
	v14 =	vld [tilespmem:s3+$0x0]  }
0x9f: {  	v33 =	vadd.f32 v39, v33;
	v52 =	vld [tilespmem:s15+$0x11080]  }
0xa0: {  	v28 =	vadd.f32 v38, v28;
	v1 =	vadd.f32 v35, v1;
	v35 =	vmul.f32 v35, v35;
	v53 =	vld [tilespmem:s15+$0x2080]  }
0xa1: {  	v31 =	vadd.f32 v36, v31;
	v51 =	vadd.f32 v44, v43;
	v54 =	vld [tilespmem:s15+$0x2280]  }
0xa2: {  	v3 =	vadd.f32 v35, v3;
	v55 =	vld [tilespmem:s15+$0x2380];
	v32 =	vadd.f32 v61, v63  }
0xa3: {  	v37 =	vadd.f32 v57, v60;
	v35 =	vadd.f32 v51, v14  }
0xa4: {  	v40 =	vadd.f32 v58, v46;
	v32 =	vadd.f32 v32, v14  }
0xa5: {  	v45 =	vmul.f32 v36, v36;
	v37 =	vadd.f32 v37, v14;
	v36 =	vadd.f32 v52, v53;
	[tilespmem:s15+$0x8200] =	vst v35  }
0xa6: {  	v41 =	vadd.f32 v62, v54;
	v56 =	vadd.f32 v40, v14;
	[tilespmem:s15+$0x8100] =	vst v32  }
0xa7: {  	v48 =	vmul.f32 v39, v39;
	v38 =	vadd.f32 v49, v55;
	v36 =	vadd.f32 v36, v14;
	[tilespmem:s15+$0x8300] =	vst v37  }
0xa8: {  	v9 =	vadd.f32 v42, v9;
	v41 =	vadd.f32 v41, v14;
	[tilespmem:s15+$0x8180] =	vst v56  }
0xa9: {  	v34 =	vadd.f32 v48, v34;
	v38 =	vadd.f32 v38, v14;
	[tilespmem:s15+$0x8080] =	vst v36  }
0xaa: {  	s24 =	sor.u32 s16, s18;
	v5 =	vadd.f32 v45, v5;
	v4 =	vadd.f32 v50, v4;
	[tilespmem:s15+$0x8280] =	vst v41  }
0xab: {  	s3 =	sor.u32 $0x380, s24;
	v57 =	vmul.f32 v35, v35;
	v58 =	vmul.f32 v32, v32;
	v26 =	vadd.f32 v32, v26;
	[tilespmem:s15+$0x8380] =	vst v38  }
0xac: {  	v59 =	vmul.f32 v37, v37;
	v25 =	vadd.f32 v35, v25;
	v18 =	vadd.f32 v37, v18;
	v62 =	vld [tilespmem:s3+$0x2080]  }
0xad: {  	p0 =	sne.s32 s17, $0x2F0;
	v60 =	vmul.f32 v56, v56;
	v24 =	vadd.f32 v56, v24;
	v11 =	vadd.f32 v58, v11;
	v63 =	vld [tilespmem:s3+$0x11080]  }
.Ltmp0:
0xae: {  	v16 =	vadd.f32 v36, v16;
	v36 =	vmul.f32 v36, v36;
	v10 =	vadd.f32 v41, v10;
	(pc) =	sbr.rel @p0 .LBB2_3-.Ltmp0, $4  }
0xaf: {  	v41 =	vmul.f32 v41, v41;
	v22 =	vadd.f32 v38, v22;
	v17 =	vadd.f32 v59, v17  }
0xb0: {  	v61 =	vmul.f32 v38, v38;
	v19 =	vadd.f32 v57, v19;
	v13 =	vadd.f32 v60, v13  }
0xb1: {  	v20 =	vadd.f32 v36, v20;
	v15 =	vadd.f32 v41, v15  }
0xb2: {  	s17 =	sadd.s32 $0x10, s17;
	v8 =	vadd.f32 v61, v8;
	v32 =	vadd.f32 v63, v62  }
0xb3: {  	_ = 	snop  }
0xb4: {  	v32 =	vadd.f32 v32, v14;
	_ =	sdelay $0x1  }
0xb5: {  	[tilespmem:s3+$0x8080] =	vst v32  }
0xb6: {  	v35 =	vld [tilespmem:s15+$0x3880]  }
0xb7: {  	v36 =	vld [tilespmem:s15+$0x12880]  }
0xb8: {  	v37 =	vld [tilespmem:s15+$0x3900]  }
0xb9: {  	v38 =	vld [tilespmem:s15+$0x12900]  }
0xba: {  	v39 =	vld [tilespmem:s15+$0x3980]  }
0xbb: {  	v40 =	vld [tilespmem:s15+$0x12980]  }
0xbc: {  	v61 =	vld [tilespmem:s15+$0x3A00]  }
0xbd: {  	v41 =	vld [tilespmem:s15+$0x12A00]  }
0xbe: {  	v42 =	vld [tilespmem:s15+$0x3A80]  }
0xbf: {  	v62 =	vld [tilespmem:s15+$0x12A80]  }
0xc0: {  	v43 =	vld [tilespmem:s15+$0x3B00]  }
0xc1: {  	v44 =	vld [tilespmem:s15+$0x12B80]  }
0xc2: {  	v63 =	vld [tilespmem:s15+$0x12C00]  }
0xc3: {  	v46 =	vld [tilespmem:s15+$0x3C00];
	v35 =	vadd.f32 v36, v35  }
0xc4: {  	v45 =	vld [tilespmem:s15+$0x12B00];
	v37 =	vadd.f32 v38, v37  }
0xc5: {  	v47 =	vld [tilespmem:s15+$0x3B80];
	v39 =	vadd.f32 v40, v39;
	v35 =	vadd.f32 v35, v14  }
0xc6: {  	v36 =	vadd.f32 v41, v61;
	v37 =	vadd.f32 v37, v14  }
0xc7: {  	v38 =	vadd.f32 v62, v42;
	v39 =	vadd.f32 v39, v14;
	[tilespmem:s15+$0x9880] =	vst v35  }
0xc8: {  	v40 =	vadd.f32 v63, v46;
	v36 =	vadd.f32 v36, v14;
	[tilespmem:s15+$0x9900] =	vst v37  }
0xc9: {  	v46 =	vadd.f32 v45, v43;
	v38 =	vadd.f32 v38, v14;
	[tilespmem:s15+$0x9980] =	vst v39  }
0xca: {  	v47 =	vadd.f32 v44, v47;
	v40 =	vadd.f32 v40, v14;
	[tilespmem:s15+$0x9A00] =	vst v36  }
0xcb: {  	v41 =	vadd.f32 v46, v14;
	[tilespmem:s15+$0x9A80] =	vst v38  }
0xcc: {  	v14 =	vadd.f32 v47, v14;
	[tilespmem:s15+$0x9C00] =	vst v40  }
0xcd: {  	[tilespmem:s15+$0x9B00] =	vst v41  }
0xce: {  	[tilespmem:s15+$0x9B80] =	vst v14  }
0xcf: {  	[tilespmem:v0+s30+$0x0] =	vst.idx.msk $0xffff, v16;
	v16 =	vld [tilespmem:$0x1FFD0];
	_ =	sdelay $0x7  }
0xd0: {  	[tilespmem:v16+s30+$0x0] =	vst.idx.msk $0xffff, v20;
	v16 =	vld [tilespmem:$0x1FFE0];
	_ =	sdelay $0x3  }
0xd1: {  	v48 =	vadd.s32 $0x121, v0;
	_ =	sdelay $0x1  }
0xd2: {  	v49 =	vadd.s32 $0x22, v0;
	v20 =	vadd.s32 $0x33, v0  }
0xd3: {  	[tilespmem:$0x1FD00] =	vst v20  }
0xd4: {  	v50 =	vadd.s32 $0x132, v0;
	[tilespmem:v16+s30+$0x0] =	vst.idx.msk $0xffff, v26  }
0xd5: {  	v16 =	vadd.s32 $0x143, v0;
	[tilespmem:v48+s30+$0x0] =	vst.idx.msk $0xffff, v11  }
0xd6: {  	[tilespmem:$0x1FD10] =	vst v16  }
0xd7: {  	v11 =	vadd.s32 $0x44, v0;
	[tilespmem:v49+s30+$0x0] =	vst.idx.msk $0xffff, v24  }
0xd8: {  	[tilespmem:$0x1FD20] =	vst v11  }
0xd9: {  	v24 =	vadd.s32 $0x154, v0;
	[tilespmem:v50+s30+$0x0] =	vst.idx.msk $0xffff, v13  }
0xda: {  	v13 =	vadd.s32 $0x55, v0;
	[tilespmem:v20+s30+$0x0] =	vst.idx.msk $0xffff, v25  }
0xdb: {  	[tilespmem:$0x1FD40] =	vst v13  }
0xdc: {  	v20 =	vadd.s32 $0x165, v0;
	[tilespmem:v16+s30+$0x0] =	vst.idx.msk $0xffff, v19  }
0xdd: {  	[tilespmem:v11+s30+$0x0] =	vst.idx.msk $0xffff, v10  }
0xde: {  	v19 =	vadd.s32 $0x66, v0;
	[tilespmem:v24+s30+$0x0] =	vst.idx.msk $0xffff, v15  }
0xdf: {  	v25 =	vadd.s32 $0x176, v0;
	v15 =	vadd.s32 $0x77, v0;
	[tilespmem:v13+s30+$0x0] =	vst.idx.msk $0xffff, v18  }
0xe0: {  	v10 =	vmul.f32 v32, v32;
	[tilespmem:$0x1FD80] =	vst v15  }
0xe1: {  	v13 =	vadd.s32 $0x187, v0;
	[tilespmem:v20+s30+$0x0] =	vst.idx.msk $0xffff, v17  }
0xe2: {  	v10 =	vadd.f32 v10, v12;
	v12 =	vmul.f32 v35, v35;
	[tilespmem:$0x1FD90] =	vst v13  }
0xe3: {  	v16 =	vadd.s32 $0x88, v0;
	[tilespmem:v19+s30+$0x0] =	vst.idx.msk $0xffff, v22  }
0xe4: {  	v11 =	vadd.f32 v32, v21;
	v9 =	vadd.f32 v12, v9;
	v12 =	vadd.s32 $0x1BA, v0;
	[tilespmem:v25+s30+$0x0] =	vst.idx.msk $0xffff, v8  }
0xe5: {  	[tilespmem:$0x1FDF0] =	vst v12  }
0xe6: {  	[tilespmem:v15+s30+$0x0] =	vst.idx.msk $0xffff, v11  }
0xe7: {  	v17 =	vadd.s32 $0x198, v0;
	v8 =	vadd.f32 v35, v23;
	v15 =	vadd.s32 $0x1A9, v0;
	[tilespmem:v13+s30+$0x0] =	vst.idx.msk $0xffff, v10  }
0xe8: {  	[tilespmem:$0x1FDD0] =	vst v15  }
0xe9: {  	v18 =	vadd.s32 $0x99, v0;
	v10 =	vadd.s32 $0xAA, v0;
	[tilespmem:v16+s30+$0x0] =	vst.idx.msk $0xffff, v8  }
0xea: {  	v11 =	vmul.f32 v37, v37;
	v13 =	vadd.s32 $0x1CB, v0;
	[tilespmem:$0x1FDE0] =	vst v10  }
0xeb: {  	[tilespmem:$0x1FE10] =	vst v13  }
0xec: {  	v7 =	vadd.f32 v37, v7;
	v2 =	vadd.f32 v11, v2;
	v11 =	vadd.s32 $0xBB, v0;
	[tilespmem:v17+s30+$0x0] =	vst.idx.msk $0xffff, v9  }
0xed: {  	v8 =	vmul.f32 v39, v39;
	[tilespmem:$0x1FE00] =	vst v11  }
0xee: {  	v9 =	vadd.f32 v39, v27;
	[tilespmem:v18+s30+$0x0] =	vst.idx.msk $0xffff, v7  }
0xef: {  	v7 =	vadd.f32 v8, v28;
	[tilespmem:v15+s30+$0x0] =	vst.idx.msk $0xffff, v2  }
0xf0: {  	[tilespmem:v10+s30+$0x0] =	vst.idx.msk $0xffff, v9  }
0xf1: {  	v8 =	vmul.f32 v36, v36;
	v2 =	vadd.f32 v36, v29;
	v10 =	vadd.s32 $0x1DC, v0;
	[tilespmem:v12+s30+$0x0] =	vst.idx.msk $0xffff, v7  }
0xf2: {  	[tilespmem:$0x1FE30] =	vst v10  }
0xf3: {  	v15 =	vadd.s32 $0xCC, v0;
	v8 =	vadd.f32 v8, v30;
	v12 =	vadd.s32 $0xDD, v0;
	[tilespmem:v11+s30+$0x0] =	vst.idx.msk $0xffff, v2  }
0xf4: {  	v9 =	vmul.f32 v38, v38;
	[tilespmem:$0x1FE40] =	vst v12  }
0xf5: {  	v11 =	vadd.s32 $0x1ED, v0;
	[tilespmem:v13+s30+$0x0] =	vst.idx.msk $0xffff, v8  }
0xf6: {  	v7 =	vadd.f32 v38, v31;
	v2 =	vadd.f32 v9, v5;
	v9 =	vadd.s32 $0xEE, v0;
	[tilespmem:$0x1FE50] =	vst v11  }
0xf7: {  	[tilespmem:$0x1FE60] =	vst v9  }
0xf8: {  	v13 =	vadd.s32 $0x1FE, v0;
	[tilespmem:v15+s30+$0x0] =	vst.idx.msk $0xffff, v7  }
0xf9: {  	v5 =	vmul.f32 v41, v41;
	v8 =	vadd.f32 v41, v33;
	[tilespmem:$0x1FE70] =	vst v13  }
0xfa: {  	[tilespmem:v10+s30+$0x0] =	vst.idx.msk $0xffff, v2  }
0xfb: {  	v7 =	vmul.f32 v14, v14;
	v5 =	vadd.f32 v5, v34;
	v10 =	vadd.s32 $0xFF, v0;
	[tilespmem:v12+s30+$0x0] =	vst.idx.msk $0xffff, v8  }
0xfc: {  	v36 =	vmul.u32 $0x11, v0;
	v2 =	vadd.f32 v14, v6;
	v8 =	vadd.s32 $0x20F, v0;
	[tilespmem:$0x1FE80] =	vst v10  }
0xfd: {  	v6 =	vmul.f32 v40, v40;
	v4 =	vadd.f32 v7, v4;
	[tilespmem:v11+s30+$0x0] =	vst.idx.msk $0xffff, v5  }
0xfe: {  	v1 =	vadd.f32 v40, v1;
	v5 =	vadd.s32 $0x110, v36;
	[tilespmem:v9+s30+$0x0] =	vst.idx.msk $0xffff, v2  }
0xff: {  	v2 =	vadd.f32 v6, v3;
	v3 =	vadd.s32 $0x1, v36;
	[tilespmem:v13+s30+$0x0] =	vst.idx.msk $0xffff, v4  }
0x100: {  	v6 =	vadd.s32 $0x2, v36;
	[tilespmem:v10+s30+$0x0] =	vst.idx.msk $0xffff, v1  }
0x101: {  	v4 =	vadd.s32 $0x111, v36;
	[tilespmem:v8+s30+$0x0] =	vst.idx.msk $0xffff, v2  }
0x102: {  	v7 =	vadd.s32 $0x112, v36;
	[tilespmem:$0x1FE90] =	vst v8;
	v1 =	vld.idx.msk [tilespmem:v36+s30+$0x0], $0xffff  }
0x103: {  	[tilespmem:$0x1FEE0] =	vst v7;
	v10 =	vadd.s32 $0x3, v36;
	v2 =	vld.idx.msk [tilespmem:v5+s30+$0x0], $0xffff  }
0x104: {  	[tilespmem:$0x1FEB0] =	vst v3;
	v8 =	vadd.s32 $0x113, v36;
	v3 =	vld.idx.msk [tilespmem:v3+s30+$0x0], $0xffff  }
0x105: {  	v11 =	vadd.s32 $0x4, v36;
	[tilespmem:$0x1FEA0] =	vst v5;
	v5 =	vld.idx.msk [tilespmem:v6+s30+$0x0], $0xffff  }
0x106: {  	v9 =	vadd.s32 $0x114, v36;
	[tilespmem:$0x1FEC0] =	vst v4;
	v4 =	vld.idx.msk [tilespmem:v4+s30+$0x0], $0xffff  }
0x107: {  	v12 =	vadd.s32 $0x5, v36;
	[tilespmem:$0x1FED0] =	vst v6;
	v6 =	vld.idx.msk [tilespmem:v7+s30+$0x0], $0xffff;
	v1 =	vadd.f32 $0.0e+00, v1  }
0x108: {  	[tilespmem:$0x1FEF0] =	vst v10;
	v7 =	vld.idx.msk [tilespmem:v10+s30+$0x0], $0xffff;
	v10 =	vadd.s32 $0x115, v36  }
0x109: {  	[tilespmem:$0x1FF10] =	vst v11;
	v13 =	vadd.s32 $0x6, v36;
	v2 =	vadd.f32 $0.0e+00, v2;
	v1 =	vadd.f32 v3, v1;
	v3 =	vld.idx.msk [tilespmem:v8+s30+$0x0], $0xffff  }
0x10a: {  	[tilespmem:$0x1FF00] =	vst v8;
	v8 =	vld.idx.msk [tilespmem:v11+s30+$0x0], $0xffff;
	v11 =	vadd.s32 $0x116, v36  }
0x10b: {  	v14 =	vadd.s32 $0x7, v36;
	v2 =	vadd.f32 v4, v2;
	v4 =	vld.idx.msk [tilespmem:v9+s30+$0x0], $0xffff;
	v1 =	vadd.f32 v5, v1  }
0x10c: {  	[tilespmem:$0x1FF20] =	vst v9;
	v9 =	vadd.s32 $0x117, v36;
	v5 =	vld.idx.msk [tilespmem:v12+s30+$0x0], $0xffff  }
0x10d: {  	v53 =	vadd.s32 $0x8, v36;
	v2 =	vadd.f32 v6, v2;
	v6 =	vld.idx.msk [tilespmem:v10+s30+$0x0], $0xffff;
	v1 =	vadd.f32 v7, v1  }
0x10e: {  	[tilespmem:$0x1FF40] =	vst v10;
	v10 =	vadd.s32 $0x118, v36;
	v7 =	vld.idx.msk [tilespmem:v13+s30+$0x0], $0xffff  }
0x10f: {  	v55 =	vadd.s32 $0x9, v36;
	v2 =	vadd.f32 v3, v2;
	v3 =	vld.idx.msk [tilespmem:v11+s30+$0x0], $0xffff;
	v1 =	vadd.f32 v8, v1  }
0x110: {  	v54 =	vadd.s32 $0x119, v36;
	v8 =	vld.idx.msk [tilespmem:v14+s30+$0x0], $0xffff  }
0x111: {  	v57 =	vadd.s32 $0xA, v36;
	v2 =	vadd.f32 v4, v2;
	v4 =	vld.idx.msk [tilespmem:v9+s30+$0x0], $0xffff;
	v1 =	vadd.f32 v5, v1  }
0x112: {  	v56 =	vadd.s32 $0x11A, v36;
	v5 =	vld.idx.msk [tilespmem:v53+s30+$0x0], $0xffff  }
0x113: {  	v59 =	vadd.s32 $0xB, v36;
	v2 =	vadd.f32 v6, v2;
	v6 =	vld.idx.msk [tilespmem:v10+s30+$0x0], $0xffff;
	v1 =	vadd.f32 v7, v1  }
0x114: {  	v58 =	vadd.s32 $0x11B, v36;
	v7 =	vld.idx.msk [tilespmem:v55+s30+$0x0], $0xffff  }
0x115: {  	v61 =	vadd.s32 $0xC, v36;
	v2 =	vadd.f32 v3, v2;
	v3 =	vld.idx.msk [tilespmem:v54+s30+$0x0], $0xffff;
	v1 =	vadd.f32 v8, v1  }
0x116: {  	v63 =	vadd.s32 $0xD, v36;
	v8 =	vld.idx.msk [tilespmem:v57+s30+$0x0], $0xffff  }
0x117: {  	v60 =	vadd.s32 $0x11C, v36;
	v2 =	vadd.f32 v4, v2;
	v4 =	vld.idx.msk [tilespmem:v56+s30+$0x0], $0xffff;
	v1 =	vadd.f32 v5, v1  }
0x118: {  	v62 =	vadd.s32 $0x11D, v36;
	v5 =	vld.idx.msk [tilespmem:v59+s30+$0x0], $0xffff  }
0x119: {  	[tilespmem:$0x1FF80] =	vst v9;
	v9 =	vld.idx.msk [tilespmem:v58+s30+$0x0], $0xffff;
	v2 =	vadd.f32 v6, v2;
	v7 =	vadd.f32 v7, v1;
	v1 =	vadd.s32 $0xE, v36  }
0x11a: {  	[tilespmem:$0x1FF90] =	vst v10;
	v10 =	vld.idx.msk [tilespmem:v61+s30+$0x0], $0xffff;
	v6 =	vadd.s32 $0x11E, v36  }
0x11b: {  	[tilespmem:$0x1FF60] =	vst v11;
	v11 =	vld.idx.msk [tilespmem:v63+s30+$0x0], $0xffff;
	v2 =	vadd.f32 v3, v2;
	v3 =	vadd.s32 $0xF, v36;
	v7 =	vadd.f32 v8, v7  }
0x11c: {  	v8 =	vld.idx.msk [tilespmem:v60+s30+$0x0], $0xffff  }
0x11d: {  	v2 =	vadd.f32 v4, v2;
	v4 =	vadd.s32 $0x11F, v36;
	v5 =	vadd.f32 v5, v7;
	v7 =	vld.idx.msk [tilespmem:v62+s30+$0x0], $0xffff  }
0x11e: {  	[tilespmem:$0x1FF30] =	vst v12;
	v12 =	vld.idx.msk [tilespmem:v1+s30+$0x0], $0xffff  }
0x11f: {  	v2 =	vadd.f32 v9, v2;
	v9 =	vld.idx.msk [tilespmem:v6+s30+$0x0], $0xffff;
	v5 =	vadd.f32 v10, v5  }
0x120: {  	v10 =	vld.idx.msk [tilespmem:v3+s30+$0x0], $0xffff  }
0x121: {  	v2 =	vadd.f32 v8, v2;
	v5 =	vadd.f32 v11, v5  }
0x122: {  	v8 =	vld.idx.msk [tilespmem:v4+s30+$0x0], $0xffff  }
0x123: {  	v2 =	vadd.f32 v7, v2;
	v5 =	vadd.f32 v12, v5;
	_ =	sdelay $0x1  }
0x124: {  	v2 =	vadd.f32 v9, v2;
	v5 =	vadd.f32 v10, v5;
	_ =	sdelay $0x1  }
0x125: {  	v2 =	vadd.f32 v8, v2;
	v5 =	vmul.f32 $1.302083370e-03, v5;
	_ =	sdelay $0x1  }
0x126: {  	v2 =	vmul.f32 $1.302083370e-03, v2;
	v7 =	vmul.f32 v5, v5;
	_ =	sdelay $0x1  }
0x127: {  	v2 =	vsub.f32 v2, v7;
	_ =	sdelay $0x1  }
0x128: {  	v2 =	vadd.f32 $9.999999960e-13, v2;
	_ =	sdelay $0x1  }
0x129: {  	v7 =	vshra.s32 v2, $0x1;
	v2 =	vmul.f32 $5.000000000e-01, v2  }
0x12a: {  	v7 =	vsub.s32 $0x5F3759DF, v7  }
0x12b: {  	v8 =	vmul.f32 v7, v2;
	_ =	sdelay $0x1  }
0x12c: {  	v8 =	vmul.f32 v7, v8;
	_ =	sdelay $0x1  }
0x12d: {  	v8 =	vsub.f32 $1.500000000e+00, v8;
	_ =	sdelay $0x1  }
0x12e: {  	v7 =	vmul.f32 v7, v8;
	_ =	sdelay $0x1  }
0x12f: {  	v8 =	vmul.f32 v7, v2;
	_ =	sdelay $0x1  }
0x130: {  	v8 =	vmul.f32 v8, v7;
	_ =	sdelay $0x1  }
0x131: {  	v8 =	vsub.f32 $1.500000000e+00, v8;
	_ =	sdelay $0x1  }
0x132: {  	v7 =	vmul.f32 v8, v7;
	_ =	sdelay $0x1  }
0x133: {  	v2 =	vmul.f32 v7, v2;
	_ =	sdelay $0x1  }
0x134: {  	s15 =	simm.s32 $0x0;
	v2 =	vmul.f32 v2, v7  }
0x135: {  	s23 =	sand.u32 $0x70, s15;
	s4 =	sand.u32 $0x1C00, s15  }
0x136: {  	s3 =	sor.u32 s23, s4;
	v2 =	vsub.f32 $1.500000000e+00, v2  }
0x137: {  	v9 =	vld [tilespmem:s3+$0x8380]  }
0x138: {  	v10 =	vld [tilespmem:s3+$0x8300];
	v7 =	vmul.f32 v2, v7  }
0x139: {  	[tilespmem:$0x1FD30] =	vst v24  }
0x13a: {  	[tilespmem:$0x1FD50] =	vst v20;
	v11 =	vld [tilespmem:s3+$0x8280];
	v2 =	vsub.f32 $0.0e+00, v5;
	v5 =	vbroadcast v7, $0x6  }
0x13b: {  	[tilespmem:$0x1FF70] =	vst v14;
	v12 =	vld [tilespmem:s3+$0x8100];
	v8 =	vbroadcast v7, $0x5  }
0x13c: {  	[tilespmem:$0x1FF50] =	vst v13;
	v13 =	vld [tilespmem:s3+$0x8180];
	v2 =	vmul.f32 v7, v2;
	v14 =	vmul.f32 v9, v5  }
0x13d: {  	[tilespmem:$0x1FDA0] =	vst v16;
	v9 =	vbroadcast v7, $0x4;
	v16 =	vmul.f32 v10, v8  }
0x13e: {  	[tilespmem:$0x1FE20] =	vst v15;
	v10 =	vbroadcast v7, $0x1;
	v15 =	vbroadcast v2, $0x4  }
0x13f: {  	s13 =	simm.s32 $0x14080;
	[tilespmem:$0x1FDC0] =	vst v18;
	v18 =	vld [tilespmem:s3+$0x8080];
	v20 =	vmul.f32 v11, v9;
	v11 =	vbroadcast v7, $0x2  }
0x140: {  	[tilespmem:$0x1FD60] =	vst v19;
	v19 =	vld [tilespmem:s13+$0x0];
	v23 =	vmul.f32 v12, v10;
	v12 =	vbroadcast v2, $0x6  }
0x141: {  	s16 =	simm.s32 $0x14380;
	[tilespmem:$0x1FD70] =	vst v25;
	v21 =	vld [tilespmem:s3+$0x8200];
	v24 =	vmul.f32 v13, v11;
	v13 =	vbroadcast v2, $0x5  }
0x142: {  	[tilespmem:$0x1FDB0] =	vst v17;
	v22 =	vld [tilespmem:s16+$0x0];
	v17 =	vbroadcast v2, $0x2;
	v25 =	vadd.f32 v14, v12;
	v14 =	vbroadcast v7, $0x0  }
0x143: {  	v20 =	vadd.f32 v20, v15;
	v26 =	vadd.f32 v16, v13;
	v16 =	vbroadcast v7, $0x3  }
0x144: {  	v27 =	vmul.f32 v18, v14;
	v18 =	vbroadcast v2, $0x0  }
0x145: {  	v24 =	vadd.f32 v24, v17;
	v52 =	vmul.f32 v20, v19;
	v20 =	vbroadcast v2, $0x3  }
0x146: {  	v26 =	vmul.f32 v26, v19;
	v51 =	vmul.f32 v21, v16;
	v27 =	vadd.f32 v27, v18  }
0x147: {  	[tilespmem:$0x1FCD0] =	vst v48;
	v24 =	vmul.f32 v24, v19;
	v21 =	vbroadcast v2, $0x1;
	v29 =	vadd.f32 v52, v22  }
0x148: {  	[tilespmem:$0x1FCE0] =	vst v49;
	v26 =	vadd.f32 v26, v22;
	v27 =	vmul.f32 v27, v19;
	v28 =	vadd.f32 v51, v20  }
0x149: {  	v25 =	vmul.f32 v25, v19;
	v23 =	vadd.f32 v23, v21;
	v24 =	vadd.f32 v24, v22;
	[tilespmem:s3+$0x8280] =	vst v29  }
0x14a: {  	[tilespmem:s3+$0x8300] =	vst v26;
	v26 =	vadd.f32 v27, v22;
	v27 =	vmul.f32 v28, v19  }
0x14b: {  	[tilespmem:s3+$0x8180] =	vst v24;
	v23 =	vmul.f32 v23, v19;
	v24 =	vadd.f32 v25, v22  }
0x14c: {  	[tilespmem:s3+$0x8080] =	vst v26;
	v25 =	vadd.f32 v27, v22  }
0x14d: {  	[tilespmem:s3+$0x8380] =	vst v24;
	v23 =	vadd.f32 v23, v22  }
0x14e: {  	s24 =	sor.u32 s15, s15;
	[tilespmem:s3+$0x8200] =	vst v25  }
0x14f: {  	s18 =	sor.u32 $0x380, s24;
	[tilespmem:s3+$0x8100] =	vst v23  }
0x150: {  	[tilespmem:$0x1FCF0] =	vst v50;
	s4 =	simm.s32 $0x10;
	v24 =	vbroadcast v2, $0x7;
	v23 =	vbroadcast v7, $0x7;
	v25 =	vld [tilespmem:s18+$0x8080]  }
.LBB2_5:
0x151: {  	_ =	sdelay $0x3  }
0x152: {  	s15 =	sadd.s32 $0x80, s15;
	s13 =	sadd.s32 $0x10, s13;
	s16 =	sadd.s32 $0x10, s16;
	v25 =	vmul.f32 v25, v23  }
0x153: {  	p0 =	sne.s32 s4, $0x2F0;
	s3 =	smov.u32 s4;
	s4 =	sadd.s32 $0x10, s4  }
0x154: {  	v25 =	vadd.f32 v25, v24;
	_ =	sdelay $0x1  }
0x155: {  	v19 =	vmul.f32 v25, v19;
	_ =	sdelay $0x1  }
0x156: {  	v19 =	vadd.f32 v19, v22  }
0x157: {  	s17 =	sand.u32 $0x70, s3;
	s20 =	sand.u32 $0x1C00, s15  }
0x158: {  	s17 =	sor.u32 s17, s20;
	[tilespmem:s18+$0x8080] =	vst v19  }
0x159: {  	v19 =	vld [tilespmem:s17+$0x8380]  }
0x15a: {  	v22 =	vld [tilespmem:s17+$0x8300]  }
0x15b: {  	v25 =	vld [tilespmem:s17+$0x8100]  }
0x15c: {  	v26 =	vld [tilespmem:s17+$0x8280]  }
0x15d: {  	v27 =	vld [tilespmem:s17+$0x8180]  }
0x15e: {  	v28 =	vld [tilespmem:s17+$0x8080];
	v29 =	vmul.f32 v19, v5  }
0x15f: {  	v19 =	vld [tilespmem:s13+$0x0];
	v30 =	vmul.f32 v22, v8  }
0x160: {  	v31 =	vld [tilespmem:s17+$0x8200];
	v29 =	vadd.f32 v29, v12  }
0x161: {  	v22 =	vld [tilespmem:s16+$0x0];
	v26 =	vmul.f32 v26, v9  }
0x162: {  	v25 =	vmul.f32 v25, v10;
	v30 =	vadd.f32 v30, v13;
	v27 =	vmul.f32 v27, v11  }
0x163: {  	v28 =	vmul.f32 v28, v14;
	v26 =	vadd.f32 v26, v15  }
0x164: {  	v25 =	vadd.f32 v25, v21;
	v27 =	vadd.f32 v27, v17;
	v30 =	vmul.f32 v30, v19  }
0x165: {  	v28 =	vadd.f32 v28, v18;
	v31 =	vmul.f32 v31, v16;
	v26 =	vmul.f32 v26, v19  }
0x166: {  	v25 =	vmul.f32 v25, v19;
	v27 =	vmul.f32 v27, v19;
	v30 =	vadd.f32 v30, v22  }
0x167: {  	v28 =	vmul.f32 v28, v19;
	v31 =	vadd.f32 v31, v20;
	v26 =	vadd.f32 v26, v22  }
0x168: {  	v29 =	vmul.f32 v29, v19;
	v25 =	vadd.f32 v25, v22;
	v27 =	vadd.f32 v27, v22;
	[tilespmem:s17+$0x8300] =	vst v30  }
0x169: {  	v28 =	vadd.f32 v28, v22;
	v30 =	vmul.f32 v31, v19;
	[tilespmem:s17+$0x8280] =	vst v26  }
0x16a: {  	v26 =	vadd.f32 v29, v22;
	[tilespmem:s17+$0x8180] =	vst v27  }
.Ltmp1:
0x16b: {  	[tilespmem:s17+$0x8080] =	vst v28;
	v27 =	vadd.f32 v30, v22;
	(pc) =	sbr.rel @p0 .LBB2_5-.Ltmp1, $4  }
0x16c: {  	s3 =	sor.u32 s15, s3;
	[tilespmem:s17+$0x8380] =	vst v26  }
0x16d: {  	s18 =	sor.u32 $0x380, s3;
	[tilespmem:s17+$0x8200] =	vst v27  }
0x16e: {  	[tilespmem:s17+$0x8100] =	vst v25  }
0x16f: {  	v25 =	vld [tilespmem:s18+$0x8080]  }
0x170: {  	_ =	sdelay $0x3  }
0x171: {  	v5 =	vmul.f32 v25, v23;
	_ =	sdelay $0x1  }
0x172: {  	v5 =	vadd.f32 v5, v24;
	_ =	sdelay $0x1  }
0x173: {  	v5 =	vmul.f32 v5, v19;
	_ =	sdelay $0x1  }
0x174: {  	s3 =	simm.s32 $0x0;
	v5 =	vadd.f32 v5, v22  }
0x175: {  	s4 =	sand.u32 $0x70, s3;
	s3 =	sand.u32 $0x1C00, s3  }
0x176: {  	s15 =	sor.u32 s4, s3;
	[tilespmem:s18+$0x8080] =	vst v5  }
0x177: {  	v11 =	vbroadcast v7, $0x9;
	v21 =	vld [tilespmem:s15+$0x9C00]  }
0x178: {  	v12 =	vbroadcast v7, $0xA;
	v8 =	vbroadcast v7, $0xB;
	v22 =	vld [tilespmem:s15+$0x9980]  }
0x179: {  	v13 =	vbroadcast v7, $0xC;
	v10 =	vbroadcast v7, $0xD;
	v24 =	vld [tilespmem:s15+$0x9900]  }
0x17a: {  	v14 =	vbroadcast v7, $0xE;
	v16 =	vbroadcast v2, $0x9;
	v23 =	vld [tilespmem:s15+$0x9A80]  }
0x17b: {  	v17 =	vbroadcast v2, $0xA;
	v19 =	vbroadcast v7, $0xF;
	v25 =	vld [tilespmem:s15+$0x9B80]  }
0x17c: {  	v9 =	vbroadcast v2, $0xB;
	v18 =	vbroadcast v2, $0xC;
	s22 =	simm.s32 $0x14080;
	v26 =	vld [tilespmem:s15+$0x9B00]  }
0x17d: {  	v15 =	vbroadcast v2, $0xD;
	v28 =	vmul.f32 v21, v19;
	v21 =	vld [tilespmem:s22+$0x0]  }
0x17e: {  	v27 =	vld [tilespmem:s15+$0x9A00];
	v29 =	vmul.f32 v22, v12;
	v24 =	vmul.f32 v24, v11  }
0x17f: {  	v20 =	vbroadcast v2, $0xF;
	v5 =	vbroadcast v7, $0x8  }
0x180: {  	s23 =	simm.s32 $0x14380;
	v30 =	vmul.f32 v23, v13;
	v23 =	vadd.f32 v24, v16;
	v24 =	vadd.f32 v29, v17  }
0x181: {  	v7 =	vbroadcast v2, $0x8;
	v2 =	vbroadcast v2, $0xE;
	v22 =	vld [tilespmem:s23+$0x0]  }
0x182: {  	v25 =	vmul.f32 v25, v14;
	v28 =	vadd.f32 v28, v20;
	v31 =	vmul.f32 v24, v21;
	v24 =	vld [tilespmem:s15+$0x9880]  }
0x183: {  	s24 =	simm.s32 $0x10;
	v27 =	vmul.f32 v27, v8;
	v29 =	vadd.f32 v30, v18;
	v30 =	vmul.f32 v26, v10  }
0x184: {  	s20 =	simm.s32 $0x20;
	s17 =	simm.s32 $0x14090;
	s18 =	simm.s32 $0x80;
	v32 =	vadd.f32 v25, v2;
	v33 =	vmul.f32 v28, v21  }
0x185: {  	s16 =	simm.s32 $0x14390;
	s3 =	sand.u32 $0x70, s24;
	s13 =	sand.u32 $0x1C00, s18;
	v26 =	vadd.f32 v27, v9;
	v25 =	vadd.f32 v30, v15;
	v28 =	vmul.f32 v29, v21  }
0x186: {  	s4 =	simm.s32 $0x14390;
	s13 =	sor.u32 s3, s13;
	s22 =	simm.s32 $0x14090;
	v29 =	vmul.f32 v32, v21;
	v27 =	vadd.f32 v31, v22;
	v30 =	vadd.f32 v33, v22  }
.LBB2_7:
0x187: {  	s18 =	sadd.s32 $0x80, s18;
	s22 =	sadd.s32 $0x10, s22;
	s4 =	sadd.s32 $0x10, s4;
	v24 =	vmul.f32 v24, v5;
	v23 =	vmul.f32 v23, v21  }
0x188: {  	p0 =	sne.s32 s20, $0x2F0;
	v26 =	vmul.f32 v26, v21;
	v28 =	vadd.f32 v28, v22;
	s3 =	smov.u32 s20;
	s20 =	sadd.s32 $0x10, s20;
	v29 =	vadd.f32 v29, v22;
	[tilespmem:s15+$0x9C00] =	vst v30  }
0x189: {  	v25 =	vmul.f32 v25, v21;
	s3 =	sand.u32 $0x70, s3;
	s23 =	sand.u32 $0x1C00, s18;
	v30 =	vld [tilespmem:s13+$0x9C00];
	v24 =	vadd.f32 v24, v7;
	v23 =	vadd.f32 v23, v22;
	[tilespmem:s15+$0x9980] =	vst v27  }
0x18a: {  	s3 =	sor.u32 s3, s23;
	v26 =	vadd.f32 v26, v22;
	v27 =	vld [tilespmem:s13+$0x9980];
	[tilespmem:s15+$0x9A80] =	vst v28  }
0x18b: {  	v28 =	vld [tilespmem:s13+$0x9A80];
	v21 =	vmul.f32 v24, v21;
	[tilespmem:s15+$0x9900] =	vst v23;
	v23 =	vadd.f32 v25, v22  }
0x18c: {  	v25 =	vld [tilespmem:s13+$0x9900];
	[tilespmem:s15+$0x9B80] =	vst v29  }
0x18d: {  	v29 =	vld [tilespmem:s13+$0x9B80];
	v21 =	vadd.f32 v21, v22;
	[tilespmem:s15+$0x9B00] =	vst v23  }
0x18e: {  	v31 =	vld [tilespmem:s13+$0x9B00];
	v23 =	vmul.f32 v30, v19;
	[tilespmem:s15+$0x9A00] =	vst v26  }
0x18f: {  	v26 =	vmul.f32 v27, v12;
	v27 =	vld [tilespmem:s13+$0x9A00];
	[tilespmem:s15+$0x9880] =	vst v21;
	s15 =	smov.u32 s13;
	s13 =	smov.u32 s3  }
0x190: {  	v21 =	vld [tilespmem:s17+$0x0];
	v28 =	vmul.f32 v28, v13;
	s17 =	smov.u32 s22  }
0x191: {  	v24 =	vld [tilespmem:s15+$0x9880];
	v25 =	vmul.f32 v25, v11  }
0x192: {  	v30 =	vadd.f32 v23, v20;
	v22 =	vld [tilespmem:s16+$0x0];
	v29 =	vmul.f32 v29, v14;
	s16 =	smov.u32 s4  }
.Ltmp2:
0x193: {  	v23 =	vadd.f32 v25, v16;
	v25 =	vadd.f32 v26, v17;
	(pc) =	sbr.rel @p0 .LBB2_7-.Ltmp2, $4  }
0x194: {  	v31 =	vmul.f32 v31, v10;
	v26 =	vmul.f32 v27, v8;
	v27 =	vadd.f32 v28, v18  }
0x195: {  	v29 =	vadd.f32 v29, v2;
	v32 =	vmul.f32 v25, v21;
	v30 =	vmul.f32 v30, v21  }
0x196: {  	v25 =	vadd.f32 v31, v15;
	v26 =	vadd.f32 v26, v9;
	v28 =	vmul.f32 v27, v21  }
0x197: {  	v29 =	vmul.f32 v29, v21;
	v27 =	vadd.f32 v32, v22;
	v30 =	vadd.f32 v30, v22  }
0x198: {  	v23 =	vmul.f32 v23, v21;
	v24 =	vmul.f32 v24, v5  }
0x199: {  	v28 =	vadd.f32 v28, v22;
	[tilespmem:s15+$0x9C00] =	vst v30  }
0x19a: {  	v25 =	vmul.f32 v25, v21;
	v30 =	vld [tilespmem:s13+$0x9C00];
	[tilespmem:s15+$0x9980] =	vst v27;
	v23 =	vadd.f32 v23, v22;
	v24 =	vadd.f32 v24, v7  }
0x19b: {  	v26 =	vmul.f32 v26, v21;
	v29 =	vadd.f32 v29, v22;
	v27 =	vld [tilespmem:s13+$0x9980];
	[tilespmem:s15+$0x9A80] =	vst v28  }
0x19c: {  	v25 =	vadd.f32 v25, v22;
	v28 =	vld [tilespmem:s13+$0x9A80];
	[tilespmem:s15+$0x9900] =	vst v23;
	v21 =	vmul.f32 v24, v21  }
0x19d: {  	v26 =	vadd.f32 v26, v22;
	v23 =	vld [tilespmem:s13+$0x9900];
	[tilespmem:s15+$0x9B80] =	vst v29  }
0x19e: {  	v29 =	vld [tilespmem:s13+$0x9B80];
	[tilespmem:s15+$0x9B00] =	vst v25;
	v21 =	vadd.f32 v21, v22  }
0x19f: {  	v24 =	vld [tilespmem:s13+$0x9B00];
	[tilespmem:s15+$0x9A00] =	vst v26  }
0x1a0: {  	v22 =	vld [tilespmem:s13+$0x9A00];
	[tilespmem:s15+$0x9880] =	vst v21  }
0x1a1: {  	v21 =	vld [tilespmem:s17+$0x0]  }
0x1a2: {  	v19 =	vmul.f32 v30, v19;
	v12 =	vmul.f32 v27, v12  }
0x1a3: {  	v13 =	vmul.f32 v28, v13;
	v11 =	vmul.f32 v23, v11;
	v23 =	vld [tilespmem:s16+$0x0]  }
0x1a4: {  	v25 =	vld [tilespmem:s13+$0x9880];
	v19 =	vadd.f32 v19, v20  }
0x1a5: {  	v12 =	vadd.f32 v12, v17;
	v14 =	vmul.f32 v29, v14;
	v13 =	vadd.f32 v13, v18  }
0x1a6: {  	v11 =	vadd.f32 v11, v16;
	v10 =	vmul.f32 v24, v10;
	v16 =	vmul.f32 v19, v21  }
0x1a7: {  	v8 =	vmul.f32 v22, v8;
	v2 =	vadd.f32 v14, v2;
	v12 =	vmul.f32 v12, v21  }
0x1a8: {  	v13 =	vmul.f32 v13, v21;
	v10 =	vadd.f32 v10, v15;
	v14 =	vadd.f32 v16, v23  }
0x1a9: {  	v5 =	vmul.f32 v25, v5;
	v11 =	vmul.f32 v11, v21;
	v12 =	vadd.f32 v12, v23  }
0x1aa: {  	v8 =	vadd.f32 v8, v9;
	v2 =	vmul.f32 v2, v21;
	v9 =	vadd.f32 v13, v23;
	[tilespmem:s13+$0x9C00] =	vst v14  }
0x1ab: {  	v5 =	vadd.f32 v5, v7;
	v7 =	vadd.f32 v11, v23;
	v10 =	vmul.f32 v10, v21;
	[tilespmem:s13+$0x9980] =	vst v12  }
0x1ac: {  	v8 =	vmul.f32 v8, v21;
	v2 =	vadd.f32 v2, v23;
	[tilespmem:s13+$0x9A80] =	vst v9  }
0x1ad: {  	v5 =	vmul.f32 v5, v21;
	[tilespmem:s13+$0x9900] =	vst v7;
	v7 =	vadd.f32 v10, v23  }
0x1ae: {  	v8 =	vadd.f32 v8, v23;
	[tilespmem:s13+$0x9B80] =	vst v2  }
0x1af: {  	s3 =	sshll.u32 s10, $0x7;
	v2 =	vadd.f32 v5, v23;
	[tilespmem:s13+$0x9B00] =	vst v7  }
0x1b0: {  	s15 =	sand.u32 $0x3FFFFF80, s3;
	[tilespmem:s13+$0x9A00] =	vst v8  }
0x1b1: {  	s3 =	sor.u32 s9, s15;
	[tilespmem:s13+$0x9880] =	vst v2  }
0x1b2: {  	v2 =	vld [tilespmem:s3+$0x80];
	_ =	sdelay $0x4  }
0x1b3: {  	v5 =	vshrl.u32 v2, $0x3  }
0x1b4: {  	v5 =	vmul.u32 $0x30, v5  }
0x1b5: {  	v2 =	vand.u32 $0x7, v2  }
0x1b6: {  	v2 =	vor.u32 v2, v5;
	v5 =	vld [tilespmem:$0x1FFA0];
	_ =	sdelay $0x1  }
0x1b7: {  	v7 =	vld [tilespmem:$0x1FFB0];
	_ =	sdelay $0x2  }
0x1b8: {  	v5 =	vperm.xlane v2, v5  }
0x1b9: {  	v8 =	vld [tilespmem:$0x1FFC0]  }
0x1ba: {  	v5 =	vadd.s32 v7, v5;
	_ =	sdelay $0x3  }
0x1bb: {  	s17 =	simm.s32 $0x0;
	s16 =	simm.s32 $0x2080;
	v2 =	vperm.xlane v2, v8  }
0x1bc: {  	[tilespmem:s16], [sflag:$0x1] =	stream.indirect_vreg.gather [hbm4b:s1+s17], $0x80, v5, vm0, $0xb8;
	[tilespmem:$0x14900] =	vst v63  }
0x1bd: {  	s18 =	simm.s32 $0x2880;
	v2 =	vadd.s32 v7, v2  }
0x1be: {  	[tilespmem:s18], [sflag:$0x1] =	stream.indirect_vreg.gather [hbm4b:s12+s17], $0x80, v5, vm0, $0xb8;
	[tilespmem:$0x14900] =	vst v63  }
0x1bf: {  	_ = 	snop  }
0x1c0: {  	[tilespmem:s25], [sflag:$0x1] =	stream.indirect_vreg.gather [hbm4b:s14+s17], $0x80, v5, vm0, $0xb8;
	[tilespmem:$0x14900] =	vst v63  }
0x1c1: {  	s20 =	smul.u32 $0x18000, s10  }
0x1c2: {  	[tilespmem:s26], [sflag:$0x1] =	stream.indirect_vreg.gather [hbm4b:s1+s17], $0x80, v2, vm0, $0xb8;
	[tilespmem:$0x14900] =	vst v63  }
0x1c3: {  	s3 =	sadd.s32 s20, s8  }
0x1c4: {  	[tilespmem:s28], [sflag:$0x1] =	stream.indirect_vreg.gather [hbm4b:s12+s17], $0x80, v2, vm0, $0xb8;
	[tilespmem:$0x14900] =	vst v63  }
0x1c5: {  	s3 =	sshrl.u32 s3, $0x3  }
0x1c6: {  	[tilespmem:s29], [sflag:$0x1] =	stream.indirect_vreg.gather [hbm4b:s14+s17], $0x80, v2, vm0, $0xb8;
	[tilespmem:$0x14900] =	vst v63  }
0x1c7: {  	s3 =	sadd.s32 s5, s3  }
0x1c8: {  	[hbm4b:s3+s17] =	stream.linear.scatter [tilespmem:s31], [sflag:$0x3], $0x3000, $0x38;
	[tilespmem:$0x14900] =	vst v63  }
0x1c9: {  	_ =	swait.ge [sflag:s0], $0x3000  }
0x1ca: {  	[sflag:s0] =	ssyncset.done $0x0  }
0x1cb: {  	[sflag:s0] =	ssyncadd.s32 $0xFFFFD000  }
0x1cc: {  	_ =	swait.ge [sflag:s2], $0x3000  }
0x1cd: {  	s22 =	sand.u32 $0x70, s17;
	s4 =	sand.u32 $0x1C00, s17;
	[sflag:s2] =	ssyncset.done $0x0  }
0x1ce: {  	s16 =	sor.u32 s22, s4;
	[sflag:s2] =	ssyncadd.s32 $0xFFFFD000  }
0x1cf: {  	v2 =	vld [tilespmem:s16+$0x5200]  }
0x1d0: {  	s11 =	sor.u32 $0x1, s11;
	s23 =	sshll.u32 s10, $0x1D;
	v5 =	vld [tilespmem:s16+$0x11200]  }
0x1d1: {  	s13 =	sshra.s32 s23, $0x1F;
	s18 =	sshll.u32 s11, $0x7;
	v7 =	vld [tilespmem:s16+$0x11300]  }
0x1d2: {  	s13 =	sand.u32 $0x1800, s13;
	s18 =	sand.u32 $0x380, s18;
	v8 =	vld [tilespmem:s16+$0x11180]  }
0x1d3: {  	s13 =	sor.u32 s18, s13;
	v9 =	vld [tilespmem:s16+$0x5300]  }
0x1d4: {  	s13 =	sadd.s32 $0xE080, s13;
	v10 =	vld [tilespmem:s16+$0x11100]  }
0x1d5: {  	[dreg:$0x8] =	wrdreg s13;
	v11 =	vld [tilespmem:s16+$0x11280]  }
0x1d6: {  	s13 =	rddreg [dreg:$0x8];
	v12 =	vld [tilespmem:s16+$0x5100]  }
0x1d7: {  	s4 =	sadd.s32 s4, s13;
	v14 =	vld [tilespmem:s16+$0x11380]  }
0x1d8: {  	s3 =	sadd.s32 s22, s4;
	v15 =	vld [tilespmem:s16+$0x5180]  }
0x1d9: {  	v13 =	vld [tilespmem:s3+$0x0]  }
0x1da: {  	v16 =	vld [tilespmem:s16+$0x11080]  }
0x1db: {  	v17 =	vld [tilespmem:s16+$0x5080]  }
0x1dc: {  	v2 =	vadd.f32 v5, v2;
	v5 =	vld [tilespmem:s16+$0x5280]  }
0x1dd: {  	v31 =	vimm.f32 $0.0e+00;
	v10 =	vadd.f32 v10, v12;
	v12 =	vld [tilespmem:s16+$0x5380]  }
0x1de: {  	v30 =	vimm.f32 $0.0e+00;
	v8 =	vadd.f32 v8, v15;
	v15 =	vadd.f32 v2, v13  }
0x1df: {  	v26 =	vimm.f32 $0.0e+00;
	v2 =	vadd.f32 v7, v9;
	v7 =	vadd.f32 v10, v13  }
0x1e0: {  	v28 =	vimm.f32 $0.0e+00;
	v9 =	vadd.f32 v16, v17;
	v8 =	vadd.f32 v8, v13  }
0x1e1: {  	v20 =	vimm.f32 $0.0e+00;
	[tilespmem:s16+$0xB200] =	vst v15;
	v10 =	vadd.f32 v2, v13;
	v2 =	vadd.f32 v11, v5  }
0x1e2: {  	[tilespmem:s16+$0xB100] =	vst v7;
	v5 =	vadd.f32 v9, v13;
	v9 =	vadd.f32 v14, v12;
	v12 =	vmul.f32 v7, v7  }
0x1e3: {  	[tilespmem:s16+$0xB180] =	vst v8;
	v16 =	vmul.f32 v8, v8;
	v11 =	vadd.f32 v2, v13;
	v2 =	vimm.f32 $0.0e+00  }
0x1e4: {  	[tilespmem:s16+$0xB300] =	vst v10;
	v14 =	vmul.f32 v10, v10;
	v9 =	vadd.f32 v9, v13;
	v18 =	vadd.f32 v12, v2  }
0x1e5: {  	v17 =	vmul.f32 v15, v15;
	[tilespmem:s16+$0xB080] =	vst v5;
	v23 =	vadd.f32 v5, v2;
	v22 =	vadd.f32 v16, v2  }
0x1e6: {  	s24 =	sor.u32 s17, s17;
	v25 =	vimm.f32 $0.0e+00;
	v27 =	vadd.f32 v14, v2;
	v34 =	vadd.f32 v8, v2;
	[tilespmem:s16+$0xB280] =	vst v11  }
0x1e7: {  	s3 =	sor.u32 $0x380, s24;
	v5 =	vmul.f32 v5, v5;
	v38 =	vadd.f32 v7, v2;
	v35 =	vadd.f32 v17, v2;
	[tilespmem:s16+$0xB380] =	vst v9  }
0x1e8: {  	v21 =	vimm.f32 $0.0e+00;
	v37 =	vadd.f32 v15, v2;
	v33 =	vadd.f32 v10, v2;
	v12 =	vld [tilespmem:s3+$0x5080]  }
0x1e9: {  	v16 =	vadd.f32 v9, v2;
	v32 =	vadd.f32 v5, v2;
	v5 =	vmul.f32 v9, v9;
	v9 =	vld [tilespmem:s3+$0x11080]  }
0x1ea: {  	v17 =	vimm.f32 $0.0e+00;
	v19 =	vadd.f32 v11, v2;
	v11 =	vmul.f32 v11, v11  }
0x1eb: {  	v14 =	vimm.f32 $0.0e+00;
	v10 =	vimm.f32 $0.0e+00;
	v15 =	vimm.f32 $0.0e+00  }
0x1ec: {  	v8 =	vimm.f32 $0.0e+00;
	v7 =	vimm.f32 $0.0e+00;
	v29 =	vadd.f32 v11, v2  }
0x1ed: {  	v11 =	vimm.f32 $0.0e+00;
	v24 =	vadd.f32 v5, v2;
	v5 =	vimm.f32 $0.0e+00  }
0x1ee: {  	s18 =	simm.s32 $0x10;
	v39 =	vadd.f32 v9, v12;
	v12 =	vimm.f32 $0.0e+00;
	v9 =	vimm.f32 $0.0e+00  }
.LBB2_9:
0x1ef: {  	_ = 	snop  }
0x1f0: {  	v39 =	vadd.f32 v39, v13;
	_ =	sdelay $0x1  }
0x1f1: {  	[tilespmem:s3+$0xB080] =	vst v39  }
0x1f2: {  	v40 =	vld [tilespmem:s16+$0x6880]  }
0x1f3: {  	v49 =	vld [tilespmem:s16+$0x12880]  }
0x1f4: {  	v41 =	vld [tilespmem:s16+$0x6900]  }
0x1f5: {  	v42 =	vld [tilespmem:s16+$0x12900]  }
0x1f6: {  	v43 =	vld [tilespmem:s16+$0x6980]  }
0x1f7: {  	v44 =	vld [tilespmem:s16+$0x12980]  }
0x1f8: {  	v2 =	vadd.f32 v39, v2;
	v39 =	vmul.f32 v39, v39;
	v50 =	vld [tilespmem:s16+$0x6A00]  }
0x1f9: {  	v45 =	vld [tilespmem:s16+$0x12A00]  }
0x1fa: {  	v31 =	vadd.f32 v39, v31;
	v39 =	vadd.f32 v49, v40  }
0x1fb: {  	v51 =	vld [tilespmem:s16+$0x6A80];
	v41 =	vadd.f32 v42, v41  }
0x1fc: {  	v46 =	vld [tilespmem:s16+$0x12A80];
	v39 =	vadd.f32 v39, v13  }
0x1fd: {  	v52 =	vld [tilespmem:s16+$0x6C00];
	v43 =	vadd.f32 v44, v43;
	v41 =	vadd.f32 v41, v13  }
0x1fe: {  	v44 =	vld [tilespmem:s16+$0x6B00];
	v40 =	vadd.f32 v45, v50;
	v47 =	vmul.f32 v39, v39  }
0x1ff: {  	s17 =	sadd.s32 $0x80, s17;
	s13 =	smov.u32 s18;
	v45 =	vld [tilespmem:s16+$0x12B00];
	v43 =	vadd.f32 v43, v13;
	[tilespmem:s16+$0xC900] =	vst v41;
	v26 =	vadd.f32 v41, v26;
	v41 =	vmul.f32 v41, v41  }
0x200: {  	s4 =	sand.u32 $0x70, s13;
	s20 =	sand.u32 $0x1C00, s17;
	[tilespmem:s16+$0xC880] =	vst v39;
	v30 =	vadd.f32 v39, v30;
	v39 =	vld [tilespmem:s16+$0x12B80];
	v28 =	vadd.f32 v47, v28  }
0x201: {  	s22 =	sor.u32 s4, s20;
	[tilespmem:s16+$0xC980] =	vst v43;
	v47 =	vld [tilespmem:s16+$0x12C00];
	v25 =	vadd.f32 v41, v25;
	v41 =	vadd.f32 v46, v51  }
0x202: {  	v40 =	vadd.f32 v40, v13;
	v48 =	vld [tilespmem:s22+$0x5200]  }
0x203: {  	v21 =	vadd.f32 v43, v21;
	v43 =	vmul.f32 v43, v43;
	v46 =	vld [tilespmem:s16+$0x6B80];
	v41 =	vadd.f32 v41, v13  }
0x204: {  	v49 =	vld [tilespmem:s22+$0x11200];
	[tilespmem:s16+$0xCA00] =	vst v40  }
0x205: {  	v17 =	vadd.f32 v40, v17;
	v40 =	vmul.f32 v40, v40;
	v20 =	vadd.f32 v43, v20;
	v43 =	vld [tilespmem:s22+$0x11300];
	[tilespmem:s16+$0xCA80] =	vst v41  }
0x206: {  	v44 =	vadd.f32 v45, v44;
	v45 =	vld [tilespmem:s22+$0x11180];
	v52 =	vadd.f32 v47, v52  }
0x207: {  	v14 =	vadd.f32 v40, v14;
	v42 =	vld [tilespmem:s22+$0x5300]  }
0x208: {  	v39 =	vadd.f32 v39, v46;
	v46 =	vld [tilespmem:s22+$0x11100];
	v40 =	vadd.f32 v52, v13  }
0x209: {  	v44 =	vadd.f32 v44, v13;
	v50 =	vmul.f32 v41, v41;
	v47 =	vld [tilespmem:s22+$0x11280]  }
0x20a: {  	s23 =	rddreg [dreg:$0x8];
	v13 =	vadd.f32 v39, v13;
	v39 =	vld [tilespmem:s22+$0x5100];
	[tilespmem:s16+$0xCC00] =	vst v40  }
0x20b: {  	s3 =	sadd.s32 s20, s23;
	v11 =	vadd.f32 v44, v11;
	v10 =	vadd.f32 v50, v10;
	v50 =	vld [tilespmem:s22+$0x11380];
	[tilespmem:s16+$0xCB00] =	vst v44  }
0x20c: {  	s3 =	sadd.s32 s4, s3;
	v15 =	vadd.f32 v41, v15;
	v5 =	vadd.f32 v40, v5;
	v40 =	vmul.f32 v40, v40;
	v51 =	vld [tilespmem:s22+$0x5180];
	[tilespmem:s16+$0xCB80] =	vst v13  }
0x20d: {  	v41 =	vmul.f32 v44, v44;
	v8 =	vadd.f32 v13, v8;
	v44 =	vmul.f32 v13, v13;
	s16 =	smov.u32 s22;
	v13 =	vld [tilespmem:s3+$0x0]  }
0x20e: {  	v7 =	vadd.f32 v40, v7;
	v40 =	vadd.f32 v49, v48;
	v48 =	vld [tilespmem:s16+$0x11080]  }
0x20f: {  	v49 =	vld [tilespmem:s16+$0x5080]  }
0x210: {  	v12 =	vadd.f32 v41, v12;
	v52 =	vld [tilespmem:s16+$0x5280]  }
0x211: {  	v42 =	vadd.f32 v43, v42;
	v39 =	vadd.f32 v46, v39;
	v43 =	vld [tilespmem:s16+$0x5380]  }
0x212: {  	v9 =	vadd.f32 v44, v9;
	v40 =	vadd.f32 v40, v13  }
0x213: {  	v45 =	vadd.f32 v45, v51;
	v39 =	vadd.f32 v39, v13  }
0x214: {  	v42 =	vadd.f32 v42, v13;
	v41 =	vadd.f32 v48, v49;
	[tilespmem:s16+$0xB200] =	vst v40  }
0x215: {  	v46 =	vadd.f32 v47, v52;
	v44 =	vadd.f32 v45, v13;
	[tilespmem:s16+$0xB100] =	vst v39  }
0x216: {  	v43 =	vadd.f32 v50, v43;
	v41 =	vadd.f32 v41, v13;
	[tilespmem:s16+$0xB300] =	vst v42  }
0x217: {  	v46 =	vadd.f32 v46, v13;
	[tilespmem:s16+$0xB180] =	vst v44  }
0x218: {  	v43 =	vadd.f32 v43, v13;
	[tilespmem:s16+$0xB080] =	vst v41  }
0x219: {  	s24 =	sor.u32 s17, s13;
	[tilespmem:s16+$0xB280] =	vst v46  }
0x21a: {  	s3 =	sor.u32 $0x380, s24;
	v45 =	vmul.f32 v40, v40;
	v38 =	vadd.f32 v39, v38;
	v52 =	vmul.f32 v44, v44;
	[tilespmem:s16+$0xB380] =	vst v43  }
0x21b: {  	v48 =	vmul.f32 v39, v39;
	v37 =	vadd.f32 v40, v37;
	v33 =	vadd.f32 v42, v33;
	v51 =	vld [tilespmem:s3+$0x5080]  }
0x21c: {  	p0 =	sne.s32 s18, $0x2F0;
	v47 =	vmul.f32 v42, v42;
	v34 =	vadd.f32 v44, v34;
	v22 =	vadd.f32 v52, v22;
	v52 =	vld [tilespmem:s3+$0x11080]  }
.Ltmp3:
0x21d: {  	v18 =	vadd.f32 v48, v18;
	v23 =	vadd.f32 v41, v23;
	v41 =	vmul.f32 v41, v41;
	(pc) =	sbr.rel @p0 .LBB2_9-.Ltmp3, $4  }
0x21e: {  	v19 =	vadd.f32 v46, v19;
	v46 =	vmul.f32 v46, v46;
	v16 =	vadd.f32 v43, v16  }
0x21f: {  	v50 =	vmul.f32 v43, v43;
	v27 =	vadd.f32 v47, v27;
	v35 =	vadd.f32 v45, v35  }
0x220: {  	v32 =	vadd.f32 v41, v32;
	v29 =	vadd.f32 v46, v29  }
0x221: {  	s18 =	sadd.s32 $0x10, s18;
	v24 =	vadd.f32 v50, v24;
	v39 =	vadd.f32 v52, v51  }
0x222: {  	_ = 	snop  }
0x223: {  	v39 =	vadd.f32 v39, v13;
	_ =	sdelay $0x1  }
0x224: {  	[tilespmem:s3+$0xB080] =	vst v39  }
0x225: {  	v40 =	vld [tilespmem:s16+$0x6880]  }
0x226: {  	v41 =	vld [tilespmem:s16+$0x12880]  }
0x227: {  	v42 =	vld [tilespmem:s16+$0x6900]  }
0x228: {  	v43 =	vld [tilespmem:s16+$0x12900]  }
0x229: {  	v44 =	vld [tilespmem:s16+$0x6980]  }
0x22a: {  	v45 =	vld [tilespmem:s16+$0x12980]  }
0x22b: {  	v46 =	vld [tilespmem:s16+$0x12A00]  }
0x22c: {  	v47 =	vld [tilespmem:s16+$0x6A80]  }
0x22d: {  	v48 =	vld [tilespmem:s16+$0x6B00]  }
0x22e: {  	v49 =	vld [tilespmem:s16+$0x12B80]  }
0x22f: {  	v50 =	vld [tilespmem:s16+$0x12B00]  }
0x230: {  	v51 =	vld [tilespmem:s16+$0x6C00]  }
0x231: {  	v40 =	vadd.f32 v41, v40;
	v41 =	vld [tilespmem:s16+$0x6A00]  }
0x232: {  	v42 =	vadd.f32 v43, v42;
	v43 =	vld [tilespmem:s16+$0x12A80]  }
0x233: {  	v44 =	vadd.f32 v45, v44;
	v45 =	vld [tilespmem:s16+$0x12C00]  }
0x234: {  	v52 =	vld [tilespmem:s16+$0x6B80];
	v40 =	vadd.f32 v40, v13  }
0x235: {  	v48 =	vadd.f32 v50, v48;
	v42 =	vadd.f32 v42, v13  }
0x236: {  	v44 =	vadd.f32 v44, v13;
	[tilespmem:s16+$0xC880] =	vst v40;
	v41 =	vadd.f32 v46, v41  }
0x237: {  	[tilespmem:s16+$0xC900] =	vst v42;
	v43 =	vadd.f32 v43, v47;
	v46 =	vadd.f32 v48, v13  }
0x238: {  	[tilespmem:s16+$0xC980] =	vst v44;
	v45 =	vadd.f32 v45, v51;
	v41 =	vadd.f32 v41, v13  }
0x239: {  	v50 =	vadd.f32 v49, v52;
	v43 =	vadd.f32 v43, v13;
	[tilespmem:s16+$0xCB00] =	vst v46  }
0x23a: {  	v45 =	vadd.f32 v45, v13;
	[tilespmem:s16+$0xCA00] =	vst v41  }
0x23b: {  	v13 =	vadd.f32 v50, v13;
	[tilespmem:s16+$0xCA80] =	vst v43  }
0x23c: {  	[tilespmem:s16+$0xCC00] =	vst v45  }
0x23d: {  	[tilespmem:s16+$0xCB80] =	vst v13  }
0x23e: {  	[tilespmem:v0+s30+$0x0] =	vst.idx.msk $0xffff, v23;
	v23 =	vld [tilespmem:$0x1FFD0];
	_ =	sdelay $0x7  }
0x23f: {  	[tilespmem:v23+s30+$0x0] =	vst.idx.msk $0xffff, v32;
	v23 =	vld [tilespmem:$0x1FFE0];
	_ =	sdelay $0x7  }
0x240: {  	[tilespmem:v23+s30+$0x0] =	vst.idx.msk $0xffff, v38;
	v23 =	vld [tilespmem:$0x1FCD0];
	_ =	sdelay $0x7  }
0x241: {  	[tilespmem:v23+s30+$0x0] =	vst.idx.msk $0xffff, v18;
	v18 =	vld [tilespmem:$0x1FCE0];
	_ =	sdelay $0x7  }
0x242: {  	[tilespmem:v18+s30+$0x0] =	vst.idx.msk $0xffff, v34;
	v18 =	vld [tilespmem:$0x1FCF0];
	_ =	sdelay $0x7  }
0x243: {  	[tilespmem:v18+s30+$0x0] =	vst.idx.msk $0xffff, v22;
	v18 =	vld [tilespmem:$0x1FD00];
	_ =	sdelay $0x7  }
0x244: {  	[tilespmem:v18+s30+$0x0] =	vst.idx.msk $0xffff, v37;
	v18 =	vld [tilespmem:$0x1FD10];
	_ =	sdelay $0x7  }
0x245: {  	[tilespmem:v18+s30+$0x0] =	vst.idx.msk $0xffff, v35;
	v18 =	vld [tilespmem:$0x1FD20];
	_ =	sdelay $0x7  }
0x246: {  	[tilespmem:v18+s30+$0x0] =	vst.idx.msk $0xffff, v19;
	v18 =	vld [tilespmem:$0x1FD30];
	_ =	sdelay $0x7  }
0x247: {  	[tilespmem:v18+s30+$0x0] =	vst.idx.msk $0xffff, v29;
	v18 =	vld [tilespmem:$0x1FD40];
	_ =	sdelay $0x7  }
0x248: {  	[tilespmem:v18+s30+$0x0] =	vst.idx.msk $0xffff, v33;
	v18 =	vld [tilespmem:$0x1FD50];
	_ =	sdelay $0x1  }
0x249: {  	v19 =	vld [tilespmem:$0x1FD60];
	_ =	sdelay $0x5  }
0x24a: {  	[tilespmem:v18+s30+$0x0] =	vst.idx.msk $0xffff, v27;
	v18 =	vmul.f32 v39, v39;
	_ =	sdelay $0x1  }
0x24b: {  	[tilespmem:v19+s30+$0x0] =	vst.idx.msk $0xffff, v16;
	v16 =	vadd.f32 v18, v31;
	v18 =	vld [tilespmem:$0x1FD70]  }
0x24c: {  	v22 =	vld [tilespmem:$0x1FD80];
	_ =	sdelay $0x5  }
0x24d: {  	v2 =	vadd.f32 v39, v2  }
0x24e: {  	[tilespmem:v18+s30+$0x0] =	vst.idx.msk $0xffff, v24  }
0x24f: {  	[tilespmem:v22+s30+$0x0] =	vst.idx.msk $0xffff, v2;
	v22 =	vld [tilespmem:$0x1FD90];
	_ =	sdelay $0x7  }
0x250: {  	[tilespmem:v22+s30+$0x0] =	vst.idx.msk $0xffff, v16;
	v22 =	vld [tilespmem:$0x1FDA0];
	_ =	sdelay $0x5  }
0x251: {  	v19 =	vadd.f32 v40, v30;
	_ =	sdelay $0x1  }
0x252: {  	[tilespmem:v22+s30+$0x0] =	vst.idx.msk $0xffff, v19;
	v22 =	vld [tilespmem:$0x1FDB0];
	_ =	sdelay $0x3  }
0x253: {  	v18 =	vmul.f32 v40, v40;
	_ =	sdelay $0x1  }
0x254: {  	v2 =	vadd.f32 v18, v28;
	_ =	sdelay $0x1  }
0x255: {  	[tilespmem:v22+s30+$0x0] =	vst.idx.msk $0xffff, v2;
	v2 =	vadd.f32 v44, v21;
	v21 =	vld [tilespmem:$0x1FDC0];
	_ =	sdelay $0x5  }
0x256: {  	v16 =	vadd.f32 v42, v26;
	v19 =	vmul.f32 v44, v44;
	_ =	sdelay $0x1  }
0x257: {  	[tilespmem:v21+s30+$0x0] =	vst.idx.msk $0xffff, v16;
	v16 =	vadd.f32 v19, v20;
	v20 =	vld [tilespmem:$0x1FDD0];
	_ =	sdelay $0x3  }
0x258: {  	v18 =	vmul.f32 v42, v42;
	_ =	sdelay $0x1  }
0x259: {  	v18 =	vadd.f32 v18, v25;
	_ =	sdelay $0x1  }
0x25a: {  	[tilespmem:v20+s30+$0x0] =	vst.idx.msk $0xffff, v18;
	v18 =	vld [tilespmem:$0x1FDE0];
	_ =	sdelay $0x7  }
0x25b: {  	[tilespmem:v18+s30+$0x0] =	vst.idx.msk $0xffff, v2;
	v18 =	vld [tilespmem:$0x1FDF0];
	_ =	sdelay $0x7  }
0x25c: {  	[tilespmem:v18+s30+$0x0] =	vst.idx.msk $0xffff, v16;
	v16 =	vld [tilespmem:$0x1FE00];
	_ =	sdelay $0x5  }
0x25d: {  	v17 =	vadd.f32 v41, v17;
	_ =	sdelay $0x1  }
0x25e: {  	[tilespmem:v16+s30+$0x0] =	vst.idx.msk $0xffff, v17;
	v16 =	vld [tilespmem:$0x1FE10];
	_ =	sdelay $0x3  }
0x25f: {  	v19 =	vmul.f32 v41, v41  }
0x260: {  	v2 =	vmul.f32 v43, v43  }
0x261: {  	v14 =	vadd.f32 v19, v14  }
0x262: {  	v2 =	vadd.f32 v2, v10;
	v10 =	vmul.f32 v46, v46  }
0x263: {  	[tilespmem:v16+s30+$0x0] =	vst.idx.msk $0xffff, v14;
	v14 =	vld [tilespmem:$0x1FE20]  }
0x264: {  	v10 =	vadd.f32 v10, v12;
	v12 =	vld [tilespmem:$0x1FE30];
	_ =	sdelay $0x4  }
0x265: {  	v15 =	vadd.f32 v43, v15;
	_ =	sdelay $0x1  }
0x266: {  	[tilespmem:v14+s30+$0x0] =	vst.idx.msk $0xffff, v15  }
0x267: {  	[tilespmem:v12+s30+$0x0] =	vst.idx.msk $0xffff, v2;
	v2 =	vadd.f32 v13, v8;
	v8 =	vld [tilespmem:$0x1FE40];
	_ =	sdelay $0x5  }
0x268: {  	v11 =	vadd.f32 v46, v11;
	_ =	sdelay $0x1  }
0x269: {  	[tilespmem:v8+s30+$0x0] =	vst.idx.msk $0xffff, v11;
	v11 =	vld [tilespmem:$0x1FE50];
	_ =	sdelay $0x7  }
0x26a: {  	[tilespmem:v11+s30+$0x0] =	vst.idx.msk $0xffff, v10;
	v10 =	vld [tilespmem:$0x1FE60];
	_ =	sdelay $0x5  }
0x26b: {  	v8 =	vmul.f32 v45, v45;
	_ =	sdelay $0x1  }
0x26c: {  	[tilespmem:v10+s30+$0x0] =	vst.idx.msk $0xffff, v2;
	v2 =	vadd.f32 v8, v7;
	v7 =	vld [tilespmem:$0x1FE70];
	_ =	sdelay $0x3  }
0x26d: {  	v14 =	vmul.f32 v13, v13;
	_ =	sdelay $0x1  }
0x26e: {  	v9 =	vadd.f32 v14, v9;
	_ =	sdelay $0x1  }
0x26f: {  	[tilespmem:v7+s30+$0x0] =	vst.idx.msk $0xffff, v9;
	v7 =	vld [tilespmem:$0x1FE80];
	_ =	sdelay $0x5  }
0x270: {  	v5 =	vadd.f32 v45, v5;
	_ =	sdelay $0x1  }
0x271: {  	[tilespmem:v7+s30+$0x0] =	vst.idx.msk $0xffff, v5;
	v5 =	vld [tilespmem:$0x1FE90];
	_ =	sdelay $0x6  }
0x272: {  	v7 =	vld [tilespmem:$0x1FEB0]  }
0x273: {  	[tilespmem:v5+s30+$0x0] =	vst.idx.msk $0xffff, v2;
	v5 =	vld [tilespmem:$0x1FEA0];
	_ =	sdelay $0x1  }
0x274: {  	v8 =	vld [tilespmem:$0x1FEC0]  }
0x275: {  	v11 =	vld [tilespmem:$0x1FEF0]  }
0x276: {  	v10 =	vld [tilespmem:$0x1FEE0]  }
0x277: {  	v9 =	vld [tilespmem:$0x1FED0]  }
0x278: {  	v2 =	vld.idx.msk [tilespmem:v36+s30+$0x0], $0xffff  }
0x279: {  	v7 =	vld.idx.msk [tilespmem:v7+s30+$0x0], $0xffff  }
0x27a: {  	v5 =	vld.idx.msk [tilespmem:v5+s30+$0x0], $0xffff;
	_ =	sdelay $0x1  }
0x27b: {  	v8 =	vld.idx.msk [tilespmem:v8+s30+$0x0], $0xffff  }
0x27c: {  	v12 =	vld [tilespmem:$0x1FF10];
	v2 =	vadd.f32 $0.0e+00, v2  }
0x27d: {  	v10 =	vld.idx.msk [tilespmem:v10+s30+$0x0], $0xffff  }
0x27e: {  	v2 =	vadd.f32 v7, v2;
	v7 =	vld [tilespmem:$0x1FF00];
	v5 =	vadd.f32 $0.0e+00, v5  }
0x27f: {  	v9 =	vld.idx.msk [tilespmem:v9+s30+$0x0], $0xffff  }
0x280: {  	v5 =	vadd.f32 v8, v5;
	v8 =	vld [tilespmem:$0x1FF20]  }
0x281: {  	v11 =	vld.idx.msk [tilespmem:v11+s30+$0x0], $0xffff  }
0x282: {  	v5 =	vadd.f32 v10, v5;
	v10 =	vld [tilespmem:$0x1FF40];
	_ =	sdelay $0x1  }
0x283: {  	v12 =	vld.idx.msk [tilespmem:v12+s30+$0x0], $0xffff  }
0x284: {  	v2 =	vadd.f32 v9, v2;
	v9 =	vld [tilespmem:$0x1FF30]  }
0x285: {  	v7 =	vld.idx.msk [tilespmem:v7+s30+$0x0], $0xffff  }
0x286: {  	v2 =	vadd.f32 v11, v2;
	v11 =	vld [tilespmem:$0x1FF50]  }
0x287: {  	v8 =	vld.idx.msk [tilespmem:v8+s30+$0x0], $0xffff  }
0x288: {  	v2 =	vadd.f32 v12, v2;
	v12 =	vld [tilespmem:$0x1FF70]  }
0x289: {  	v10 =	vld.idx.msk [tilespmem:v10+s30+$0x0], $0xffff  }
0x28a: {  	v5 =	vadd.f32 v7, v5;
	v7 =	vld [tilespmem:$0x1FF60];
	_ =	sdelay $0x1  }
0x28b: {  	v5 =	vadd.f32 v8, v5;
	v8 =	vld [tilespmem:$0x1FF80]  }
0x28c: {  	v9 =	vld.idx.msk [tilespmem:v9+s30+$0x0], $0xffff  }
0x28d: {  	v5 =	vadd.f32 v10, v5;
	v10 =	vld [tilespmem:$0x1FF90];
	_ =	sdelay $0x1  }
0x28e: {  	v11 =	vld.idx.msk [tilespmem:v11+s30+$0x0], $0xffff  }
0x28f: {  	v12 =	vld.idx.msk [tilespmem:v12+s30+$0x0], $0xffff  }
0x290: {  	v7 =	vld.idx.msk [tilespmem:v7+s30+$0x0], $0xffff  }
0x291: {  	v2 =	vadd.f32 v9, v2;
	v9 =	vld.idx.msk [tilespmem:v53+s30+$0x0], $0xffff  }
0x292: {  	v8 =	vld.idx.msk [tilespmem:v8+s30+$0x0], $0xffff  }
0x293: {  	v2 =	vadd.f32 v11, v2;
	v11 =	vld.idx.msk [tilespmem:v55+s30+$0x0], $0xffff  }
0x294: {  	v10 =	vld.idx.msk [tilespmem:v10+s30+$0x0], $0xffff  }
0x295: {  	v2 =	vadd.f32 v12, v2;
	v12 =	vld.idx.msk [tilespmem:v57+s30+$0x0], $0xffff;
	v5 =	vadd.f32 v7, v5  }
0x296: {  	v7 =	vld.idx.msk [tilespmem:v54+s30+$0x0], $0xffff  }
0x297: {  	v2 =	vadd.f32 v9, v2;
	v9 =	vld.idx.msk [tilespmem:v59+s30+$0x0], $0xffff;
	v5 =	vadd.f32 v8, v5  }
0x298: {  	v8 =	vld.idx.msk [tilespmem:v56+s30+$0x0], $0xffff  }
0x299: {  	v2 =	vadd.f32 v11, v2;
	v11 =	vld.idx.msk [tilespmem:v61+s30+$0x0], $0xffff;
	v5 =	vadd.f32 v10, v5  }
0x29a: {  	v10 =	vld.idx.msk [tilespmem:v58+s30+$0x0], $0xffff  }
0x29b: {  	v2 =	vadd.f32 v12, v2;
	v12 =	vld.idx.msk [tilespmem:v63+s30+$0x0], $0xffff;
	v5 =	vadd.f32 v7, v5  }
0x29c: {  	v7 =	vld.idx.msk [tilespmem:v60+s30+$0x0], $0xffff  }
0x29d: {  	v2 =	vadd.f32 v9, v2;
	v9 =	vld.idx.msk [tilespmem:v1+s30+$0x0], $0xffff;
	v5 =	vadd.f32 v8, v5  }
0x29e: {  	v8 =	vld.idx.msk [tilespmem:v62+s30+$0x0], $0xffff  }
0x29f: {  	v2 =	vadd.f32 v11, v2;
	v11 =	vld.idx.msk [tilespmem:v3+s30+$0x0], $0xffff;
	v5 =	vadd.f32 v10, v5  }
0x2a0: {  	v10 =	vld.idx.msk [tilespmem:v6+s30+$0x0], $0xffff  }
0x2a1: {  	v2 =	vadd.f32 v12, v2;
	v5 =	vadd.f32 v7, v5  }
0x2a2: {  	v7 =	vld.idx.msk [tilespmem:v4+s30+$0x0], $0xffff  }
0x2a3: {  	v2 =	vadd.f32 v9, v2;
	v5 =	vadd.f32 v8, v5;
	_ =	sdelay $0x1  }
0x2a4: {  	v2 =	vadd.f32 v11, v2;
	v5 =	vadd.f32 v10, v5;
	_ =	sdelay $0x1  }
0x2a5: {  	v2 =	vmul.f32 $1.302083370e-03, v2;
	v5 =	vadd.f32 v7, v5;
	_ =	sdelay $0x1  }
0x2a6: {  	v7 =	vmul.f32 v2, v2;
	v5 =	vmul.f32 $1.302083370e-03, v5;
	_ =	sdelay $0x1  }
0x2a7: {  	v5 =	vsub.f32 v5, v7;
	_ =	sdelay $0x1  }
0x2a8: {  	v5 =	vadd.f32 $9.999999960e-13, v5;
	_ =	sdelay $0x1  }
0x2a9: {  	v7 =	vshra.s32 v5, $0x1;
	v5 =	vmul.f32 $5.000000000e-01, v5  }
0x2aa: {  	v7 =	vsub.s32 $0x5F3759DF, v7  }
0x2ab: {  	v8 =	vmul.f32 v7, v5;
	_ =	sdelay $0x1  }
0x2ac: {  	v8 =	vmul.f32 v7, v8;
	_ =	sdelay $0x1  }
0x2ad: {  	v8 =	vsub.f32 $1.500000000e+00, v8;
	_ =	sdelay $0x1  }
0x2ae: {  	v7 =	vmul.f32 v7, v8;
	_ =	sdelay $0x1  }
0x2af: {  	v8 =	vmul.f32 v7, v5;
	_ =	sdelay $0x1  }
0x2b0: {  	v8 =	vmul.f32 v8, v7;
	_ =	sdelay $0x1  }
0x2b1: {  	v8 =	vsub.f32 $1.500000000e+00, v8;
	_ =	sdelay $0x1  }
0x2b2: {  	v7 =	vmul.f32 v8, v7;
	_ =	sdelay $0x1  }
0x2b3: {  	v5 =	vmul.f32 v7, v5;
	_ =	sdelay $0x1  }
0x2b4: {  	v5 =	vmul.f32 v5, v7;
	_ =	sdelay $0x1  }
0x2b5: {  	s16 =	simm.s32 $0x0;
	v5 =	vsub.f32 $1.500000000e+00, v5  }
0x2b6: {  	s23 =	sand.u32 $0x70, s16;
	s4 =	sand.u32 $0x1C00, s16  }
0x2b7: {  	s3 =	sor.u32 s23, s4;
	v2 =	vsub.f32 $0.0e+00, v2;
	v7 =	vmul.f32 v5, v7  }
0x2b8: {  	v20 =	vld [tilespmem:s3+$0xB380]  }
0x2b9: {  	v19 =	vld [tilespmem:s3+$0xB300];
	v2 =	vmul.f32 v7, v2;
	v5 =	vbroadcast v7, $0x0  }
0x2ba: {  	v23 =	vld [tilespmem:s3+$0xB100];
	v8 =	vbroadcast v7, $0x1;
	v9 =	vbroadcast v7, $0x2  }
0x2bb: {  	v24 =	vld [tilespmem:s3+$0xB280];
	v10 =	vbroadcast v7, $0x3;
	v11 =	vbroadcast v7, $0x4  }
0x2bc: {  	v25 =	vld [tilespmem:s3+$0xB180];
	v12 =	vbroadcast v7, $0x5;
	v13 =	vbroadcast v7, $0x6  }
0x2bd: {  	s13 =	simm.s32 $0x14080;
	v26 =	vld [tilespmem:s3+$0xB080];
	v14 =	vbroadcast v2, $0x0;
	v15 =	vbroadcast v2, $0x1  }
0x2be: {  	v21 =	vld [tilespmem:s13+$0x0];
	v16 =	vbroadcast v2, $0x2;
	v17 =	vbroadcast v2, $0x4  }
0x2bf: {  	s17 =	simm.s32 $0x14380;
	v51 =	vld [tilespmem:s3+$0xB200];
	v18 =	vbroadcast v2, $0x5;
	v27 =	vmul.f32 v19, v12  }
0x2c0: {  	v22 =	vld [tilespmem:s17+$0x0];
	v19 =	vbroadcast v2, $0x6;
	v24 =	vmul.f32 v24, v11  }
0x2c1: {  	v52 =	vmul.f32 v20, v13;
	v25 =	vmul.f32 v25, v9;
	v27 =	vadd.f32 v27, v18  }
0x2c2: {  	v20 =	vbroadcast v2, $0x3;
	v23 =	vmul.f32 v23, v8;
	v24 =	vadd.f32 v24, v17  }
0x2c3: {  	v26 =	vmul.f32 v26, v5;
	v25 =	vadd.f32 v25, v16;
	v27 =	vmul.f32 v27, v21  }
0x2c4: {  	v28 =	vmul.f32 v51, v10;
	v23 =	vadd.f32 v23, v15;
	v24 =	vmul.f32 v24, v21  }
0x2c5: {  	v26 =	vadd.f32 v26, v14;
	v25 =	vmul.f32 v25, v21;
	v27 =	vadd.f32 v27, v22  }
0x2c6: {  	v29 =	vadd.f32 v52, v19;
	v23 =	vmul.f32 v23, v21;
	v24 =	vadd.f32 v24, v22  }
0x2c7: {  	v28 =	vadd.f32 v28, v20;
	v26 =	vmul.f32 v26, v21;
	v25 =	vadd.f32 v25, v22;
	[tilespmem:s3+$0xB300] =	vst v27  }
0x2c8: {  	v23 =	vadd.f32 v23, v22;
	v27 =	vmul.f32 v29, v21;
	[tilespmem:s3+$0xB280] =	vst v24  }
0x2c9: {  	v24 =	vadd.f32 v26, v22;
	v26 =	vmul.f32 v28, v21;
	[tilespmem:s3+$0xB180] =	vst v25  }
0x2ca: {  	[tilespmem:s3+$0xB100] =	vst v23;
	v25 =	vadd.f32 v27, v22  }
0x2cb: {  	[tilespmem:s3+$0xB080] =	vst v24;
	v24 =	vadd.f32 v26, v22  }
0x2cc: {  	s24 =	sor.u32 s16, s16;
	[tilespmem:s3+$0xB380] =	vst v25  }
0x2cd: {  	s20 =	sor.u32 $0x380, s24;
	[tilespmem:s3+$0xB200] =	vst v24  }
0x2ce: {  	s4 =	simm.s32 $0x10;
	v23 =	vbroadcast v7, $0x7;
	v24 =	vbroadcast v2, $0x7;
	v25 =	vld [tilespmem:s20+$0xB080]  }
.LBB2_11:
0x2cf: {  	_ =	sdelay $0x3  }
0x2d0: {  	s16 =	sadd.s32 $0x80, s16;
	s13 =	sadd.s32 $0x10, s13;
	s17 =	sadd.s32 $0x10, s17;
	v25 =	vmul.f32 v25, v23  }
0x2d1: {  	p0 =	sne.s32 s4, $0x2F0;
	s3 =	smov.u32 s4;
	s4 =	sadd.s32 $0x10, s4  }
0x2d2: {  	v25 =	vadd.f32 v25, v24;
	_ =	sdelay $0x1  }
0x2d3: {  	v21 =	vmul.f32 v25, v21;
	_ =	sdelay $0x1  }
0x2d4: {  	v21 =	vadd.f32 v21, v22  }
0x2d5: {  	s18 =	sand.u32 $0x70, s3;
	s22 =	sand.u32 $0x1C00, s16  }
0x2d6: {  	s18 =	sor.u32 s18, s22;
	[tilespmem:s20+$0xB080] =	vst v21  }
0x2d7: {  	v21 =	vld [tilespmem:s18+$0xB380]  }
0x2d8: {  	v22 =	vld [tilespmem:s18+$0xB300]  }
0x2d9: {  	v25 =	vld [tilespmem:s18+$0xB100]  }
0x2da: {  	v26 =	vld [tilespmem:s18+$0xB280]  }
0x2db: {  	v27 =	vld [tilespmem:s18+$0xB180]  }
0x2dc: {  	v28 =	vld [tilespmem:s18+$0xB080];
	v29 =	vmul.f32 v21, v13  }
0x2dd: {  	v21 =	vld [tilespmem:s13+$0x0];
	v30 =	vmul.f32 v22, v12  }
0x2de: {  	v31 =	vld [tilespmem:s18+$0xB200];
	v29 =	vadd.f32 v29, v19  }
0x2df: {  	v22 =	vld [tilespmem:s17+$0x0];
	v26 =	vmul.f32 v26, v11  }
0x2e0: {  	v25 =	vmul.f32 v25, v8;
	v30 =	vadd.f32 v30, v18;
	v27 =	vmul.f32 v27, v9  }
0x2e1: {  	v28 =	vmul.f32 v28, v5;
	v26 =	vadd.f32 v26, v17  }
0x2e2: {  	v25 =	vadd.f32 v25, v15;
	v27 =	vadd.f32 v27, v16;
	v30 =	vmul.f32 v30, v21  }
0x2e3: {  	v28 =	vadd.f32 v28, v14;
	v31 =	vmul.f32 v31, v10;
	v26 =	vmul.f32 v26, v21  }
0x2e4: {  	v25 =	vmul.f32 v25, v21;
	v27 =	vmul.f32 v27, v21;
	v30 =	vadd.f32 v30, v22  }
0x2e5: {  	v28 =	vmul.f32 v28, v21;
	v31 =	vadd.f32 v31, v20;
	v26 =	vadd.f32 v26, v22  }
0x2e6: {  	v29 =	vmul.f32 v29, v21;
	v25 =	vadd.f32 v25, v22;
	v27 =	vadd.f32 v27, v22;
	[tilespmem:s18+$0xB300] =	vst v30  }
0x2e7: {  	v28 =	vadd.f32 v28, v22;
	v30 =	vmul.f32 v31, v21;
	[tilespmem:s18+$0xB280] =	vst v26  }
0x2e8: {  	v26 =	vadd.f32 v29, v22;
	[tilespmem:s18+$0xB180] =	vst v27  }
.Ltmp4:
0x2e9: {  	[tilespmem:s18+$0xB080] =	vst v28;
	v27 =	vadd.f32 v30, v22;
	(pc) =	sbr.rel @p0 .LBB2_11-.Ltmp4, $4  }
0x2ea: {  	s3 =	sor.u32 s16, s3;
	[tilespmem:s18+$0xB380] =	vst v26  }
0x2eb: {  	s20 =	sor.u32 $0x380, s3;
	[tilespmem:s18+$0xB200] =	vst v27  }
0x2ec: {  	[tilespmem:s18+$0xB100] =	vst v25  }
0x2ed: {  	v25 =	vld [tilespmem:s20+$0xB080]  }
0x2ee: {  	_ =	sdelay $0x3  }
0x2ef: {  	v5 =	vmul.f32 v25, v23;
	_ =	sdelay $0x1  }
0x2f0: {  	v5 =	vadd.f32 v5, v24;
	_ =	sdelay $0x1  }
0x2f1: {  	v5 =	vmul.f32 v5, v21;
	_ =	sdelay $0x1  }
0x2f2: {  	s3 =	simm.s32 $0x0;
	v5 =	vadd.f32 v5, v22  }
0x2f3: {  	s4 =	sand.u32 $0x70, s3;
	s3 =	sand.u32 $0x1C00, s3  }
0x2f4: {  	s16 =	sor.u32 s4, s3;
	[tilespmem:s20+$0xB080] =	vst v5  }
0x2f5: {  	v11 =	vbroadcast v7, $0x9;
	v21 =	vld [tilespmem:s16+$0xCC00]  }
0x2f6: {  	v12 =	vbroadcast v7, $0xA;
	v8 =	vbroadcast v7, $0xB;
	v22 =	vld [tilespmem:s16+$0xC980]  }
0x2f7: {  	v13 =	vbroadcast v7, $0xC;
	v10 =	vbroadcast v7, $0xD;
	v24 =	vld [tilespmem:s16+$0xC900]  }
0x2f8: {  	v14 =	vbroadcast v7, $0xE;
	v19 =	vbroadcast v7, $0xF;
	v23 =	vld [tilespmem:s16+$0xCA80]  }
0x2f9: {  	v16 =	vbroadcast v2, $0x9;
	v17 =	vbroadcast v2, $0xA;
	v25 =	vld [tilespmem:s16+$0xCB80]  }
0x2fa: {  	v9 =	vbroadcast v2, $0xB;
	v18 =	vbroadcast v2, $0xC;
	s23 =	simm.s32 $0x14080;
	v26 =	vld [tilespmem:s16+$0xCB00]  }
0x2fb: {  	v15 =	vbroadcast v2, $0xD;
	v28 =	vmul.f32 v21, v19;
	v21 =	vld [tilespmem:s23+$0x0]  }
0x2fc: {  	v27 =	vld [tilespmem:s16+$0xCA00];
	v29 =	vmul.f32 v22, v12;
	v24 =	vmul.f32 v24, v11  }
0x2fd: {  	v20 =	vbroadcast v2, $0xF;
	v5 =	vbroadcast v7, $0x8  }
0x2fe: {  	s24 =	simm.s32 $0x14380;
	v30 =	vmul.f32 v23, v13;
	v23 =	vadd.f32 v24, v16;
	v24 =	vadd.f32 v29, v17  }
0x2ff: {  	v7 =	vbroadcast v2, $0x8;
	v2 =	vbroadcast v2, $0xE;
	v22 =	vld [tilespmem:s24+$0x0]  }
0x300: {  	v25 =	vmul.f32 v25, v14;
	v28 =	vadd.f32 v28, v20;
	v31 =	vmul.f32 v24, v21;
	v24 =	vld [tilespmem:s16+$0xC880]  }
0x301: {  	s13 =	simm.s32 $0x10;
	v27 =	vmul.f32 v27, v8;
	v29 =	vadd.f32 v30, v18;
	v30 =	vmul.f32 v26, v10  }
0x302: {  	s22 =	simm.s32 $0x80;
	s18 =	simm.s32 $0x14090;
	s13 =	sand.u32 $0x70, s13;
	v32 =	vadd.f32 v25, v2;
	v33 =	vmul.f32 v28, v21  }
0x303: {  	s17 =	sand.u32 $0x1C00, s22;
	s4 =	simm.s32 $0x14090;
	s3 =	simm.s32 $0x20;
	v26 =	vadd.f32 v27, v9;
	v25 =	vadd.f32 v30, v15;
	v28 =	vmul.f32 v29, v21  }
0x304: {  	s13 =	sor.u32 s13, s17;
	s17 =	simm.s32 $0x14390;
	s20 =	simm.s32 $0x14390;
	v29 =	vmul.f32 v32, v21;
	v27 =	vadd.f32 v31, v22;
	v30 =	vadd.f32 v33, v22  }
.LBB2_13:
0x305: {  	s22 =	sadd.s32 $0x80, s22;
	s4 =	sadd.s32 $0x10, s4;
	s20 =	sadd.s32 $0x10, s20;
	v24 =	vmul.f32 v24, v5;
	v23 =	vmul.f32 v23, v21  }
0x306: {  	p0 =	sne.s32 s3, $0x2F0;
	v26 =	vmul.f32 v26, v21;
	v28 =	vadd.f32 v28, v22;
	s23 =	smov.u32 s3;
	s3 =	sadd.s32 $0x10, s3;
	v29 =	vadd.f32 v29, v22;
	[tilespmem:s16+$0xCC00] =	vst v30  }
0x307: {  	v25 =	vmul.f32 v25, v21;
	s23 =	sand.u32 $0x70, s23;
	s24 =	sand.u32 $0x1C00, s22;
	v30 =	vld [tilespmem:s13+$0xCC00];
	v24 =	vadd.f32 v24, v7;
	v23 =	vadd.f32 v23, v22;
	[tilespmem:s16+$0xC980] =	vst v27  }
0x308: {  	s23 =	sor.u32 s23, s24;
	v26 =	vadd.f32 v26, v22;
	v27 =	vld [tilespmem:s13+$0xC980];
	[tilespmem:s16+$0xCA80] =	vst v28  }
0x309: {  	v28 =	vld [tilespmem:s13+$0xCA80];
	v21 =	vmul.f32 v24, v21;
	[tilespmem:s16+$0xC900] =	vst v23;
	v23 =	vadd.f32 v25, v22  }
0x30a: {  	v25 =	vld [tilespmem:s13+$0xC900];
	[tilespmem:s16+$0xCB80] =	vst v29  }
0x30b: {  	v29 =	vld [tilespmem:s13+$0xCB80];
	v21 =	vadd.f32 v21, v22;
	[tilespmem:s16+$0xCB00] =	vst v23  }
0x30c: {  	v31 =	vld [tilespmem:s13+$0xCB00];
	v23 =	vmul.f32 v30, v19;
	[tilespmem:s16+$0xCA00] =	vst v26  }
0x30d: {  	v26 =	vmul.f32 v27, v12;
	v27 =	vld [tilespmem:s13+$0xCA00];
	[tilespmem:s16+$0xC880] =	vst v21;
	s16 =	smov.u32 s13;
	s13 =	smov.u32 s23  }
0x30e: {  	v21 =	vld [tilespmem:s18+$0x0];
	v28 =	vmul.f32 v28, v13;
	s18 =	smov.u32 s4  }
0x30f: {  	v24 =	vld [tilespmem:s16+$0xC880];
	v25 =	vmul.f32 v25, v11  }
0x310: {  	v30 =	vadd.f32 v23, v20;
	v22 =	vld [tilespmem:s17+$0x0];
	v29 =	vmul.f32 v29, v14;
	s17 =	smov.u32 s20  }
.Ltmp5:
0x311: {  	v23 =	vadd.f32 v25, v16;
	v25 =	vadd.f32 v26, v17;
	(pc) =	sbr.rel @p0 .LBB2_13-.Ltmp5, $4  }
0x312: {  	v31 =	vmul.f32 v31, v10;
	v26 =	vmul.f32 v27, v8;
	v27 =	vadd.f32 v28, v18  }
0x313: {  	v29 =	vadd.f32 v29, v2;
	v32 =	vmul.f32 v25, v21;
	v30 =	vmul.f32 v30, v21  }
0x314: {  	v25 =	vadd.f32 v31, v15;
	v26 =	vadd.f32 v26, v9;
	v28 =	vmul.f32 v27, v21  }
0x315: {  	v29 =	vmul.f32 v29, v21;
	v27 =	vadd.f32 v32, v22;
	v30 =	vadd.f32 v30, v22  }
0x316: {  	v23 =	vmul.f32 v23, v21;
	v24 =	vmul.f32 v24, v5  }
0x317: {  	v28 =	vadd.f32 v28, v22;
	[tilespmem:s16+$0xCC00] =	vst v30  }
0x318: {  	v25 =	vmul.f32 v25, v21;
	v30 =	vld [tilespmem:s13+$0xCC00];
	[tilespmem:s16+$0xC980] =	vst v27;
	v23 =	vadd.f32 v23, v22;
	v24 =	vadd.f32 v24, v7  }
0x319: {  	v26 =	vmul.f32 v26, v21;
	v29 =	vadd.f32 v29, v22;
	v27 =	vld [tilespmem:s13+$0xC980];
	[tilespmem:s16+$0xCA80] =	vst v28  }
0x31a: {  	v25 =	vadd.f32 v25, v22;
	v28 =	vld [tilespmem:s13+$0xCA80];
	[tilespmem:s16+$0xC900] =	vst v23;
	v46 =	vmul.f32 v24, v21  }
0x31b: {  	v26 =	vadd.f32 v26, v22;
	v23 =	vld [tilespmem:s13+$0xC900];
	[tilespmem:s16+$0xCB80] =	vst v29  }
0x31c: {  	v29 =	vld [tilespmem:s13+$0xCB80];
	[tilespmem:s16+$0xCB00] =	vst v25;
	v21 =	vadd.f32 v46, v22  }
0x31d: {  	v47 =	vld [tilespmem:s13+$0xCB00];
	[tilespmem:s16+$0xCA00] =	vst v26  }
0x31e: {  	v48 =	vld [tilespmem:s13+$0xCA00];
	[tilespmem:s16+$0xC880] =	vst v21  }
0x31f: {  	v25 =	vld [tilespmem:s13+$0xC880];
	_ =	sdelay $0x1  }
0x320: {  	v21 =	vld [tilespmem:s18+$0x0]  }
0x321: {  	v14 =	vmul.f32 v29, v14  }
0x322: {  	v49 =	vld [tilespmem:s17+$0x0]  }
0x323: {  	v2 =	vadd.f32 v14, v2;
	v5 =	vmul.f32 v25, v5;
	_ =	sdelay $0x1  }
0x324: {  	v19 =	vmul.f32 v30, v19;
	v2 =	vmul.f32 v2, v21;
	v5 =	vadd.f32 v5, v7  }
0x325: {  	v12 =	vmul.f32 v27, v12;
	v11 =	vmul.f32 v23, v11  }
0x326: {  	v19 =	vadd.f32 v19, v20;
	v2 =	vadd.f32 v2, v49;
	v5 =	vmul.f32 v5, v21  }
0x327: {  	v13 =	vmul.f32 v28, v13;
	v12 =	vadd.f32 v12, v17;
	v11 =	vadd.f32 v11, v16  }
0x328: {  	v10 =	vmul.f32 v47, v10;
	v50 =	vmul.f32 v19, v21;
	[tilespmem:s13+$0xCB80] =	vst v2;
	v2 =	vadd.f32 v5, v49  }
0x329: {  	v13 =	vadd.f32 v13, v18;
	v8 =	vmul.f32 v48, v8;
	v12 =	vmul.f32 v12, v21  }
0x32a: {  	v10 =	vadd.f32 v10, v15;
	v11 =	vmul.f32 v11, v21;
	v51 =	vadd.f32 v50, v49;
	[tilespmem:s13+$0xC880] =	vst v2;
	v2 =	vld [tilespmem:$0x1FFF0]  }
0x32b: {  	v13 =	vmul.f32 v13, v21;
	v8 =	vadd.f32 v8, v9;
	v12 =	vadd.f32 v12, v49  }
0x32c: {  	v7 =	vadd.f32 v11, v49;
	v10 =	vmul.f32 v10, v21;
	[tilespmem:s13+$0xCC00] =	vst v51  }
0x32d: {  	v52 =	vadd.f32 v13, v49;
	v8 =	vmul.f32 v8, v21;
	[tilespmem:s13+$0xC980] =	vst v12  }
0x32e: {  	[tilespmem:s13+$0xC900] =	vst v7;
	v7 =	vadd.f32 v10, v49  }
0x32f: {  	[tilespmem:s13+$0xCA80] =	vst v52;
	v8 =	vadd.f32 v8, v49  }
0x330: {  	[tilespmem:s13+$0xCB00] =	vst v7  }
0x331: {  	p0 =	seq.s32 s10, $0x3F;
	[tilespmem:s13+$0xCA00] =	vst v8  }
0x332: {  	v2 =	vld.idx.msk @!p0 [tilespmem:v2+s15+$0xC0 ss:$0x1], $0xffff;
	_ =	sdelay $0x4  }
0x333: {  	v5 =	vshrl.u32 @!p0 v2, $0x3  }
0x334: {  	v5 =	vmul.u32 @!p0 $0x30, v5  }
0x335: {  	v7 =	vlaneseq.u32 @!p0;
	v2 =	vand.u32 @!p0 $0x7, v2  }
0x336: {  	v8 =	vshrl.u32 @!p0 v7, $0x3;
	v2 =	vor.u32 @!p0 v2, v5;
	v5 =	vand.u32 @!p0 $0x7, v7  }
0x337: {  	v8 =	vmul.u32 @!p0 $0x8, v8;
	v5 =	vperm.xlane @!p0 v2, v5;
	_ =	sdelay $0x1  }
0x338: {  	v5 =	vadd.s32 @!p0 v8, v5;
	_ =	sdelay $0x2  }
0x339: {  	v7 =	vor.u32 @!p0 $0x8, v7  }
0x33a: {  	vm1 =	vmmov @!p0 $0xffff;
	s3 =	simm.s32 @!p0 $0x0;
	s4 =	simm.s32 @!p0 $0x5080;
	v2 =	vperm.xlane @!p0 v2, v7  }
0x33b: {  	[tilespmem:s4], [sflag:$0x2] =	stream.indirect_vreg.gather @!p0 [hbm4b:s1+s3], $0x80, v5, vm1, $0xb8;
	[tilespmem:$0x14900] =	vst v63  }
0x33c: {  	v2 =	vadd.s32 @!p0 v8, v2;
	s4 =	simm.s32 @!p0 $0x5880  }
0x33d: {  	[tilespmem:s4], [sflag:$0x2] =	stream.indirect_vreg.gather @!p0 [hbm4b:s12+s3], $0x80, v5, vm1, $0xb8;
	[tilespmem:$0x14900] =	vst v63  }
0x33e: {  	s4 =	simm.s32 @!p0 $0x6080  }
0x33f: {  	[tilespmem:s4], [sflag:$0x2] =	stream.indirect_vreg.gather @!p0 [hbm4b:s14+s3], $0x80, v5, vm1, $0xb8;
	[tilespmem:$0x14900] =	vst v63  }
0x340: {  	s4 =	simm.s32 @!p0 $0x6880  }
0x341: {  	[tilespmem:s4], [sflag:$0x2] =	stream.indirect_vreg.gather @!p0 [hbm4b:s1+s3], $0x80, v2, vm1, $0xb8;
	[tilespmem:$0x14900] =	vst v63  }
0x342: {  	s4 =	simm.s32 @!p0 $0x7080  }
0x343: {  	[tilespmem:s4], [sflag:$0x2] =	stream.indirect_vreg.gather @!p0 [hbm4b:s12+s3], $0x80, v2, vm1, $0xb8;
	[tilespmem:$0x14900] =	vst v63  }
0x344: {  	s10 =	sadd.s32 $0x1, s10;
	s4 =	simm.s32 @!p0 $0x7880  }
0x345: {  	[tilespmem:s4], [sflag:$0x2] =	stream.indirect_vreg.gather @!p0 [hbm4b:s14+s3], $0x80, v2, vm1, $0xb8;
	[tilespmem:$0x14900] =	vst v63  }
0x346: {  	s11 =	smul.u32 $0xC000, s11;
	p0 =	sne.s32 s10, $0x40  }
.Ltmp6:
0x347: {  	_ = 	snop;
	(pc) =	sbr.rel @p0 .LBB2_2-.Ltmp6, $4  }
0x348: {  	s23 =	sadd.s32 s11, s8  }
0x349: {  	s3 =	sshrl.u32 s23, $0x3  }
0x34a: {  	s24 =	simm.s32 $0xB080;
	s3 =	sadd.s32 s5, s3  }
0x34b: {  	[hbm4b:s3+s6] =	stream.linear.scatter [tilespmem:s24], [sflag:$0x4], $0x3000, $0x38;
	[tilespmem:$0x14900] =	vst v63  }
0x34c: {  	_ =	swait.ge [sflag:s19], $0x3000  }
0x34d: {  	[sflag:s19] =	ssyncset.done $0x0  }
0x34e: {  	[sflag:s19] =	ssyncadd.s32 $0xFFFFD000  }
0x34f: {  	_ =	swait.ge [sflag:s21], $0x3000  }
0x350: {  	s11 =	simm.s32 $0x0;
	s4 =	simm.s32 $0xE080;
	[sflag:s21] =	ssyncset.done $0x0  }
0x351: {  	s10 =	simm.s32 $0x5;
	s3 =	rddreg [dreg:$0xd];
	[sflag:s21] =	ssyncadd.s32 $0xFFFFD000  }
0x352: {  	[tilespmem:s4], [sflag:$0x5] =	stream.linear.gather [hbm4b:s3+s11], $0x1800, $0x38;
	[tilespmem:$0x14900] =	vst v63  }
0x353: {  	_ =	swait.ge [sflag:s10], $0x1800  }
0x354: {  	s22 =	sand.u32 $0x70, s11;
	s23 =	sand.u32 $0x1C00, s11;
	[sflag:s10] =	ssyncset.done $0x0  }
0x355: {  	[sflag:s10] =	ssyncadd.s32 $0xFFFFE800;
	s10 =	sor.u32 s22, s23  }
0x356: {  	v5 =	vld [tilespmem:s10+$0xE080]  }
0x357: {  	v2 =	vld [tilespmem:s10+$0x11380]  }
0x358: {  	v7 =	vld [tilespmem:s10+$0x11300]  }
0x359: {  	v8 =	vld [tilespmem:s10+$0x11200]  }
0x35a: {  	v9 =	vld [tilespmem:s10+$0x2300]  }
0x35b: {  	v10 =	vld [tilespmem:s10+$0x11280]  }
0x35c: {  	v11 =	vld [tilespmem:s10+$0x11180]  }
0x35d: {  	v12 =	vld [tilespmem:s10+$0x2200]  }
0x35e: {  	v13 =	vld [tilespmem:s10+$0x11100]  }
0x35f: {  	v14 =	vld [tilespmem:s10+$0x2180]  }
0x360: {  	v15 =	vld [tilespmem:s10+$0x11080]  }
0x361: {  	v16 =	vld [tilespmem:s10+$0x2100]  }
0x362: {  	v17 =	vld [tilespmem:s10+$0x2080]  }
0x363: {  	v7 =	vadd.f32 v7, v9;
	v9 =	vld [tilespmem:s10+$0x2280]  }
0x364: {  	v31 =	vimm.f32 $0.0e+00;
	v11 =	vadd.f32 v11, v14;
	v14 =	vld [tilespmem:s10+$0x2380]  }
0x365: {  	v27 =	vimm.f32 $0.0e+00;
	v24 =	vimm.f32 $0.0e+00;
	v8 =	vadd.f32 v8, v12  }
0x366: {  	v28 =	vimm.f32 $0.0e+00;
	v12 =	vadd.f32 v13, v16;
	v7 =	vadd.f32 v7, v5  }
0x367: {  	v20 =	vimm.f32 $0.0e+00;
	v13 =	vadd.f32 v15, v17;
	v11 =	vadd.f32 v11, v5  }
0x368: {  	v19 =	vimm.f32 $0.0e+00;
	v8 =	vadd.f32 v8, v5;
	v15 =	vadd.f32 v12, v5;
	[tilespmem:s10+$0x8300] =	vst v7  }
0x369: {  	v30 =	vimm.f32 $0.0e+00;
	[tilespmem:s10+$0x8180] =	vst v11;
	v9 =	vadd.f32 v10, v9;
	v2 =	vadd.f32 v2, v14  }
0x36a: {  	[tilespmem:s10+$0x8200] =	vst v8;
	v16 =	vmul.f32 v8, v8;
	v10 =	vadd.f32 v13, v5;
	v13 =	vmul.f32 v7, v7  }
0x36b: {  	[tilespmem:s10+$0x8100] =	vst v15;
	v9 =	vadd.f32 v9, v5;
	v14 =	vadd.f32 v2, v5;
	v2 =	vimm.f32 $0.0e+00  }
0x36c: {  	v18 =	vimm.f32 $0.0e+00;
	[tilespmem:s10+$0x8080] =	vst v10;
	v12 =	vadd.f32 v7, v2;
	v13 =	vadd.f32 v13, v2  }
0x36d: {  	s24 =	sor.u32 s11, s11;
	v17 =	vimm.f32 $0.0e+00;
	v21 =	vadd.f32 v8, v2;
	v22 =	vadd.f32 v16, v2;
	[tilespmem:s10+$0x8280] =	vst v9  }
0x36e: {  	s3 =	sor.u32 $0x380, s24;
	v7 =	vmul.f32 v15, v15;
	v34 =	vadd.f32 v10, v2;
	v35 =	vadd.f32 v15, v2;
	[tilespmem:s10+$0x8380] =	vst v14  }
0x36f: {  	v8 =	vmul.f32 v10, v10;
	v37 =	vadd.f32 v11, v2;
	v25 =	vadd.f32 v9, v2;
	v16 =	vld [tilespmem:s3+$0x2080]  }
0x370: {  	v23 =	vadd.f32 v14, v2;
	v29 =	vadd.f32 v7, v2;
	v7 =	vmul.f32 v9, v9;
	v9 =	vld [tilespmem:s3+$0x11080]  }
0x371: {  	v33 =	vadd.f32 v8, v2;
	v8 =	vmul.f32 v14, v14;
	v14 =	vmul.f32 v11, v11  }
0x372: {  	v15 =	vimm.f32 $0.0e+00;
	v10 =	vimm.f32 $0.0e+00;
	v32 =	vadd.f32 v7, v2  }
0x373: {  	v11 =	vimm.f32 $0.0e+00;
	v26 =	vadd.f32 v8, v2;
	v38 =	vadd.f32 v14, v2  }
0x374: {  	v7 =	vimm.f32 $0.0e+00;
	v8 =	vimm.f32 $0.0e+00;
	v14 =	vimm.f32 $0.0e+00  }
0x375: {  	s15 =	simm.s32 $0x10;
	v39 =	vadd.f32 v9, v16;
	v16 =	vimm.f32 $0.0e+00;
	v9 =	vimm.f32 $0.0e+00  }
.LBB2_16:
0x376: {  	p0 =	sne.s32 s15, $0x2F0  }
0x377: {  	s11 =	sadd.s32 $0x80, s11;
	s16 =	smov.u32 s15;
	s15 =	sadd.s32 $0x10, s15  }
0x378: {  	v39 =	vadd.f32 v39, v5;
	_ =	sdelay $0x1  }
0x379: {  	[tilespmem:s3+$0x8080] =	vst v39;
	v2 =	vadd.f32 v39, v2;
	v39 =	vmul.f32 v39, v39  }
0x37a: {  	v40 =	vld [tilespmem:s10+$0x3A00]  }
0x37b: {  	v31 =	vadd.f32 v39, v31;
	v39 =	vld [tilespmem:s10+$0x3880]  }
0x37c: {  	v41 =	vld [tilespmem:s10+$0x12880]  }
0x37d: {  	v42 =	vld [tilespmem:s10+$0x3900]  }
0x37e: {  	v43 =	vld [tilespmem:s10+$0x12900]  }
0x37f: {  	v44 =	vld [tilespmem:s10+$0x3980]  }
0x380: {  	v45 =	vld [tilespmem:s10+$0x12980]  }
0x381: {  	v39 =	vadd.f32 v41, v39;
	v41 =	vld [tilespmem:s10+$0x3A80]  }
0x382: {  	v46 =	vld [tilespmem:s10+$0x12A80]  }
0x383: {  	v39 =	vadd.f32 v39, v5;
	v42 =	vadd.f32 v43, v42;
	v43 =	vld [tilespmem:s10+$0x12C00]  }
0x384: {  	v47 =	vld [tilespmem:s10+$0x12B00]  }
0x385: {  	[tilespmem:s10+$0x9880] =	vst v39;
	v48 =	vmul.f32 v39, v39;
	v42 =	vadd.f32 v42, v5;
	v44 =	vadd.f32 v45, v44;
	v45 =	vld [tilespmem:s10+$0x12A00]  }
0x386: {  	v27 =	vadd.f32 v39, v27;
	v39 =	vld [tilespmem:s10+$0x3B80]  }
0x387: {  	[tilespmem:s10+$0x9900] =	vst v42;
	v24 =	vadd.f32 v42, v24;
	v42 =	vmul.f32 v42, v42;
	v44 =	vadd.f32 v44, v5;
	v49 =	vld [tilespmem:s10+$0x12B80]  }
0x388: {  	v28 =	vadd.f32 v48, v28;
	v41 =	vadd.f32 v46, v41;
	v46 =	vld [tilespmem:s10+$0x3C00]  }
0x389: {  	s4 =	sand.u32 $0x1C00, s11;
	s3 =	sand.u32 $0x70, s16;
	[tilespmem:s10+$0x9980] =	vst v44;
	v20 =	vadd.f32 v44, v20;
	v44 =	vmul.f32 v44, v44;
	v48 =	vld [tilespmem:s10+$0x3B00]  }
0x38a: {  	s3 =	sor.u32 s3, s4;
	v41 =	vadd.f32 v41, v5;
	v40 =	vadd.f32 v45, v40  }
0x38b: {  	v45 =	vld [tilespmem:s3+$0xE080];
	v19 =	vadd.f32 v44, v19  }
0x38c: {  	v50 =	vmul.f32 v41, v41;
	v44 =	vld [tilespmem:s3+$0x11380];
	v40 =	vadd.f32 v40, v5;
	[tilespmem:s10+$0x9A80] =	vst v41;
	v39 =	vadd.f32 v49, v39  }
0x38d: {  	v49 =	vld [tilespmem:s3+$0x11300];
	v43 =	vadd.f32 v43, v46  }
0x38e: {  	v11 =	vadd.f32 v50, v11;
	v46 =	vld [tilespmem:s3+$0x11200];
	[tilespmem:s10+$0x9A00] =	vst v40;
	v15 =	vadd.f32 v40, v15;
	v40 =	vmul.f32 v40, v40  }
0x38f: {  	v47 =	vadd.f32 v47, v48;
	v39 =	vadd.f32 v39, v5;
	v50 =	vld [tilespmem:s3+$0x2300]  }
0x390: {  	v48 =	vld [tilespmem:s3+$0x11280];
	v16 =	vadd.f32 v40, v16;
	v40 =	vadd.f32 v43, v5  }
0x391: {  	v30 =	vadd.f32 v42, v30;
	v9 =	vadd.f32 v39, v9;
	v43 =	vld [tilespmem:s3+$0x11180];
	[tilespmem:s10+$0x9B80] =	vst v39;
	v39 =	vmul.f32 v39, v39  }
0x392: {  	v17 =	vadd.f32 v41, v17;
	v42 =	vld [tilespmem:s3+$0x2200];
	[tilespmem:s10+$0x9C00] =	vst v40;
	v7 =	vadd.f32 v40, v7;
	v40 =	vmul.f32 v40, v40  }
0x393: {  	v47 =	vadd.f32 v47, v5;
	v5 =	vmov v45;
	v41 =	vld [tilespmem:s3+$0x11100];
	v10 =	vadd.f32 v39, v10  }
0x394: {  	v39 =	vld [tilespmem:s3+$0x2180];
	v45 =	vadd.f32 v49, v50;
	v8 =	vadd.f32 v40, v8  }
0x395: {  	v18 =	vadd.f32 v47, v18;
	v40 =	vld [tilespmem:s3+$0x11080];
	[tilespmem:s10+$0x9B00] =	vst v47;
	v47 =	vmul.f32 v47, v47;
	s10 =	smov.u32 s3  }
0x396: {  	v49 =	vld [tilespmem:s10+$0x2100];
	v45 =	vadd.f32 v45, v5  }
0x397: {  	v50 =	vld [tilespmem:s10+$0x2080];
	v14 =	vadd.f32 v47, v14  }
0x398: {  	v47 =	vld [tilespmem:s10+$0x2280];
	v12 =	vadd.f32 v45, v12;
	v51 =	vmul.f32 v45, v45  }
0x399: {  	v39 =	vadd.f32 v43, v39;
	v43 =	vld [tilespmem:s10+$0x2380]  }
0x39a: {  	v42 =	vadd.f32 v46, v42;
	v13 =	vadd.f32 v51, v13  }
0x39b: {  	v41 =	vadd.f32 v41, v49;
	v39 =	vadd.f32 v39, v5  }
0x39c: {  	v42 =	vadd.f32 v42, v5;
	v40 =	vadd.f32 v40, v50;
	[tilespmem:s10+$0x8300] =	vst v45  }
0x39d: {  	v41 =	vadd.f32 v41, v5;
	[tilespmem:s10+$0x8180] =	vst v39;
	v45 =	vmul.f32 v39, v39;
	v46 =	vadd.f32 v48, v47  }
0x39e: {  	v47 =	vmul.f32 v42, v42;
	v40 =	vadd.f32 v40, v5;
	[tilespmem:s10+$0x8200] =	vst v42;
	v43 =	vadd.f32 v44, v43  }
0x39f: {  	v21 =	vadd.f32 v42, v21;
	[tilespmem:s10+$0x8100] =	vst v41;
	v44 =	vmul.f32 v41, v41;
	v42 =	vadd.f32 v46, v5  }
0x3a0: {  	v22 =	vadd.f32 v47, v22;
	[tilespmem:s10+$0x8080] =	vst v40;
	v46 =	vmul.f32 v40, v40;
	v43 =	vadd.f32 v43, v5  }
0x3a1: {  	s3 =	sor.u32 s11, s16;
	v29 =	vadd.f32 v44, v29;
	[tilespmem:s10+$0x8280] =	vst v42;
	v25 =	vadd.f32 v42, v25;
	v42 =	vmul.f32 v42, v42  }
0x3a2: {  	s3 =	sor.u32 $0x380, s3;
	v33 =	vadd.f32 v46, v33;
	[tilespmem:s10+$0x8380] =	vst v43;
	v23 =	vadd.f32 v43, v23;
	v43 =	vmul.f32 v43, v43  }
0x3a3: {  	v34 =	vadd.f32 v40, v34;
	v32 =	vadd.f32 v42, v32;
	v40 =	vld [tilespmem:s3+$0x2080]  }
0x3a4: {  	v35 =	vadd.f32 v41, v35;
	v26 =	vadd.f32 v43, v26;
	v41 =	vld [tilespmem:s3+$0x11080]  }
.Ltmp7:
0x3a5: {  	v37 =	vadd.f32 v39, v37;
	v38 =	vadd.f32 v45, v38;
	(pc) =	sbr.rel @p0 .LBB2_16-.Ltmp7, $2  }
0x3a6: {  	_ =	sdelay $0x2  }
0x3a7: {  	v39 =	vadd.f32 v41, v40  }
0x3a8: {  	_ = 	snop  }
0x3a9: {  	v39 =	vadd.f32 v39, v5;
	_ =	sdelay $0x1  }
0x3aa: {  	[tilespmem:s3+$0x8080] =	vst v39  }
0x3ab: {  	v40 =	vld [tilespmem:s10+$0x3A00]  }
0x3ac: {  	v41 =	vld [tilespmem:s10+$0x3880]  }
0x3ad: {  	v42 =	vld [tilespmem:s10+$0x12880]  }
0x3ae: {  	v43 =	vld [tilespmem:s10+$0x3900]  }
0x3af: {  	v44 =	vld [tilespmem:s10+$0x12900]  }
0x3b0: {  	v45 =	vld [tilespmem:s10+$0x3980]  }
0x3b1: {  	v46 =	vld [tilespmem:s10+$0x12980]  }
0x3b2: {  	v47 =	vld [tilespmem:s10+$0x12A80]  }
0x3b3: {  	v48 =	vld [tilespmem:s10+$0x12C00]  }
0x3b4: {  	v49 =	vld [tilespmem:s10+$0x12A00]  }
0x3b5: {  	v50 =	vld [tilespmem:s10+$0x12B80]  }
0x3b6: {  	v51 =	vld [tilespmem:s10+$0x3C00]  }
0x3b7: {  	v52 =	vld [tilespmem:s10+$0x3B00]  }
0x3b8: {  	v41 =	vadd.f32 v42, v41;
	v42 =	vld [tilespmem:s10+$0x3A80]  }
0x3b9: {  	v43 =	vadd.f32 v44, v43;
	v44 =	vld [tilespmem:s10+$0x12B00]  }
0x3ba: {  	v45 =	vadd.f32 v46, v45;
	v46 =	vld [tilespmem:s10+$0x3B80]  }
0x3bb: {  	v40 =	vadd.f32 v49, v40  }
0x3bc: {  	v51 =	vadd.f32 v48, v51;
	v41 =	vadd.f32 v41, v5  }
0x3bd: {  	v43 =	vadd.f32 v43, v5;
	v45 =	vadd.f32 v45, v5  }
0x3be: {  	v40 =	vadd.f32 v40, v5;
	v42 =	vadd.f32 v47, v42  }
0x3bf: {  	v46 =	vadd.f32 v50, v46;
	v44 =	vadd.f32 v44, v52  }
0x3c0: {  	[tilespmem:s10+$0x9880] =	vst v41;
	v47 =	vadd.f32 v51, v5;
	v42 =	vadd.f32 v42, v5  }
0x3c1: {  	[tilespmem:s10+$0x9900] =	vst v43;
	v46 =	vadd.f32 v46, v5;
	v5 =	vadd.f32 v44, v5;
	v44 =	vld [tilespmem:$0x1FFD0]  }
0x3c2: {  	v48 =	vld [tilespmem:$0x1FFE0];
	[tilespmem:s10+$0x9980] =	vst v45  }
0x3c3: {  	v49 =	vld [tilespmem:$0x1FCD0];
	[tilespmem:s10+$0x9A00] =	vst v40  }
0x3c4: {  	v50 =	vld [tilespmem:$0x1FCE0];
	[tilespmem:s10+$0x9C00] =	vst v47  }
0x3c5: {  	v51 =	vld [tilespmem:$0x1FCF0];
	[tilespmem:s10+$0x9A80] =	vst v42  }
0x3c6: {  	v52 =	vld [tilespmem:$0x1FD00];
	[tilespmem:s10+$0x9B80] =	vst v46  }
0x3c7: {  	[tilespmem:s10+$0x9B00] =	vst v5  }
0x3c8: {  	[tilespmem:v0+s30+$0x0] =	vst.idx.msk $0xffff, v34  }
0x3c9: {  	[tilespmem:v44+s30+$0x0] =	vst.idx.msk $0xffff, v33  }
0x3ca: {  	[tilespmem:v48+s30+$0x0] =	vst.idx.msk $0xffff, v35  }
0x3cb: {  	[tilespmem:v49+s30+$0x0] =	vst.idx.msk $0xffff, v29  }
0x3cc: {  	[tilespmem:v50+s30+$0x0] =	vst.idx.msk $0xffff, v37  }
0x3cd: {  	[tilespmem:v51+s30+$0x0] =	vst.idx.msk $0xffff, v38  }
0x3ce: {  	[tilespmem:v52+s30+$0x0] =	vst.idx.msk $0xffff, v21;
	v21 =	vld [tilespmem:$0x1FD10];
	_ =	sdelay $0x7  }
0x3cf: {  	[tilespmem:v21+s30+$0x0] =	vst.idx.msk $0xffff, v22;
	v21 =	vld [tilespmem:$0x1FD20];
	_ =	sdelay $0x7  }
0x3d0: {  	[tilespmem:v21+s30+$0x0] =	vst.idx.msk $0xffff, v25;
	v21 =	vld [tilespmem:$0x1FD30];
	_ =	sdelay $0x7  }
0x3d1: {  	[tilespmem:v21+s30+$0x0] =	vst.idx.msk $0xffff, v32;
	v21 =	vld [tilespmem:$0x1FD40];
	_ =	sdelay $0x7  }
0x3d2: {  	[tilespmem:v21+s30+$0x0] =	vst.idx.msk $0xffff, v12;
	v12 =	vld [tilespmem:$0x1FD50];
	_ =	sdelay $0x7  }
0x3d3: {  	[tilespmem:v12+s30+$0x0] =	vst.idx.msk $0xffff, v13;
	v13 =	vld [tilespmem:$0x1FD60];
	_ =	sdelay $0x7  }
0x3d4: {  	[tilespmem:v13+s30+$0x0] =	vst.idx.msk $0xffff, v23;
	v13 =	vld [tilespmem:$0x1FD70]  }
0x3d5: {  	v21 =	vld [tilespmem:$0x1FD80];
	_ =	sdelay $0x5  }
0x3d6: {  	v2 =	vadd.f32 v39, v2  }
0x3d7: {  	[tilespmem:v13+s30+$0x0] =	vst.idx.msk $0xffff, v26  }
0x3d8: {  	[tilespmem:v21+s30+$0x0] =	vst.idx.msk $0xffff, v2;
	v21 =	vld [tilespmem:$0x1FD90];
	_ =	sdelay $0x3  }
0x3d9: {  	v12 =	vmul.f32 v39, v39;
	_ =	sdelay $0x1  }
0x3da: {  	v12 =	vadd.f32 v12, v31;
	_ =	sdelay $0x1  }
0x3db: {  	[tilespmem:v21+s30+$0x0] =	vst.idx.msk $0xffff, v12;
	v21 =	vld [tilespmem:$0x1FDA0];
	_ =	sdelay $0x5  }
0x3dc: {  	v2 =	vadd.f32 v41, v27;
	_ =	sdelay $0x1  }
0x3dd: {  	[tilespmem:v21+s30+$0x0] =	vst.idx.msk $0xffff, v2;
	v21 =	vld [tilespmem:$0x1FDB0];
	_ =	sdelay $0x3  }
0x3de: {  	v13 =	vmul.f32 v41, v41;
	_ =	sdelay $0x1  }
0x3df: {  	v12 =	vadd.f32 v13, v28;
	_ =	sdelay $0x1  }
0x3e0: {  	[tilespmem:v21+s30+$0x0] =	vst.idx.msk $0xffff, v12;
	v21 =	vld [tilespmem:$0x1FDC0];
	_ =	sdelay $0x5  }
0x3e1: {  	v2 =	vadd.f32 v43, v24;
	_ =	sdelay $0x1  }
0x3e2: {  	[tilespmem:v21+s30+$0x0] =	vst.idx.msk $0xffff, v2;
	v2 =	vadd.f32 v45, v20;
	v20 =	vld [tilespmem:$0x1FDD0];
	_ =	sdelay $0x3  }
0x3e3: {  	v13 =	vmul.f32 v43, v43;
	_ =	sdelay $0x1  }
0x3e4: {  	v12 =	vadd.f32 v13, v30;
	v13 =	vmul.f32 v45, v45;
	_ =	sdelay $0x1  }
0x3e5: {  	[tilespmem:v20+s30+$0x0] =	vst.idx.msk $0xffff, v12;
	v12 =	vadd.f32 v13, v19;
	v19 =	vld [tilespmem:$0x1FDE0];
	_ =	sdelay $0x7  }
0x3e6: {  	[tilespmem:v19+s30+$0x0] =	vst.idx.msk $0xffff, v2;
	v2 =	vadd.f32 v40, v15;
	v15 =	vld [tilespmem:$0x1FDF0];
	_ =	sdelay $0x7  }
0x3e7: {  	[tilespmem:v15+s30+$0x0] =	vst.idx.msk $0xffff, v12;
	v15 =	vld [tilespmem:$0x1FE00];
	_ =	sdelay $0x4  }
0x3e8: {  	v13 =	vmul.f32 v40, v40;
	_ =	sdelay $0x1  }
0x3e9: {  	v12 =	vadd.f32 v13, v16;
	v13 =	vmul.f32 v42, v42  }
0x3ea: {  	[tilespmem:v15+s30+$0x0] =	vst.idx.msk $0xffff, v2;
	v15 =	vld [tilespmem:$0x1FE10]  }
0x3eb: {  	v11 =	vadd.f32 v13, v11;
	v13 =	vld [tilespmem:$0x1FE20];
	_ =	sdelay $0x5  }
0x3ec: {  	v2 =	vadd.f32 v42, v17  }
0x3ed: {  	[tilespmem:v15+s30+$0x0] =	vst.idx.msk $0xffff, v12  }
0x3ee: {  	v12 =	vmul.f32 v5, v5;
	[tilespmem:v13+s30+$0x0] =	vst.idx.msk $0xffff, v2;
	v2 =	vadd.f32 v5, v18;
	v5 =	vld [tilespmem:$0x1FE30];
	_ =	sdelay $0x7  }
0x3ef: {  	[tilespmem:v5+s30+$0x0] =	vst.idx.msk $0xffff, v11;
	v5 =	vadd.f32 v12, v14;
	v12 =	vld [tilespmem:$0x1FE40];
	_ =	sdelay $0x7  }
0x3f0: {  	[tilespmem:v12+s30+$0x0] =	vst.idx.msk $0xffff, v2;
	v2 =	vadd.f32 v46, v9;
	v9 =	vld [tilespmem:$0x1FE50];
	_ =	sdelay $0x5  }
0x3f1: {  	v11 =	vmul.f32 v46, v46;
	_ =	sdelay $0x1  }
0x3f2: {  	[tilespmem:v9+s30+$0x0] =	vst.idx.msk $0xffff, v5;
	v5 =	vadd.f32 v11, v10;
	v10 =	vld [tilespmem:$0x1FE60];
	_ =	sdelay $0x7  }
0x3f3: {  	[tilespmem:v10+s30+$0x0] =	vst.idx.msk $0xffff, v2;
	v2 =	vadd.f32 v47, v7;
	v7 =	vld [tilespmem:$0x1FE70];
	_ =	sdelay $0x7  }
0x3f4: {  	[tilespmem:v7+s30+$0x0] =	vst.idx.msk $0xffff, v5;
	v7 =	vld [tilespmem:$0x1FE80];
	_ =	sdelay $0x7  }
0x3f5: {  	[tilespmem:v7+s30+$0x0] =	vst.idx.msk $0xffff, v2;
	v2 =	vld [tilespmem:$0x1FE90];
	_ =	sdelay $0x3  }
0x3f6: {  	v9 =	vmul.f32 v47, v47;
	_ =	sdelay $0x1  }
0x3f7: {  	v5 =	vadd.f32 v9, v8  }
0x3f8: {  	v7 =	vld [tilespmem:$0x1FEB0]  }
0x3f9: {  	[tilespmem:v2+s30+$0x0] =	vst.idx.msk $0xffff, v5;
	v5 =	vld [tilespmem:$0x1FEA0];
	_ =	sdelay $0x1  }
0x3fa: {  	v8 =	vld [tilespmem:$0x1FEC0]  }
0x3fb: {  	v11 =	vld [tilespmem:$0x1FEF0]  }
0x3fc: {  	v10 =	vld [tilespmem:$0x1FEE0]  }
0x3fd: {  	v9 =	vld [tilespmem:$0x1FED0]  }
0x3fe: {  	v2 =	vld.idx.msk [tilespmem:v36+s30+$0x0], $0xffff  }
0x3ff: {  	v7 =	vld.idx.msk [tilespmem:v7+s30+$0x0], $0xffff  }
0x400: {  	v5 =	vld.idx.msk [tilespmem:v5+s30+$0x0], $0xffff;
	_ =	sdelay $0x1  }
0x401: {  	v8 =	vld.idx.msk [tilespmem:v8+s30+$0x0], $0xffff  }
0x402: {  	v12 =	vld [tilespmem:$0x1FF10];
	v2 =	vadd.f32 $0.0e+00, v2  }
0x403: {  	v10 =	vld.idx.msk [tilespmem:v10+s30+$0x0], $0xffff  }
0x404: {  	v2 =	vadd.f32 v7, v2;
	v7 =	vld [tilespmem:$0x1FF00];
	v5 =	vadd.f32 $0.0e+00, v5  }
0x405: {  	v9 =	vld.idx.msk [tilespmem:v9+s30+$0x0], $0xffff  }
0x406: {  	v5 =	vadd.f32 v8, v5;
	v8 =	vld [tilespmem:$0x1FF20]  }
0x407: {  	v11 =	vld.idx.msk [tilespmem:v11+s30+$0x0], $0xffff  }
0x408: {  	v5 =	vadd.f32 v10, v5;
	v10 =	vld [tilespmem:$0x1FF40];
	_ =	sdelay $0x1  }
0x409: {  	v12 =	vld.idx.msk [tilespmem:v12+s30+$0x0], $0xffff  }
0x40a: {  	v2 =	vadd.f32 v9, v2;
	v9 =	vld [tilespmem:$0x1FF30]  }
0x40b: {  	v7 =	vld.idx.msk [tilespmem:v7+s30+$0x0], $0xffff  }
0x40c: {  	v2 =	vadd.f32 v11, v2;
	v11 =	vld [tilespmem:$0x1FF50]  }
0x40d: {  	v8 =	vld.idx.msk [tilespmem:v8+s30+$0x0], $0xffff  }
0x40e: {  	v2 =	vadd.f32 v12, v2;
	v12 =	vld [tilespmem:$0x1FF70]  }
0x40f: {  	v10 =	vld.idx.msk [tilespmem:v10+s30+$0x0], $0xffff  }
0x410: {  	v5 =	vadd.f32 v7, v5;
	v7 =	vld [tilespmem:$0x1FF60];
	_ =	sdelay $0x1  }
0x411: {  	v5 =	vadd.f32 v8, v5;
	v8 =	vld [tilespmem:$0x1FF80]  }
0x412: {  	v9 =	vld.idx.msk [tilespmem:v9+s30+$0x0], $0xffff  }
0x413: {  	v5 =	vadd.f32 v10, v5;
	v10 =	vld [tilespmem:$0x1FF90];
	_ =	sdelay $0x1  }
0x414: {  	v11 =	vld.idx.msk [tilespmem:v11+s30+$0x0], $0xffff  }
0x415: {  	v12 =	vld.idx.msk [tilespmem:v12+s30+$0x0], $0xffff  }
0x416: {  	v7 =	vld.idx.msk [tilespmem:v7+s30+$0x0], $0xffff  }
0x417: {  	v2 =	vadd.f32 v9, v2;
	v9 =	vld.idx.msk [tilespmem:v53+s30+$0x0], $0xffff  }
0x418: {  	v8 =	vld.idx.msk [tilespmem:v8+s30+$0x0], $0xffff  }
0x419: {  	v2 =	vadd.f32 v11, v2;
	v11 =	vld.idx.msk [tilespmem:v55+s30+$0x0], $0xffff  }
0x41a: {  	v10 =	vld.idx.msk [tilespmem:v10+s30+$0x0], $0xffff  }
0x41b: {  	v2 =	vadd.f32 v12, v2;
	v12 =	vld.idx.msk [tilespmem:v57+s30+$0x0], $0xffff;
	v5 =	vadd.f32 v7, v5  }
0x41c: {  	v7 =	vld.idx.msk [tilespmem:v54+s30+$0x0], $0xffff  }
0x41d: {  	v2 =	vadd.f32 v9, v2;
	v9 =	vld.idx.msk [tilespmem:v59+s30+$0x0], $0xffff;
	v5 =	vadd.f32 v8, v5  }
0x41e: {  	v8 =	vld.idx.msk [tilespmem:v56+s30+$0x0], $0xffff  }
0x41f: {  	v2 =	vadd.f32 v11, v2;
	v11 =	vld.idx.msk [tilespmem:v61+s30+$0x0], $0xffff;
	v5 =	vadd.f32 v10, v5  }
0x420: {  	v10 =	vld.idx.msk [tilespmem:v58+s30+$0x0], $0xffff  }
0x421: {  	v2 =	vadd.f32 v12, v2;
	v12 =	vld.idx.msk [tilespmem:v63+s30+$0x0], $0xffff;
	v5 =	vadd.f32 v7, v5  }
0x422: {  	v7 =	vld.idx.msk [tilespmem:v60+s30+$0x0], $0xffff  }
0x423: {  	v1 =	vld.idx.msk [tilespmem:v1+s30+$0x0], $0xffff;
	v2 =	vadd.f32 v9, v2;
	v5 =	vadd.f32 v8, v5  }
0x424: {  	v8 =	vld.idx.msk [tilespmem:v62+s30+$0x0], $0xffff  }
0x425: {  	v6 =	vld.idx.msk [tilespmem:v6+s30+$0x0], $0xffff;
	v2 =	vadd.f32 v11, v2;
	v5 =	vadd.f32 v10, v5  }
0x426: {  	v3 =	vld.idx.msk [tilespmem:v3+s30+$0x0], $0xffff  }
0x427: {  	v2 =	vadd.f32 v12, v2;
	v5 =	vadd.f32 v7, v5  }
0x428: {  	v4 =	vld.idx.msk [tilespmem:v4+s30+$0x0], $0xffff  }
0x429: {  	v1 =	vadd.f32 v1, v2;
	v5 =	vadd.f32 v8, v5;
	_ =	sdelay $0x1  }
0x42a: {  	v1 =	vadd.f32 v3, v1;
	v2 =	vadd.f32 v6, v5;
	_ =	sdelay $0x1  }
0x42b: {  	v1 =	vmul.f32 $1.302083370e-03, v1;
	v2 =	vadd.f32 v4, v2;
	_ =	sdelay $0x1  }
0x42c: {  	v3 =	vmul.f32 v1, v1;
	v2 =	vmul.f32 $1.302083370e-03, v2;
	_ =	sdelay $0x1  }
0x42d: {  	v2 =	vsub.f32 v2, v3;
	_ =	sdelay $0x1  }
0x42e: {  	v2 =	vadd.f32 $9.999999960e-13, v2;
	_ =	sdelay $0x1  }
0x42f: {  	v3 =	vshra.s32 v2, $0x1;
	v2 =	vmul.f32 $5.000000000e-01, v2  }
0x430: {  	v3 =	vsub.s32 $0x5F3759DF, v3  }
0x431: {  	v4 =	vmul.f32 v3, v2;
	_ =	sdelay $0x1  }
0x432: {  	v4 =	vmul.f32 v3, v4;
	_ =	sdelay $0x1  }
0x433: {  	v4 =	vsub.f32 $1.500000000e+00, v4;
	_ =	sdelay $0x1  }
0x434: {  	v3 =	vmul.f32 v3, v4;
	_ =	sdelay $0x1  }
0x435: {  	v4 =	vmul.f32 v3, v2;
	_ =	sdelay $0x1  }
0x436: {  	v4 =	vmul.f32 v4, v3;
	_ =	sdelay $0x1  }
0x437: {  	v4 =	vsub.f32 $1.500000000e+00, v4;
	_ =	sdelay $0x1  }
0x438: {  	v3 =	vmul.f32 v4, v3;
	_ =	sdelay $0x1  }
0x439: {  	v2 =	vmul.f32 v3, v2;
	_ =	sdelay $0x1  }
0x43a: {  	v2 =	vmul.f32 v2, v3;
	_ =	sdelay $0x1  }
0x43b: {  	s10 =	simm.s32 $0x0;
	v2 =	vsub.f32 $1.500000000e+00, v2  }
0x43c: {  	s23 =	sand.u32 $0x70, s10;
	s4 =	sand.u32 $0x1C00, s10  }
0x43d: {  	s3 =	sor.u32 s23, s4;
	v1 =	vsub.f32 $0.0e+00, v1;
	v3 =	vmul.f32 v2, v3  }
0x43e: {  	v16 =	vld [tilespmem:s3+$0x8380]  }
0x43f: {  	v15 =	vld [tilespmem:s3+$0x8300];
	v1 =	vmul.f32 v3, v1;
	v2 =	vbroadcast v3, $0x0  }
0x440: {  	v19 =	vld [tilespmem:s3+$0x8100];
	v4 =	vbroadcast v3, $0x1;
	v5 =	vbroadcast v3, $0x2  }
0x441: {  	v20 =	vld [tilespmem:s3+$0x8280];
	v6 =	vbroadcast v3, $0x3;
	v7 =	vbroadcast v3, $0x4  }
0x442: {  	v21 =	vld [tilespmem:s3+$0x8180];
	v8 =	vbroadcast v3, $0x5;
	v9 =	vbroadcast v3, $0x6  }
0x443: {  	s11 =	simm.s32 $0x14080;
	v22 =	vld [tilespmem:s3+$0x8080];
	v10 =	vbroadcast v1, $0x0;
	v11 =	vbroadcast v1, $0x1  }
0x444: {  	v17 =	vld [tilespmem:s11+$0x0];
	v12 =	vbroadcast v1, $0x2;
	v13 =	vbroadcast v1, $0x4  }
0x445: {  	s13 =	simm.s32 $0x14380;
	v62 =	vld [tilespmem:s3+$0x8200];
	v14 =	vbroadcast v1, $0x5;
	v23 =	vmul.f32 v15, v8  }
0x446: {  	v18 =	vld [tilespmem:s13+$0x0];
	v15 =	vbroadcast v1, $0x6;
	v20 =	vmul.f32 v20, v7  }
0x447: {  	v63 =	vmul.f32 v16, v9;
	v21 =	vmul.f32 v21, v5;
	v23 =	vadd.f32 v23, v14  }
0x448: {  	v16 =	vbroadcast v1, $0x3;
	v19 =	vmul.f32 v19, v4;
	v20 =	vadd.f32 v20, v13  }
0x449: {  	v22 =	vmul.f32 v22, v2;
	v21 =	vadd.f32 v21, v12;
	v23 =	vmul.f32 v23, v17  }
0x44a: {  	v24 =	vmul.f32 v62, v6;
	v19 =	vadd.f32 v19, v11;
	v20 =	vmul.f32 v20, v17  }
0x44b: {  	v22 =	vadd.f32 v22, v10;
	v21 =	vmul.f32 v21, v17;
	v23 =	vadd.f32 v23, v18  }
0x44c: {  	v25 =	vadd.f32 v63, v15;
	v19 =	vmul.f32 v19, v17;
	v20 =	vadd.f32 v20, v18  }
0x44d: {  	v24 =	vadd.f32 v24, v16;
	v22 =	vmul.f32 v22, v17;
	v21 =	vadd.f32 v21, v18;
	[tilespmem:s3+$0x8300] =	vst v23  }
0x44e: {  	v19 =	vadd.f32 v19, v18;
	v23 =	vmul.f32 v25, v17;
	[tilespmem:s3+$0x8280] =	vst v20  }
0x44f: {  	v20 =	vadd.f32 v22, v18;
	v22 =	vmul.f32 v24, v17;
	[tilespmem:s3+$0x8180] =	vst v21  }
0x450: {  	[tilespmem:s3+$0x8100] =	vst v19;
	v21 =	vadd.f32 v23, v18  }
0x451: {  	[tilespmem:s3+$0x8080] =	vst v20;
	v20 =	vadd.f32 v22, v18  }
0x452: {  	s24 =	sor.u32 s10, s10;
	[tilespmem:s3+$0x8380] =	vst v21  }
0x453: {  	s16 =	sor.u32 $0x380, s24;
	[tilespmem:s3+$0x8200] =	vst v20  }
0x454: {  	s4 =	simm.s32 $0x10;
	v19 =	vbroadcast v3, $0x7;
	v20 =	vbroadcast v1, $0x7;
	v21 =	vld [tilespmem:s16+$0x8080]  }
.LBB2_18:
0x455: {  	_ =	sdelay $0x3  }
0x456: {  	s10 =	sadd.s32 $0x80, s10;
	s11 =	sadd.s32 $0x10, s11;
	s13 =	sadd.s32 $0x10, s13;
	v21 =	vmul.f32 v21, v19  }
0x457: {  	p0 =	sne.s32 s4, $0x2F0;
	s3 =	smov.u32 s4;
	s4 =	sadd.s32 $0x10, s4  }
0x458: {  	v21 =	vadd.f32 v21, v20;
	_ =	sdelay $0x1  }
0x459: {  	v17 =	vmul.f32 v21, v17;
	_ =	sdelay $0x1  }
0x45a: {  	v17 =	vadd.f32 v17, v18  }
0x45b: {  	s15 =	sand.u32 $0x70, s3;
	s17 =	sand.u32 $0x1C00, s10  }
0x45c: {  	s15 =	sor.u32 s15, s17;
	[tilespmem:s16+$0x8080] =	vst v17  }
0x45d: {  	v17 =	vld [tilespmem:s15+$0x8380]  }
0x45e: {  	v18 =	vld [tilespmem:s15+$0x8300]  }
0x45f: {  	v21 =	vld [tilespmem:s15+$0x8100]  }
0x460: {  	v22 =	vld [tilespmem:s15+$0x8280]  }
0x461: {  	v23 =	vld [tilespmem:s15+$0x8180]  }
0x462: {  	v24 =	vld [tilespmem:s15+$0x8080];
	v25 =	vmul.f32 v17, v9  }
0x463: {  	v17 =	vld [tilespmem:s11+$0x0];
	v26 =	vmul.f32 v18, v8  }
0x464: {  	v27 =	vld [tilespmem:s15+$0x8200];
	v25 =	vadd.f32 v25, v15  }
0x465: {  	v18 =	vld [tilespmem:s13+$0x0];
	v22 =	vmul.f32 v22, v7  }
0x466: {  	v21 =	vmul.f32 v21, v4;
	v26 =	vadd.f32 v26, v14;
	v23 =	vmul.f32 v23, v5  }
0x467: {  	v24 =	vmul.f32 v24, v2;
	v22 =	vadd.f32 v22, v13  }
0x468: {  	v21 =	vadd.f32 v21, v11;
	v23 =	vadd.f32 v23, v12;
	v26 =	vmul.f32 v26, v17  }
0x469: {  	v24 =	vadd.f32 v24, v10;
	v27 =	vmul.f32 v27, v6;
	v22 =	vmul.f32 v22, v17  }
0x46a: {  	v21 =	vmul.f32 v21, v17;
	v23 =	vmul.f32 v23, v17;
	v26 =	vadd.f32 v26, v18  }
0x46b: {  	v24 =	vmul.f32 v24, v17;
	v27 =	vadd.f32 v27, v16;
	v22 =	vadd.f32 v22, v18  }
0x46c: {  	v25 =	vmul.f32 v25, v17;
	v21 =	vadd.f32 v21, v18;
	v23 =	vadd.f32 v23, v18;
	[tilespmem:s15+$0x8300] =	vst v26  }
0x46d: {  	v24 =	vadd.f32 v24, v18;
	v26 =	vmul.f32 v27, v17;
	[tilespmem:s15+$0x8280] =	vst v22  }
0x46e: {  	v22 =	vadd.f32 v25, v18;
	[tilespmem:s15+$0x8180] =	vst v23  }
.Ltmp8:
0x46f: {  	[tilespmem:s15+$0x8080] =	vst v24;
	v23 =	vadd.f32 v26, v18;
	(pc) =	sbr.rel @p0 .LBB2_18-.Ltmp8, $4  }
0x470: {  	s3 =	sor.u32 s10, s3;
	[tilespmem:s15+$0x8380] =	vst v22  }
0x471: {  	s16 =	sor.u32 $0x380, s3;
	[tilespmem:s15+$0x8200] =	vst v23  }
0x472: {  	[tilespmem:s15+$0x8100] =	vst v21  }
0x473: {  	v21 =	vld [tilespmem:s16+$0x8080]  }
0x474: {  	_ =	sdelay $0x3  }
0x475: {  	v2 =	vmul.f32 v21, v19;
	_ =	sdelay $0x1  }
0x476: {  	v2 =	vadd.f32 v2, v20;
	_ =	sdelay $0x1  }
0x477: {  	v2 =	vmul.f32 v2, v17;
	_ =	sdelay $0x1  }
0x478: {  	s3 =	simm.s32 $0x0;
	v2 =	vadd.f32 v2, v18  }
0x479: {  	s4 =	sand.u32 $0x70, s3;
	s3 =	sand.u32 $0x1C00, s3  }
0x47a: {  	s10 =	sor.u32 s4, s3;
	[tilespmem:s16+$0x8080] =	vst v2  }
0x47b: {  	v7 =	vbroadcast v3, $0x9;
	v17 =	vld [tilespmem:s10+$0x9C00]  }
0x47c: {  	v8 =	vbroadcast v3, $0xA;
	v4 =	vbroadcast v3, $0xB;
	v18 =	vld [tilespmem:s10+$0x9980]  }
0x47d: {  	v9 =	vbroadcast v3, $0xC;
	v6 =	vbroadcast v3, $0xD;
	v20 =	vld [tilespmem:s10+$0x9900]  }
0x47e: {  	v10 =	vbroadcast v3, $0xE;
	v15 =	vbroadcast v3, $0xF;
	v19 =	vld [tilespmem:s10+$0x9A80]  }
0x47f: {  	v12 =	vbroadcast v1, $0x9;
	v13 =	vbroadcast v1, $0xA;
	v21 =	vld [tilespmem:s10+$0x9B80]  }
0x480: {  	v5 =	vbroadcast v1, $0xB;
	v14 =	vbroadcast v1, $0xC;
	s23 =	simm.s32 $0x14080;
	v22 =	vld [tilespmem:s10+$0x9B00]  }
0x481: {  	v11 =	vbroadcast v1, $0xD;
	v24 =	vmul.f32 v17, v15;
	v17 =	vld [tilespmem:s23+$0x0]  }
0x482: {  	v23 =	vld [tilespmem:s10+$0x9A00];
	v25 =	vmul.f32 v18, v8;
	v20 =	vmul.f32 v20, v7  }
0x483: {  	v16 =	vbroadcast v1, $0xF;
	v2 =	vbroadcast v3, $0x8  }
0x484: {  	s24 =	simm.s32 $0x14380;
	v26 =	vmul.f32 v19, v9;
	v19 =	vadd.f32 v20, v12;
	v20 =	vadd.f32 v25, v13  }
0x485: {  	v3 =	vbroadcast v1, $0x8;
	v1 =	vbroadcast v1, $0xE;
	v18 =	vld [tilespmem:s24+$0x0]  }
0x486: {  	v21 =	vmul.f32 v21, v10;
	v24 =	vadd.f32 v24, v16;
	v27 =	vmul.f32 v20, v17;
	v20 =	vld [tilespmem:s10+$0x9880]  }
0x487: {  	s11 =	simm.s32 $0x10;
	v23 =	vmul.f32 v23, v4;
	v25 =	vadd.f32 v26, v14;
	v26 =	vmul.f32 v22, v6  }
0x488: {  	s17 =	simm.s32 $0x14390;
	s15 =	simm.s32 $0x14090;
	s16 =	simm.s32 $0x80;
	v28 =	vadd.f32 v21, v1;
	v29 =	vmul.f32 v24, v17  }
0x489: {  	s11 =	sand.u32 $0x70, s11;
	s4 =	simm.s32 $0x14090;
	s13 =	sand.u32 $0x1C00, s16;
	v22 =	vadd.f32 v23, v5;
	v21 =	vadd.f32 v26, v11;
	v24 =	vmul.f32 v25, v17  }
0x48a: {  	s3 =	simm.s32 $0x20;
	s11 =	sor.u32 s11, s13;
	s13 =	simm.s32 $0x14390;
	v25 =	vmul.f32 v28, v17;
	v23 =	vadd.f32 v27, v18;
	v26 =	vadd.f32 v29, v18  }
.LBB2_20:
0x48b: {  	s16 =	sadd.s32 $0x80, s16;
	s4 =	sadd.s32 $0x10, s4;
	s17 =	sadd.s32 $0x10, s17;
	v20 =	vmul.f32 v20, v2;
	v19 =	vmul.f32 v19, v17  }
0x48c: {  	p0 =	sne.s32 s3, $0x2F0;
	v22 =	vmul.f32 v22, v17;
	v24 =	vadd.f32 v24, v18;
	s18 =	smov.u32 s3;
	s3 =	sadd.s32 $0x10, s3;
	v25 =	vadd.f32 v25, v18;
	[tilespmem:s10+$0x9C00] =	vst v26  }
0x48d: {  	v21 =	vmul.f32 v21, v17;
	s18 =	sand.u32 $0x70, s18;
	s20 =	sand.u32 $0x1C00, s16;
	v26 =	vld [tilespmem:s11+$0x9C00];
	v20 =	vadd.f32 v20, v3;
	v19 =	vadd.f32 v19, v18;
	[tilespmem:s10+$0x9980] =	vst v23  }
0x48e: {  	s18 =	sor.u32 s18, s20;
	v22 =	vadd.f32 v22, v18;
	v23 =	vld [tilespmem:s11+$0x9980];
	[tilespmem:s10+$0x9A80] =	vst v24  }
0x48f: {  	v24 =	vld [tilespmem:s11+$0x9A80];
	v17 =	vmul.f32 v20, v17;
	[tilespmem:s10+$0x9900] =	vst v19;
	v19 =	vadd.f32 v21, v18  }
0x490: {  	v21 =	vld [tilespmem:s11+$0x9900];
	[tilespmem:s10+$0x9B80] =	vst v25  }
0x491: {  	v25 =	vld [tilespmem:s11+$0x9B80];
	v17 =	vadd.f32 v17, v18;
	[tilespmem:s10+$0x9B00] =	vst v19  }
0x492: {  	v27 =	vld [tilespmem:s11+$0x9B00];
	v19 =	vmul.f32 v26, v15;
	[tilespmem:s10+$0x9A00] =	vst v22  }
0x493: {  	v22 =	vmul.f32 v23, v8;
	v23 =	vld [tilespmem:s11+$0x9A00];
	[tilespmem:s10+$0x9880] =	vst v17;
	s10 =	smov.u32 s11;
	s11 =	smov.u32 s18  }
0x494: {  	v17 =	vld [tilespmem:s15+$0x0];
	v24 =	vmul.f32 v24, v9;
	s15 =	smov.u32 s4  }
0x495: {  	v20 =	vld [tilespmem:s10+$0x9880];
	v21 =	vmul.f32 v21, v7  }
0x496: {  	v26 =	vadd.f32 v19, v16;
	v18 =	vld [tilespmem:s13+$0x0];
	v25 =	vmul.f32 v25, v10;
	s13 =	smov.u32 s17  }
.Ltmp9:
0x497: {  	v19 =	vadd.f32 v21, v12;
	v21 =	vadd.f32 v22, v13;
	(pc) =	sbr.rel @p0 .LBB2_20-.Ltmp9, $4  }
0x498: {  	v27 =	vmul.f32 v27, v6;
	v22 =	vmul.f32 v23, v4;
	v23 =	vadd.f32 v24, v14  }
0x499: {  	v25 =	vadd.f32 v25, v1;
	v28 =	vmul.f32 v21, v17;
	v26 =	vmul.f32 v26, v17  }
0x49a: {  	v21 =	vadd.f32 v27, v11;
	v22 =	vadd.f32 v22, v5;
	v24 =	vmul.f32 v23, v17  }
0x49b: {  	v25 =	vmul.f32 v25, v17;
	v23 =	vadd.f32 v28, v18;
	v26 =	vadd.f32 v26, v18  }
0x49c: {  	v19 =	vmul.f32 v19, v17;
	v20 =	vmul.f32 v20, v2  }
0x49d: {  	v24 =	vadd.f32 v24, v18;
	[tilespmem:s10+$0x9C00] =	vst v26  }
0x49e: {  	v21 =	vmul.f32 v21, v17;
	v26 =	vld [tilespmem:s11+$0x9C00];
	[tilespmem:s10+$0x9980] =	vst v23;
	v19 =	vadd.f32 v19, v18;
	v20 =	vadd.f32 v20, v3  }
0x49f: {  	v22 =	vmul.f32 v22, v17;
	v25 =	vadd.f32 v25, v18;
	v23 =	vld [tilespmem:s11+$0x9980];
	[tilespmem:s10+$0x9A80] =	vst v24  }
0x4a0: {  	v21 =	vadd.f32 v21, v18;
	v24 =	vld [tilespmem:s11+$0x9A80];
	[tilespmem:s10+$0x9900] =	vst v19;
	v57 =	vmul.f32 v20, v17  }
0x4a1: {  	v22 =	vadd.f32 v22, v18;
	v19 =	vld [tilespmem:s11+$0x9900];
	[tilespmem:s10+$0x9B80] =	vst v25  }
0x4a2: {  	v25 =	vld [tilespmem:s11+$0x9B80];
	[tilespmem:s10+$0x9B00] =	vst v21;
	v17 =	vadd.f32 v57, v18  }
0x4a3: {  	v58 =	vld [tilespmem:s11+$0x9B00];
	[tilespmem:s10+$0x9A00] =	vst v22  }
0x4a4: {  	v59 =	vld [tilespmem:s11+$0x9A00];
	[tilespmem:s10+$0x9880] =	vst v17  }
0x4a5: {  	v17 =	vld [tilespmem:s15+$0x0]  }
0x4a6: {  	v15 =	vmul.f32 v26, v15  }
0x4a7: {  	v8 =	vmul.f32 v23, v8;
	v60 =	vld [tilespmem:s13+$0x0];
	v9 =	vmul.f32 v24, v9  }
0x4a8: {  	v21 =	vld [tilespmem:s11+$0x9880];
	v15 =	vadd.f32 v15, v16;
	v7 =	vmul.f32 v19, v7  }
0x4a9: {  	v8 =	vadd.f32 v8, v13;
	v10 =	vmul.f32 v25, v10;
	v9 =	vadd.f32 v9, v14  }
0x4aa: {  	v7 =	vadd.f32 v7, v12;
	v6 =	vmul.f32 v58, v6;
	v61 =	vmul.f32 v15, v17  }
0x4ab: {  	v4 =	vmul.f32 v59, v4;
	v1 =	vadd.f32 v10, v1;
	v8 =	vmul.f32 v8, v17  }
0x4ac: {  	v9 =	vmul.f32 v9, v17;
	v6 =	vadd.f32 v6, v11;
	v62 =	vadd.f32 v61, v60  }
0x4ad: {  	v2 =	vmul.f32 v21, v2;
	v7 =	vmul.f32 v7, v17;
	v8 =	vadd.f32 v8, v60  }
0x4ae: {  	v4 =	vadd.f32 v4, v5;
	v1 =	vmul.f32 v1, v17;
	v63 =	vadd.f32 v9, v60;
	[tilespmem:s11+$0x9C00] =	vst v62  }
0x4af: {  	v2 =	vadd.f32 v2, v3;
	v3 =	vadd.f32 v7, v60;
	v6 =	vmul.f32 v6, v17;
	[tilespmem:s11+$0x9980] =	vst v8  }
0x4b0: {  	v4 =	vmul.f32 v4, v17;
	v1 =	vadd.f32 v1, v60;
	[tilespmem:s11+$0x9A80] =	vst v63  }
0x4b1: {  	v2 =	vmul.f32 v2, v17;
	[tilespmem:s11+$0x9900] =	vst v3;
	v3 =	vadd.f32 v6, v60  }
0x4b2: {  	v4 =	vadd.f32 v4, v60;
	[tilespmem:s11+$0x9B80] =	vst v1  }
0x4b3: {  	v1 =	vadd.f32 v2, v60;
	[tilespmem:s11+$0x9B00] =	vst v3  }
0x4b4: {  	[tilespmem:s11+$0x9A00] =	vst v4  }
0x4b5: {  	s3 =	rddreg [dreg:$0xe];
	s10 =	simm.s32 $0x5;
	[tilespmem:s11+$0x9880] =	vst v1  }
0x4b6: {  	[hbm4b:s3+s6] =	stream.linear.scatter [tilespmem:s31], [sflag:$0x5], $0x3000, $0x38;
	[tilespmem:$0x14900] =	vst v63  }
0x4b7: {  	_ =	swait.ge [sflag:s10], $0x3000  }
0x4b8: {  	[sflag:s10] =	ssyncset.done $0x0  }
0x4b9: {  	[sflag:s10] =	ssyncadd.s32 $0xFFFFD000  }
0x4ba: {  	_ =	swait.ge [sflag:s0], $0x3000  }
0x4bb: {  	s4 =	rddreg [dreg:$0x10]  }
0x4bc: {  	s24 =	rddreg [dreg:$0xf];
	s4 =	sadd.s32 $0x1, s4  }
0x4bd: {  	p0 =	sne.s32 s4, s24  }
.Ltmp10:
0x4be: {  	_ = 	snop;
	(pc) =	sbr.rel @p0 .LBB2_1-.Ltmp10, $3  }
0x4bf: {  	_ =	sdelay $0x1  }
0x4c0: {  	[sflag:s0] =	ssyncset.done $0x0  }
0x4c1: {  	[sflag:s0] =	ssyncadd.s32 $0xFFFFD000  }
0x4c2: {  	_ =	sfence.sel $0x180000  }
0x4c3: {  	[bflag:$0x0] =	sbarrier.arrive $0xFFFF  }
0x4c4: {  	_ =	strace $0x90000047  }
0x4c5: {  	s0 =	stileid.u32;
	[bflag:$0x2] =	sbarrier.arrive $0xFFFF  }
0x4c6: {  	p0 =	sne.s32 s0, $0x0;
	s0 =	rddreg [dreg:$0x6]  }
0x4c7: {  	s0 =	sadd.s32 @!p0 $0x100000, s0  }
0x4c8: {  	[sflag:s0] =	ssyncadd.tile.s32 @!p0 $0x1;
	_ =	shalt  }
.Lfunc_end2:
_tile_overlayer_lowered:
.L_overlay_start_2:
0x4c9: {  	(tag) =	ssettag $0x2  }
0x4ca: {  	s0 =	rddreg [dreg:$0x0];
	s2 =	stileid.u32  }
0x4cb: {  	s1 =	rddreg [dreg:$0x1];
	p0 =	sne.s32 s2, $0x0  }
0x4cc: {  	s3 =	rddreg [dreg:$0x2];
	[bflag:$0x3] =	sbarrier.arrive $0xFFFF;
	s2 =	simm.s32 @!p0 $0x1C05  }
0x4cd: {  	[timem:s3], [sflag:s2] =	dma.local @!p0 [hbm:s0], s1  }
0x4ce: {  	s0 =	simm.s32 @!p0 $0x5  }
0x4cf: {  	_ =	swait.ge @!p0 [sflag:s0], s1  }
0x4d0: {  	s1 =	ssub.s32 @!p0 $0x0, s1;
	[sflag:s0] =	ssyncset.done @!p0 $0x0  }
0x4d1: {  	[sflag:s0] =	ssyncadd.s32 @!p0 s1  }
0x4d2: {  	[bflag:$0x3] =	sbarrier.arrive $0xFFFF  }
0x4d3: {  	_ =	shalt  }

</sc_bundles>
